<compile_context>
chip_gen: v7x
topology: tpu7x:2x2x1
jax: 0.10.2.dev20260603
libtpu: 0.0.44.dev20260713+nightly
codegen_flags: <defaults>
</compile_context>

<pallas_src>
import jax
import jax.numpy as jnp
from jax import lax
from jax.experimental import pallas as pl
from jax.experimental.pallas import tpu as pltpu
from jax.experimental.pallas import tpu_sc as plsc

N = 100000
D = 128
NUM_SEGMENTS = 256
NC = 2
NS = 16
NW = NC * NS
SEG_PER_W = NUM_SEGMENTS // NW
BLK = 64
L = 16
NBLK_TOT = (N + BLK - 1) // BLK
SAMP_PAD = ((NBLK_TOT + 1 + L - 1) // L) * L

_GDN = lax.GatherDimensionNumbers(
    offset_dims=(), collapsed_slice_dims=(0,), start_index_map=(0,))


def _dg(v, idx):
    return lax.gather(v, idx.reshape(L, 1), _GDN, (1,),
                      mode=lax.GatherScatterMode.PROMISE_IN_BOUNDS)


def _lane_allsum(v):
    iota = lax.iota(jnp.int32, L)
    for sh in (8, 4, 2, 1):
        v = v + _dg(v, (iota + sh) & (L - 1))
    return v


def _sc_body(x_hbm, batch_hbm, w_hbm, b_hbm, samp_hbm, out_hbm,
             w_v, b_v, samp_v, xb_a, xb_b, idx_a, idx_b, acc_v,
             sem_a, sem_b):
    wid = lax.axis_index("s") * NC + lax.axis_index("c")

    pltpu.sync_copy(w_hbm, w_v)
    pltpu.sync_copy(b_hbm, b_v)
    pltpu.sync_copy(samp_hbm, samp_v)

    zv = jnp.zeros((L,), jnp.float32)
    for s in range(SEG_PER_W):
        for k in range(D // L):
            acc_v[s, pl.ds(k * L, L)] = zv

    ws = [-w_v[pl.ds(k * L, L)] for k in range(D // L)]
    bn = (-b_v[pl.ds(0, L)])[0]

    seg_lo = wid * SEG_PER_W
    seg_hi = seg_lo + SEG_PER_W

    cnt_a = jnp.zeros((L,), jnp.int32)
    cnt_b = jnp.zeros((L,), jnp.int32)
    one = jnp.ones((L,), jnp.int32)
    nil = jnp.zeros((L,), jnp.int32)
    for t in range(SAMP_PAD // L):
        sv = samp_v[pl.ds(t * L, L)]
        cnt_a = cnt_a + jnp.where(sv < seg_lo, one, nil)
        cnt_b = cnt_b + jnp.where(sv < seg_hi, one, nil)
    cnt_a = _lane_allsum(cnt_a)
    cnt_b = _lane_allsum(cnt_b)
    first_samp = samp_v[pl.ds(0, L)][0]
    pstart = cnt_a[0] - jnp.where(first_samp < seg_lo, 1, 0)
    nblk = cnt_b[0] - pstart

    bufs = ((xb_a, idx_a, sem_a), (xb_b, idx_b, sem_b))

    def blk_row0(i):
        p = (pstart + i) * BLK
        return p, jnp.minimum(p, N - BLK)

    def start_blk(i, xb_v, idx_v, sem):
        _, bs = blk_row0(i)
        pltpu.async_copy(x_hbm.at[pl.ds(bs, BLK)], xb_v, sem)
        pltpu.async_copy(batch_hbm.at[pl.ds(bs, BLK)],
                         idx_v.at[pl.ds(0, BLK)], sem)

    def wait_blk(xb_v, idx_v, sem):
        pltpu.make_async_copy(x_hbm.at[pl.ds(0, BLK)], xb_v, sem).wait()
        pltpu.make_async_copy(batch_hbm.at[pl.ds(0, BLK)],
                              idx_v.at[pl.ds(0, BLK)], sem).wait()

    def compute_blk(i, xb_v, idx_v):
        p, bs = blk_row0(i)
        dup = p - bs

        @plsc.parallel_loop(0, BLK, 2, unroll=2)
        def _rows(r0):
            iv = idx_v[pl.ds(r0, L)]
            iota = lax.iota(jnp.int32, L)
            mlo = iota < 8
            sa, sb = iv[0], iv[1]
            seg_a = (sa - seg_lo) & (SEG_PER_W - 1)
            seg_b = (sb - seg_lo) & (SEG_PER_W - 1)
            ok_a = (sa >= seg_lo) & (sa < seg_hi) & (r0 >= dup)
            ok_b = (sb >= seg_lo) & (sb < seg_hi) & (r0 + 1 >= dup)
            pen_a = jnp.where(ok_a, bn, 1e30)
            pen_b = jnp.where(ok_b, bn, 1e30)
            xa = [xb_v[r0, pl.ds(k * L, L)] for k in range(D // L)]
            xb = [xb_v[r0 + 1, pl.ds(k * L, L)] for k in range(D // L)]

            def partial(xs):
                m = [xs[k] * ws[k] for k in range(D // L)]
                return ((m[0] + m[1]) + (m[2] + m[3])) + \
                       ((m[4] + m[5]) + (m[6] + m[7]))

            pa, pb = partial(xa), partial(xb)
            a1 = pa + _dg(pa, iota ^ 8)
            b1 = pb + _dg(pb, iota ^ 8)
            c = jnp.where(mlo, a1, b1)
            for sh in (4, 2, 1):
                c = c + _dg(c, iota ^ sh)
            u = c + jnp.where(mlo, pen_a, pen_b)
            wt2 = 1.0 / (1.0 + jnp.exp(u))
            wt_a, wt_b = wt2[0], wt2[8]
            for k in range(D // L):
                plsc.addupdate(acc_v.at[seg_a, pl.ds(k * L, L)], xa[k] * wt_a)
            for k in range(D // L):
                plsc.addupdate(acc_v.at[seg_b, pl.ds(k * L, L)], xb[k] * wt_b)

    @pl.when(nblk > 0)
    def _():
        start_blk(0, *bufs[0])

    def blk_pair(i, carry):
        for b in range(2):
            blk = 2 * i + b

            @pl.when(blk < nblk)
            def _(blk=blk, b=b):
                @pl.when(blk + 1 < nblk)
                def _():
                    start_blk(blk + 1, *bufs[1 - b])

                wait_blk(*bufs[b])
                compute_blk(blk, bufs[b][0], bufs[b][1])

        return carry

    lax.fori_loop(0, (nblk + 1) // 2, blk_pair, 0, unroll=False)

    pltpu.sync_copy(acc_v, out_hbm.at[pl.ds(seg_lo, SEG_PER_W)])


@jax.jit
def kernel(x, batch, W, b):
    batch_i = batch.astype(jnp.int32)
    samp = batch_i[::BLK]
    samp = jnp.pad(samp, (0, SAMP_PAD - samp.shape[0]),
                   constant_values=NUM_SEGMENTS)
    w_flat = W.reshape(D).astype(jnp.float32)
    b_pad = jnp.pad(b.astype(jnp.float32), (0, L - 1))

    mesh = plsc.VectorSubcoreMesh(core_axis_name="c", subcore_axis_name="s",
                                  num_cores=NC, num_subcores=NS)
    run = pl.kernel(
        _sc_body,
        out_type=jax.ShapeDtypeStruct((NUM_SEGMENTS, D), jnp.float32),
        mesh=mesh,
        scratch_types=[
            pltpu.VMEM((D,), jnp.float32),
            pltpu.VMEM((L,), jnp.float32),
            pltpu.VMEM((SAMP_PAD,), jnp.int32),
            pltpu.VMEM((BLK, D), jnp.float32),
            pltpu.VMEM((BLK, D), jnp.float32),
            pltpu.VMEM((BLK + L,), jnp.int32),
            pltpu.VMEM((BLK + L,), jnp.int32),
            pltpu.VMEM((SEG_PER_W, D), jnp.float32),
            pltpu.SemaphoreType.DMA,
            pltpu.SemaphoreType.DMA,
        ],
    )
    return run(x, batch_i, w_flat, b_pad, samp)

# --- scband reference (transcript-rebuilt; emitter-appended) ---
"""Pipeline reference for scband-weighted-sum-10471130268471 (READ-ONLY COPY).

The authoritative reference and input builder live on the scoring server;
editing this copy changes nothing except your own understanding.
"""

import jax, jax.numpy as jnp
import numpy as np

N = 100000
D = 128
NUM_SEGMENTS = 256


def setup_inputs(seed: int = 0) -> dict:
    key = jax.random.key(seed)
    k1, k2, k3 = jax.random.split(key, 3)
    x = jax.random.normal(k1, (N, D), dtype=jnp.float32)
    batch = jnp.sort(jax.random.randint(k2, (N,), 0, NUM_SEGMENTS, dtype=jnp.int64))
    # Linear(input_units=128, out=1) parameters
    W = jax.random.normal(k3, (D, 1), dtype=jnp.float32) * 0.05
    b = jnp.zeros((1,), dtype=jnp.float32)
    return {"x": x, "batch": batch, "W": W, "b": b}


def reference(x, batch, W, b):
    # weights = sigmoid(lin1(x))  -> [N, 1]
    weights = jax.nn.sigmoid(x @ W + b)
    # scatter(weights * x, batch, dim=0, reduce='sum') -> [num_graphs, D]
    out = jax.ops.segment_sum(weights * x, batch, num_segments=NUM_SEGMENTS)
    return out

if __name__ == "__main__":
    import jax
    _d = setup_inputs()
    print(jax.jit(kernel)(*tuple(_d.values())))

</pallas_src>

<mosaic_0001>
#map = affine_map<(d0, d1) -> (0, 0)>
#map1 = affine_map<(d0, d1) -> (0)>
module attributes {stable_mosaic.version = 14 : i64} {
  func.func @_sc_body(%arg0: i32, %arg1: i32, %arg2: memref<100000x128xf32, #tpu.memory_space<hbm>>, %arg3: memref<100000xi32, #tpu.memory_space<hbm>>, %arg4: memref<128xf32, #tpu.memory_space<hbm>>, %arg5: memref<16xf32, #tpu.memory_space<hbm>>, %arg6: memref<1568xi32, #tpu.memory_space<hbm>>, %arg7: memref<256x128xf32, #tpu.memory_space<hbm>>, %arg8: memref<128xf32, #tpu.memory_space<vmem>>, %arg9: memref<16xf32, #tpu.memory_space<vmem>>, %arg10: memref<1568xi32, #tpu.memory_space<vmem>>, %arg11: memref<64x128xf32, #tpu.memory_space<vmem>>, %arg12: memref<64x128xf32, #tpu.memory_space<vmem>>, %arg13: memref<80xi32, #tpu.memory_space<vmem>>, %arg14: memref<80xi32, #tpu.memory_space<vmem>>, %arg15: memref<8x128xf32, #tpu.memory_space<vmem>>, %arg16: memref<!tpu.dma_semaphore, #tpu.memory_space<semaphore_mem>>, %arg17: memref<!tpu.dma_semaphore, #tpu.memory_space<semaphore_mem>>) attributes {dimension_semantics = [#tpu.dimension_semantics<core_parallel>, #tpu.dimension_semantics<subcore_parallel>], iteration_bounds = array<i64: 2, 16>, scalar_prefetch = 0 : i64, scratch_operands = 10 : i64, tpu.core_type = #tpu.core_type<sc_vector_subcore>, window_params = [{transform_indices = #map}, {transform_indices = #map1}, {transform_indices = #map1}, {transform_indices = #map1}, {transform_indices = #map1}, {transform_indices = #map}]} {
    %mul3A = arith.constant 2 : i32
    %mul3A_0 = arith.muli %arg1, %mul3A : i32
    %add3A = arith.addi %mul3A_0, %arg0 : i32
    "tpu.region"() ({
      %run_scoped3A = tpu.sem_alloc : memref<!tpu.dma_semaphore, #tpu.memory_space<semaphore_mem>>
      tpu.enqueue_dma source(%arg4 : memref<128xf32, #tpu.memory_space<hbm>>) target(%arg8 : memref<128xf32, #tpu.memory_space<vmem>>) target_semaphore(%run_scoped3A : memref<!tpu.dma_semaphore, #tpu.memory_space<semaphore_mem>>)
      tpu.wait_dma2 semaphore(%run_scoped3A : memref<!tpu.dma_semaphore, #tpu.memory_space<semaphore_mem>>) src(%arg4 : memref<128xf32, #tpu.memory_space<hbm>>) dst(%arg8 : memref<128xf32, #tpu.memory_space<vmem>>)
      tpu.yield
    }) : () -> ()
    "tpu.region"() ({
      %run_scoped3A = tpu.sem_alloc : memref<!tpu.dma_semaphore, #tpu.memory_space<semaphore_mem>>
      tpu.enqueue_dma source(%arg5 : memref<16xf32, #tpu.memory_space<hbm>>) target(%arg9 : memref<16xf32, #tpu.memory_space<vmem>>) target_semaphore(%run_scoped3A : memref<!tpu.dma_semaphore, #tpu.memory_space<semaphore_mem>>)
      tpu.wait_dma2 semaphore(%run_scoped3A : memref<!tpu.dma_semaphore, #tpu.memory_space<semaphore_mem>>) src(%arg5 : memref<16xf32, #tpu.memory_space<hbm>>) dst(%arg9 : memref<16xf32, #tpu.memory_space<vmem>>)
      tpu.yield
    }) : () -> ()
    "tpu.region"() ({
      %run_scoped3A = tpu.sem_alloc : memref<!tpu.dma_semaphore, #tpu.memory_space<semaphore_mem>>
      tpu.enqueue_dma source(%arg6 : memref<1568xi32, #tpu.memory_space<hbm>>) target(%arg10 : memref<1568xi32, #tpu.memory_space<vmem>>) target_semaphore(%run_scoped3A : memref<!tpu.dma_semaphore, #tpu.memory_space<semaphore_mem>>)
      tpu.wait_dma2 semaphore(%run_scoped3A : memref<!tpu.dma_semaphore, #tpu.memory_space<semaphore_mem>>) src(%arg6 : memref<1568xi32, #tpu.memory_space<hbm>>) dst(%arg10 : memref<1568xi32, #tpu.memory_space<vmem>>)
      tpu.yield
    }) : () -> ()
    %broadcast_in_dim3A = arith.constant 0.000000e+00 : f32
    %broadcast_in_dim3A_1 = vector.broadcast %broadcast_in_dim3A : f32 to vector<16xf32>
    %swap3A = arith.constant 0 : i32
    %swap3A_2 = arith.index_cast %swap3A : i32 to index
    %swap3A_3 = arith.constant 0 : index
    %swap3A_4 = tpu.vector_load %arg15[%swap3A_2, %swap3A_3] {strides = array<i32>} : memref<8x128xf32, #tpu.memory_space<vmem>>, vector<1x16xf32>,
    %swap3A_5 = vector.shape_cast %swap3A_4 : vector<1x16xf32> to vector<16xf32>
    %swap3A_6 = vector.shape_cast %broadcast_in_dim3A_1 : vector<16xf32> to vector<1x16xf32>
    tpu.vector_store %arg15[%swap3A_2, %swap3A_3], %swap3A_6 {strides = array<i32>} : memref<8x128xf32, #tpu.memory_space<vmem>>, vector<1x16xf32>,
    %swap3A_7 = arith.constant 0 : i32
    %swap3A_8 = arith.index_cast %swap3A_7 : i32 to index
    %swap3A_9 = arith.constant 16 : index
    %swap3A_10 = tpu.vector_load %arg15[%swap3A_8, %swap3A_9] {strides = array<i32>} : memref<8x128xf32, #tpu.memory_space<vmem>>, vector<1x16xf32>,
    %swap3A_11 = vector.shape_cast %swap3A_10 : vector<1x16xf32> to vector<16xf32>
    %swap3A_12 = vector.shape_cast %broadcast_in_dim3A_1 : vector<16xf32> to vector<1x16xf32>
    tpu.vector_store %arg15[%swap3A_8, %swap3A_9], %swap3A_12 {strides = array<i32>} : memref<8x128xf32, #tpu.memory_space<vmem>>, vector<1x16xf32>,
    %swap3A_13 = arith.constant 0 : i32
    %swap3A_14 = arith.index_cast %swap3A_13 : i32 to index
    %swap3A_15 = arith.constant 32 : index
    %swap3A_16 = tpu.vector_load %arg15[%swap3A_14, %swap3A_15] {strides = array<i32>} : memref<8x128xf32, #tpu.memory_space<vmem>>, vector<1x16xf32>,
    %swap3A_17 = vector.shape_cast %swap3A_16 : vector<1x16xf32> to vector<16xf32>
    %swap3A_18 = vector.shape_cast %broadcast_in_dim3A_1 : vector<16xf32> to vector<1x16xf32>
    tpu.vector_store %arg15[%swap3A_14, %swap3A_15], %swap3A_18 {strides = array<i32>} : memref<8x128xf32, #tpu.memory_space<vmem>>, vector<1x16xf32>,
    %swap3A_19 = arith.constant 0 : i32
    %swap3A_20 = arith.index_cast %swap3A_19 : i32 to index
    %swap3A_21 = arith.constant 48 : index
    %swap3A_22 = tpu.vector_load %arg15[%swap3A_20, %swap3A_21] {strides = array<i32>} : memref<8x128xf32, #tpu.memory_space<vmem>>, vector<1x16xf32>,
    %swap3A_23 = vector.shape_cast %swap3A_22 : vector<1x16xf32> to vector<16xf32>
    %swap3A_24 = vector.shape_cast %broadcast_in_dim3A_1 : vector<16xf32> to vector<1x16xf32>
    tpu.vector_store %arg15[%swap3A_20, %swap3A_21], %swap3A_24 {strides = array<i32>} : memref<8x128xf32, #tpu.memory_space<vmem>>, vector<1x16xf32>,
    %swap3A_25 = arith.constant 0 : i32
    %swap3A_26 = arith.index_cast %swap3A_25 : i32 to index
    %swap3A_27 = arith.constant 64 : index
    %swap3A_28 = tpu.vector_load %arg15[%swap3A_26, %swap3A_27] {strides = array<i32>} : memref<8x128xf32, #tpu.memory_space<vmem>>, vector<1x16xf32>,
    %swap3A_29 = vector.shape_cast %swap3A_28 : vector<1x16xf32> to vector<16xf32>
    %swap3A_30 = vector.shape_cast %broadcast_in_dim3A_1 : vector<16xf32> to vector<1x16xf32>
    tpu.vector_store %arg15[%swap3A_26, %swap3A_27], %swap3A_30 {strides = array<i32>} : memref<8x128xf32, #tpu.memory_space<vmem>>, vector<1x16xf32>,
    %swap3A_31 = arith.constant 0 : i32
    %swap3A_32 = arith.index_cast %swap3A_31 : i32 to index
    %swap3A_33 = arith.constant 80 : index
    %swap3A_34 = tpu.vector_load %arg15[%swap3A_32, %swap3A_33] {strides = array<i32>} : memref<8x128xf32, #tpu.memory_space<vmem>>, vector<1x16xf32>,
    %swap3A_35 = vector.shape_cast %swap3A_34 : vector<1x16xf32> to vector<16xf32>
    %swap3A_36 = vector.shape_cast %broadcast_in_dim3A_1 : vector<16xf32> to vector<1x16xf32>
    tpu.vector_store %arg15[%swap3A_32, %swap3A_33], %swap3A_36 {strides = array<i32>} : memref<8x128xf32, #tpu.memory_space<vmem>>, vector<1x16xf32>,
    %swap3A_37 = arith.constant 0 : i32
    %swap3A_38 = arith.index_cast %swap3A_37 : i32 to index
    %swap3A_39 = arith.constant 96 : index
    %swap3A_40 = tpu.vector_load %arg15[%swap3A_38, %swap3A_39] {strides = array<i32>} : memref<8x128xf32, #tpu.memory_space<vmem>>, vector<1x16xf32>,
    %swap3A_41 = vector.shape_cast %swap3A_40 : vector<1x16xf32> to vector<16xf32>
    %swap3A_42 = vector.shape_cast %broadcast_in_dim3A_1 : vector<16xf32> to vector<1x16xf32>
    tpu.vector_store %arg15[%swap3A_38, %swap3A_39], %swap3A_42 {strides = array<i32>} : memref<8x128xf32, #tpu.memory_space<vmem>>, vector<1x16xf32>,
    %swap3A_43 = arith.constant 0 : i32
    %swap3A_44 = arith.index_cast %swap3A_43 : i32 to index
    %swap3A_45 = arith.constant 112 : index
    %swap3A_46 = tpu.vector_load %arg15[%swap3A_44, %swap3A_45] {strides = array<i32>} : memref<8x128xf32, #tpu.memory_space<vmem>>, vector<1x16xf32>,
    %swap3A_47 = vector.shape_cast %swap3A_46 : vector<1x16xf32> to vector<16xf32>
    %swap3A_48 = vector.shape_cast %broadcast_in_dim3A_1 : vector<16xf32> to vector<1x16xf32>
    tpu.vector_store %arg15[%swap3A_44, %swap3A_45], %swap3A_48 {strides = array<i32>} : memref<8x128xf32, #tpu.memory_space<vmem>>, vector<1x16xf32>,
    %swap3A_49 = arith.constant 1 : i32
    %swap3A_50 = arith.index_cast %swap3A_49 : i32 to index
    %swap3A_51 = arith.constant 0 : index
    %swap3A_52 = tpu.vector_load %arg15[%swap3A_50, %swap3A_51] {strides = array<i32>} : memref<8x128xf32, #tpu.memory_space<vmem>>, vector<1x16xf32>,
    %swap3A_53 = vector.shape_cast %swap3A_52 : vector<1x16xf32> to vector<16xf32>
    %swap3A_54 = vector.shape_cast %broadcast_in_dim3A_1 : vector<16xf32> to vector<1x16xf32>
    tpu.vector_store %arg15[%swap3A_50, %swap3A_51], %swap3A_54 {strides = array<i32>} : memref<8x128xf32, #tpu.memory_space<vmem>>, vector<1x16xf32>,
    %swap3A_55 = arith.constant 1 : i32
    %swap3A_56 = arith.index_cast %swap3A_55 : i32 to index
    %swap3A_57 = arith.constant 16 : index
    %swap3A_58 = tpu.vector_load %arg15[%swap3A_56, %swap3A_57] {strides = array<i32>} : memref<8x128xf32, #tpu.memory_space<vmem>>, vector<1x16xf32>,
    %swap3A_59 = vector.shape_cast %swap3A_58 : vector<1x16xf32> to vector<16xf32>
    %swap3A_60 = vector.shape_cast %broadcast_in_dim3A_1 : vector<16xf32> to vector<1x16xf32>
    tpu.vector_store %arg15[%swap3A_56, %swap3A_57], %swap3A_60 {strides = array<i32>} : memref<8x128xf32, #tpu.memory_space<vmem>>, vector<1x16xf32>,
    %swap3A_61 = arith.constant 1 : i32
    %swap3A_62 = arith.index_cast %swap3A_61 : i32 to index
    %swap3A_63 = arith.constant 32 : index
    %swap3A_64 = tpu.vector_load %arg15[%swap3A_62, %swap3A_63] {strides = array<i32>} : memref<8x128xf32, #tpu.memory_space<vmem>>, vector<1x16xf32>,
    %swap3A_65 = vector.shape_cast %swap3A_64 : vector<1x16xf32> to vector<16xf32>
    %swap3A_66 = vector.shape_cast %broadcast_in_dim3A_1 : vector<16xf32> to vector<1x16xf32>
    tpu.vector_store %arg15[%swap3A_62, %swap3A_63], %swap3A_66 {strides = array<i32>} : memref<8x128xf32, #tpu.memory_space<vmem>>, vector<1x16xf32>,
    %swap3A_67 = arith.constant 1 : i32
    %swap3A_68 = arith.index_cast %swap3A_67 : i32 to index
    %swap3A_69 = arith.constant 48 : index
    %swap3A_70 = tpu.vector_load %arg15[%swap3A_68, %swap3A_69] {strides = array<i32>} : memref<8x128xf32, #tpu.memory_space<vmem>>, vector<1x16xf32>,
    %swap3A_71 = vector.shape_cast %swap3A_70 : vector<1x16xf32> to vector<16xf32>
    %swap3A_72 = vector.shape_cast %broadcast_in_dim3A_1 : vector<16xf32> to vector<1x16xf32>
    tpu.vector_store %arg15[%swap3A_68, %swap3A_69], %swap3A_72 {strides = array<i32>} : memref<8x128xf32, #tpu.memory_space<vmem>>, vector<1x16xf32>,
    %swap3A_73 = arith.constant 1 : i32
    %swap3A_74 = arith.index_cast %swap3A_73 : i32 to index
    %swap3A_75 = arith.constant 64 : index
    %swap3A_76 = tpu.vector_load %arg15[%swap3A_74, %swap3A_75] {strides = array<i32>} : memref<8x128xf32, #tpu.memory_space<vmem>>, vector<1x16xf32>,
    %swap3A_77 = vector.shape_cast %swap3A_76 : vector<1x16xf32> to vector<16xf32>
    %swap3A_78 = vector.shape_cast %broadcast_in_dim3A_1 : vector<16xf32> to vector<1x16xf32>
    tpu.vector_store %arg15[%swap3A_74, %swap3A_75], %swap3A_78 {strides = array<i32>} : memref<8x128xf32, #tpu.memory_space<vmem>>, vector<1x16xf32>,
    %swap3A_79 = arith.constant 1 : i32
    %swap3A_80 = arith.index_cast %swap3A_79 : i32 to index
    %swap3A_81 = arith.constant 80 : index
    %swap3A_82 = tpu.vector_load %arg15[%swap3A_80, %swap3A_81] {strides = array<i32>} : memref<8x128xf32, #tpu.memory_space<vmem>>, vector<1x16xf32>,
    %swap3A_83 = vector.shape_cast %swap3A_82 : vector<1x16xf32> to vector<16xf32>
    %swap3A_84 = vector.shape_cast %broadcast_in_dim3A_1 : vector<16xf32> to vector<1x16xf32>
    tpu.vector_store %arg15[%swap3A_80, %swap3A_81], %swap3A_84 {strides = array<i32>} : memref<8x128xf32, #tpu.memory_space<vmem>>, vector<1x16xf32>,
    %swap3A_85 = arith.constant 1 : i32
    %swap3A_86 = arith.index_cast %swap3A_85 : i32 to index
    %swap3A_87 = arith.constant 96 : index
    %swap3A_88 = tpu.vector_load %arg15[%swap3A_86, %swap3A_87] {strides = array<i32>} : memref<8x128xf32, #tpu.memory_space<vmem>>, vector<1x16xf32>,
    %swap3A_89 = vector.shape_cast %swap3A_88 : vector<1x16xf32> to vector<16xf32>
    %swap3A_90 = vector.shape_cast %broadcast_in_dim3A_1 : vector<16xf32> to vector<1x16xf32>
    tpu.vector_store %arg15[%swap3A_86, %swap3A_87], %swap3A_90 {strides = array<i32>} : memref<8x128xf32, #tpu.memory_space<vmem>>, vector<1x16xf32>,
    %swap3A_91 = arith.constant 1 : i32
    %swap3A_92 = arith.index_cast %swap3A_91 : i32 to index
    %swap3A_93 = arith.constant 112 : index
    %swap3A_94 = tpu.vector_load %arg15[%swap3A_92, %swap3A_93] {strides = array<i32>} : memref<8x128xf32, #tpu.memory_space<vmem>>, vector<1x16xf32>,
    %swap3A_95 = vector.shape_cast %swap3A_94 : vector<1x16xf32> to vector<16xf32>
    %swap3A_96 = vector.shape_cast %broadcast_in_dim3A_1 : vector<16xf32> to vector<1x16xf32>
    tpu.vector_store %arg15[%swap3A_92, %swap3A_93], %swap3A_96 {strides = array<i32>} : memref<8x128xf32, #tpu.memory_space<vmem>>, vector<1x16xf32>,
    %swap3A_97 = arith.constant 2 : i32
    %swap3A_98 = arith.index_cast %swap3A_97 : i32 to index
    %swap3A_99 = arith.constant 0 : index
    %swap3A_100 = tpu.vector_load %arg15[%swap3A_98, %swap3A_99] {strides = array<i32>} : memref<8x128xf32, #tpu.memory_space<vmem>>, vector<1x16xf32>,
    %swap3A_101 = vector.shape_cast %swap3A_100 : vector<1x16xf32> to vector<16xf32>
    %swap3A_102 = vector.shape_cast %broadcast_in_dim3A_1 : vector<16xf32> to vector<1x16xf32>
    tpu.vector_store %arg15[%swap3A_98, %swap3A_99], %swap3A_102 {strides = array<i32>} : memref<8x128xf32, #tpu.memory_space<vmem>>, vector<1x16xf32>,
    %swap3A_103 = arith.constant 2 : i32
    %swap3A_104 = arith.index_cast %swap3A_103 : i32 to index
    %swap3A_105 = arith.constant 16 : index
    %swap3A_106 = tpu.vector_load %arg15[%swap3A_104, %swap3A_105] {strides = array<i32>} : memref<8x128xf32, #tpu.memory_space<vmem>>, vector<1x16xf32>,
    %swap3A_107 = vector.shape_cast %swap3A_106 : vector<1x16xf32> to vector<16xf32>
    %swap3A_108 = vector.shape_cast %broadcast_in_dim3A_1 : vector<16xf32> to vector<1x16xf32>
    tpu.vector_store %arg15[%swap3A_104, %swap3A_105], %swap3A_108 {strides = array<i32>} : memref<8x128xf32, #tpu.memory_space<vmem>>, vector<1x16xf32>,
    %swap3A_109 = arith.constant 2 : i32
    %swap3A_110 = arith.index_cast %swap3A_109 : i32 to index
    %swap3A_111 = arith.constant 32 : index
    %swap3A_112 = tpu.vector_load %arg15[%swap3A_110, %swap3A_111] {strides = array<i32>} : memref<8x128xf32, #tpu.memory_space<vmem>>, vector<1x16xf32>,
    %swap3A_113 = vector.shape_cast %swap3A_112 : vector<1x16xf32> to vector<16xf32>
    %swap3A_114 = vector.shape_cast %broadcast_in_dim3A_1 : vector<16xf32> to vector<1x16xf32>
    tpu.vector_store %arg15[%swap3A_110, %swap3A_111], %swap3A_114 {strides = array<i32>} : memref<8x128xf32, #tpu.memory_space<vmem>>, vector<1x16xf32>,
    %swap3A_115 = arith.constant 2 : i32
    %swap3A_116 = arith.index_cast %swap3A_115 : i32 to index
    %swap3A_117 = arith.constant 48 : index
    %swap3A_118 = tpu.vector_load %arg15[%swap3A_116, %swap3A_117] {strides = array<i32>} : memref<8x128xf32, #tpu.memory_space<vmem>>, vector<1x16xf32>,
    %swap3A_119 = vector.shape_cast %swap3A_118 : vector<1x16xf32> to vector<16xf32>
    %swap3A_120 = vector.shape_cast %broadcast_in_dim3A_1 : vector<16xf32> to vector<1x16xf32>
    tpu.vector_store %arg15[%swap3A_116, %swap3A_117], %swap3A_120 {strides = array<i32>} : memref<8x128xf32, #tpu.memory_space<vmem>>, vector<1x16xf32>,
    %swap3A_121 = arith.constant 2 : i32
    %swap3A_122 = arith.index_cast %swap3A_121 : i32 to index
    %swap3A_123 = arith.constant 64 : index
    %swap3A_124 = tpu.vector_load %arg15[%swap3A_122, %swap3A_123] {strides = array<i32>} : memref<8x128xf32, #tpu.memory_space<vmem>>, vector<1x16xf32>,
    %swap3A_125 = vector.shape_cast %swap3A_124 : vector<1x16xf32> to vector<16xf32>
    %swap3A_126 = vector.shape_cast %broadcast_in_dim3A_1 : vector<16xf32> to vector<1x16xf32>
    tpu.vector_store %arg15[%swap3A_122, %swap3A_123], %swap3A_126 {strides = array<i32>} : memref<8x128xf32, #tpu.memory_space<vmem>>, vector<1x16xf32>,
    %swap3A_127 = arith.constant 2 : i32
    %swap3A_128 = arith.index_cast %swap3A_127 : i32 to index
    %swap3A_129 = arith.constant 80 : index
    %swap3A_130 = tpu.vector_load %arg15[%swap3A_128, %swap3A_129] {strides = array<i32>} : memref<8x128xf32, #tpu.memory_space<vmem>>, vector<1x16xf32>,
    %swap3A_131 = vector.shape_cast %swap3A_130 : vector<1x16xf32> to vector<16xf32>
    %swap3A_132 = vector.shape_cast %broadcast_in_dim3A_1 : vector<16xf32> to vector<1x16xf32>
    tpu.vector_store %arg15[%swap3A_128, %swap3A_129], %swap3A_132 {strides = array<i32>} : memref<8x128xf32, #tpu.memory_space<vmem>>, vector<1x16xf32>,
    %swap3A_133 = arith.constant 2 : i32
    %swap3A_134 = arith.index_cast %swap3A_133 : i32 to index
    %swap3A_135 = arith.constant 96 : index
    %swap3A_136 = tpu.vector_load %arg15[%swap3A_134, %swap3A_135] {strides = array<i32>} : memref<8x128xf32, #tpu.memory_space<vmem>>, vector<1x16xf32>,
    %swap3A_137 = vector.shape_cast %swap3A_136 : vector<1x16xf32> to vector<16xf32>
    %swap3A_138 = vector.shape_cast %broadcast_in_dim3A_1 : vector<16xf32> to vector<1x16xf32>
    tpu.vector_store %arg15[%swap3A_134, %swap3A_135], %swap3A_138 {strides = array<i32>} : memref<8x128xf32, #tpu.memory_space<vmem>>, vector<1x16xf32>,
    %swap3A_139 = arith.constant 2 : i32
    %swap3A_140 = arith.index_cast %swap3A_139 : i32 to index
    %swap3A_141 = arith.constant 112 : index
    %swap3A_142 = tpu.vector_load %arg15[%swap3A_140, %swap3A_141] {strides = array<i32>} : memref<8x128xf32, #tpu.memory_space<vmem>>, vector<1x16xf32>,
    %swap3A_143 = vector.shape_cast %swap3A_142 : vector<1x16xf32> to vector<16xf32>
    %swap3A_144 = vector.shape_cast %broadcast_in_dim3A_1 : vector<16xf32> to vector<1x16xf32>
    tpu.vector_store %arg15[%swap3A_140, %swap3A_141], %swap3A_144 {strides = array<i32>} : memref<8x128xf32, #tpu.memory_space<vmem>>, vector<1x16xf32>,
    %swap3A_145 = arith.constant 3 : i32
    %swap3A_146 = arith.index_cast %swap3A_145 : i32 to index
    %swap3A_147 = arith.constant 0 : index
    %swap3A_148 = tpu.vector_load %arg15[%swap3A_146, %swap3A_147] {strides = array<i32>} : memref<8x128xf32, #tpu.memory_space<vmem>>, vector<1x16xf32>,
    %swap3A_149 = vector.shape_cast %swap3A_148 : vector<1x16xf32> to vector<16xf32>
    %swap3A_150 = vector.shape_cast %broadcast_in_dim3A_1 : vector<16xf32> to vector<1x16xf32>
    tpu.vector_store %arg15[%swap3A_146, %swap3A_147], %swap3A_150 {strides = array<i32>} : memref<8x128xf32, #tpu.memory_space<vmem>>, vector<1x16xf32>,
    %swap3A_151 = arith.constant 3 : i32
    %swap3A_152 = arith.index_cast %swap3A_151 : i32 to index
    %swap3A_153 = arith.constant 16 : index
    %swap3A_154 = tpu.vector_load %arg15[%swap3A_152, %swap3A_153] {strides = array<i32>} : memref<8x128xf32, #tpu.memory_space<vmem>>, vector<1x16xf32>,
    %swap3A_155 = vector.shape_cast %swap3A_154 : vector<1x16xf32> to vector<16xf32>
    %swap3A_156 = vector.shape_cast %broadcast_in_dim3A_1 : vector<16xf32> to vector<1x16xf32>
    tpu.vector_store %arg15[%swap3A_152, %swap3A_153], %swap3A_156 {strides = array<i32>} : memref<8x128xf32, #tpu.memory_space<vmem>>, vector<1x16xf32>,
    %swap3A_157 = arith.constant 3 : i32
    %swap3A_158 = arith.index_cast %swap3A_157 : i32 to index
    %swap3A_159 = arith.constant 32 : index
    %swap3A_160 = tpu.vector_load %arg15[%swap3A_158, %swap3A_159] {strides = array<i32>} : memref<8x128xf32, #tpu.memory_space<vmem>>, vector<1x16xf32>,
    %swap3A_161 = vector.shape_cast %swap3A_160 : vector<1x16xf32> to vector<16xf32>
    %swap3A_162 = vector.shape_cast %broadcast_in_dim3A_1 : vector<16xf32> to vector<1x16xf32>
    tpu.vector_store %arg15[%swap3A_158, %swap3A_159], %swap3A_162 {strides = array<i32>} : memref<8x128xf32, #tpu.memory_space<vmem>>, vector<1x16xf32>,
    %swap3A_163 = arith.constant 3 : i32
    %swap3A_164 = arith.index_cast %swap3A_163 : i32 to index
    %swap3A_165 = arith.constant 48 : index
    %swap3A_166 = tpu.vector_load %arg15[%swap3A_164, %swap3A_165] {strides = array<i32>} : memref<8x128xf32, #tpu.memory_space<vmem>>, vector<1x16xf32>,
    %swap3A_167 = vector.shape_cast %swap3A_166 : vector<1x16xf32> to vector<16xf32>
    %swap3A_168 = vector.shape_cast %broadcast_in_dim3A_1 : vector<16xf32> to vector<1x16xf32>
    tpu.vector_store %arg15[%swap3A_164, %swap3A_165], %swap3A_168 {strides = array<i32>} : memref<8x128xf32, #tpu.memory_space<vmem>>, vector<1x16xf32>,
    %swap3A_169 = arith.constant 3 : i32
    %swap3A_170 = arith.index_cast %swap3A_169 : i32 to index
    %swap3A_171 = arith.constant 64 : index
    %swap3A_172 = tpu.vector_load %arg15[%swap3A_170, %swap3A_171] {strides = array<i32>} : memref<8x128xf32, #tpu.memory_space<vmem>>, vector<1x16xf32>,
    %swap3A_173 = vector.shape_cast %swap3A_172 : vector<1x16xf32> to vector<16xf32>
    %swap3A_174 = vector.shape_cast %broadcast_in_dim3A_1 : vector<16xf32> to vector<1x16xf32>
    tpu.vector_store %arg15[%swap3A_170, %swap3A_171], %swap3A_174 {strides = array<i32>} : memref<8x128xf32, #tpu.memory_space<vmem>>, vector<1x16xf32>,
    %swap3A_175 = arith.constant 3 : i32
    %swap3A_176 = arith.index_cast %swap3A_175 : i32 to index
    %swap3A_177 = arith.constant 80 : index
    %swap3A_178 = tpu.vector_load %arg15[%swap3A_176, %swap3A_177] {strides = array<i32>} : memref<8x128xf32, #tpu.memory_space<vmem>>, vector<1x16xf32>,
    %swap3A_179 = vector.shape_cast %swap3A_178 : vector<1x16xf32> to vector<16xf32>
    %swap3A_180 = vector.shape_cast %broadcast_in_dim3A_1 : vector<16xf32> to vector<1x16xf32>
    tpu.vector_store %arg15[%swap3A_176, %swap3A_177], %swap3A_180 {strides = array<i32>} : memref<8x128xf32, #tpu.memory_space<vmem>>, vector<1x16xf32>,
    %swap3A_181 = arith.constant 3 : i32
    %swap3A_182 = arith.index_cast %swap3A_181 : i32 to index
    %swap3A_183 = arith.constant 96 : index
    %swap3A_184 = tpu.vector_load %arg15[%swap3A_182, %swap3A_183] {strides = array<i32>} : memref<8x128xf32, #tpu.memory_space<vmem>>, vector<1x16xf32>,
    %swap3A_185 = vector.shape_cast %swap3A_184 : vector<1x16xf32> to vector<16xf32>
    %swap3A_186 = vector.shape_cast %broadcast_in_dim3A_1 : vector<16xf32> to vector<1x16xf32>
    tpu.vector_store %arg15[%swap3A_182, %swap3A_183], %swap3A_186 {strides = array<i32>} : memref<8x128xf32, #tpu.memory_space<vmem>>, vector<1x16xf32>,
    %swap3A_187 = arith.constant 3 : i32
    %swap3A_188 = arith.index_cast %swap3A_187 : i32 to index
    %swap3A_189 = arith.constant 112 : index
    %swap3A_190 = tpu.vector_load %arg15[%swap3A_188, %swap3A_189] {strides = array<i32>} : memref<8x128xf32, #tpu.memory_space<vmem>>, vector<1x16xf32>,
    %swap3A_191 = vector.shape_cast %swap3A_190 : vector<1x16xf32> to vector<16xf32>
    %swap3A_192 = vector.shape_cast %broadcast_in_dim3A_1 : vector<16xf32> to vector<1x16xf32>
    tpu.vector_store %arg15[%swap3A_188, %swap3A_189], %swap3A_192 {strides = array<i32>} : memref<8x128xf32, #tpu.memory_space<vmem>>, vector<1x16xf32>,
    %swap3A_193 = arith.constant 4 : i32
    %swap3A_194 = arith.index_cast %swap3A_193 : i32 to index
    %swap3A_195 = arith.constant 0 : index
    %swap3A_196 = tpu.vector_load %arg15[%swap3A_194, %swap3A_195] {strides = array<i32>} : memref<8x128xf32, #tpu.memory_space<vmem>>, vector<1x16xf32>,
    %swap3A_197 = vector.shape_cast %swap3A_196 : vector<1x16xf32> to vector<16xf32>
    %swap3A_198 = vector.shape_cast %broadcast_in_dim3A_1 : vector<16xf32> to vector<1x16xf32>
    tpu.vector_store %arg15[%swap3A_194, %swap3A_195], %swap3A_198 {strides = array<i32>} : memref<8x128xf32, #tpu.memory_space<vmem>>, vector<1x16xf32>,
    %swap3A_199 = arith.constant 4 : i32
    %swap3A_200 = arith.index_cast %swap3A_199 : i32 to index
    %swap3A_201 = arith.constant 16 : index
    %swap3A_202 = tpu.vector_load %arg15[%swap3A_200, %swap3A_201] {strides = array<i32>} : memref<8x128xf32, #tpu.memory_space<vmem>>, vector<1x16xf32>,
    %swap3A_203 = vector.shape_cast %swap3A_202 : vector<1x16xf32> to vector<16xf32>
    %swap3A_204 = vector.shape_cast %broadcast_in_dim3A_1 : vector<16xf32> to vector<1x16xf32>
    tpu.vector_store %arg15[%swap3A_200, %swap3A_201], %swap3A_204 {strides = array<i32>} : memref<8x128xf32, #tpu.memory_space<vmem>>, vector<1x16xf32>,
    %swap3A_205 = arith.constant 4 : i32
    %swap3A_206 = arith.index_cast %swap3A_205 : i32 to index
    %swap3A_207 = arith.constant 32 : index
    %swap3A_208 = tpu.vector_load %arg15[%swap3A_206, %swap3A_207] {strides = array<i32>} : memref<8x128xf32, #tpu.memory_space<vmem>>, vector<1x16xf32>,
    %swap3A_209 = vector.shape_cast %swap3A_208 : vector<1x16xf32> to vector<16xf32>
    %swap3A_210 = vector.shape_cast %broadcast_in_dim3A_1 : vector<16xf32> to vector<1x16xf32>
    tpu.vector_store %arg15[%swap3A_206, %swap3A_207], %swap3A_210 {strides = array<i32>} : memref<8x128xf32, #tpu.memory_space<vmem>>, vector<1x16xf32>,
    %swap3A_211 = arith.constant 4 : i32
    %swap3A_212 = arith.index_cast %swap3A_211 : i32 to index
    %swap3A_213 = arith.constant 48 : index
    %swap3A_214 = tpu.vector_load %arg15[%swap3A_212, %swap3A_213] {strides = array<i32>} : memref<8x128xf32, #tpu.memory_space<vmem>>, vector<1x16xf32>,
    %swap3A_215 = vector.shape_cast %swap3A_214 : vector<1x16xf32> to vector<16xf32>
    %swap3A_216 = vector.shape_cast %broadcast_in_dim3A_1 : vector<16xf32> to vector<1x16xf32>
    tpu.vector_store %arg15[%swap3A_212, %swap3A_213], %swap3A_216 {strides = array<i32>} : memref<8x128xf32, #tpu.memory_space<vmem>>, vector<1x16xf32>,
    %swap3A_217 = arith.constant 4 : i32
    %swap3A_218 = arith.index_cast %swap3A_217 : i32 to index
    %swap3A_219 = arith.constant 64 : index
    %swap3A_220 = tpu.vector_load %arg15[%swap3A_218, %swap3A_219] {strides = array<i32>} : memref<8x128xf32, #tpu.memory_space<vmem>>, vector<1x16xf32>,
    %swap3A_221 = vector.shape_cast %swap3A_220 : vector<1x16xf32> to vector<16xf32>
    %swap3A_222 = vector.shape_cast %broadcast_in_dim3A_1 : vector<16xf32> to vector<1x16xf32>
    tpu.vector_store %arg15[%swap3A_218, %swap3A_219], %swap3A_222 {strides = array<i32>} : memref<8x128xf32, #tpu.memory_space<vmem>>, vector<1x16xf32>,
    %swap3A_223 = arith.constant 4 : i32
    %swap3A_224 = arith.index_cast %swap3A_223 : i32 to index
    %swap3A_225 = arith.constant 80 : index
    %swap3A_226 = tpu.vector_load %arg15[%swap3A_224, %swap3A_225] {strides = array<i32>} : memref<8x128xf32, #tpu.memory_space<vmem>>, vector<1x16xf32>,
    %swap3A_227 = vector.shape_cast %swap3A_226 : vector<1x16xf32> to vector<16xf32>
    %swap3A_228 = vector.shape_cast %broadcast_in_dim3A_1 : vector<16xf32> to vector<1x16xf32>
    tpu.vector_store %arg15[%swap3A_224, %swap3A_225], %swap3A_228 {strides = array<i32>} : memref<8x128xf32, #tpu.memory_space<vmem>>, vector<1x16xf32>,
    %swap3A_229 = arith.constant 4 : i32
    %swap3A_230 = arith.index_cast %swap3A_229 : i32 to index
    %swap3A_231 = arith.constant 96 : index
    %swap3A_232 = tpu.vector_load %arg15[%swap3A_230, %swap3A_231] {strides = array<i32>} : memref<8x128xf32, #tpu.memory_space<vmem>>, vector<1x16xf32>,
    %swap3A_233 = vector.shape_cast %swap3A_232 : vector<1x16xf32> to vector<16xf32>
    %swap3A_234 = vector.shape_cast %broadcast_in_dim3A_1 : vector<16xf32> to vector<1x16xf32>
    tpu.vector_store %arg15[%swap3A_230, %swap3A_231], %swap3A_234 {strides = array<i32>} : memref<8x128xf32, #tpu.memory_space<vmem>>, vector<1x16xf32>,
    %swap3A_235 = arith.constant 4 : i32
    %swap3A_236 = arith.index_cast %swap3A_235 : i32 to index
    %swap3A_237 = arith.constant 112 : index
    %swap3A_238 = tpu.vector_load %arg15[%swap3A_236, %swap3A_237] {strides = array<i32>} : memref<8x128xf32, #tpu.memory_space<vmem>>, vector<1x16xf32>,
    %swap3A_239 = vector.shape_cast %swap3A_238 : vector<1x16xf32> to vector<16xf32>
    %swap3A_240 = vector.shape_cast %broadcast_in_dim3A_1 : vector<16xf32> to vector<1x16xf32>
    tpu.vector_store %arg15[%swap3A_236, %swap3A_237], %swap3A_240 {strides = array<i32>} : memref<8x128xf32, #tpu.memory_space<vmem>>, vector<1x16xf32>,
    %swap3A_241 = arith.constant 5 : i32
    %swap3A_242 = arith.index_cast %swap3A_241 : i32 to index
    %swap3A_243 = arith.constant 0 : index
    %swap3A_244 = tpu.vector_load %arg15[%swap3A_242, %swap3A_243] {strides = array<i32>} : memref<8x128xf32, #tpu.memory_space<vmem>>, vector<1x16xf32>,
    %swap3A_245 = vector.shape_cast %swap3A_244 : vector<1x16xf32> to vector<16xf32>
    %swap3A_246 = vector.shape_cast %broadcast_in_dim3A_1 : vector<16xf32> to vector<1x16xf32>
    tpu.vector_store %arg15[%swap3A_242, %swap3A_243], %swap3A_246 {strides = array<i32>} : memref<8x128xf32, #tpu.memory_space<vmem>>, vector<1x16xf32>,
    %swap3A_247 = arith.constant 5 : i32
    %swap3A_248 = arith.index_cast %swap3A_247 : i32 to index
    %swap3A_249 = arith.constant 16 : index
    %swap3A_250 = tpu.vector_load %arg15[%swap3A_248, %swap3A_249] {strides = array<i32>} : memref<8x128xf32, #tpu.memory_space<vmem>>, vector<1x16xf32>,
    %swap3A_251 = vector.shape_cast %swap3A_250 : vector<1x16xf32> to vector<16xf32>
    %swap3A_252 = vector.shape_cast %broadcast_in_dim3A_1 : vector<16xf32> to vector<1x16xf32>
    tpu.vector_store %arg15[%swap3A_248, %swap3A_249], %swap3A_252 {strides = array<i32>} : memref<8x128xf32, #tpu.memory_space<vmem>>, vector<1x16xf32>,
    %swap3A_253 = arith.constant 5 : i32
    %swap3A_254 = arith.index_cast %swap3A_253 : i32 to index
    %swap3A_255 = arith.constant 32 : index
    %swap3A_256 = tpu.vector_load %arg15[%swap3A_254, %swap3A_255] {strides = array<i32>} : memref<8x128xf32, #tpu.memory_space<vmem>>, vector<1x16xf32>,
    %swap3A_257 = vector.shape_cast %swap3A_256 : vector<1x16xf32> to vector<16xf32>
    %swap3A_258 = vector.shape_cast %broadcast_in_dim3A_1 : vector<16xf32> to vector<1x16xf32>
    tpu.vector_store %arg15[%swap3A_254, %swap3A_255], %swap3A_258 {strides = array<i32>} : memref<8x128xf32, #tpu.memory_space<vmem>>, vector<1x16xf32>,
    %swap3A_259 = arith.constant 5 : i32
    %swap3A_260 = arith.index_cast %swap3A_259 : i32 to index
    %swap3A_261 = arith.constant 48 : index
    %swap3A_262 = tpu.vector_load %arg15[%swap3A_260, %swap3A_261] {strides = array<i32>} : memref<8x128xf32, #tpu.memory_space<vmem>>, vector<1x16xf32>,
    %swap3A_263 = vector.shape_cast %swap3A_262 : vector<1x16xf32> to vector<16xf32>
    %swap3A_264 = vector.shape_cast %broadcast_in_dim3A_1 : vector<16xf32> to vector<1x16xf32>
    tpu.vector_store %arg15[%swap3A_260, %swap3A_261], %swap3A_264 {strides = array<i32>} : memref<8x128xf32, #tpu.memory_space<vmem>>, vector<1x16xf32>,
    %swap3A_265 = arith.constant 5 : i32
    %swap3A_266 = arith.index_cast %swap3A_265 : i32 to index
    %swap3A_267 = arith.constant 64 : index
    %swap3A_268 = tpu.vector_load %arg15[%swap3A_266, %swap3A_267] {strides = array<i32>} : memref<8x128xf32, #tpu.memory_space<vmem>>, vector<1x16xf32>,
    %swap3A_269 = vector.shape_cast %swap3A_268 : vector<1x16xf32> to vector<16xf32>
    %swap3A_270 = vector.shape_cast %broadcast_in_dim3A_1 : vector<16xf32> to vector<1x16xf32>
    tpu.vector_store %arg15[%swap3A_266, %swap3A_267], %swap3A_270 {strides = array<i32>} : memref<8x128xf32, #tpu.memory_space<vmem>>, vector<1x16xf32>,
    %swap3A_271 = arith.constant 5 : i32
    %swap3A_272 = arith.index_cast %swap3A_271 : i32 to index
    %swap3A_273 = arith.constant 80 : index
    %swap3A_274 = tpu.vector_load %arg15[%swap3A_272, %swap3A_273] {strides = array<i32>} : memref<8x128xf32, #tpu.memory_space<vmem>>, vector<1x16xf32>,
    %swap3A_275 = vector.shape_cast %swap3A_274 : vector<1x16xf32> to vector<16xf32>
    %swap3A_276 = vector.shape_cast %broadcast_in_dim3A_1 : vector<16xf32> to vector<1x16xf32>
    tpu.vector_store %arg15[%swap3A_272, %swap3A_273], %swap3A_276 {strides = array<i32>} : memref<8x128xf32, #tpu.memory_space<vmem>>, vector<1x16xf32>,
    %swap3A_277 = arith.constant 5 : i32
    %swap3A_278 = arith.index_cast %swap3A_277 : i32 to index
    %swap3A_279 = arith.constant 96 : index
    %swap3A_280 = tpu.vector_load %arg15[%swap3A_278, %swap3A_279] {strides = array<i32>} : memref<8x128xf32, #tpu.memory_space<vmem>>, vector<1x16xf32>,
    %swap3A_281 = vector.shape_cast %swap3A_280 : vector<1x16xf32> to vector<16xf32>
    %swap3A_282 = vector.shape_cast %broadcast_in_dim3A_1 : vector<16xf32> to vector<1x16xf32>
    tpu.vector_store %arg15[%swap3A_278, %swap3A_279], %swap3A_282 {strides = array<i32>} : memref<8x128xf32, #tpu.memory_space<vmem>>, vector<1x16xf32>,
    %swap3A_283 = arith.constant 5 : i32
    %swap3A_284 = arith.index_cast %swap3A_283 : i32 to index
    %swap3A_285 = arith.constant 112 : index
    %swap3A_286 = tpu.vector_load %arg15[%swap3A_284, %swap3A_285] {strides = array<i32>} : memref<8x128xf32, #tpu.memory_space<vmem>>, vector<1x16xf32>,
    %swap3A_287 = vector.shape_cast %swap3A_286 : vector<1x16xf32> to vector<16xf32>
    %swap3A_288 = vector.shape_cast %broadcast_in_dim3A_1 : vector<16xf32> to vector<1x16xf32>
    tpu.vector_store %arg15[%swap3A_284, %swap3A_285], %swap3A_288 {strides = array<i32>} : memref<8x128xf32, #tpu.memory_space<vmem>>, vector<1x16xf32>,
    %swap3A_289 = arith.constant 6 : i32
    %swap3A_290 = arith.index_cast %swap3A_289 : i32 to index
    %swap3A_291 = arith.constant 0 : index
    %swap3A_292 = tpu.vector_load %arg15[%swap3A_290, %swap3A_291] {strides = array<i32>} : memref<8x128xf32, #tpu.memory_space<vmem>>, vector<1x16xf32>,
    %swap3A_293 = vector.shape_cast %swap3A_292 : vector<1x16xf32> to vector<16xf32>
    %swap3A_294 = vector.shape_cast %broadcast_in_dim3A_1 : vector<16xf32> to vector<1x16xf32>
    tpu.vector_store %arg15[%swap3A_290, %swap3A_291], %swap3A_294 {strides = array<i32>} : memref<8x128xf32, #tpu.memory_space<vmem>>, vector<1x16xf32>,
    %swap3A_295 = arith.constant 6 : i32
    %swap3A_296 = arith.index_cast %swap3A_295 : i32 to index
    %swap3A_297 = arith.constant 16 : index
    %swap3A_298 = tpu.vector_load %arg15[%swap3A_296, %swap3A_297] {strides = array<i32>} : memref<8x128xf32, #tpu.memory_space<vmem>>, vector<1x16xf32>,
    %swap3A_299 = vector.shape_cast %swap3A_298 : vector<1x16xf32> to vector<16xf32>
    %swap3A_300 = vector.shape_cast %broadcast_in_dim3A_1 : vector<16xf32> to vector<1x16xf32>
    tpu.vector_store %arg15[%swap3A_296, %swap3A_297], %swap3A_300 {strides = array<i32>} : memref<8x128xf32, #tpu.memory_space<vmem>>, vector<1x16xf32>,
    %swap3A_301 = arith.constant 6 : i32
    %swap3A_302 = arith.index_cast %swap3A_301 : i32 to index
    %swap3A_303 = arith.constant 32 : index
    %swap3A_304 = tpu.vector_load %arg15[%swap3A_302, %swap3A_303] {strides = array<i32>} : memref<8x128xf32, #tpu.memory_space<vmem>>, vector<1x16xf32>,
    %swap3A_305 = vector.shape_cast %swap3A_304 : vector<1x16xf32> to vector<16xf32>
    %swap3A_306 = vector.shape_cast %broadcast_in_dim3A_1 : vector<16xf32> to vector<1x16xf32>
    tpu.vector_store %arg15[%swap3A_302, %swap3A_303], %swap3A_306 {strides = array<i32>} : memref<8x128xf32, #tpu.memory_space<vmem>>, vector<1x16xf32>,
    %swap3A_307 = arith.constant 6 : i32
    %swap3A_308 = arith.index_cast %swap3A_307 : i32 to index
    %swap3A_309 = arith.constant 48 : index
    %swap3A_310 = tpu.vector_load %arg15[%swap3A_308, %swap3A_309] {strides = array<i32>} : memref<8x128xf32, #tpu.memory_space<vmem>>, vector<1x16xf32>,
    %swap3A_311 = vector.shape_cast %swap3A_310 : vector<1x16xf32> to vector<16xf32>
    %swap3A_312 = vector.shape_cast %broadcast_in_dim3A_1 : vector<16xf32> to vector<1x16xf32>
    tpu.vector_store %arg15[%swap3A_308, %swap3A_309], %swap3A_312 {strides = array<i32>} : memref<8x128xf32, #tpu.memory_space<vmem>>, vector<1x16xf32>,
    %swap3A_313 = arith.constant 6 : i32
    %swap3A_314 = arith.index_cast %swap3A_313 : i32 to index
    %swap3A_315 = arith.constant 64 : index
    %swap3A_316 = tpu.vector_load %arg15[%swap3A_314, %swap3A_315] {strides = array<i32>} : memref<8x128xf32, #tpu.memory_space<vmem>>, vector<1x16xf32>,
    %swap3A_317 = vector.shape_cast %swap3A_316 : vector<1x16xf32> to vector<16xf32>
    %swap3A_318 = vector.shape_cast %broadcast_in_dim3A_1 : vector<16xf32> to vector<1x16xf32>
    tpu.vector_store %arg15[%swap3A_314, %swap3A_315], %swap3A_318 {strides = array<i32>} : memref<8x128xf32, #tpu.memory_space<vmem>>, vector<1x16xf32>,
    %swap3A_319 = arith.constant 6 : i32
    %swap3A_320 = arith.index_cast %swap3A_319 : i32 to index
    %swap3A_321 = arith.constant 80 : index
    %swap3A_322 = tpu.vector_load %arg15[%swap3A_320, %swap3A_321] {strides = array<i32>} : memref<8x128xf32, #tpu.memory_space<vmem>>, vector<1x16xf32>,
    %swap3A_323 = vector.shape_cast %swap3A_322 : vector<1x16xf32> to vector<16xf32>
    %swap3A_324 = vector.shape_cast %broadcast_in_dim3A_1 : vector<16xf32> to vector<1x16xf32>
    tpu.vector_store %arg15[%swap3A_320, %swap3A_321], %swap3A_324 {strides = array<i32>} : memref<8x128xf32, #tpu.memory_space<vmem>>, vector<1x16xf32>,
    %swap3A_325 = arith.constant 6 : i32
    %swap3A_326 = arith.index_cast %swap3A_325 : i32 to index
    %swap3A_327 = arith.constant 96 : index
    %swap3A_328 = tpu.vector_load %arg15[%swap3A_326, %swap3A_327] {strides = array<i32>} : memref<8x128xf32, #tpu.memory_space<vmem>>, vector<1x16xf32>,
    %swap3A_329 = vector.shape_cast %swap3A_328 : vector<1x16xf32> to vector<16xf32>
    %swap3A_330 = vector.shape_cast %broadcast_in_dim3A_1 : vector<16xf32> to vector<1x16xf32>
    tpu.vector_store %arg15[%swap3A_326, %swap3A_327], %swap3A_330 {strides = array<i32>} : memref<8x128xf32, #tpu.memory_space<vmem>>, vector<1x16xf32>,
    %swap3A_331 = arith.constant 6 : i32
    %swap3A_332 = arith.index_cast %swap3A_331 : i32 to index
    %swap3A_333 = arith.constant 112 : index
    %swap3A_334 = tpu.vector_load %arg15[%swap3A_332, %swap3A_333] {strides = array<i32>} : memref<8x128xf32, #tpu.memory_space<vmem>>, vector<1x16xf32>,
    %swap3A_335 = vector.shape_cast %swap3A_334 : vector<1x16xf32> to vector<16xf32>
    %swap3A_336 = vector.shape_cast %broadcast_in_dim3A_1 : vector<16xf32> to vector<1x16xf32>
    tpu.vector_store %arg15[%swap3A_332, %swap3A_333], %swap3A_336 {strides = array<i32>} : memref<8x128xf32, #tpu.memory_space<vmem>>, vector<1x16xf32>,
    %swap3A_337 = arith.constant 7 : i32
    %swap3A_338 = arith.index_cast %swap3A_337 : i32 to index
    %swap3A_339 = arith.constant 0 : index
    %swap3A_340 = tpu.vector_load %arg15[%swap3A_338, %swap3A_339] {strides = array<i32>} : memref<8x128xf32, #tpu.memory_space<vmem>>, vector<1x16xf32>,
    %swap3A_341 = vector.shape_cast %swap3A_340 : vector<1x16xf32> to vector<16xf32>
    %swap3A_342 = vector.shape_cast %broadcast_in_dim3A_1 : vector<16xf32> to vector<1x16xf32>
    tpu.vector_store %arg15[%swap3A_338, %swap3A_339], %swap3A_342 {strides = array<i32>} : memref<8x128xf32, #tpu.memory_space<vmem>>, vector<1x16xf32>,
    %swap3A_343 = arith.constant 7 : i32
    %swap3A_344 = arith.index_cast %swap3A_343 : i32 to index
    %swap3A_345 = arith.constant 16 : index
    %swap3A_346 = tpu.vector_load %arg15[%swap3A_344, %swap3A_345] {strides = array<i32>} : memref<8x128xf32, #tpu.memory_space<vmem>>, vector<1x16xf32>,
    %swap3A_347 = vector.shape_cast %swap3A_346 : vector<1x16xf32> to vector<16xf32>
    %swap3A_348 = vector.shape_cast %broadcast_in_dim3A_1 : vector<16xf32> to vector<1x16xf32>
    tpu.vector_store %arg15[%swap3A_344, %swap3A_345], %swap3A_348 {strides = array<i32>} : memref<8x128xf32, #tpu.memory_space<vmem>>, vector<1x16xf32>,
    %swap3A_349 = arith.constant 7 : i32
    %swap3A_350 = arith.index_cast %swap3A_349 : i32 to index
    %swap3A_351 = arith.constant 32 : index
    %swap3A_352 = tpu.vector_load %arg15[%swap3A_350, %swap3A_351] {strides = array<i32>} : memref<8x128xf32, #tpu.memory_space<vmem>>, vector<1x16xf32>,
    %swap3A_353 = vector.shape_cast %swap3A_352 : vector<1x16xf32> to vector<16xf32>
    %swap3A_354 = vector.shape_cast %broadcast_in_dim3A_1 : vector<16xf32> to vector<1x16xf32>
    tpu.vector_store %arg15[%swap3A_350, %swap3A_351], %swap3A_354 {strides = array<i32>} : memref<8x128xf32, #tpu.memory_space<vmem>>, vector<1x16xf32>,
    %swap3A_355 = arith.constant 7 : i32
    %swap3A_356 = arith.index_cast %swap3A_355 : i32 to index
    %swap3A_357 = arith.constant 48 : index
    %swap3A_358 = tpu.vector_load %arg15[%swap3A_356, %swap3A_357] {strides = array<i32>} : memref<8x128xf32, #tpu.memory_space<vmem>>, vector<1x16xf32>,
    %swap3A_359 = vector.shape_cast %swap3A_358 : vector<1x16xf32> to vector<16xf32>
    %swap3A_360 = vector.shape_cast %broadcast_in_dim3A_1 : vector<16xf32> to vector<1x16xf32>
    tpu.vector_store %arg15[%swap3A_356, %swap3A_357], %swap3A_360 {strides = array<i32>} : memref<8x128xf32, #tpu.memory_space<vmem>>, vector<1x16xf32>,
    %swap3A_361 = arith.constant 7 : i32
    %swap3A_362 = arith.index_cast %swap3A_361 : i32 to index
    %swap3A_363 = arith.constant 64 : index
    %swap3A_364 = tpu.vector_load %arg15[%swap3A_362, %swap3A_363] {strides = array<i32>} : memref<8x128xf32, #tpu.memory_space<vmem>>, vector<1x16xf32>,
    %swap3A_365 = vector.shape_cast %swap3A_364 : vector<1x16xf32> to vector<16xf32>
    %swap3A_366 = vector.shape_cast %broadcast_in_dim3A_1 : vector<16xf32> to vector<1x16xf32>
    tpu.vector_store %arg15[%swap3A_362, %swap3A_363], %swap3A_366 {strides = array<i32>} : memref<8x128xf32, #tpu.memory_space<vmem>>, vector<1x16xf32>,
    %swap3A_367 = arith.constant 7 : i32
    %swap3A_368 = arith.index_cast %swap3A_367 : i32 to index
    %swap3A_369 = arith.constant 80 : index
    %swap3A_370 = tpu.vector_load %arg15[%swap3A_368, %swap3A_369] {strides = array<i32>} : memref<8x128xf32, #tpu.memory_space<vmem>>, vector<1x16xf32>,
    %swap3A_371 = vector.shape_cast %swap3A_370 : vector<1x16xf32> to vector<16xf32>
    %swap3A_372 = vector.shape_cast %broadcast_in_dim3A_1 : vector<16xf32> to vector<1x16xf32>
    tpu.vector_store %arg15[%swap3A_368, %swap3A_369], %swap3A_372 {strides = array<i32>} : memref<8x128xf32, #tpu.memory_space<vmem>>, vector<1x16xf32>,
    %swap3A_373 = arith.constant 7 : i32
    %swap3A_374 = arith.index_cast %swap3A_373 : i32 to index
    %swap3A_375 = arith.constant 96 : index
    %swap3A_376 = tpu.vector_load %arg15[%swap3A_374, %swap3A_375] {strides = array<i32>} : memref<8x128xf32, #tpu.memory_space<vmem>>, vector<1x16xf32>,
    %swap3A_377 = vector.shape_cast %swap3A_376 : vector<1x16xf32> to vector<16xf32>
    %swap3A_378 = vector.shape_cast %broadcast_in_dim3A_1 : vector<16xf32> to vector<1x16xf32>
    tpu.vector_store %arg15[%swap3A_374, %swap3A_375], %swap3A_378 {strides = array<i32>} : memref<8x128xf32, #tpu.memory_space<vmem>>, vector<1x16xf32>,
    %swap3A_379 = arith.constant 7 : i32
    %swap3A_380 = arith.index_cast %swap3A_379 : i32 to index
    %swap3A_381 = arith.constant 112 : index
    %swap3A_382 = tpu.vector_load %arg15[%swap3A_380, %swap3A_381] {strides = array<i32>} : memref<8x128xf32, #tpu.memory_space<vmem>>, vector<1x16xf32>,
    %swap3A_383 = vector.shape_cast %swap3A_382 : vector<1x16xf32> to vector<16xf32>
    %swap3A_384 = vector.shape_cast %broadcast_in_dim3A_1 : vector<16xf32> to vector<1x16xf32>
    tpu.vector_store %arg15[%swap3A_380, %swap3A_381], %swap3A_384 {strides = array<i32>} : memref<8x128xf32, #tpu.memory_space<vmem>>, vector<1x16xf32>,
    %get3A = arith.constant 0 : index
    %get3A_385 = tpu.vector_load %arg8[%get3A] {strides = array<i32>} : memref<128xf32, #tpu.memory_space<vmem>>, vector<16xf32>,
    %get3A_386 = vector.shape_cast %get3A_385 : vector<16xf32> to vector<16xf32>
    %neg3A = arith.constant 0.000000e+00 : f32
    %neg3A_387 = vector.broadcast %neg3A : f32 to vector<16xf32>
    %neg3A_388 = arith.subf %neg3A_387, %get3A_386 : vector<16xf32>
    %get3A_389 = arith.constant 16 : index
    %get3A_390 = tpu.vector_load %arg8[%get3A_389] {strides = array<i32>} : memref<128xf32, #tpu.memory_space<vmem>>, vector<16xf32>,
    %get3A_391 = vector.shape_cast %get3A_390 : vector<16xf32> to vector<16xf32>
    %neg3A_392 = arith.constant 0.000000e+00 : f32
    %neg3A_393 = vector.broadcast %neg3A_392 : f32 to vector<16xf32>
    %neg3A_394 = arith.subf %neg3A_393, %get3A_391 : vector<16xf32>
    %get3A_395 = arith.constant 32 : index
    %get3A_396 = tpu.vector_load %arg8[%get3A_395] {strides = array<i32>} : memref<128xf32, #tpu.memory_space<vmem>>, vector<16xf32>,
    %get3A_397 = vector.shape_cast %get3A_396 : vector<16xf32> to vector<16xf32>
    %neg3A_398 = arith.constant 0.000000e+00 : f32
    %neg3A_399 = vector.broadcast %neg3A_398 : f32 to vector<16xf32>
    %neg3A_400 = arith.subf %neg3A_399, %get3A_397 : vector<16xf32>
    %get3A_401 = arith.constant 48 : index
    %get3A_402 = tpu.vector_load %arg8[%get3A_401] {strides = array<i32>} : memref<128xf32, #tpu.memory_space<vmem>>, vector<16xf32>,
    %get3A_403 = vector.shape_cast %get3A_402 : vector<16xf32> to vector<16xf32>
    %neg3A_404 = arith.constant 0.000000e+00 : f32
    %neg3A_405 = vector.broadcast %neg3A_404 : f32 to vector<16xf32>
    %neg3A_406 = arith.subf %neg3A_405, %get3A_403 : vector<16xf32>
    %get3A_407 = arith.constant 64 : index
    %get3A_408 = tpu.vector_load %arg8[%get3A_407] {strides = array<i32>} : memref<128xf32, #tpu.memory_space<vmem>>, vector<16xf32>,
    %get3A_409 = vector.shape_cast %get3A_408 : vector<16xf32> to vector<16xf32>
    %neg3A_410 = arith.constant 0.000000e+00 : f32
    %neg3A_411 = vector.broadcast %neg3A_410 : f32 to vector<16xf32>
    %neg3A_412 = arith.subf %neg3A_411, %get3A_409 : vector<16xf32>
    %get3A_413 = arith.constant 80 : index
    %get3A_414 = tpu.vector_load %arg8[%get3A_413] {strides = array<i32>} : memref<128xf32, #tpu.memory_space<vmem>>, vector<16xf32>,
    %get3A_415 = vector.shape_cast %get3A_414 : vector<16xf32> to vector<16xf32>
    %neg3A_416 = arith.constant 0.000000e+00 : f32
    %neg3A_417 = vector.broadcast %neg3A_416 : f32 to vector<16xf32>
    %neg3A_418 = arith.subf %neg3A_417, %get3A_415 : vector<16xf32>
    %get3A_419 = arith.constant 96 : index
    %get3A_420 = tpu.vector_load %arg8[%get3A_419] {strides = array<i32>} : memref<128xf32, #tpu.memory_space<vmem>>, vector<16xf32>,
    %get3A_421 = vector.shape_cast %get3A_420 : vector<16xf32> to vector<16xf32>
    %neg3A_422 = arith.constant 0.000000e+00 : f32
    %neg3A_423 = vector.broadcast %neg3A_422 : f32 to vector<16xf32>
    %neg3A_424 = arith.subf %neg3A_423, %get3A_421 : vector<16xf32>
    %get3A_425 = arith.constant 112 : index
    %get3A_426 = tpu.vector_load %arg8[%get3A_425] {strides = array<i32>} : memref<128xf32, #tpu.memory_space<vmem>>, vector<16xf32>,
    %get3A_427 = vector.shape_cast %get3A_426 : vector<16xf32> to vector<16xf32>
    %neg3A_428 = arith.constant 0.000000e+00 : f32
    %neg3A_429 = vector.broadcast %neg3A_428 : f32 to vector<16xf32>
    %neg3A_430 = arith.subf %neg3A_429, %get3A_427 : vector<16xf32>
    %get3A_431 = arith.constant 0 : index
    %get3A_432 = tpu.vector_load %arg9[%get3A_431] {strides = array<i32>} : memref<16xf32, #tpu.memory_space<vmem>>, vector<16xf32>,
    %get3A_433 = vector.shape_cast %get3A_432 : vector<16xf32> to vector<16xf32>
    %neg3A_434 = arith.constant 0.000000e+00 : f32
    %neg3A_435 = vector.broadcast %neg3A_434 : f32 to vector<16xf32>
    %neg3A_436 = arith.subf %neg3A_435, %get3A_433 : vector<16xf32>
    %slice3A = vector.extract_strided_slice %neg3A_436 {offsets = [0], sizes = [1], strides = [1]} : vector<16xf32> to vector<1xf32>
    %squeeze3A = vector.extract %slice3A[0] : f32 from vector<1xf32>
    %mul3A_437 = arith.constant 8 : i32
    %mul3A_438 = arith.muli %add3A, %mul3A_437 : i32
    %add3A_439 = arith.constant 8 : i32
    %add3A_440 = arith.addi %mul3A_438, %add3A_439 : i32
    %broadcast_in_dim3A_441 = arith.constant 0 : i32
    %broadcast_in_dim3A_442 = vector.broadcast %broadcast_in_dim3A_441 : i32 to vector<16xi32>
    %broadcast_in_dim3A_443 = arith.constant 0 : i32
    %broadcast_in_dim3A_444 = vector.broadcast %broadcast_in_dim3A_443 : i32 to vector<16xi32>
    %broadcast_in_dim3A_445 = arith.constant 1 : i32
    %broadcast_in_dim3A_446 = vector.broadcast %broadcast_in_dim3A_445 : i32 to vector<16xi32>
    %broadcast_in_dim3A_447 = arith.constant 0 : i32
    %broadcast_in_dim3A_448 = vector.broadcast %broadcast_in_dim3A_447 : i32 to vector<16xi32>
    %get3A_449 = arith.constant 0 : index
    %get3A_450 = tpu.vector_load %arg10[%get3A_449] {strides = array<i32>} : memref<1568xi32, #tpu.memory_space<vmem>>, vector<16xi32>,
    %get3A_451 = vector.shape_cast %get3A_450 : vector<16xi32> to vector<16xi32>
    %lt3A = vector.broadcast %mul3A_438 : i32 to vector<16xi32>
    %lt3A_452 = arith.cmpi slt, %get3A_451, %lt3A : vector<16xi32>
    %select_n3A = arith.select %lt3A_452, %broadcast_in_dim3A_446, %broadcast_in_dim3A_448 : vector<16xi1>, vector<16xi32>
    %add3A_453 = arith.addi %broadcast_in_dim3A_442, %select_n3A : vector<16xi32>
    %lt3A_454 = vector.broadcast %add3A_440 : i32 to vector<16xi32>
    %lt3A_455 = arith.cmpi slt, %get3A_451, %lt3A_454 : vector<16xi32>
    %select_n3A_456 = arith.select %lt3A_455, %broadcast_in_dim3A_446, %broadcast_in_dim3A_448 : vector<16xi1>, vector<16xi32>
    %add3A_457 = arith.addi %broadcast_in_dim3A_444, %select_n3A_456 : vector<16xi32>
    %get3A_458 = arith.constant 16 : index
    %get3A_459 = tpu.vector_load %arg10[%get3A_458] {strides = array<i32>} : memref<1568xi32, #tpu.memory_space<vmem>>, vector<16xi32>,
    %get3A_460 = vector.shape_cast %get3A_459 : vector<16xi32> to vector<16xi32>
    %lt3A_461 = vector.broadcast %mul3A_438 : i32 to vector<16xi32>
    %lt3A_462 = arith.cmpi slt, %get3A_460, %lt3A_461 : vector<16xi32>
    %select_n3A_463 = arith.select %lt3A_462, %broadcast_in_dim3A_446, %broadcast_in_dim3A_448 : vector<16xi1>, vector<16xi32>
    %add3A_464 = arith.addi %add3A_453, %select_n3A_463 : vector<16xi32>
    %lt3A_465 = vector.broadcast %add3A_440 : i32 to vector<16xi32>
    %lt3A_466 = arith.cmpi slt, %get3A_460, %lt3A_465 : vector<16xi32>
    %select_n3A_467 = arith.select %lt3A_466, %broadcast_in_dim3A_446, %broadcast_in_dim3A_448 : vector<16xi1>, vector<16xi32>
    %add3A_468 = arith.addi %add3A_457, %select_n3A_467 : vector<16xi32>
    %get3A_469 = arith.constant 32 : index
    %get3A_470 = tpu.vector_load %arg10[%get3A_469] {strides = array<i32>} : memref<1568xi32, #tpu.memory_space<vmem>>, vector<16xi32>,
    %get3A_471 = vector.shape_cast %get3A_470 : vector<16xi32> to vector<16xi32>
    %lt3A_472 = vector.broadcast %mul3A_438 : i32 to vector<16xi32>
    %lt3A_473 = arith.cmpi slt, %get3A_471, %lt3A_472 : vector<16xi32>
    %select_n3A_474 = arith.select %lt3A_473, %broadcast_in_dim3A_446, %broadcast_in_dim3A_448 : vector<16xi1>, vector<16xi32>
    %add3A_475 = arith.addi %add3A_464, %select_n3A_474 : vector<16xi32>
    %lt3A_476 = vector.broadcast %add3A_440 : i32 to vector<16xi32>
    %lt3A_477 = arith.cmpi slt, %get3A_471, %lt3A_476 : vector<16xi32>
    %select_n3A_478 = arith.select %lt3A_477, %broadcast_in_dim3A_446, %broadcast_in_dim3A_448 : vector<16xi1>, vector<16xi32>
    %add3A_479 = arith.addi %add3A_468, %select_n3A_478 : vector<16xi32>
    %get3A_480 = arith.constant 48 : index
    %get3A_481 = tpu.vector_load %arg10[%get3A_480] {strides = array<i32>} : memref<1568xi32, #tpu.memory_space<vmem>>, vector<16xi32>,
    %get3A_482 = vector.shape_cast %get3A_481 : vector<16xi32> to vector<16xi32>
    %lt3A_483 = vector.broadcast %mul3A_438 : i32 to vector<16xi32>
    %lt3A_484 = arith.cmpi slt, %get3A_482, %lt3A_483 : vector<16xi32>
    %select_n3A_485 = arith.select %lt3A_484, %broadcast_in_dim3A_446, %broadcast_in_dim3A_448 : vector<16xi1>, vector<16xi32>
    %add3A_486 = arith.addi %add3A_475, %select_n3A_485 : vector<16xi32>
    %lt3A_487 = vector.broadcast %add3A_440 : i32 to vector<16xi32>
    %lt3A_488 = arith.cmpi slt, %get3A_482, %lt3A_487 : vector<16xi32>
    %select_n3A_489 = arith.select %lt3A_488, %broadcast_in_dim3A_446, %broadcast_in_dim3A_448 : vector<16xi1>, vector<16xi32>
    %add3A_490 = arith.addi %add3A_479, %select_n3A_489 : vector<16xi32>
    %get3A_491 = arith.constant 64 : index
    %get3A_492 = tpu.vector_load %arg10[%get3A_491] {strides = array<i32>} : memref<1568xi32, #tpu.memory_space<vmem>>, vector<16xi32>,
    %get3A_493 = vector.shape_cast %get3A_492 : vector<16xi32> to vector<16xi32>
    %lt3A_494 = vector.broadcast %mul3A_438 : i32 to vector<16xi32>
    %lt3A_495 = arith.cmpi slt, %get3A_493, %lt3A_494 : vector<16xi32>
    %select_n3A_496 = arith.select %lt3A_495, %broadcast_in_dim3A_446, %broadcast_in_dim3A_448 : vector<16xi1>, vector<16xi32>
    %add3A_497 = arith.addi %add3A_486, %select_n3A_496 : vector<16xi32>
    %lt3A_498 = vector.broadcast %add3A_440 : i32 to vector<16xi32>
    %lt3A_499 = arith.cmpi slt, %get3A_493, %lt3A_498 : vector<16xi32>
    %select_n3A_500 = arith.select %lt3A_499, %broadcast_in_dim3A_446, %broadcast_in_dim3A_448 : vector<16xi1>, vector<16xi32>
    %add3A_501 = arith.addi %add3A_490, %select_n3A_500 : vector<16xi32>
    %get3A_502 = arith.constant 80 : index
    %get3A_503 = tpu.vector_load %arg10[%get3A_502] {strides = array<i32>} : memref<1568xi32, #tpu.memory_space<vmem>>, vector<16xi32>,
    %get3A_504 = vector.shape_cast %get3A_503 : vector<16xi32> to vector<16xi32>
    %lt3A_505 = vector.broadcast %mul3A_438 : i32 to vector<16xi32>
    %lt3A_506 = arith.cmpi slt, %get3A_504, %lt3A_505 : vector<16xi32>
    %select_n3A_507 = arith.select %lt3A_506, %broadcast_in_dim3A_446, %broadcast_in_dim3A_448 : vector<16xi1>, vector<16xi32>
    %add3A_508 = arith.addi %add3A_497, %select_n3A_507 : vector<16xi32>
    %lt3A_509 = vector.broadcast %add3A_440 : i32 to vector<16xi32>
    %lt3A_510 = arith.cmpi slt, %get3A_504, %lt3A_509 : vector<16xi32>
    %select_n3A_511 = arith.select %lt3A_510, %broadcast_in_dim3A_446, %broadcast_in_dim3A_448 : vector<16xi1>, vector<16xi32>
    %add3A_512 = arith.addi %add3A_501, %select_n3A_511 : vector<16xi32>
    %get3A_513 = arith.constant 96 : index
    %get3A_514 = tpu.vector_load %arg10[%get3A_513] {strides = array<i32>} : memref<1568xi32, #tpu.memory_space<vmem>>, vector<16xi32>,
    %get3A_515 = vector.shape_cast %get3A_514 : vector<16xi32> to vector<16xi32>
    %lt3A_516 = vector.broadcast %mul3A_438 : i32 to vector<16xi32>
    %lt3A_517 = arith.cmpi slt, %get3A_515, %lt3A_516 : vector<16xi32>
    %select_n3A_518 = arith.select %lt3A_517, %broadcast_in_dim3A_446, %broadcast_in_dim3A_448 : vector<16xi1>, vector<16xi32>
    %add3A_519 = arith.addi %add3A_508, %select_n3A_518 : vector<16xi32>
    %lt3A_520 = vector.broadcast %add3A_440 : i32 to vector<16xi32>
    %lt3A_521 = arith.cmpi slt, %get3A_515, %lt3A_520 : vector<16xi32>
    %select_n3A_522 = arith.select %lt3A_521, %broadcast_in_dim3A_446, %broadcast_in_dim3A_448 : vector<16xi1>, vector<16xi32>
    %add3A_523 = arith.addi %add3A_512, %select_n3A_522 : vector<16xi32>
    %get3A_524 = arith.constant 112 : index
    %get3A_525 = tpu.vector_load %arg10[%get3A_524] {strides = array<i32>} : memref<1568xi32, #tpu.memory_space<vmem>>, vector<16xi32>,
    %get3A_526 = vector.shape_cast %get3A_525 : vector<16xi32> to vector<16xi32>
    %lt3A_527 = vector.broadcast %mul3A_438 : i32 to vector<16xi32>
    %lt3A_528 = arith.cmpi slt, %get3A_526, %lt3A_527 : vector<16xi32>
    %select_n3A_529 = arith.select %lt3A_528, %broadcast_in_dim3A_446, %broadcast_in_dim3A_448 : vector<16xi1>, vector<16xi32>
    %add3A_530 = arith.addi %add3A_519, %select_n3A_529 : vector<16xi32>
    %lt3A_531 = vector.broadcast %add3A_440 : i32 to vector<16xi32>
    %lt3A_532 = arith.cmpi slt, %get3A_526, %lt3A_531 : vector<16xi32>
    %select_n3A_533 = arith.select %lt3A_532, %broadcast_in_dim3A_446, %broadcast_in_dim3A_448 : vector<16xi1>, vector<16xi32>
    %add3A_534 = arith.addi %add3A_523, %select_n3A_533 : vector<16xi32>
    %get3A_535 = arith.constant 128 : index
    %get3A_536 = tpu.vector_load %arg10[%get3A_535] {strides = array<i32>} : memref<1568xi32, #tpu.memory_space<vmem>>, vector<16xi32>,
    %get3A_537 = vector.shape_cast %get3A_536 : vector<16xi32> to vector<16xi32>
    %lt3A_538 = vector.broadcast %mul3A_438 : i32 to vector<16xi32>
    %lt3A_539 = arith.cmpi slt, %get3A_537, %lt3A_538 : vector<16xi32>
    %select_n3A_540 = arith.select %lt3A_539, %broadcast_in_dim3A_446, %broadcast_in_dim3A_448 : vector<16xi1>, vector<16xi32>
    %add3A_541 = arith.addi %add3A_530, %select_n3A_540 : vector<16xi32>
    %lt3A_542 = vector.broadcast %add3A_440 : i32 to vector<16xi32>
    %lt3A_543 = arith.cmpi slt, %get3A_537, %lt3A_542 : vector<16xi32>
    %select_n3A_544 = arith.select %lt3A_543, %broadcast_in_dim3A_446, %broadcast_in_dim3A_448 : vector<16xi1>, vector<16xi32>
    %add3A_545 = arith.addi %add3A_534, %select_n3A_544 : vector<16xi32>
    %get3A_546 = arith.constant 144 : index
    %get3A_547 = tpu.vector_load %arg10[%get3A_546] {strides = array<i32>} : memref<1568xi32, #tpu.memory_space<vmem>>, vector<16xi32>,
    %get3A_548 = vector.shape_cast %get3A_547 : vector<16xi32> to vector<16xi32>
    %lt3A_549 = vector.broadcast %mul3A_438 : i32 to vector<16xi32>
    %lt3A_550 = arith.cmpi slt, %get3A_548, %lt3A_549 : vector<16xi32>
    %select_n3A_551 = arith.select %lt3A_550, %broadcast_in_dim3A_446, %broadcast_in_dim3A_448 : vector<16xi1>, vector<16xi32>
    %add3A_552 = arith.addi %add3A_541, %select_n3A_551 : vector<16xi32>
    %lt3A_553 = vector.broadcast %add3A_440 : i32 to vector<16xi32>
    %lt3A_554 = arith.cmpi slt, %get3A_548, %lt3A_553 : vector<16xi32>
    %select_n3A_555 = arith.select %lt3A_554, %broadcast_in_dim3A_446, %broadcast_in_dim3A_448 : vector<16xi1>, vector<16xi32>
    %add3A_556 = arith.addi %add3A_545, %select_n3A_555 : vector<16xi32>
    %get3A_557 = arith.constant 160 : index
    %get3A_558 = tpu.vector_load %arg10[%get3A_557] {strides = array<i32>} : memref<1568xi32, #tpu.memory_space<vmem>>, vector<16xi32>,
    %get3A_559 = vector.shape_cast %get3A_558 : vector<16xi32> to vector<16xi32>
    %lt3A_560 = vector.broadcast %mul3A_438 : i32 to vector<16xi32>
    %lt3A_561 = arith.cmpi slt, %get3A_559, %lt3A_560 : vector<16xi32>
    %select_n3A_562 = arith.select %lt3A_561, %broadcast_in_dim3A_446, %broadcast_in_dim3A_448 : vector<16xi1>, vector<16xi32>
    %add3A_563 = arith.addi %add3A_552, %select_n3A_562 : vector<16xi32>
    %lt3A_564 = vector.broadcast %add3A_440 : i32 to vector<16xi32>
    %lt3A_565 = arith.cmpi slt, %get3A_559, %lt3A_564 : vector<16xi32>
    %select_n3A_566 = arith.select %lt3A_565, %broadcast_in_dim3A_446, %broadcast_in_dim3A_448 : vector<16xi1>, vector<16xi32>
    %add3A_567 = arith.addi %add3A_556, %select_n3A_566 : vector<16xi32>
    %get3A_568 = arith.constant 176 : index
    %get3A_569 = tpu.vector_load %arg10[%get3A_568] {strides = array<i32>} : memref<1568xi32, #tpu.memory_space<vmem>>, vector<16xi32>,
    %get3A_570 = vector.shape_cast %get3A_569 : vector<16xi32> to vector<16xi32>
    %lt3A_571 = vector.broadcast %mul3A_438 : i32 to vector<16xi32>
    %lt3A_572 = arith.cmpi slt, %get3A_570, %lt3A_571 : vector<16xi32>
    %select_n3A_573 = arith.select %lt3A_572, %broadcast_in_dim3A_446, %broadcast_in_dim3A_448 : vector<16xi1>, vector<16xi32>
    %add3A_574 = arith.addi %add3A_563, %select_n3A_573 : vector<16xi32>
    %lt3A_575 = vector.broadcast %add3A_440 : i32 to vector<16xi32>
    %lt3A_576 = arith.cmpi slt, %get3A_570, %lt3A_575 : vector<16xi32>
    %select_n3A_577 = arith.select %lt3A_576, %broadcast_in_dim3A_446, %broadcast_in_dim3A_448 : vector<16xi1>, vector<16xi32>
    %add3A_578 = arith.addi %add3A_567, %select_n3A_577 : vector<16xi32>
    %get3A_579 = arith.constant 192 : index
    %get3A_580 = tpu.vector_load %arg10[%get3A_579] {strides = array<i32>} : memref<1568xi32, #tpu.memory_space<vmem>>, vector<16xi32>,
    %get3A_581 = vector.shape_cast %get3A_580 : vector<16xi32> to vector<16xi32>
    %lt3A_582 = vector.broadcast %mul3A_438 : i32 to vector<16xi32>
    %lt3A_583 = arith.cmpi slt, %get3A_581, %lt3A_582 : vector<16xi32>
    %select_n3A_584 = arith.select %lt3A_583, %broadcast_in_dim3A_446, %broadcast_in_dim3A_448 : vector<16xi1>, vector<16xi32>
    %add3A_585 = arith.addi %add3A_574, %select_n3A_584 : vector<16xi32>
    %lt3A_586 = vector.broadcast %add3A_440 : i32 to vector<16xi32>
    %lt3A_587 = arith.cmpi slt, %get3A_581, %lt3A_586 : vector<16xi32>
    %select_n3A_588 = arith.select %lt3A_587, %broadcast_in_dim3A_446, %broadcast_in_dim3A_448 : vector<16xi1>, vector<16xi32>
    %add3A_589 = arith.addi %add3A_578, %select_n3A_588 : vector<16xi32>
    %get3A_590 = arith.constant 208 : index
    %get3A_591 = tpu.vector_load %arg10[%get3A_590] {strides = array<i32>} : memref<1568xi32, #tpu.memory_space<vmem>>, vector<16xi32>,
    %get3A_592 = vector.shape_cast %get3A_591 : vector<16xi32> to vector<16xi32>
    %lt3A_593 = vector.broadcast %mul3A_438 : i32 to vector<16xi32>
    %lt3A_594 = arith.cmpi slt, %get3A_592, %lt3A_593 : vector<16xi32>
    %select_n3A_595 = arith.select %lt3A_594, %broadcast_in_dim3A_446, %broadcast_in_dim3A_448 : vector<16xi1>, vector<16xi32>
    %add3A_596 = arith.addi %add3A_585, %select_n3A_595 : vector<16xi32>
    %lt3A_597 = vector.broadcast %add3A_440 : i32 to vector<16xi32>
    %lt3A_598 = arith.cmpi slt, %get3A_592, %lt3A_597 : vector<16xi32>
    %select_n3A_599 = arith.select %lt3A_598, %broadcast_in_dim3A_446, %broadcast_in_dim3A_448 : vector<16xi1>, vector<16xi32>
    %add3A_600 = arith.addi %add3A_589, %select_n3A_599 : vector<16xi32>
    %get3A_601 = arith.constant 224 : index
    %get3A_602 = tpu.vector_load %arg10[%get3A_601] {strides = array<i32>} : memref<1568xi32, #tpu.memory_space<vmem>>, vector<16xi32>,
    %get3A_603 = vector.shape_cast %get3A_602 : vector<16xi32> to vector<16xi32>
    %lt3A_604 = vector.broadcast %mul3A_438 : i32 to vector<16xi32>
    %lt3A_605 = arith.cmpi slt, %get3A_603, %lt3A_604 : vector<16xi32>
    %select_n3A_606 = arith.select %lt3A_605, %broadcast_in_dim3A_446, %broadcast_in_dim3A_448 : vector<16xi1>, vector<16xi32>
    %add3A_607 = arith.addi %add3A_596, %select_n3A_606 : vector<16xi32>
    %lt3A_608 = vector.broadcast %add3A_440 : i32 to vector<16xi32>
    %lt3A_609 = arith.cmpi slt, %get3A_603, %lt3A_608 : vector<16xi32>
    %select_n3A_610 = arith.select %lt3A_609, %broadcast_in_dim3A_446, %broadcast_in_dim3A_448 : vector<16xi1>, vector<16xi32>
    %add3A_611 = arith.addi %add3A_600, %select_n3A_610 : vector<16xi32>
    %get3A_612 = arith.constant 240 : index
    %get3A_613 = tpu.vector_load %arg10[%get3A_612] {strides = array<i32>} : memref<1568xi32, #tpu.memory_space<vmem>>, vector<16xi32>,
    %get3A_614 = vector.shape_cast %get3A_613 : vector<16xi32> to vector<16xi32>
    %lt3A_615 = vector.broadcast %mul3A_438 : i32 to vector<16xi32>
    %lt3A_616 = arith.cmpi slt, %get3A_614, %lt3A_615 : vector<16xi32>
    %select_n3A_617 = arith.select %lt3A_616, %broadcast_in_dim3A_446, %broadcast_in_dim3A_448 : vector<16xi1>, vector<16xi32>
    %add3A_618 = arith.addi %add3A_607, %select_n3A_617 : vector<16xi32>
    %lt3A_619 = vector.broadcast %add3A_440 : i32 to vector<16xi32>
    %lt3A_620 = arith.cmpi slt, %get3A_614, %lt3A_619 : vector<16xi32>
    %select_n3A_621 = arith.select %lt3A_620, %broadcast_in_dim3A_446, %broadcast_in_dim3A_448 : vector<16xi1>, vector<16xi32>
    %add3A_622 = arith.addi %add3A_611, %select_n3A_621 : vector<16xi32>
    %get3A_623 = arith.constant 256 : index
    %get3A_624 = tpu.vector_load %arg10[%get3A_623] {strides = array<i32>} : memref<1568xi32, #tpu.memory_space<vmem>>, vector<16xi32>,
    %get3A_625 = vector.shape_cast %get3A_624 : vector<16xi32> to vector<16xi32>
    %lt3A_626 = vector.broadcast %mul3A_438 : i32 to vector<16xi32>
    %lt3A_627 = arith.cmpi slt, %get3A_625, %lt3A_626 : vector<16xi32>
    %select_n3A_628 = arith.select %lt3A_627, %broadcast_in_dim3A_446, %broadcast_in_dim3A_448 : vector<16xi1>, vector<16xi32>
    %add3A_629 = arith.addi %add3A_618, %select_n3A_628 : vector<16xi32>
    %lt3A_630 = vector.broadcast %add3A_440 : i32 to vector<16xi32>
    %lt3A_631 = arith.cmpi slt, %get3A_625, %lt3A_630 : vector<16xi32>
    %select_n3A_632 = arith.select %lt3A_631, %broadcast_in_dim3A_446, %broadcast_in_dim3A_448 : vector<16xi1>, vector<16xi32>
    %add3A_633 = arith.addi %add3A_622, %select_n3A_632 : vector<16xi32>
    %get3A_634 = arith.constant 272 : index
    %get3A_635 = tpu.vector_load %arg10[%get3A_634] {strides = array<i32>} : memref<1568xi32, #tpu.memory_space<vmem>>, vector<16xi32>,
    %get3A_636 = vector.shape_cast %get3A_635 : vector<16xi32> to vector<16xi32>
    %lt3A_637 = vector.broadcast %mul3A_438 : i32 to vector<16xi32>
    %lt3A_638 = arith.cmpi slt, %get3A_636, %lt3A_637 : vector<16xi32>
    %select_n3A_639 = arith.select %lt3A_638, %broadcast_in_dim3A_446, %broadcast_in_dim3A_448 : vector<16xi1>, vector<16xi32>
    %add3A_640 = arith.addi %add3A_629, %select_n3A_639 : vector<16xi32>
    %lt3A_641 = vector.broadcast %add3A_440 : i32 to vector<16xi32>
    %lt3A_642 = arith.cmpi slt, %get3A_636, %lt3A_641 : vector<16xi32>
    %select_n3A_643 = arith.select %lt3A_642, %broadcast_in_dim3A_446, %broadcast_in_dim3A_448 : vector<16xi1>, vector<16xi32>
    %add3A_644 = arith.addi %add3A_633, %select_n3A_643 : vector<16xi32>
    %get3A_645 = arith.constant 288 : index
    %get3A_646 = tpu.vector_load %arg10[%get3A_645] {strides = array<i32>} : memref<1568xi32, #tpu.memory_space<vmem>>, vector<16xi32>,
    %get3A_647 = vector.shape_cast %get3A_646 : vector<16xi32> to vector<16xi32>
    %lt3A_648 = vector.broadcast %mul3A_438 : i32 to vector<16xi32>
    %lt3A_649 = arith.cmpi slt, %get3A_647, %lt3A_648 : vector<16xi32>
    %select_n3A_650 = arith.select %lt3A_649, %broadcast_in_dim3A_446, %broadcast_in_dim3A_448 : vector<16xi1>, vector<16xi32>
    %add3A_651 = arith.addi %add3A_640, %select_n3A_650 : vector<16xi32>
    %lt3A_652 = vector.broadcast %add3A_440 : i32 to vector<16xi32>
    %lt3A_653 = arith.cmpi slt, %get3A_647, %lt3A_652 : vector<16xi32>
    %select_n3A_654 = arith.select %lt3A_653, %broadcast_in_dim3A_446, %broadcast_in_dim3A_448 : vector<16xi1>, vector<16xi32>
    %add3A_655 = arith.addi %add3A_644, %select_n3A_654 : vector<16xi32>
    %get3A_656 = arith.constant 304 : index
    %get3A_657 = tpu.vector_load %arg10[%get3A_656] {strides = array<i32>} : memref<1568xi32, #tpu.memory_space<vmem>>, vector<16xi32>,
    %get3A_658 = vector.shape_cast %get3A_657 : vector<16xi32> to vector<16xi32>
    %lt3A_659 = vector.broadcast %mul3A_438 : i32 to vector<16xi32>
    %lt3A_660 = arith.cmpi slt, %get3A_658, %lt3A_659 : vector<16xi32>
    %select_n3A_661 = arith.select %lt3A_660, %broadcast_in_dim3A_446, %broadcast_in_dim3A_448 : vector<16xi1>, vector<16xi32>
    %add3A_662 = arith.addi %add3A_651, %select_n3A_661 : vector<16xi32>
    %lt3A_663 = vector.broadcast %add3A_440 : i32 to vector<16xi32>
    %lt3A_664 = arith.cmpi slt, %get3A_658, %lt3A_663 : vector<16xi32>
    %select_n3A_665 = arith.select %lt3A_664, %broadcast_in_dim3A_446, %broadcast_in_dim3A_448 : vector<16xi1>, vector<16xi32>
    %add3A_666 = arith.addi %add3A_655, %select_n3A_665 : vector<16xi32>
    %get3A_667 = arith.constant 320 : index
    %get3A_668 = tpu.vector_load %arg10[%get3A_667] {strides = array<i32>} : memref<1568xi32, #tpu.memory_space<vmem>>, vector<16xi32>,
    %get3A_669 = vector.shape_cast %get3A_668 : vector<16xi32> to vector<16xi32>
    %lt3A_670 = vector.broadcast %mul3A_438 : i32 to vector<16xi32>
    %lt3A_671 = arith.cmpi slt, %get3A_669, %lt3A_670 : vector<16xi32>
    %select_n3A_672 = arith.select %lt3A_671, %broadcast_in_dim3A_446, %broadcast_in_dim3A_448 : vector<16xi1>, vector<16xi32>
    %add3A_673 = arith.addi %add3A_662, %select_n3A_672 : vector<16xi32>
    %lt3A_674 = vector.broadcast %add3A_440 : i32 to vector<16xi32>
    %lt3A_675 = arith.cmpi slt, %get3A_669, %lt3A_674 : vector<16xi32>
    %select_n3A_676 = arith.select %lt3A_675, %broadcast_in_dim3A_446, %broadcast_in_dim3A_448 : vector<16xi1>, vector<16xi32>
    %add3A_677 = arith.addi %add3A_666, %select_n3A_676 : vector<16xi32>
    %get3A_678 = arith.constant 336 : index
    %get3A_679 = tpu.vector_load %arg10[%get3A_678] {strides = array<i32>} : memref<1568xi32, #tpu.memory_space<vmem>>, vector<16xi32>,
    %get3A_680 = vector.shape_cast %get3A_679 : vector<16xi32> to vector<16xi32>
    %lt3A_681 = vector.broadcast %mul3A_438 : i32 to vector<16xi32>
    %lt3A_682 = arith.cmpi slt, %get3A_680, %lt3A_681 : vector<16xi32>
    %select_n3A_683 = arith.select %lt3A_682, %broadcast_in_dim3A_446, %broadcast_in_dim3A_448 : vector<16xi1>, vector<16xi32>
    %add3A_684 = arith.addi %add3A_673, %select_n3A_683 : vector<16xi32>
    %lt3A_685 = vector.broadcast %add3A_440 : i32 to vector<16xi32>
    %lt3A_686 = arith.cmpi slt, %get3A_680, %lt3A_685 : vector<16xi32>
    %select_n3A_687 = arith.select %lt3A_686, %broadcast_in_dim3A_446, %broadcast_in_dim3A_448 : vector<16xi1>, vector<16xi32>
    %add3A_688 = arith.addi %add3A_677, %select_n3A_687 : vector<16xi32>
    %get3A_689 = arith.constant 352 : index
    %get3A_690 = tpu.vector_load %arg10[%get3A_689] {strides = array<i32>} : memref<1568xi32, #tpu.memory_space<vmem>>, vector<16xi32>,
    %get3A_691 = vector.shape_cast %get3A_690 : vector<16xi32> to vector<16xi32>
    %lt3A_692 = vector.broadcast %mul3A_438 : i32 to vector<16xi32>
    %lt3A_693 = arith.cmpi slt, %get3A_691, %lt3A_692 : vector<16xi32>
    %select_n3A_694 = arith.select %lt3A_693, %broadcast_in_dim3A_446, %broadcast_in_dim3A_448 : vector<16xi1>, vector<16xi32>
    %add3A_695 = arith.addi %add3A_684, %select_n3A_694 : vector<16xi32>
    %lt3A_696 = vector.broadcast %add3A_440 : i32 to vector<16xi32>
    %lt3A_697 = arith.cmpi slt, %get3A_691, %lt3A_696 : vector<16xi32>
    %select_n3A_698 = arith.select %lt3A_697, %broadcast_in_dim3A_446, %broadcast_in_dim3A_448 : vector<16xi1>, vector<16xi32>
    %add3A_699 = arith.addi %add3A_688, %select_n3A_698 : vector<16xi32>
    %get3A_700 = arith.constant 368 : index
    %get3A_701 = tpu.vector_load %arg10[%get3A_700] {strides = array<i32>} : memref<1568xi32, #tpu.memory_space<vmem>>, vector<16xi32>,
    %get3A_702 = vector.shape_cast %get3A_701 : vector<16xi32> to vector<16xi32>
    %lt3A_703 = vector.broadcast %mul3A_438 : i32 to vector<16xi32>
    %lt3A_704 = arith.cmpi slt, %get3A_702, %lt3A_703 : vector<16xi32>
    %select_n3A_705 = arith.select %lt3A_704, %broadcast_in_dim3A_446, %broadcast_in_dim3A_448 : vector<16xi1>, vector<16xi32>
    %add3A_706 = arith.addi %add3A_695, %select_n3A_705 : vector<16xi32>
    %lt3A_707 = vector.broadcast %add3A_440 : i32 to vector<16xi32>
    %lt3A_708 = arith.cmpi slt, %get3A_702, %lt3A_707 : vector<16xi32>
    %select_n3A_709 = arith.select %lt3A_708, %broadcast_in_dim3A_446, %broadcast_in_dim3A_448 : vector<16xi1>, vector<16xi32>
    %add3A_710 = arith.addi %add3A_699, %select_n3A_709 : vector<16xi32>
    %get3A_711 = arith.constant 384 : index
    %get3A_712 = tpu.vector_load %arg10[%get3A_711] {strides = array<i32>} : memref<1568xi32, #tpu.memory_space<vmem>>, vector<16xi32>,
    %get3A_713 = vector.shape_cast %get3A_712 : vector<16xi32> to vector<16xi32>
    %lt3A_714 = vector.broadcast %mul3A_438 : i32 to vector<16xi32>
    %lt3A_715 = arith.cmpi slt, %get3A_713, %lt3A_714 : vector<16xi32>
    %select_n3A_716 = arith.select %lt3A_715, %broadcast_in_dim3A_446, %broadcast_in_dim3A_448 : vector<16xi1>, vector<16xi32>
    %add3A_717 = arith.addi %add3A_706, %select_n3A_716 : vector<16xi32>
    %lt3A_718 = vector.broadcast %add3A_440 : i32 to vector<16xi32>
    %lt3A_719 = arith.cmpi slt, %get3A_713, %lt3A_718 : vector<16xi32>
    %select_n3A_720 = arith.select %lt3A_719, %broadcast_in_dim3A_446, %broadcast_in_dim3A_448 : vector<16xi1>, vector<16xi32>
    %add3A_721 = arith.addi %add3A_710, %select_n3A_720 : vector<16xi32>
    %get3A_722 = arith.constant 400 : index
    %get3A_723 = tpu.vector_load %arg10[%get3A_722] {strides = array<i32>} : memref<1568xi32, #tpu.memory_space<vmem>>, vector<16xi32>,
    %get3A_724 = vector.shape_cast %get3A_723 : vector<16xi32> to vector<16xi32>
    %lt3A_725 = vector.broadcast %mul3A_438 : i32 to vector<16xi32>
    %lt3A_726 = arith.cmpi slt, %get3A_724, %lt3A_725 : vector<16xi32>
    %select_n3A_727 = arith.select %lt3A_726, %broadcast_in_dim3A_446, %broadcast_in_dim3A_448 : vector<16xi1>, vector<16xi32>
    %add3A_728 = arith.addi %add3A_717, %select_n3A_727 : vector<16xi32>
    %lt3A_729 = vector.broadcast %add3A_440 : i32 to vector<16xi32>
    %lt3A_730 = arith.cmpi slt, %get3A_724, %lt3A_729 : vector<16xi32>
    %select_n3A_731 = arith.select %lt3A_730, %broadcast_in_dim3A_446, %broadcast_in_dim3A_448 : vector<16xi1>, vector<16xi32>
    %add3A_732 = arith.addi %add3A_721, %select_n3A_731 : vector<16xi32>
    %get3A_733 = arith.constant 416 : index
    %get3A_734 = tpu.vector_load %arg10[%get3A_733] {strides = array<i32>} : memref<1568xi32, #tpu.memory_space<vmem>>, vector<16xi32>,
    %get3A_735 = vector.shape_cast %get3A_734 : vector<16xi32> to vector<16xi32>
    %lt3A_736 = vector.broadcast %mul3A_438 : i32 to vector<16xi32>
    %lt3A_737 = arith.cmpi slt, %get3A_735, %lt3A_736 : vector<16xi32>
    %select_n3A_738 = arith.select %lt3A_737, %broadcast_in_dim3A_446, %broadcast_in_dim3A_448 : vector<16xi1>, vector<16xi32>
    %add3A_739 = arith.addi %add3A_728, %select_n3A_738 : vector<16xi32>
    %lt3A_740 = vector.broadcast %add3A_440 : i32 to vector<16xi32>
    %lt3A_741 = arith.cmpi slt, %get3A_735, %lt3A_740 : vector<16xi32>
    %select_n3A_742 = arith.select %lt3A_741, %broadcast_in_dim3A_446, %broadcast_in_dim3A_448 : vector<16xi1>, vector<16xi32>
    %add3A_743 = arith.addi %add3A_732, %select_n3A_742 : vector<16xi32>
    %get3A_744 = arith.constant 432 : index
    %get3A_745 = tpu.vector_load %arg10[%get3A_744] {strides = array<i32>} : memref<1568xi32, #tpu.memory_space<vmem>>, vector<16xi32>,
    %get3A_746 = vector.shape_cast %get3A_745 : vector<16xi32> to vector<16xi32>
    %lt3A_747 = vector.broadcast %mul3A_438 : i32 to vector<16xi32>
    %lt3A_748 = arith.cmpi slt, %get3A_746, %lt3A_747 : vector<16xi32>
    %select_n3A_749 = arith.select %lt3A_748, %broadcast_in_dim3A_446, %broadcast_in_dim3A_448 : vector<16xi1>, vector<16xi32>
    %add3A_750 = arith.addi %add3A_739, %select_n3A_749 : vector<16xi32>
    %lt3A_751 = vector.broadcast %add3A_440 : i32 to vector<16xi32>
    %lt3A_752 = arith.cmpi slt, %get3A_746, %lt3A_751 : vector<16xi32>
    %select_n3A_753 = arith.select %lt3A_752, %broadcast_in_dim3A_446, %broadcast_in_dim3A_448 : vector<16xi1>, vector<16xi32>
    %add3A_754 = arith.addi %add3A_743, %select_n3A_753 : vector<16xi32>
    %get3A_755 = arith.constant 448 : index
    %get3A_756 = tpu.vector_load %arg10[%get3A_755] {strides = array<i32>} : memref<1568xi32, #tpu.memory_space<vmem>>, vector<16xi32>,
    %get3A_757 = vector.shape_cast %get3A_756 : vector<16xi32> to vector<16xi32>
    %lt3A_758 = vector.broadcast %mul3A_438 : i32 to vector<16xi32>
    %lt3A_759 = arith.cmpi slt, %get3A_757, %lt3A_758 : vector<16xi32>
    %select_n3A_760 = arith.select %lt3A_759, %broadcast_in_dim3A_446, %broadcast_in_dim3A_448 : vector<16xi1>, vector<16xi32>
    %add3A_761 = arith.addi %add3A_750, %select_n3A_760 : vector<16xi32>
    %lt3A_762 = vector.broadcast %add3A_440 : i32 to vector<16xi32>
    %lt3A_763 = arith.cmpi slt, %get3A_757, %lt3A_762 : vector<16xi32>
    %select_n3A_764 = arith.select %lt3A_763, %broadcast_in_dim3A_446, %broadcast_in_dim3A_448 : vector<16xi1>, vector<16xi32>
    %add3A_765 = arith.addi %add3A_754, %select_n3A_764 : vector<16xi32>
    %get3A_766 = arith.constant 464 : index
    %get3A_767 = tpu.vector_load %arg10[%get3A_766] {strides = array<i32>} : memref<1568xi32, #tpu.memory_space<vmem>>, vector<16xi32>,
    %get3A_768 = vector.shape_cast %get3A_767 : vector<16xi32> to vector<16xi32>
    %lt3A_769 = vector.broadcast %mul3A_438 : i32 to vector<16xi32>
    %lt3A_770 = arith.cmpi slt, %get3A_768, %lt3A_769 : vector<16xi32>
    %select_n3A_771 = arith.select %lt3A_770, %broadcast_in_dim3A_446, %broadcast_in_dim3A_448 : vector<16xi1>, vector<16xi32>
    %add3A_772 = arith.addi %add3A_761, %select_n3A_771 : vector<16xi32>
    %lt3A_773 = vector.broadcast %add3A_440 : i32 to vector<16xi32>
    %lt3A_774 = arith.cmpi slt, %get3A_768, %lt3A_773 : vector<16xi32>
    %select_n3A_775 = arith.select %lt3A_774, %broadcast_in_dim3A_446, %broadcast_in_dim3A_448 : vector<16xi1>, vector<16xi32>
    %add3A_776 = arith.addi %add3A_765, %select_n3A_775 : vector<16xi32>
    %get3A_777 = arith.constant 480 : index
    %get3A_778 = tpu.vector_load %arg10[%get3A_777] {strides = array<i32>} : memref<1568xi32, #tpu.memory_space<vmem>>, vector<16xi32>,
    %get3A_779 = vector.shape_cast %get3A_778 : vector<16xi32> to vector<16xi32>
    %lt3A_780 = vector.broadcast %mul3A_438 : i32 to vector<16xi32>
    %lt3A_781 = arith.cmpi slt, %get3A_779, %lt3A_780 : vector<16xi32>
    %select_n3A_782 = arith.select %lt3A_781, %broadcast_in_dim3A_446, %broadcast_in_dim3A_448 : vector<16xi1>, vector<16xi32>
    %add3A_783 = arith.addi %add3A_772, %select_n3A_782 : vector<16xi32>
    %lt3A_784 = vector.broadcast %add3A_440 : i32 to vector<16xi32>
    %lt3A_785 = arith.cmpi slt, %get3A_779, %lt3A_784 : vector<16xi32>
    %select_n3A_786 = arith.select %lt3A_785, %broadcast_in_dim3A_446, %broadcast_in_dim3A_448 : vector<16xi1>, vector<16xi32>
    %add3A_787 = arith.addi %add3A_776, %select_n3A_786 : vector<16xi32>
    %get3A_788 = arith.constant 496 : index
    %get3A_789 = tpu.vector_load %arg10[%get3A_788] {strides = array<i32>} : memref<1568xi32, #tpu.memory_space<vmem>>, vector<16xi32>,
    %get3A_790 = vector.shape_cast %get3A_789 : vector<16xi32> to vector<16xi32>
    %lt3A_791 = vector.broadcast %mul3A_438 : i32 to vector<16xi32>
    %lt3A_792 = arith.cmpi slt, %get3A_790, %lt3A_791 : vector<16xi32>
    %select_n3A_793 = arith.select %lt3A_792, %broadcast_in_dim3A_446, %broadcast_in_dim3A_448 : vector<16xi1>, vector<16xi32>
    %add3A_794 = arith.addi %add3A_783, %select_n3A_793 : vector<16xi32>
    %lt3A_795 = vector.broadcast %add3A_440 : i32 to vector<16xi32>
    %lt3A_796 = arith.cmpi slt, %get3A_790, %lt3A_795 : vector<16xi32>
    %select_n3A_797 = arith.select %lt3A_796, %broadcast_in_dim3A_446, %broadcast_in_dim3A_448 : vector<16xi1>, vector<16xi32>
    %add3A_798 = arith.addi %add3A_787, %select_n3A_797 : vector<16xi32>
    %get3A_799 = arith.constant 512 : index
    %get3A_800 = tpu.vector_load %arg10[%get3A_799] {strides = array<i32>} : memref<1568xi32, #tpu.memory_space<vmem>>, vector<16xi32>,
    %get3A_801 = vector.shape_cast %get3A_800 : vector<16xi32> to vector<16xi32>
    %lt3A_802 = vector.broadcast %mul3A_438 : i32 to vector<16xi32>
    %lt3A_803 = arith.cmpi slt, %get3A_801, %lt3A_802 : vector<16xi32>
    %select_n3A_804 = arith.select %lt3A_803, %broadcast_in_dim3A_446, %broadcast_in_dim3A_448 : vector<16xi1>, vector<16xi32>
    %add3A_805 = arith.addi %add3A_794, %select_n3A_804 : vector<16xi32>
    %lt3A_806 = vector.broadcast %add3A_440 : i32 to vector<16xi32>
    %lt3A_807 = arith.cmpi slt, %get3A_801, %lt3A_806 : vector<16xi32>
    %select_n3A_808 = arith.select %lt3A_807, %broadcast_in_dim3A_446, %broadcast_in_dim3A_448 : vector<16xi1>, vector<16xi32>
    %add3A_809 = arith.addi %add3A_798, %select_n3A_808 : vector<16xi32>
    %get3A_810 = arith.constant 528 : index
    %get3A_811 = tpu.vector_load %arg10[%get3A_810] {strides = array<i32>} : memref<1568xi32, #tpu.memory_space<vmem>>, vector<16xi32>,
    %get3A_812 = vector.shape_cast %get3A_811 : vector<16xi32> to vector<16xi32>
    %lt3A_813 = vector.broadcast %mul3A_438 : i32 to vector<16xi32>
    %lt3A_814 = arith.cmpi slt, %get3A_812, %lt3A_813 : vector<16xi32>
    %select_n3A_815 = arith.select %lt3A_814, %broadcast_in_dim3A_446, %broadcast_in_dim3A_448 : vector<16xi1>, vector<16xi32>
    %add3A_816 = arith.addi %add3A_805, %select_n3A_815 : vector<16xi32>
    %lt3A_817 = vector.broadcast %add3A_440 : i32 to vector<16xi32>
    %lt3A_818 = arith.cmpi slt, %get3A_812, %lt3A_817 : vector<16xi32>
    %select_n3A_819 = arith.select %lt3A_818, %broadcast_in_dim3A_446, %broadcast_in_dim3A_448 : vector<16xi1>, vector<16xi32>
    %add3A_820 = arith.addi %add3A_809, %select_n3A_819 : vector<16xi32>
    %get3A_821 = arith.constant 544 : index
    %get3A_822 = tpu.vector_load %arg10[%get3A_821] {strides = array<i32>} : memref<1568xi32, #tpu.memory_space<vmem>>, vector<16xi32>,
    %get3A_823 = vector.shape_cast %get3A_822 : vector<16xi32> to vector<16xi32>
    %lt3A_824 = vector.broadcast %mul3A_438 : i32 to vector<16xi32>
    %lt3A_825 = arith.cmpi slt, %get3A_823, %lt3A_824 : vector<16xi32>
    %select_n3A_826 = arith.select %lt3A_825, %broadcast_in_dim3A_446, %broadcast_in_dim3A_448 : vector<16xi1>, vector<16xi32>
    %add3A_827 = arith.addi %add3A_816, %select_n3A_826 : vector<16xi32>
    %lt3A_828 = vector.broadcast %add3A_440 : i32 to vector<16xi32>
    %lt3A_829 = arith.cmpi slt, %get3A_823, %lt3A_828 : vector<16xi32>
    %select_n3A_830 = arith.select %lt3A_829, %broadcast_in_dim3A_446, %broadcast_in_dim3A_448 : vector<16xi1>, vector<16xi32>
    %add3A_831 = arith.addi %add3A_820, %select_n3A_830 : vector<16xi32>
    %get3A_832 = arith.constant 560 : index
    %get3A_833 = tpu.vector_load %arg10[%get3A_832] {strides = array<i32>} : memref<1568xi32, #tpu.memory_space<vmem>>, vector<16xi32>,
    %get3A_834 = vector.shape_cast %get3A_833 : vector<16xi32> to vector<16xi32>
    %lt3A_835 = vector.broadcast %mul3A_438 : i32 to vector<16xi32>
    %lt3A_836 = arith.cmpi slt, %get3A_834, %lt3A_835 : vector<16xi32>
    %select_n3A_837 = arith.select %lt3A_836, %broadcast_in_dim3A_446, %broadcast_in_dim3A_448 : vector<16xi1>, vector<16xi32>
    %add3A_838 = arith.addi %add3A_827, %select_n3A_837 : vector<16xi32>
    %lt3A_839 = vector.broadcast %add3A_440 : i32 to vector<16xi32>
    %lt3A_840 = arith.cmpi slt, %get3A_834, %lt3A_839 : vector<16xi32>
    %select_n3A_841 = arith.select %lt3A_840, %broadcast_in_dim3A_446, %broadcast_in_dim3A_448 : vector<16xi1>, vector<16xi32>
    %add3A_842 = arith.addi %add3A_831, %select_n3A_841 : vector<16xi32>
    %get3A_843 = arith.constant 576 : index
    %get3A_844 = tpu.vector_load %arg10[%get3A_843] {strides = array<i32>} : memref<1568xi32, #tpu.memory_space<vmem>>, vector<16xi32>,
    %get3A_845 = vector.shape_cast %get3A_844 : vector<16xi32> to vector<16xi32>
    %lt3A_846 = vector.broadcast %mul3A_438 : i32 to vector<16xi32>
    %lt3A_847 = arith.cmpi slt, %get3A_845, %lt3A_846 : vector<16xi32>
    %select_n3A_848 = arith.select %lt3A_847, %broadcast_in_dim3A_446, %broadcast_in_dim3A_448 : vector<16xi1>, vector<16xi32>
    %add3A_849 = arith.addi %add3A_838, %select_n3A_848 : vector<16xi32>
    %lt3A_850 = vector.broadcast %add3A_440 : i32 to vector<16xi32>
    %lt3A_851 = arith.cmpi slt, %get3A_845, %lt3A_850 : vector<16xi32>
    %select_n3A_852 = arith.select %lt3A_851, %broadcast_in_dim3A_446, %broadcast_in_dim3A_448 : vector<16xi1>, vector<16xi32>
    %add3A_853 = arith.addi %add3A_842, %select_n3A_852 : vector<16xi32>
    %get3A_854 = arith.constant 592 : index
    %get3A_855 = tpu.vector_load %arg10[%get3A_854] {strides = array<i32>} : memref<1568xi32, #tpu.memory_space<vmem>>, vector<16xi32>,
    %get3A_856 = vector.shape_cast %get3A_855 : vector<16xi32> to vector<16xi32>
    %lt3A_857 = vector.broadcast %mul3A_438 : i32 to vector<16xi32>
    %lt3A_858 = arith.cmpi slt, %get3A_856, %lt3A_857 : vector<16xi32>
    %select_n3A_859 = arith.select %lt3A_858, %broadcast_in_dim3A_446, %broadcast_in_dim3A_448 : vector<16xi1>, vector<16xi32>
    %add3A_860 = arith.addi %add3A_849, %select_n3A_859 : vector<16xi32>
    %lt3A_861 = vector.broadcast %add3A_440 : i32 to vector<16xi32>
    %lt3A_862 = arith.cmpi slt, %get3A_856, %lt3A_861 : vector<16xi32>
    %select_n3A_863 = arith.select %lt3A_862, %broadcast_in_dim3A_446, %broadcast_in_dim3A_448 : vector<16xi1>, vector<16xi32>
    %add3A_864 = arith.addi %add3A_853, %select_n3A_863 : vector<16xi32>
    %get3A_865 = arith.constant 608 : index
    %get3A_866 = tpu.vector_load %arg10[%get3A_865] {strides = array<i32>} : memref<1568xi32, #tpu.memory_space<vmem>>, vector<16xi32>,
    %get3A_867 = vector.shape_cast %get3A_866 : vector<16xi32> to vector<16xi32>
    %lt3A_868 = vector.broadcast %mul3A_438 : i32 to vector<16xi32>
    %lt3A_869 = arith.cmpi slt, %get3A_867, %lt3A_868 : vector<16xi32>
    %select_n3A_870 = arith.select %lt3A_869, %broadcast_in_dim3A_446, %broadcast_in_dim3A_448 : vector<16xi1>, vector<16xi32>
    %add3A_871 = arith.addi %add3A_860, %select_n3A_870 : vector<16xi32>
    %lt3A_872 = vector.broadcast %add3A_440 : i32 to vector<16xi32>
    %lt3A_873 = arith.cmpi slt, %get3A_867, %lt3A_872 : vector<16xi32>
    %select_n3A_874 = arith.select %lt3A_873, %broadcast_in_dim3A_446, %broadcast_in_dim3A_448 : vector<16xi1>, vector<16xi32>
    %add3A_875 = arith.addi %add3A_864, %select_n3A_874 : vector<16xi32>
    %get3A_876 = arith.constant 624 : index
    %get3A_877 = tpu.vector_load %arg10[%get3A_876] {strides = array<i32>} : memref<1568xi32, #tpu.memory_space<vmem>>, vector<16xi32>,
    %get3A_878 = vector.shape_cast %get3A_877 : vector<16xi32> to vector<16xi32>
    %lt3A_879 = vector.broadcast %mul3A_438 : i32 to vector<16xi32>
    %lt3A_880 = arith.cmpi slt, %get3A_878, %lt3A_879 : vector<16xi32>
    %select_n3A_881 = arith.select %lt3A_880, %broadcast_in_dim3A_446, %broadcast_in_dim3A_448 : vector<16xi1>, vector<16xi32>
    %add3A_882 = arith.addi %add3A_871, %select_n3A_881 : vector<16xi32>
    %lt3A_883 = vector.broadcast %add3A_440 : i32 to vector<16xi32>
    %lt3A_884 = arith.cmpi slt, %get3A_878, %lt3A_883 : vector<16xi32>
    %select_n3A_885 = arith.select %lt3A_884, %broadcast_in_dim3A_446, %broadcast_in_dim3A_448 : vector<16xi1>, vector<16xi32>
    %add3A_886 = arith.addi %add3A_875, %select_n3A_885 : vector<16xi32>
    %get3A_887 = arith.constant 640 : index
    %get3A_888 = tpu.vector_load %arg10[%get3A_887] {strides = array<i32>} : memref<1568xi32, #tpu.memory_space<vmem>>, vector<16xi32>,
    %get3A_889 = vector.shape_cast %get3A_888 : vector<16xi32> to vector<16xi32>
    %lt3A_890 = vector.broadcast %mul3A_438 : i32 to vector<16xi32>
    %lt3A_891 = arith.cmpi slt, %get3A_889, %lt3A_890 : vector<16xi32>
    %select_n3A_892 = arith.select %lt3A_891, %broadcast_in_dim3A_446, %broadcast_in_dim3A_448 : vector<16xi1>, vector<16xi32>
    %add3A_893 = arith.addi %add3A_882, %select_n3A_892 : vector<16xi32>
    %lt3A_894 = vector.broadcast %add3A_440 : i32 to vector<16xi32>
    %lt3A_895 = arith.cmpi slt, %get3A_889, %lt3A_894 : vector<16xi32>
    %select_n3A_896 = arith.select %lt3A_895, %broadcast_in_dim3A_446, %broadcast_in_dim3A_448 : vector<16xi1>, vector<16xi32>
    %add3A_897 = arith.addi %add3A_886, %select_n3A_896 : vector<16xi32>
    %get3A_898 = arith.constant 656 : index
    %get3A_899 = tpu.vector_load %arg10[%get3A_898] {strides = array<i32>} : memref<1568xi32, #tpu.memory_space<vmem>>, vector<16xi32>,
    %get3A_900 = vector.shape_cast %get3A_899 : vector<16xi32> to vector<16xi32>
    %lt3A_901 = vector.broadcast %mul3A_438 : i32 to vector<16xi32>
    %lt3A_902 = arith.cmpi slt, %get3A_900, %lt3A_901 : vector<16xi32>
    %select_n3A_903 = arith.select %lt3A_902, %broadcast_in_dim3A_446, %broadcast_in_dim3A_448 : vector<16xi1>, vector<16xi32>
    %add3A_904 = arith.addi %add3A_893, %select_n3A_903 : vector<16xi32>
    %lt3A_905 = vector.broadcast %add3A_440 : i32 to vector<16xi32>
    %lt3A_906 = arith.cmpi slt, %get3A_900, %lt3A_905 : vector<16xi32>
    %select_n3A_907 = arith.select %lt3A_906, %broadcast_in_dim3A_446, %broadcast_in_dim3A_448 : vector<16xi1>, vector<16xi32>
    %add3A_908 = arith.addi %add3A_897, %select_n3A_907 : vector<16xi32>
    %get3A_909 = arith.constant 672 : index
    %get3A_910 = tpu.vector_load %arg10[%get3A_909] {strides = array<i32>} : memref<1568xi32, #tpu.memory_space<vmem>>, vector<16xi32>,
    %get3A_911 = vector.shape_cast %get3A_910 : vector<16xi32> to vector<16xi32>
    %lt3A_912 = vector.broadcast %mul3A_438 : i32 to vector<16xi32>
    %lt3A_913 = arith.cmpi slt, %get3A_911, %lt3A_912 : vector<16xi32>
    %select_n3A_914 = arith.select %lt3A_913, %broadcast_in_dim3A_446, %broadcast_in_dim3A_448 : vector<16xi1>, vector<16xi32>
    %add3A_915 = arith.addi %add3A_904, %select_n3A_914 : vector<16xi32>
    %lt3A_916 = vector.broadcast %add3A_440 : i32 to vector<16xi32>
    %lt3A_917 = arith.cmpi slt, %get3A_911, %lt3A_916 : vector<16xi32>
    %select_n3A_918 = arith.select %lt3A_917, %broadcast_in_dim3A_446, %broadcast_in_dim3A_448 : vector<16xi1>, vector<16xi32>
    %add3A_919 = arith.addi %add3A_908, %select_n3A_918 : vector<16xi32>
    %get3A_920 = arith.constant 688 : index
    %get3A_921 = tpu.vector_load %arg10[%get3A_920] {strides = array<i32>} : memref<1568xi32, #tpu.memory_space<vmem>>, vector<16xi32>,
    %get3A_922 = vector.shape_cast %get3A_921 : vector<16xi32> to vector<16xi32>
    %lt3A_923 = vector.broadcast %mul3A_438 : i32 to vector<16xi32>
    %lt3A_924 = arith.cmpi slt, %get3A_922, %lt3A_923 : vector<16xi32>
    %select_n3A_925 = arith.select %lt3A_924, %broadcast_in_dim3A_446, %broadcast_in_dim3A_448 : vector<16xi1>, vector<16xi32>
    %add3A_926 = arith.addi %add3A_915, %select_n3A_925 : vector<16xi32>
    %lt3A_927 = vector.broadcast %add3A_440 : i32 to vector<16xi32>
    %lt3A_928 = arith.cmpi slt, %get3A_922, %lt3A_927 : vector<16xi32>
    %select_n3A_929 = arith.select %lt3A_928, %broadcast_in_dim3A_446, %broadcast_in_dim3A_448 : vector<16xi1>, vector<16xi32>
    %add3A_930 = arith.addi %add3A_919, %select_n3A_929 : vector<16xi32>
    %get3A_931 = arith.constant 704 : index
    %get3A_932 = tpu.vector_load %arg10[%get3A_931] {strides = array<i32>} : memref<1568xi32, #tpu.memory_space<vmem>>, vector<16xi32>,
    %get3A_933 = vector.shape_cast %get3A_932 : vector<16xi32> to vector<16xi32>
    %lt3A_934 = vector.broadcast %mul3A_438 : i32 to vector<16xi32>
    %lt3A_935 = arith.cmpi slt, %get3A_933, %lt3A_934 : vector<16xi32>
    %select_n3A_936 = arith.select %lt3A_935, %broadcast_in_dim3A_446, %broadcast_in_dim3A_448 : vector<16xi1>, vector<16xi32>
    %add3A_937 = arith.addi %add3A_926, %select_n3A_936 : vector<16xi32>
    %lt3A_938 = vector.broadcast %add3A_440 : i32 to vector<16xi32>
    %lt3A_939 = arith.cmpi slt, %get3A_933, %lt3A_938 : vector<16xi32>
    %select_n3A_940 = arith.select %lt3A_939, %broadcast_in_dim3A_446, %broadcast_in_dim3A_448 : vector<16xi1>, vector<16xi32>
    %add3A_941 = arith.addi %add3A_930, %select_n3A_940 : vector<16xi32>
    %get3A_942 = arith.constant 720 : index
    %get3A_943 = tpu.vector_load %arg10[%get3A_942] {strides = array<i32>} : memref<1568xi32, #tpu.memory_space<vmem>>, vector<16xi32>,
    %get3A_944 = vector.shape_cast %get3A_943 : vector<16xi32> to vector<16xi32>
    %lt3A_945 = vector.broadcast %mul3A_438 : i32 to vector<16xi32>
    %lt3A_946 = arith.cmpi slt, %get3A_944, %lt3A_945 : vector<16xi32>
    %select_n3A_947 = arith.select %lt3A_946, %broadcast_in_dim3A_446, %broadcast_in_dim3A_448 : vector<16xi1>, vector<16xi32>
    %add3A_948 = arith.addi %add3A_937, %select_n3A_947 : vector<16xi32>
    %lt3A_949 = vector.broadcast %add3A_440 : i32 to vector<16xi32>
    %lt3A_950 = arith.cmpi slt, %get3A_944, %lt3A_949 : vector<16xi32>
    %select_n3A_951 = arith.select %lt3A_950, %broadcast_in_dim3A_446, %broadcast_in_dim3A_448 : vector<16xi1>, vector<16xi32>
    %add3A_952 = arith.addi %add3A_941, %select_n3A_951 : vector<16xi32>
    %get3A_953 = arith.constant 736 : index
    %get3A_954 = tpu.vector_load %arg10[%get3A_953] {strides = array<i32>} : memref<1568xi32, #tpu.memory_space<vmem>>, vector<16xi32>,
    %get3A_955 = vector.shape_cast %get3A_954 : vector<16xi32> to vector<16xi32>
    %lt3A_956 = vector.broadcast %mul3A_438 : i32 to vector<16xi32>
    %lt3A_957 = arith.cmpi slt, %get3A_955, %lt3A_956 : vector<16xi32>
    %select_n3A_958 = arith.select %lt3A_957, %broadcast_in_dim3A_446, %broadcast_in_dim3A_448 : vector<16xi1>, vector<16xi32>
    %add3A_959 = arith.addi %add3A_948, %select_n3A_958 : vector<16xi32>
    %lt3A_960 = vector.broadcast %add3A_440 : i32 to vector<16xi32>
    %lt3A_961 = arith.cmpi slt, %get3A_955, %lt3A_960 : vector<16xi32>
    %select_n3A_962 = arith.select %lt3A_961, %broadcast_in_dim3A_446, %broadcast_in_dim3A_448 : vector<16xi1>, vector<16xi32>
    %add3A_963 = arith.addi %add3A_952, %select_n3A_962 : vector<16xi32>
    %get3A_964 = arith.constant 752 : index
    %get3A_965 = tpu.vector_load %arg10[%get3A_964] {strides = array<i32>} : memref<1568xi32, #tpu.memory_space<vmem>>, vector<16xi32>,
    %get3A_966 = vector.shape_cast %get3A_965 : vector<16xi32> to vector<16xi32>
    %lt3A_967 = vector.broadcast %mul3A_438 : i32 to vector<16xi32>
    %lt3A_968 = arith.cmpi slt, %get3A_966, %lt3A_967 : vector<16xi32>
    %select_n3A_969 = arith.select %lt3A_968, %broadcast_in_dim3A_446, %broadcast_in_dim3A_448 : vector<16xi1>, vector<16xi32>
    %add3A_970 = arith.addi %add3A_959, %select_n3A_969 : vector<16xi32>
    %lt3A_971 = vector.broadcast %add3A_440 : i32 to vector<16xi32>
    %lt3A_972 = arith.cmpi slt, %get3A_966, %lt3A_971 : vector<16xi32>
    %select_n3A_973 = arith.select %lt3A_972, %broadcast_in_dim3A_446, %broadcast_in_dim3A_448 : vector<16xi1>, vector<16xi32>
    %add3A_974 = arith.addi %add3A_963, %select_n3A_973 : vector<16xi32>
    %get3A_975 = arith.constant 768 : index
    %get3A_976 = tpu.vector_load %arg10[%get3A_975] {strides = array<i32>} : memref<1568xi32, #tpu.memory_space<vmem>>, vector<16xi32>,
    %get3A_977 = vector.shape_cast %get3A_976 : vector<16xi32> to vector<16xi32>
    %lt3A_978 = vector.broadcast %mul3A_438 : i32 to vector<16xi32>
    %lt3A_979 = arith.cmpi slt, %get3A_977, %lt3A_978 : vector<16xi32>
    %select_n3A_980 = arith.select %lt3A_979, %broadcast_in_dim3A_446, %broadcast_in_dim3A_448 : vector<16xi1>, vector<16xi32>
    %add3A_981 = arith.addi %add3A_970, %select_n3A_980 : vector<16xi32>
    %lt3A_982 = vector.broadcast %add3A_440 : i32 to vector<16xi32>
    %lt3A_983 = arith.cmpi slt, %get3A_977, %lt3A_982 : vector<16xi32>
    %select_n3A_984 = arith.select %lt3A_983, %broadcast_in_dim3A_446, %broadcast_in_dim3A_448 : vector<16xi1>, vector<16xi32>
    %add3A_985 = arith.addi %add3A_974, %select_n3A_984 : vector<16xi32>
    %get3A_986 = arith.constant 784 : index
    %get3A_987 = tpu.vector_load %arg10[%get3A_986] {strides = array<i32>} : memref<1568xi32, #tpu.memory_space<vmem>>, vector<16xi32>,
    %get3A_988 = vector.shape_cast %get3A_987 : vector<16xi32> to vector<16xi32>
    %lt3A_989 = vector.broadcast %mul3A_438 : i32 to vector<16xi32>
    %lt3A_990 = arith.cmpi slt, %get3A_988, %lt3A_989 : vector<16xi32>
    %select_n3A_991 = arith.select %lt3A_990, %broadcast_in_dim3A_446, %broadcast_in_dim3A_448 : vector<16xi1>, vector<16xi32>
    %add3A_992 = arith.addi %add3A_981, %select_n3A_991 : vector<16xi32>
    %lt3A_993 = vector.broadcast %add3A_440 : i32 to vector<16xi32>
    %lt3A_994 = arith.cmpi slt, %get3A_988, %lt3A_993 : vector<16xi32>
    %select_n3A_995 = arith.select %lt3A_994, %broadcast_in_dim3A_446, %broadcast_in_dim3A_448 : vector<16xi1>, vector<16xi32>
    %add3A_996 = arith.addi %add3A_985, %select_n3A_995 : vector<16xi32>
    %get3A_997 = arith.constant 800 : index
    %get3A_998 = tpu.vector_load %arg10[%get3A_997] {strides = array<i32>} : memref<1568xi32, #tpu.memory_space<vmem>>, vector<16xi32>,
    %get3A_999 = vector.shape_cast %get3A_998 : vector<16xi32> to vector<16xi32>
    %lt3A_1000 = vector.broadcast %mul3A_438 : i32 to vector<16xi32>
    %lt3A_1001 = arith.cmpi slt, %get3A_999, %lt3A_1000 : vector<16xi32>
    %select_n3A_1002 = arith.select %lt3A_1001, %broadcast_in_dim3A_446, %broadcast_in_dim3A_448 : vector<16xi1>, vector<16xi32>
    %add3A_1003 = arith.addi %add3A_992, %select_n3A_1002 : vector<16xi32>
    %lt3A_1004 = vector.broadcast %add3A_440 : i32 to vector<16xi32>
    %lt3A_1005 = arith.cmpi slt, %get3A_999, %lt3A_1004 : vector<16xi32>
    %select_n3A_1006 = arith.select %lt3A_1005, %broadcast_in_dim3A_446, %broadcast_in_dim3A_448 : vector<16xi1>, vector<16xi32>
    %add3A_1007 = arith.addi %add3A_996, %select_n3A_1006 : vector<16xi32>
    %get3A_1008 = arith.constant 816 : index
    %get3A_1009 = tpu.vector_load %arg10[%get3A_1008] {strides = array<i32>} : memref<1568xi32, #tpu.memory_space<vmem>>, vector<16xi32>,
    %get3A_1010 = vector.shape_cast %get3A_1009 : vector<16xi32> to vector<16xi32>
    %lt3A_1011 = vector.broadcast %mul3A_438 : i32 to vector<16xi32>
    %lt3A_1012 = arith.cmpi slt, %get3A_1010, %lt3A_1011 : vector<16xi32>
    %select_n3A_1013 = arith.select %lt3A_1012, %broadcast_in_dim3A_446, %broadcast_in_dim3A_448 : vector<16xi1>, vector<16xi32>
    %add3A_1014 = arith.addi %add3A_1003, %select_n3A_1013 : vector<16xi32>
    %lt3A_1015 = vector.broadcast %add3A_440 : i32 to vector<16xi32>
    %lt3A_1016 = arith.cmpi slt, %get3A_1010, %lt3A_1015 : vector<16xi32>
    %select_n3A_1017 = arith.select %lt3A_1016, %broadcast_in_dim3A_446, %broadcast_in_dim3A_448 : vector<16xi1>, vector<16xi32>
    %add3A_1018 = arith.addi %add3A_1007, %select_n3A_1017 : vector<16xi32>
    %get3A_1019 = arith.constant 832 : index
    %get3A_1020 = tpu.vector_load %arg10[%get3A_1019] {strides = array<i32>} : memref<1568xi32, #tpu.memory_space<vmem>>, vector<16xi32>,
    %get3A_1021 = vector.shape_cast %get3A_1020 : vector<16xi32> to vector<16xi32>
    %lt3A_1022 = vector.broadcast %mul3A_438 : i32 to vector<16xi32>
    %lt3A_1023 = arith.cmpi slt, %get3A_1021, %lt3A_1022 : vector<16xi32>
    %select_n3A_1024 = arith.select %lt3A_1023, %broadcast_in_dim3A_446, %broadcast_in_dim3A_448 : vector<16xi1>, vector<16xi32>
    %add3A_1025 = arith.addi %add3A_1014, %select_n3A_1024 : vector<16xi32>
    %lt3A_1026 = vector.broadcast %add3A_440 : i32 to vector<16xi32>
    %lt3A_1027 = arith.cmpi slt, %get3A_1021, %lt3A_1026 : vector<16xi32>
    %select_n3A_1028 = arith.select %lt3A_1027, %broadcast_in_dim3A_446, %broadcast_in_dim3A_448 : vector<16xi1>, vector<16xi32>
    %add3A_1029 = arith.addi %add3A_1018, %select_n3A_1028 : vector<16xi32>
    %get3A_1030 = arith.constant 848 : index
    %get3A_1031 = tpu.vector_load %arg10[%get3A_1030] {strides = array<i32>} : memref<1568xi32, #tpu.memory_space<vmem>>, vector<16xi32>,
    %get3A_1032 = vector.shape_cast %get3A_1031 : vector<16xi32> to vector<16xi32>
    %lt3A_1033 = vector.broadcast %mul3A_438 : i32 to vector<16xi32>
    %lt3A_1034 = arith.cmpi slt, %get3A_1032, %lt3A_1033 : vector<16xi32>
    %select_n3A_1035 = arith.select %lt3A_1034, %broadcast_in_dim3A_446, %broadcast_in_dim3A_448 : vector<16xi1>, vector<16xi32>
    %add3A_1036 = arith.addi %add3A_1025, %select_n3A_1035 : vector<16xi32>
    %lt3A_1037 = vector.broadcast %add3A_440 : i32 to vector<16xi32>
    %lt3A_1038 = arith.cmpi slt, %get3A_1032, %lt3A_1037 : vector<16xi32>
    %select_n3A_1039 = arith.select %lt3A_1038, %broadcast_in_dim3A_446, %broadcast_in_dim3A_448 : vector<16xi1>, vector<16xi32>
    %add3A_1040 = arith.addi %add3A_1029, %select_n3A_1039 : vector<16xi32>
    %get3A_1041 = arith.constant 864 : index
    %get3A_1042 = tpu.vector_load %arg10[%get3A_1041] {strides = array<i32>} : memref<1568xi32, #tpu.memory_space<vmem>>, vector<16xi32>,
    %get3A_1043 = vector.shape_cast %get3A_1042 : vector<16xi32> to vector<16xi32>
    %lt3A_1044 = vector.broadcast %mul3A_438 : i32 to vector<16xi32>
    %lt3A_1045 = arith.cmpi slt, %get3A_1043, %lt3A_1044 : vector<16xi32>
    %select_n3A_1046 = arith.select %lt3A_1045, %broadcast_in_dim3A_446, %broadcast_in_dim3A_448 : vector<16xi1>, vector<16xi32>
    %add3A_1047 = arith.addi %add3A_1036, %select_n3A_1046 : vector<16xi32>
    %lt3A_1048 = vector.broadcast %add3A_440 : i32 to vector<16xi32>
    %lt3A_1049 = arith.cmpi slt, %get3A_1043, %lt3A_1048 : vector<16xi32>
    %select_n3A_1050 = arith.select %lt3A_1049, %broadcast_in_dim3A_446, %broadcast_in_dim3A_448 : vector<16xi1>, vector<16xi32>
    %add3A_1051 = arith.addi %add3A_1040, %select_n3A_1050 : vector<16xi32>
    %get3A_1052 = arith.constant 880 : index
    %get3A_1053 = tpu.vector_load %arg10[%get3A_1052] {strides = array<i32>} : memref<1568xi32, #tpu.memory_space<vmem>>, vector<16xi32>,
    %get3A_1054 = vector.shape_cast %get3A_1053 : vector<16xi32> to vector<16xi32>
    %lt3A_1055 = vector.broadcast %mul3A_438 : i32 to vector<16xi32>
    %lt3A_1056 = arith.cmpi slt, %get3A_1054, %lt3A_1055 : vector<16xi32>
    %select_n3A_1057 = arith.select %lt3A_1056, %broadcast_in_dim3A_446, %broadcast_in_dim3A_448 : vector<16xi1>, vector<16xi32>
    %add3A_1058 = arith.addi %add3A_1047, %select_n3A_1057 : vector<16xi32>
    %lt3A_1059 = vector.broadcast %add3A_440 : i32 to vector<16xi32>
    %lt3A_1060 = arith.cmpi slt, %get3A_1054, %lt3A_1059 : vector<16xi32>
    %select_n3A_1061 = arith.select %lt3A_1060, %broadcast_in_dim3A_446, %broadcast_in_dim3A_448 : vector<16xi1>, vector<16xi32>
    %add3A_1062 = arith.addi %add3A_1051, %select_n3A_1061 : vector<16xi32>
    %get3A_1063 = arith.constant 896 : index
    %get3A_1064 = tpu.vector_load %arg10[%get3A_1063] {strides = array<i32>} : memref<1568xi32, #tpu.memory_space<vmem>>, vector<16xi32>,
    %get3A_1065 = vector.shape_cast %get3A_1064 : vector<16xi32> to vector<16xi32>
    %lt3A_1066 = vector.broadcast %mul3A_438 : i32 to vector<16xi32>
    %lt3A_1067 = arith.cmpi slt, %get3A_1065, %lt3A_1066 : vector<16xi32>
    %select_n3A_1068 = arith.select %lt3A_1067, %broadcast_in_dim3A_446, %broadcast_in_dim3A_448 : vector<16xi1>, vector<16xi32>
    %add3A_1069 = arith.addi %add3A_1058, %select_n3A_1068 : vector<16xi32>
    %lt3A_1070 = vector.broadcast %add3A_440 : i32 to vector<16xi32>
    %lt3A_1071 = arith.cmpi slt, %get3A_1065, %lt3A_1070 : vector<16xi32>
    %select_n3A_1072 = arith.select %lt3A_1071, %broadcast_in_dim3A_446, %broadcast_in_dim3A_448 : vector<16xi1>, vector<16xi32>
    %add3A_1073 = arith.addi %add3A_1062, %select_n3A_1072 : vector<16xi32>
    %get3A_1074 = arith.constant 912 : index
    %get3A_1075 = tpu.vector_load %arg10[%get3A_1074] {strides = array<i32>} : memref<1568xi32, #tpu.memory_space<vmem>>, vector<16xi32>,
    %get3A_1076 = vector.shape_cast %get3A_1075 : vector<16xi32> to vector<16xi32>
    %lt3A_1077 = vector.broadcast %mul3A_438 : i32 to vector<16xi32>
    %lt3A_1078 = arith.cmpi slt, %get3A_1076, %lt3A_1077 : vector<16xi32>
    %select_n3A_1079 = arith.select %lt3A_1078, %broadcast_in_dim3A_446, %broadcast_in_dim3A_448 : vector<16xi1>, vector<16xi32>
    %add3A_1080 = arith.addi %add3A_1069, %select_n3A_1079 : vector<16xi32>
    %lt3A_1081 = vector.broadcast %add3A_440 : i32 to vector<16xi32>
    %lt3A_1082 = arith.cmpi slt, %get3A_1076, %lt3A_1081 : vector<16xi32>
    %select_n3A_1083 = arith.select %lt3A_1082, %broadcast_in_dim3A_446, %broadcast_in_dim3A_448 : vector<16xi1>, vector<16xi32>
    %add3A_1084 = arith.addi %add3A_1073, %select_n3A_1083 : vector<16xi32>
    %get3A_1085 = arith.constant 928 : index
    %get3A_1086 = tpu.vector_load %arg10[%get3A_1085] {strides = array<i32>} : memref<1568xi32, #tpu.memory_space<vmem>>, vector<16xi32>,
    %get3A_1087 = vector.shape_cast %get3A_1086 : vector<16xi32> to vector<16xi32>
    %lt3A_1088 = vector.broadcast %mul3A_438 : i32 to vector<16xi32>
    %lt3A_1089 = arith.cmpi slt, %get3A_1087, %lt3A_1088 : vector<16xi32>
    %select_n3A_1090 = arith.select %lt3A_1089, %broadcast_in_dim3A_446, %broadcast_in_dim3A_448 : vector<16xi1>, vector<16xi32>
    %add3A_1091 = arith.addi %add3A_1080, %select_n3A_1090 : vector<16xi32>
    %lt3A_1092 = vector.broadcast %add3A_440 : i32 to vector<16xi32>
    %lt3A_1093 = arith.cmpi slt, %get3A_1087, %lt3A_1092 : vector<16xi32>
    %select_n3A_1094 = arith.select %lt3A_1093, %broadcast_in_dim3A_446, %broadcast_in_dim3A_448 : vector<16xi1>, vector<16xi32>
    %add3A_1095 = arith.addi %add3A_1084, %select_n3A_1094 : vector<16xi32>
    %get3A_1096 = arith.constant 944 : index
    %get3A_1097 = tpu.vector_load %arg10[%get3A_1096] {strides = array<i32>} : memref<1568xi32, #tpu.memory_space<vmem>>, vector<16xi32>,
    %get3A_1098 = vector.shape_cast %get3A_1097 : vector<16xi32> to vector<16xi32>
    %lt3A_1099 = vector.broadcast %mul3A_438 : i32 to vector<16xi32>
    %lt3A_1100 = arith.cmpi slt, %get3A_1098, %lt3A_1099 : vector<16xi32>
    %select_n3A_1101 = arith.select %lt3A_1100, %broadcast_in_dim3A_446, %broadcast_in_dim3A_448 : vector<16xi1>, vector<16xi32>
    %add3A_1102 = arith.addi %add3A_1091, %select_n3A_1101 : vector<16xi32>
    %lt3A_1103 = vector.broadcast %add3A_440 : i32 to vector<16xi32>
    %lt3A_1104 = arith.cmpi slt, %get3A_1098, %lt3A_1103 : vector<16xi32>
    %select_n3A_1105 = arith.select %lt3A_1104, %broadcast_in_dim3A_446, %broadcast_in_dim3A_448 : vector<16xi1>, vector<16xi32>
    %add3A_1106 = arith.addi %add3A_1095, %select_n3A_1105 : vector<16xi32>
    %get3A_1107 = arith.constant 960 : index
    %get3A_1108 = tpu.vector_load %arg10[%get3A_1107] {strides = array<i32>} : memref<1568xi32, #tpu.memory_space<vmem>>, vector<16xi32>,
    %get3A_1109 = vector.shape_cast %get3A_1108 : vector<16xi32> to vector<16xi32>
    %lt3A_1110 = vector.broadcast %mul3A_438 : i32 to vector<16xi32>
    %lt3A_1111 = arith.cmpi slt, %get3A_1109, %lt3A_1110 : vector<16xi32>
    %select_n3A_1112 = arith.select %lt3A_1111, %broadcast_in_dim3A_446, %broadcast_in_dim3A_448 : vector<16xi1>, vector<16xi32>
    %add3A_1113 = arith.addi %add3A_1102, %select_n3A_1112 : vector<16xi32>
    %lt3A_1114 = vector.broadcast %add3A_440 : i32 to vector<16xi32>
    %lt3A_1115 = arith.cmpi slt, %get3A_1109, %lt3A_1114 : vector<16xi32>
    %select_n3A_1116 = arith.select %lt3A_1115, %broadcast_in_dim3A_446, %broadcast_in_dim3A_448 : vector<16xi1>, vector<16xi32>
    %add3A_1117 = arith.addi %add3A_1106, %select_n3A_1116 : vector<16xi32>
    %get3A_1118 = arith.constant 976 : index
    %get3A_1119 = tpu.vector_load %arg10[%get3A_1118] {strides = array<i32>} : memref<1568xi32, #tpu.memory_space<vmem>>, vector<16xi32>,
    %get3A_1120 = vector.shape_cast %get3A_1119 : vector<16xi32> to vector<16xi32>
    %lt3A_1121 = vector.broadcast %mul3A_438 : i32 to vector<16xi32>
    %lt3A_1122 = arith.cmpi slt, %get3A_1120, %lt3A_1121 : vector<16xi32>
    %select_n3A_1123 = arith.select %lt3A_1122, %broadcast_in_dim3A_446, %broadcast_in_dim3A_448 : vector<16xi1>, vector<16xi32>
    %add3A_1124 = arith.addi %add3A_1113, %select_n3A_1123 : vector<16xi32>
    %lt3A_1125 = vector.broadcast %add3A_440 : i32 to vector<16xi32>
    %lt3A_1126 = arith.cmpi slt, %get3A_1120, %lt3A_1125 : vector<16xi32>
    %select_n3A_1127 = arith.select %lt3A_1126, %broadcast_in_dim3A_446, %broadcast_in_dim3A_448 : vector<16xi1>, vector<16xi32>
    %add3A_1128 = arith.addi %add3A_1117, %select_n3A_1127 : vector<16xi32>
    %get3A_1129 = arith.constant 992 : index
    %get3A_1130 = tpu.vector_load %arg10[%get3A_1129] {strides = array<i32>} : memref<1568xi32, #tpu.memory_space<vmem>>, vector<16xi32>,
    %get3A_1131 = vector.shape_cast %get3A_1130 : vector<16xi32> to vector<16xi32>
    %lt3A_1132 = vector.broadcast %mul3A_438 : i32 to vector<16xi32>
    %lt3A_1133 = arith.cmpi slt, %get3A_1131, %lt3A_1132 : vector<16xi32>
    %select_n3A_1134 = arith.select %lt3A_1133, %broadcast_in_dim3A_446, %broadcast_in_dim3A_448 : vector<16xi1>, vector<16xi32>
    %add3A_1135 = arith.addi %add3A_1124, %select_n3A_1134 : vector<16xi32>
    %lt3A_1136 = vector.broadcast %add3A_440 : i32 to vector<16xi32>
    %lt3A_1137 = arith.cmpi slt, %get3A_1131, %lt3A_1136 : vector<16xi32>
    %select_n3A_1138 = arith.select %lt3A_1137, %broadcast_in_dim3A_446, %broadcast_in_dim3A_448 : vector<16xi1>, vector<16xi32>
    %add3A_1139 = arith.addi %add3A_1128, %select_n3A_1138 : vector<16xi32>
    %get3A_1140 = arith.constant 1008 : index
    %get3A_1141 = tpu.vector_load %arg10[%get3A_1140] {strides = array<i32>} : memref<1568xi32, #tpu.memory_space<vmem>>, vector<16xi32>,
    %get3A_1142 = vector.shape_cast %get3A_1141 : vector<16xi32> to vector<16xi32>
    %lt3A_1143 = vector.broadcast %mul3A_438 : i32 to vector<16xi32>
    %lt3A_1144 = arith.cmpi slt, %get3A_1142, %lt3A_1143 : vector<16xi32>
    %select_n3A_1145 = arith.select %lt3A_1144, %broadcast_in_dim3A_446, %broadcast_in_dim3A_448 : vector<16xi1>, vector<16xi32>
    %add3A_1146 = arith.addi %add3A_1135, %select_n3A_1145 : vector<16xi32>
    %lt3A_1147 = vector.broadcast %add3A_440 : i32 to vector<16xi32>
    %lt3A_1148 = arith.cmpi slt, %get3A_1142, %lt3A_1147 : vector<16xi32>
    %select_n3A_1149 = arith.select %lt3A_1148, %broadcast_in_dim3A_446, %broadcast_in_dim3A_448 : vector<16xi1>, vector<16xi32>
    %add3A_1150 = arith.addi %add3A_1139, %select_n3A_1149 : vector<16xi32>
    %get3A_1151 = arith.constant 1024 : index
    %get3A_1152 = tpu.vector_load %arg10[%get3A_1151] {strides = array<i32>} : memref<1568xi32, #tpu.memory_space<vmem>>, vector<16xi32>,
    %get3A_1153 = vector.shape_cast %get3A_1152 : vector<16xi32> to vector<16xi32>
    %lt3A_1154 = vector.broadcast %mul3A_438 : i32 to vector<16xi32>
    %lt3A_1155 = arith.cmpi slt, %get3A_1153, %lt3A_1154 : vector<16xi32>
    %select_n3A_1156 = arith.select %lt3A_1155, %broadcast_in_dim3A_446, %broadcast_in_dim3A_448 : vector<16xi1>, vector<16xi32>
    %add3A_1157 = arith.addi %add3A_1146, %select_n3A_1156 : vector<16xi32>
    %lt3A_1158 = vector.broadcast %add3A_440 : i32 to vector<16xi32>
    %lt3A_1159 = arith.cmpi slt, %get3A_1153, %lt3A_1158 : vector<16xi32>
    %select_n3A_1160 = arith.select %lt3A_1159, %broadcast_in_dim3A_446, %broadcast_in_dim3A_448 : vector<16xi1>, vector<16xi32>
    %add3A_1161 = arith.addi %add3A_1150, %select_n3A_1160 : vector<16xi32>
    %get3A_1162 = arith.constant 1040 : index
    %get3A_1163 = tpu.vector_load %arg10[%get3A_1162] {strides = array<i32>} : memref<1568xi32, #tpu.memory_space<vmem>>, vector<16xi32>,
    %get3A_1164 = vector.shape_cast %get3A_1163 : vector<16xi32> to vector<16xi32>
    %lt3A_1165 = vector.broadcast %mul3A_438 : i32 to vector<16xi32>
    %lt3A_1166 = arith.cmpi slt, %get3A_1164, %lt3A_1165 : vector<16xi32>
    %select_n3A_1167 = arith.select %lt3A_1166, %broadcast_in_dim3A_446, %broadcast_in_dim3A_448 : vector<16xi1>, vector<16xi32>
    %add3A_1168 = arith.addi %add3A_1157, %select_n3A_1167 : vector<16xi32>
    %lt3A_1169 = vector.broadcast %add3A_440 : i32 to vector<16xi32>
    %lt3A_1170 = arith.cmpi slt, %get3A_1164, %lt3A_1169 : vector<16xi32>
    %select_n3A_1171 = arith.select %lt3A_1170, %broadcast_in_dim3A_446, %broadcast_in_dim3A_448 : vector<16xi1>, vector<16xi32>
    %add3A_1172 = arith.addi %add3A_1161, %select_n3A_1171 : vector<16xi32>
    %get3A_1173 = arith.constant 1056 : index
    %get3A_1174 = tpu.vector_load %arg10[%get3A_1173] {strides = array<i32>} : memref<1568xi32, #tpu.memory_space<vmem>>, vector<16xi32>,
    %get3A_1175 = vector.shape_cast %get3A_1174 : vector<16xi32> to vector<16xi32>
    %lt3A_1176 = vector.broadcast %mul3A_438 : i32 to vector<16xi32>
    %lt3A_1177 = arith.cmpi slt, %get3A_1175, %lt3A_1176 : vector<16xi32>
    %select_n3A_1178 = arith.select %lt3A_1177, %broadcast_in_dim3A_446, %broadcast_in_dim3A_448 : vector<16xi1>, vector<16xi32>
    %add3A_1179 = arith.addi %add3A_1168, %select_n3A_1178 : vector<16xi32>
    %lt3A_1180 = vector.broadcast %add3A_440 : i32 to vector<16xi32>
    %lt3A_1181 = arith.cmpi slt, %get3A_1175, %lt3A_1180 : vector<16xi32>
    %select_n3A_1182 = arith.select %lt3A_1181, %broadcast_in_dim3A_446, %broadcast_in_dim3A_448 : vector<16xi1>, vector<16xi32>
    %add3A_1183 = arith.addi %add3A_1172, %select_n3A_1182 : vector<16xi32>
    %get3A_1184 = arith.constant 1072 : index
    %get3A_1185 = tpu.vector_load %arg10[%get3A_1184] {strides = array<i32>} : memref<1568xi32, #tpu.memory_space<vmem>>, vector<16xi32>,
    %get3A_1186 = vector.shape_cast %get3A_1185 : vector<16xi32> to vector<16xi32>
    %lt3A_1187 = vector.broadcast %mul3A_438 : i32 to vector<16xi32>
    %lt3A_1188 = arith.cmpi slt, %get3A_1186, %lt3A_1187 : vector<16xi32>
    %select_n3A_1189 = arith.select %lt3A_1188, %broadcast_in_dim3A_446, %broadcast_in_dim3A_448 : vector<16xi1>, vector<16xi32>
    %add3A_1190 = arith.addi %add3A_1179, %select_n3A_1189 : vector<16xi32>
    %lt3A_1191 = vector.broadcast %add3A_440 : i32 to vector<16xi32>
    %lt3A_1192 = arith.cmpi slt, %get3A_1186, %lt3A_1191 : vector<16xi32>
    %select_n3A_1193 = arith.select %lt3A_1192, %broadcast_in_dim3A_446, %broadcast_in_dim3A_448 : vector<16xi1>, vector<16xi32>
    %add3A_1194 = arith.addi %add3A_1183, %select_n3A_1193 : vector<16xi32>
    %get3A_1195 = arith.constant 1088 : index
    %get3A_1196 = tpu.vector_load %arg10[%get3A_1195] {strides = array<i32>} : memref<1568xi32, #tpu.memory_space<vmem>>, vector<16xi32>,
    %get3A_1197 = vector.shape_cast %get3A_1196 : vector<16xi32> to vector<16xi32>
    %lt3A_1198 = vector.broadcast %mul3A_438 : i32 to vector<16xi32>
    %lt3A_1199 = arith.cmpi slt, %get3A_1197, %lt3A_1198 : vector<16xi32>
    %select_n3A_1200 = arith.select %lt3A_1199, %broadcast_in_dim3A_446, %broadcast_in_dim3A_448 : vector<16xi1>, vector<16xi32>
    %add3A_1201 = arith.addi %add3A_1190, %select_n3A_1200 : vector<16xi32>
    %lt3A_1202 = vector.broadcast %add3A_440 : i32 to vector<16xi32>
    %lt3A_1203 = arith.cmpi slt, %get3A_1197, %lt3A_1202 : vector<16xi32>
    %select_n3A_1204 = arith.select %lt3A_1203, %broadcast_in_dim3A_446, %broadcast_in_dim3A_448 : vector<16xi1>, vector<16xi32>
    %add3A_1205 = arith.addi %add3A_1194, %select_n3A_1204 : vector<16xi32>
    %get3A_1206 = arith.constant 1104 : index
    %get3A_1207 = tpu.vector_load %arg10[%get3A_1206] {strides = array<i32>} : memref<1568xi32, #tpu.memory_space<vmem>>, vector<16xi32>,
    %get3A_1208 = vector.shape_cast %get3A_1207 : vector<16xi32> to vector<16xi32>
    %lt3A_1209 = vector.broadcast %mul3A_438 : i32 to vector<16xi32>
    %lt3A_1210 = arith.cmpi slt, %get3A_1208, %lt3A_1209 : vector<16xi32>
    %select_n3A_1211 = arith.select %lt3A_1210, %broadcast_in_dim3A_446, %broadcast_in_dim3A_448 : vector<16xi1>, vector<16xi32>
    %add3A_1212 = arith.addi %add3A_1201, %select_n3A_1211 : vector<16xi32>
    %lt3A_1213 = vector.broadcast %add3A_440 : i32 to vector<16xi32>
    %lt3A_1214 = arith.cmpi slt, %get3A_1208, %lt3A_1213 : vector<16xi32>
    %select_n3A_1215 = arith.select %lt3A_1214, %broadcast_in_dim3A_446, %broadcast_in_dim3A_448 : vector<16xi1>, vector<16xi32>
    %add3A_1216 = arith.addi %add3A_1205, %select_n3A_1215 : vector<16xi32>
    %get3A_1217 = arith.constant 1120 : index
    %get3A_1218 = tpu.vector_load %arg10[%get3A_1217] {strides = array<i32>} : memref<1568xi32, #tpu.memory_space<vmem>>, vector<16xi32>,
    %get3A_1219 = vector.shape_cast %get3A_1218 : vector<16xi32> to vector<16xi32>
    %lt3A_1220 = vector.broadcast %mul3A_438 : i32 to vector<16xi32>
    %lt3A_1221 = arith.cmpi slt, %get3A_1219, %lt3A_1220 : vector<16xi32>
    %select_n3A_1222 = arith.select %lt3A_1221, %broadcast_in_dim3A_446, %broadcast_in_dim3A_448 : vector<16xi1>, vector<16xi32>
    %add3A_1223 = arith.addi %add3A_1212, %select_n3A_1222 : vector<16xi32>
    %lt3A_1224 = vector.broadcast %add3A_440 : i32 to vector<16xi32>
    %lt3A_1225 = arith.cmpi slt, %get3A_1219, %lt3A_1224 : vector<16xi32>
    %select_n3A_1226 = arith.select %lt3A_1225, %broadcast_in_dim3A_446, %broadcast_in_dim3A_448 : vector<16xi1>, vector<16xi32>
    %add3A_1227 = arith.addi %add3A_1216, %select_n3A_1226 : vector<16xi32>
    %get3A_1228 = arith.constant 1136 : index
    %get3A_1229 = tpu.vector_load %arg10[%get3A_1228] {strides = array<i32>} : memref<1568xi32, #tpu.memory_space<vmem>>, vector<16xi32>,
    %get3A_1230 = vector.shape_cast %get3A_1229 : vector<16xi32> to vector<16xi32>
    %lt3A_1231 = vector.broadcast %mul3A_438 : i32 to vector<16xi32>
    %lt3A_1232 = arith.cmpi slt, %get3A_1230, %lt3A_1231 : vector<16xi32>
    %select_n3A_1233 = arith.select %lt3A_1232, %broadcast_in_dim3A_446, %broadcast_in_dim3A_448 : vector<16xi1>, vector<16xi32>
    %add3A_1234 = arith.addi %add3A_1223, %select_n3A_1233 : vector<16xi32>
    %lt3A_1235 = vector.broadcast %add3A_440 : i32 to vector<16xi32>
    %lt3A_1236 = arith.cmpi slt, %get3A_1230, %lt3A_1235 : vector<16xi32>
    %select_n3A_1237 = arith.select %lt3A_1236, %broadcast_in_dim3A_446, %broadcast_in_dim3A_448 : vector<16xi1>, vector<16xi32>
    %add3A_1238 = arith.addi %add3A_1227, %select_n3A_1237 : vector<16xi32>
    %get3A_1239 = arith.constant 1152 : index
    %get3A_1240 = tpu.vector_load %arg10[%get3A_1239] {strides = array<i32>} : memref<1568xi32, #tpu.memory_space<vmem>>, vector<16xi32>,
    %get3A_1241 = vector.shape_cast %get3A_1240 : vector<16xi32> to vector<16xi32>
    %lt3A_1242 = vector.broadcast %mul3A_438 : i32 to vector<16xi32>
    %lt3A_1243 = arith.cmpi slt, %get3A_1241, %lt3A_1242 : vector<16xi32>
    %select_n3A_1244 = arith.select %lt3A_1243, %broadcast_in_dim3A_446, %broadcast_in_dim3A_448 : vector<16xi1>, vector<16xi32>
    %add3A_1245 = arith.addi %add3A_1234, %select_n3A_1244 : vector<16xi32>
    %lt3A_1246 = vector.broadcast %add3A_440 : i32 to vector<16xi32>
    %lt3A_1247 = arith.cmpi slt, %get3A_1241, %lt3A_1246 : vector<16xi32>
    %select_n3A_1248 = arith.select %lt3A_1247, %broadcast_in_dim3A_446, %broadcast_in_dim3A_448 : vector<16xi1>, vector<16xi32>
    %add3A_1249 = arith.addi %add3A_1238, %select_n3A_1248 : vector<16xi32>
    %get3A_1250 = arith.constant 1168 : index
    %get3A_1251 = tpu.vector_load %arg10[%get3A_1250] {strides = array<i32>} : memref<1568xi32, #tpu.memory_space<vmem>>, vector<16xi32>,
    %get3A_1252 = vector.shape_cast %get3A_1251 : vector<16xi32> to vector<16xi32>
    %lt3A_1253 = vector.broadcast %mul3A_438 : i32 to vector<16xi32>
    %lt3A_1254 = arith.cmpi slt, %get3A_1252, %lt3A_1253 : vector<16xi32>
    %select_n3A_1255 = arith.select %lt3A_1254, %broadcast_in_dim3A_446, %broadcast_in_dim3A_448 : vector<16xi1>, vector<16xi32>
    %add3A_1256 = arith.addi %add3A_1245, %select_n3A_1255 : vector<16xi32>
    %lt3A_1257 = vector.broadcast %add3A_440 : i32 to vector<16xi32>
    %lt3A_1258 = arith.cmpi slt, %get3A_1252, %lt3A_1257 : vector<16xi32>
    %select_n3A_1259 = arith.select %lt3A_1258, %broadcast_in_dim3A_446, %broadcast_in_dim3A_448 : vector<16xi1>, vector<16xi32>
    %add3A_1260 = arith.addi %add3A_1249, %select_n3A_1259 : vector<16xi32>
    %get3A_1261 = arith.constant 1184 : index
    %get3A_1262 = tpu.vector_load %arg10[%get3A_1261] {strides = array<i32>} : memref<1568xi32, #tpu.memory_space<vmem>>, vector<16xi32>,
    %get3A_1263 = vector.shape_cast %get3A_1262 : vector<16xi32> to vector<16xi32>
    %lt3A_1264 = vector.broadcast %mul3A_438 : i32 to vector<16xi32>
    %lt3A_1265 = arith.cmpi slt, %get3A_1263, %lt3A_1264 : vector<16xi32>
    %select_n3A_1266 = arith.select %lt3A_1265, %broadcast_in_dim3A_446, %broadcast_in_dim3A_448 : vector<16xi1>, vector<16xi32>
    %add3A_1267 = arith.addi %add3A_1256, %select_n3A_1266 : vector<16xi32>
    %lt3A_1268 = vector.broadcast %add3A_440 : i32 to vector<16xi32>
    %lt3A_1269 = arith.cmpi slt, %get3A_1263, %lt3A_1268 : vector<16xi32>
    %select_n3A_1270 = arith.select %lt3A_1269, %broadcast_in_dim3A_446, %broadcast_in_dim3A_448 : vector<16xi1>, vector<16xi32>
    %add3A_1271 = arith.addi %add3A_1260, %select_n3A_1270 : vector<16xi32>
    %get3A_1272 = arith.constant 1200 : index
    %get3A_1273 = tpu.vector_load %arg10[%get3A_1272] {strides = array<i32>} : memref<1568xi32, #tpu.memory_space<vmem>>, vector<16xi32>,
    %get3A_1274 = vector.shape_cast %get3A_1273 : vector<16xi32> to vector<16xi32>
    %lt3A_1275 = vector.broadcast %mul3A_438 : i32 to vector<16xi32>
    %lt3A_1276 = arith.cmpi slt, %get3A_1274, %lt3A_1275 : vector<16xi32>
    %select_n3A_1277 = arith.select %lt3A_1276, %broadcast_in_dim3A_446, %broadcast_in_dim3A_448 : vector<16xi1>, vector<16xi32>
    %add3A_1278 = arith.addi %add3A_1267, %select_n3A_1277 : vector<16xi32>
    %lt3A_1279 = vector.broadcast %add3A_440 : i32 to vector<16xi32>
    %lt3A_1280 = arith.cmpi slt, %get3A_1274, %lt3A_1279 : vector<16xi32>
    %select_n3A_1281 = arith.select %lt3A_1280, %broadcast_in_dim3A_446, %broadcast_in_dim3A_448 : vector<16xi1>, vector<16xi32>
    %add3A_1282 = arith.addi %add3A_1271, %select_n3A_1281 : vector<16xi32>
    %get3A_1283 = arith.constant 1216 : index
    %get3A_1284 = tpu.vector_load %arg10[%get3A_1283] {strides = array<i32>} : memref<1568xi32, #tpu.memory_space<vmem>>, vector<16xi32>,
    %get3A_1285 = vector.shape_cast %get3A_1284 : vector<16xi32> to vector<16xi32>
    %lt3A_1286 = vector.broadcast %mul3A_438 : i32 to vector<16xi32>
    %lt3A_1287 = arith.cmpi slt, %get3A_1285, %lt3A_1286 : vector<16xi32>
    %select_n3A_1288 = arith.select %lt3A_1287, %broadcast_in_dim3A_446, %broadcast_in_dim3A_448 : vector<16xi1>, vector<16xi32>
    %add3A_1289 = arith.addi %add3A_1278, %select_n3A_1288 : vector<16xi32>
    %lt3A_1290 = vector.broadcast %add3A_440 : i32 to vector<16xi32>
    %lt3A_1291 = arith.cmpi slt, %get3A_1285, %lt3A_1290 : vector<16xi32>
    %select_n3A_1292 = arith.select %lt3A_1291, %broadcast_in_dim3A_446, %broadcast_in_dim3A_448 : vector<16xi1>, vector<16xi32>
    %add3A_1293 = arith.addi %add3A_1282, %select_n3A_1292 : vector<16xi32>
    %get3A_1294 = arith.constant 1232 : index
    %get3A_1295 = tpu.vector_load %arg10[%get3A_1294] {strides = array<i32>} : memref<1568xi32, #tpu.memory_space<vmem>>, vector<16xi32>,
    %get3A_1296 = vector.shape_cast %get3A_1295 : vector<16xi32> to vector<16xi32>
    %lt3A_1297 = vector.broadcast %mul3A_438 : i32 to vector<16xi32>
    %lt3A_1298 = arith.cmpi slt, %get3A_1296, %lt3A_1297 : vector<16xi32>
    %select_n3A_1299 = arith.select %lt3A_1298, %broadcast_in_dim3A_446, %broadcast_in_dim3A_448 : vector<16xi1>, vector<16xi32>
    %add3A_1300 = arith.addi %add3A_1289, %select_n3A_1299 : vector<16xi32>
    %lt3A_1301 = vector.broadcast %add3A_440 : i32 to vector<16xi32>
    %lt3A_1302 = arith.cmpi slt, %get3A_1296, %lt3A_1301 : vector<16xi32>
    %select_n3A_1303 = arith.select %lt3A_1302, %broadcast_in_dim3A_446, %broadcast_in_dim3A_448 : vector<16xi1>, vector<16xi32>
    %add3A_1304 = arith.addi %add3A_1293, %select_n3A_1303 : vector<16xi32>
    %get3A_1305 = arith.constant 1248 : index
    %get3A_1306 = tpu.vector_load %arg10[%get3A_1305] {strides = array<i32>} : memref<1568xi32, #tpu.memory_space<vmem>>, vector<16xi32>,
    %get3A_1307 = vector.shape_cast %get3A_1306 : vector<16xi32> to vector<16xi32>
    %lt3A_1308 = vector.broadcast %mul3A_438 : i32 to vector<16xi32>
    %lt3A_1309 = arith.cmpi slt, %get3A_1307, %lt3A_1308 : vector<16xi32>
    %select_n3A_1310 = arith.select %lt3A_1309, %broadcast_in_dim3A_446, %broadcast_in_dim3A_448 : vector<16xi1>, vector<16xi32>
    %add3A_1311 = arith.addi %add3A_1300, %select_n3A_1310 : vector<16xi32>
    %lt3A_1312 = vector.broadcast %add3A_440 : i32 to vector<16xi32>
    %lt3A_1313 = arith.cmpi slt, %get3A_1307, %lt3A_1312 : vector<16xi32>
    %select_n3A_1314 = arith.select %lt3A_1313, %broadcast_in_dim3A_446, %broadcast_in_dim3A_448 : vector<16xi1>, vector<16xi32>
    %add3A_1315 = arith.addi %add3A_1304, %select_n3A_1314 : vector<16xi32>
    %get3A_1316 = arith.constant 1264 : index
    %get3A_1317 = tpu.vector_load %arg10[%get3A_1316] {strides = array<i32>} : memref<1568xi32, #tpu.memory_space<vmem>>, vector<16xi32>,
    %get3A_1318 = vector.shape_cast %get3A_1317 : vector<16xi32> to vector<16xi32>
    %lt3A_1319 = vector.broadcast %mul3A_438 : i32 to vector<16xi32>
    %lt3A_1320 = arith.cmpi slt, %get3A_1318, %lt3A_1319 : vector<16xi32>
    %select_n3A_1321 = arith.select %lt3A_1320, %broadcast_in_dim3A_446, %broadcast_in_dim3A_448 : vector<16xi1>, vector<16xi32>
    %add3A_1322 = arith.addi %add3A_1311, %select_n3A_1321 : vector<16xi32>
    %lt3A_1323 = vector.broadcast %add3A_440 : i32 to vector<16xi32>
    %lt3A_1324 = arith.cmpi slt, %get3A_1318, %lt3A_1323 : vector<16xi32>
    %select_n3A_1325 = arith.select %lt3A_1324, %broadcast_in_dim3A_446, %broadcast_in_dim3A_448 : vector<16xi1>, vector<16xi32>
    %add3A_1326 = arith.addi %add3A_1315, %select_n3A_1325 : vector<16xi32>
    %get3A_1327 = arith.constant 1280 : index
    %get3A_1328 = tpu.vector_load %arg10[%get3A_1327] {strides = array<i32>} : memref<1568xi32, #tpu.memory_space<vmem>>, vector<16xi32>,
    %get3A_1329 = vector.shape_cast %get3A_1328 : vector<16xi32> to vector<16xi32>
    %lt3A_1330 = vector.broadcast %mul3A_438 : i32 to vector<16xi32>
    %lt3A_1331 = arith.cmpi slt, %get3A_1329, %lt3A_1330 : vector<16xi32>
    %select_n3A_1332 = arith.select %lt3A_1331, %broadcast_in_dim3A_446, %broadcast_in_dim3A_448 : vector<16xi1>, vector<16xi32>
    %add3A_1333 = arith.addi %add3A_1322, %select_n3A_1332 : vector<16xi32>
    %lt3A_1334 = vector.broadcast %add3A_440 : i32 to vector<16xi32>
    %lt3A_1335 = arith.cmpi slt, %get3A_1329, %lt3A_1334 : vector<16xi32>
    %select_n3A_1336 = arith.select %lt3A_1335, %broadcast_in_dim3A_446, %broadcast_in_dim3A_448 : vector<16xi1>, vector<16xi32>
    %add3A_1337 = arith.addi %add3A_1326, %select_n3A_1336 : vector<16xi32>
    %get3A_1338 = arith.constant 1296 : index
    %get3A_1339 = tpu.vector_load %arg10[%get3A_1338] {strides = array<i32>} : memref<1568xi32, #tpu.memory_space<vmem>>, vector<16xi32>,
    %get3A_1340 = vector.shape_cast %get3A_1339 : vector<16xi32> to vector<16xi32>
    %lt3A_1341 = vector.broadcast %mul3A_438 : i32 to vector<16xi32>
    %lt3A_1342 = arith.cmpi slt, %get3A_1340, %lt3A_1341 : vector<16xi32>
    %select_n3A_1343 = arith.select %lt3A_1342, %broadcast_in_dim3A_446, %broadcast_in_dim3A_448 : vector<16xi1>, vector<16xi32>
    %add3A_1344 = arith.addi %add3A_1333, %select_n3A_1343 : vector<16xi32>
    %lt3A_1345 = vector.broadcast %add3A_440 : i32 to vector<16xi32>
    %lt3A_1346 = arith.cmpi slt, %get3A_1340, %lt3A_1345 : vector<16xi32>
    %select_n3A_1347 = arith.select %lt3A_1346, %broadcast_in_dim3A_446, %broadcast_in_dim3A_448 : vector<16xi1>, vector<16xi32>
    %add3A_1348 = arith.addi %add3A_1337, %select_n3A_1347 : vector<16xi32>
    %get3A_1349 = arith.constant 1312 : index
    %get3A_1350 = tpu.vector_load %arg10[%get3A_1349] {strides = array<i32>} : memref<1568xi32, #tpu.memory_space<vmem>>, vector<16xi32>,
    %get3A_1351 = vector.shape_cast %get3A_1350 : vector<16xi32> to vector<16xi32>
    %lt3A_1352 = vector.broadcast %mul3A_438 : i32 to vector<16xi32>
    %lt3A_1353 = arith.cmpi slt, %get3A_1351, %lt3A_1352 : vector<16xi32>
    %select_n3A_1354 = arith.select %lt3A_1353, %broadcast_in_dim3A_446, %broadcast_in_dim3A_448 : vector<16xi1>, vector<16xi32>
    %add3A_1355 = arith.addi %add3A_1344, %select_n3A_1354 : vector<16xi32>
    %lt3A_1356 = vector.broadcast %add3A_440 : i32 to vector<16xi32>
    %lt3A_1357 = arith.cmpi slt, %get3A_1351, %lt3A_1356 : vector<16xi32>
    %select_n3A_1358 = arith.select %lt3A_1357, %broadcast_in_dim3A_446, %broadcast_in_dim3A_448 : vector<16xi1>, vector<16xi32>
    %add3A_1359 = arith.addi %add3A_1348, %select_n3A_1358 : vector<16xi32>
    %get3A_1360 = arith.constant 1328 : index
    %get3A_1361 = tpu.vector_load %arg10[%get3A_1360] {strides = array<i32>} : memref<1568xi32, #tpu.memory_space<vmem>>, vector<16xi32>,
    %get3A_1362 = vector.shape_cast %get3A_1361 : vector<16xi32> to vector<16xi32>
    %lt3A_1363 = vector.broadcast %mul3A_438 : i32 to vector<16xi32>
    %lt3A_1364 = arith.cmpi slt, %get3A_1362, %lt3A_1363 : vector<16xi32>
    %select_n3A_1365 = arith.select %lt3A_1364, %broadcast_in_dim3A_446, %broadcast_in_dim3A_448 : vector<16xi1>, vector<16xi32>
    %add3A_1366 = arith.addi %add3A_1355, %select_n3A_1365 : vector<16xi32>
    %lt3A_1367 = vector.broadcast %add3A_440 : i32 to vector<16xi32>
    %lt3A_1368 = arith.cmpi slt, %get3A_1362, %lt3A_1367 : vector<16xi32>
    %select_n3A_1369 = arith.select %lt3A_1368, %broadcast_in_dim3A_446, %broadcast_in_dim3A_448 : vector<16xi1>, vector<16xi32>
    %add3A_1370 = arith.addi %add3A_1359, %select_n3A_1369 : vector<16xi32>
    %get3A_1371 = arith.constant 1344 : index
    %get3A_1372 = tpu.vector_load %arg10[%get3A_1371] {strides = array<i32>} : memref<1568xi32, #tpu.memory_space<vmem>>, vector<16xi32>,
    %get3A_1373 = vector.shape_cast %get3A_1372 : vector<16xi32> to vector<16xi32>
    %lt3A_1374 = vector.broadcast %mul3A_438 : i32 to vector<16xi32>
    %lt3A_1375 = arith.cmpi slt, %get3A_1373, %lt3A_1374 : vector<16xi32>
    %select_n3A_1376 = arith.select %lt3A_1375, %broadcast_in_dim3A_446, %broadcast_in_dim3A_448 : vector<16xi1>, vector<16xi32>
    %add3A_1377 = arith.addi %add3A_1366, %select_n3A_1376 : vector<16xi32>
    %lt3A_1378 = vector.broadcast %add3A_440 : i32 to vector<16xi32>
    %lt3A_1379 = arith.cmpi slt, %get3A_1373, %lt3A_1378 : vector<16xi32>
    %select_n3A_1380 = arith.select %lt3A_1379, %broadcast_in_dim3A_446, %broadcast_in_dim3A_448 : vector<16xi1>, vector<16xi32>
    %add3A_1381 = arith.addi %add3A_1370, %select_n3A_1380 : vector<16xi32>
    %get3A_1382 = arith.constant 1360 : index
    %get3A_1383 = tpu.vector_load %arg10[%get3A_1382] {strides = array<i32>} : memref<1568xi32, #tpu.memory_space<vmem>>, vector<16xi32>,
    %get3A_1384 = vector.shape_cast %get3A_1383 : vector<16xi32> to vector<16xi32>
    %lt3A_1385 = vector.broadcast %mul3A_438 : i32 to vector<16xi32>
    %lt3A_1386 = arith.cmpi slt, %get3A_1384, %lt3A_1385 : vector<16xi32>
    %select_n3A_1387 = arith.select %lt3A_1386, %broadcast_in_dim3A_446, %broadcast_in_dim3A_448 : vector<16xi1>, vector<16xi32>
    %add3A_1388 = arith.addi %add3A_1377, %select_n3A_1387 : vector<16xi32>
    %lt3A_1389 = vector.broadcast %add3A_440 : i32 to vector<16xi32>
    %lt3A_1390 = arith.cmpi slt, %get3A_1384, %lt3A_1389 : vector<16xi32>
    %select_n3A_1391 = arith.select %lt3A_1390, %broadcast_in_dim3A_446, %broadcast_in_dim3A_448 : vector<16xi1>, vector<16xi32>
    %add3A_1392 = arith.addi %add3A_1381, %select_n3A_1391 : vector<16xi32>
    %get3A_1393 = arith.constant 1376 : index
    %get3A_1394 = tpu.vector_load %arg10[%get3A_1393] {strides = array<i32>} : memref<1568xi32, #tpu.memory_space<vmem>>, vector<16xi32>,
    %get3A_1395 = vector.shape_cast %get3A_1394 : vector<16xi32> to vector<16xi32>
    %lt3A_1396 = vector.broadcast %mul3A_438 : i32 to vector<16xi32>
    %lt3A_1397 = arith.cmpi slt, %get3A_1395, %lt3A_1396 : vector<16xi32>
    %select_n3A_1398 = arith.select %lt3A_1397, %broadcast_in_dim3A_446, %broadcast_in_dim3A_448 : vector<16xi1>, vector<16xi32>
    %add3A_1399 = arith.addi %add3A_1388, %select_n3A_1398 : vector<16xi32>
    %lt3A_1400 = vector.broadcast %add3A_440 : i32 to vector<16xi32>
    %lt3A_1401 = arith.cmpi slt, %get3A_1395, %lt3A_1400 : vector<16xi32>
    %select_n3A_1402 = arith.select %lt3A_1401, %broadcast_in_dim3A_446, %broadcast_in_dim3A_448 : vector<16xi1>, vector<16xi32>
    %add3A_1403 = arith.addi %add3A_1392, %select_n3A_1402 : vector<16xi32>
    %get3A_1404 = arith.constant 1392 : index
    %get3A_1405 = tpu.vector_load %arg10[%get3A_1404] {strides = array<i32>} : memref<1568xi32, #tpu.memory_space<vmem>>, vector<16xi32>,
    %get3A_1406 = vector.shape_cast %get3A_1405 : vector<16xi32> to vector<16xi32>
    %lt3A_1407 = vector.broadcast %mul3A_438 : i32 to vector<16xi32>
    %lt3A_1408 = arith.cmpi slt, %get3A_1406, %lt3A_1407 : vector<16xi32>
    %select_n3A_1409 = arith.select %lt3A_1408, %broadcast_in_dim3A_446, %broadcast_in_dim3A_448 : vector<16xi1>, vector<16xi32>
    %add3A_1410 = arith.addi %add3A_1399, %select_n3A_1409 : vector<16xi32>
    %lt3A_1411 = vector.broadcast %add3A_440 : i32 to vector<16xi32>
    %lt3A_1412 = arith.cmpi slt, %get3A_1406, %lt3A_1411 : vector<16xi32>
    %select_n3A_1413 = arith.select %lt3A_1412, %broadcast_in_dim3A_446, %broadcast_in_dim3A_448 : vector<16xi1>, vector<16xi32>
    %add3A_1414 = arith.addi %add3A_1403, %select_n3A_1413 : vector<16xi32>
    %get3A_1415 = arith.constant 1408 : index
    %get3A_1416 = tpu.vector_load %arg10[%get3A_1415] {strides = array<i32>} : memref<1568xi32, #tpu.memory_space<vmem>>, vector<16xi32>,
    %get3A_1417 = vector.shape_cast %get3A_1416 : vector<16xi32> to vector<16xi32>
    %lt3A_1418 = vector.broadcast %mul3A_438 : i32 to vector<16xi32>
    %lt3A_1419 = arith.cmpi slt, %get3A_1417, %lt3A_1418 : vector<16xi32>
    %select_n3A_1420 = arith.select %lt3A_1419, %broadcast_in_dim3A_446, %broadcast_in_dim3A_448 : vector<16xi1>, vector<16xi32>
    %add3A_1421 = arith.addi %add3A_1410, %select_n3A_1420 : vector<16xi32>
    %lt3A_1422 = vector.broadcast %add3A_440 : i32 to vector<16xi32>
    %lt3A_1423 = arith.cmpi slt, %get3A_1417, %lt3A_1422 : vector<16xi32>
    %select_n3A_1424 = arith.select %lt3A_1423, %broadcast_in_dim3A_446, %broadcast_in_dim3A_448 : vector<16xi1>, vector<16xi32>
    %add3A_1425 = arith.addi %add3A_1414, %select_n3A_1424 : vector<16xi32>
    %get3A_1426 = arith.constant 1424 : index
    %get3A_1427 = tpu.vector_load %arg10[%get3A_1426] {strides = array<i32>} : memref<1568xi32, #tpu.memory_space<vmem>>, vector<16xi32>,
    %get3A_1428 = vector.shape_cast %get3A_1427 : vector<16xi32> to vector<16xi32>
    %lt3A_1429 = vector.broadcast %mul3A_438 : i32 to vector<16xi32>
    %lt3A_1430 = arith.cmpi slt, %get3A_1428, %lt3A_1429 : vector<16xi32>
    %select_n3A_1431 = arith.select %lt3A_1430, %broadcast_in_dim3A_446, %broadcast_in_dim3A_448 : vector<16xi1>, vector<16xi32>
    %add3A_1432 = arith.addi %add3A_1421, %select_n3A_1431 : vector<16xi32>
    %lt3A_1433 = vector.broadcast %add3A_440 : i32 to vector<16xi32>
    %lt3A_1434 = arith.cmpi slt, %get3A_1428, %lt3A_1433 : vector<16xi32>
    %select_n3A_1435 = arith.select %lt3A_1434, %broadcast_in_dim3A_446, %broadcast_in_dim3A_448 : vector<16xi1>, vector<16xi32>
    %add3A_1436 = arith.addi %add3A_1425, %select_n3A_1435 : vector<16xi32>
    %get3A_1437 = arith.constant 1440 : index
    %get3A_1438 = tpu.vector_load %arg10[%get3A_1437] {strides = array<i32>} : memref<1568xi32, #tpu.memory_space<vmem>>, vector<16xi32>,
    %get3A_1439 = vector.shape_cast %get3A_1438 : vector<16xi32> to vector<16xi32>
    %lt3A_1440 = vector.broadcast %mul3A_438 : i32 to vector<16xi32>
    %lt3A_1441 = arith.cmpi slt, %get3A_1439, %lt3A_1440 : vector<16xi32>
    %select_n3A_1442 = arith.select %lt3A_1441, %broadcast_in_dim3A_446, %broadcast_in_dim3A_448 : vector<16xi1>, vector<16xi32>
    %add3A_1443 = arith.addi %add3A_1432, %select_n3A_1442 : vector<16xi32>
    %lt3A_1444 = vector.broadcast %add3A_440 : i32 to vector<16xi32>
    %lt3A_1445 = arith.cmpi slt, %get3A_1439, %lt3A_1444 : vector<16xi32>
    %select_n3A_1446 = arith.select %lt3A_1445, %broadcast_in_dim3A_446, %broadcast_in_dim3A_448 : vector<16xi1>, vector<16xi32>
    %add3A_1447 = arith.addi %add3A_1436, %select_n3A_1446 : vector<16xi32>
    %get3A_1448 = arith.constant 1456 : index
    %get3A_1449 = tpu.vector_load %arg10[%get3A_1448] {strides = array<i32>} : memref<1568xi32, #tpu.memory_space<vmem>>, vector<16xi32>,
    %get3A_1450 = vector.shape_cast %get3A_1449 : vector<16xi32> to vector<16xi32>
    %lt3A_1451 = vector.broadcast %mul3A_438 : i32 to vector<16xi32>
    %lt3A_1452 = arith.cmpi slt, %get3A_1450, %lt3A_1451 : vector<16xi32>
    %select_n3A_1453 = arith.select %lt3A_1452, %broadcast_in_dim3A_446, %broadcast_in_dim3A_448 : vector<16xi1>, vector<16xi32>
    %add3A_1454 = arith.addi %add3A_1443, %select_n3A_1453 : vector<16xi32>
    %lt3A_1455 = vector.broadcast %add3A_440 : i32 to vector<16xi32>
    %lt3A_1456 = arith.cmpi slt, %get3A_1450, %lt3A_1455 : vector<16xi32>
    %select_n3A_1457 = arith.select %lt3A_1456, %broadcast_in_dim3A_446, %broadcast_in_dim3A_448 : vector<16xi1>, vector<16xi32>
    %add3A_1458 = arith.addi %add3A_1447, %select_n3A_1457 : vector<16xi32>
    %get3A_1459 = arith.constant 1472 : index
    %get3A_1460 = tpu.vector_load %arg10[%get3A_1459] {strides = array<i32>} : memref<1568xi32, #tpu.memory_space<vmem>>, vector<16xi32>,
    %get3A_1461 = vector.shape_cast %get3A_1460 : vector<16xi32> to vector<16xi32>
    %lt3A_1462 = vector.broadcast %mul3A_438 : i32 to vector<16xi32>
    %lt3A_1463 = arith.cmpi slt, %get3A_1461, %lt3A_1462 : vector<16xi32>
    %select_n3A_1464 = arith.select %lt3A_1463, %broadcast_in_dim3A_446, %broadcast_in_dim3A_448 : vector<16xi1>, vector<16xi32>
    %add3A_1465 = arith.addi %add3A_1454, %select_n3A_1464 : vector<16xi32>
    %lt3A_1466 = vector.broadcast %add3A_440 : i32 to vector<16xi32>
    %lt3A_1467 = arith.cmpi slt, %get3A_1461, %lt3A_1466 : vector<16xi32>
    %select_n3A_1468 = arith.select %lt3A_1467, %broadcast_in_dim3A_446, %broadcast_in_dim3A_448 : vector<16xi1>, vector<16xi32>
    %add3A_1469 = arith.addi %add3A_1458, %select_n3A_1468 : vector<16xi32>
    %get3A_1470 = arith.constant 1488 : index
    %get3A_1471 = tpu.vector_load %arg10[%get3A_1470] {strides = array<i32>} : memref<1568xi32, #tpu.memory_space<vmem>>, vector<16xi32>,
    %get3A_1472 = vector.shape_cast %get3A_1471 : vector<16xi32> to vector<16xi32>
    %lt3A_1473 = vector.broadcast %mul3A_438 : i32 to vector<16xi32>
    %lt3A_1474 = arith.cmpi slt, %get3A_1472, %lt3A_1473 : vector<16xi32>
    %select_n3A_1475 = arith.select %lt3A_1474, %broadcast_in_dim3A_446, %broadcast_in_dim3A_448 : vector<16xi1>, vector<16xi32>
    %add3A_1476 = arith.addi %add3A_1465, %select_n3A_1475 : vector<16xi32>
    %lt3A_1477 = vector.broadcast %add3A_440 : i32 to vector<16xi32>
    %lt3A_1478 = arith.cmpi slt, %get3A_1472, %lt3A_1477 : vector<16xi32>
    %select_n3A_1479 = arith.select %lt3A_1478, %broadcast_in_dim3A_446, %broadcast_in_dim3A_448 : vector<16xi1>, vector<16xi32>
    %add3A_1480 = arith.addi %add3A_1469, %select_n3A_1479 : vector<16xi32>
    %get3A_1481 = arith.constant 1504 : index
    %get3A_1482 = tpu.vector_load %arg10[%get3A_1481] {strides = array<i32>} : memref<1568xi32, #tpu.memory_space<vmem>>, vector<16xi32>,
    %get3A_1483 = vector.shape_cast %get3A_1482 : vector<16xi32> to vector<16xi32>
    %lt3A_1484 = vector.broadcast %mul3A_438 : i32 to vector<16xi32>
    %lt3A_1485 = arith.cmpi slt, %get3A_1483, %lt3A_1484 : vector<16xi32>
    %select_n3A_1486 = arith.select %lt3A_1485, %broadcast_in_dim3A_446, %broadcast_in_dim3A_448 : vector<16xi1>, vector<16xi32>
    %add3A_1487 = arith.addi %add3A_1476, %select_n3A_1486 : vector<16xi32>
    %lt3A_1488 = vector.broadcast %add3A_440 : i32 to vector<16xi32>
    %lt3A_1489 = arith.cmpi slt, %get3A_1483, %lt3A_1488 : vector<16xi32>
    %select_n3A_1490 = arith.select %lt3A_1489, %broadcast_in_dim3A_446, %broadcast_in_dim3A_448 : vector<16xi1>, vector<16xi32>
    %add3A_1491 = arith.addi %add3A_1480, %select_n3A_1490 : vector<16xi32>
    %get3A_1492 = arith.constant 1520 : index
    %get3A_1493 = tpu.vector_load %arg10[%get3A_1492] {strides = array<i32>} : memref<1568xi32, #tpu.memory_space<vmem>>, vector<16xi32>,
    %get3A_1494 = vector.shape_cast %get3A_1493 : vector<16xi32> to vector<16xi32>
    %lt3A_1495 = vector.broadcast %mul3A_438 : i32 to vector<16xi32>
    %lt3A_1496 = arith.cmpi slt, %get3A_1494, %lt3A_1495 : vector<16xi32>
    %select_n3A_1497 = arith.select %lt3A_1496, %broadcast_in_dim3A_446, %broadcast_in_dim3A_448 : vector<16xi1>, vector<16xi32>
    %add3A_1498 = arith.addi %add3A_1487, %select_n3A_1497 : vector<16xi32>
    %lt3A_1499 = vector.broadcast %add3A_440 : i32 to vector<16xi32>
    %lt3A_1500 = arith.cmpi slt, %get3A_1494, %lt3A_1499 : vector<16xi32>
    %select_n3A_1501 = arith.select %lt3A_1500, %broadcast_in_dim3A_446, %broadcast_in_dim3A_448 : vector<16xi1>, vector<16xi32>
    %add3A_1502 = arith.addi %add3A_1491, %select_n3A_1501 : vector<16xi32>
    %get3A_1503 = arith.constant 1536 : index
    %get3A_1504 = tpu.vector_load %arg10[%get3A_1503] {strides = array<i32>} : memref<1568xi32, #tpu.memory_space<vmem>>, vector<16xi32>,
    %get3A_1505 = vector.shape_cast %get3A_1504 : vector<16xi32> to vector<16xi32>
    %lt3A_1506 = vector.broadcast %mul3A_438 : i32 to vector<16xi32>
    %lt3A_1507 = arith.cmpi slt, %get3A_1505, %lt3A_1506 : vector<16xi32>
    %select_n3A_1508 = arith.select %lt3A_1507, %broadcast_in_dim3A_446, %broadcast_in_dim3A_448 : vector<16xi1>, vector<16xi32>
    %add3A_1509 = arith.addi %add3A_1498, %select_n3A_1508 : vector<16xi32>
    %lt3A_1510 = vector.broadcast %add3A_440 : i32 to vector<16xi32>
    %lt3A_1511 = arith.cmpi slt, %get3A_1505, %lt3A_1510 : vector<16xi32>
    %select_n3A_1512 = arith.select %lt3A_1511, %broadcast_in_dim3A_446, %broadcast_in_dim3A_448 : vector<16xi1>, vector<16xi32>
    %add3A_1513 = arith.addi %add3A_1502, %select_n3A_1512 : vector<16xi32>
    %get3A_1514 = arith.constant 1552 : index
    %get3A_1515 = tpu.vector_load %arg10[%get3A_1514] {strides = array<i32>} : memref<1568xi32, #tpu.memory_space<vmem>>, vector<16xi32>,
    %get3A_1516 = vector.shape_cast %get3A_1515 : vector<16xi32> to vector<16xi32>
    %lt3A_1517 = vector.broadcast %mul3A_438 : i32 to vector<16xi32>
    %lt3A_1518 = arith.cmpi slt, %get3A_1516, %lt3A_1517 : vector<16xi32>
    %select_n3A_1519 = arith.select %lt3A_1518, %broadcast_in_dim3A_446, %broadcast_in_dim3A_448 : vector<16xi1>, vector<16xi32>
    %add3A_1520 = arith.addi %add3A_1509, %select_n3A_1519 : vector<16xi32>
    %lt3A_1521 = vector.broadcast %add3A_440 : i32 to vector<16xi32>
    %lt3A_1522 = arith.cmpi slt, %get3A_1516, %lt3A_1521 : vector<16xi32>
    %select_n3A_1523 = arith.select %lt3A_1522, %broadcast_in_dim3A_446, %broadcast_in_dim3A_448 : vector<16xi1>, vector<16xi32>
    %add3A_1524 = arith.addi %add3A_1513, %select_n3A_1523 : vector<16xi32>
    %iota3A = tpu.iota {dimensions = array<i32: 0>} : vector<16xi32>
    %add3A_1525 = arith.constant 8 : i32
    %add3A_1526 = vector.broadcast %add3A_1525 : i32 to vector<16xi32>
    %add3A_1527 = arith.addi %iota3A, %add3A_1526 : vector<16xi32>
    %and3A = arith.constant 15 : i32
    %and3A_1528 = vector.broadcast %and3A : i32 to vector<16xi32>
    %and3A_1529 = arith.andi %add3A_1527, %and3A_1528 : vector<16xi32>
    %reshape3A = vector.shape_cast %and3A_1529 : vector<16xi32> to vector<16x1xi32>
    %gather3A = vector.shape_cast %reshape3A : vector<16x1xi32> to vector<16xi32>
    %gather3A_1530 = tpu.dynamic_gather %add3A_1520[%gather3A] in [0] : vector<16xi32>, vector<16xi32> -> vector<16xi32>
    %add3A_1531 = arith.addi %add3A_1520, %gather3A_1530 : vector<16xi32>
    %add3A_1532 = arith.constant 4 : i32
    %add3A_1533 = vector.broadcast %add3A_1532 : i32 to vector<16xi32>
    %add3A_1534 = arith.addi %iota3A, %add3A_1533 : vector<16xi32>
    %and3A_1535 = arith.constant 15 : i32
    %and3A_1536 = vector.broadcast %and3A_1535 : i32 to vector<16xi32>
    %and3A_1537 = arith.andi %add3A_1534, %and3A_1536 : vector<16xi32>
    %reshape3A_1538 = vector.shape_cast %and3A_1537 : vector<16xi32> to vector<16x1xi32>
    %gather3A_1539 = vector.shape_cast %reshape3A_1538 : vector<16x1xi32> to vector<16xi32>
    %gather3A_1540 = tpu.dynamic_gather %add3A_1531[%gather3A_1539] in [0] : vector<16xi32>, vector<16xi32> -> vector<16xi32>
    %add3A_1541 = arith.addi %add3A_1531, %gather3A_1540 : vector<16xi32>
    %add3A_1542 = arith.constant 2 : i32
    %add3A_1543 = vector.broadcast %add3A_1542 : i32 to vector<16xi32>
    %add3A_1544 = arith.addi %iota3A, %add3A_1543 : vector<16xi32>
    %and3A_1545 = arith.constant 15 : i32
    %and3A_1546 = vector.broadcast %and3A_1545 : i32 to vector<16xi32>
    %and3A_1547 = arith.andi %add3A_1544, %and3A_1546 : vector<16xi32>
    %reshape3A_1548 = vector.shape_cast %and3A_1547 : vector<16xi32> to vector<16x1xi32>
    %gather3A_1549 = vector.shape_cast %reshape3A_1548 : vector<16x1xi32> to vector<16xi32>
    %gather3A_1550 = tpu.dynamic_gather %add3A_1541[%gather3A_1549] in [0] : vector<16xi32>, vector<16xi32> -> vector<16xi32>
    %add3A_1551 = arith.addi %add3A_1541, %gather3A_1550 : vector<16xi32>
    %add3A_1552 = arith.constant 1 : i32
    %add3A_1553 = vector.broadcast %add3A_1552 : i32 to vector<16xi32>
    %add3A_1554 = arith.addi %iota3A, %add3A_1553 : vector<16xi32>
    %and3A_1555 = arith.constant 15 : i32
    %and3A_1556 = vector.broadcast %and3A_1555 : i32 to vector<16xi32>
    %and3A_1557 = arith.andi %add3A_1554, %and3A_1556 : vector<16xi32>
    %reshape3A_1558 = vector.shape_cast %and3A_1557 : vector<16xi32> to vector<16x1xi32>
    %gather3A_1559 = vector.shape_cast %reshape3A_1558 : vector<16x1xi32> to vector<16xi32>
    %gather3A_1560 = tpu.dynamic_gather %add3A_1551[%gather3A_1559] in [0] : vector<16xi32>, vector<16xi32> -> vector<16xi32>
    %add3A_1561 = arith.addi %add3A_1551, %gather3A_1560 : vector<16xi32>
    %iota3A_1562 = tpu.iota {dimensions = array<i32: 0>} : vector<16xi32>
    %add3A_1563 = arith.constant 8 : i32
    %add3A_1564 = vector.broadcast %add3A_1563 : i32 to vector<16xi32>
    %add3A_1565 = arith.addi %iota3A_1562, %add3A_1564 : vector<16xi32>
    %and3A_1566 = arith.constant 15 : i32
    %and3A_1567 = vector.broadcast %and3A_1566 : i32 to vector<16xi32>
    %and3A_1568 = arith.andi %add3A_1565, %and3A_1567 : vector<16xi32>
    %reshape3A_1569 = vector.shape_cast %and3A_1568 : vector<16xi32> to vector<16x1xi32>
    %gather3A_1570 = vector.shape_cast %reshape3A_1569 : vector<16x1xi32> to vector<16xi32>
    %gather3A_1571 = tpu.dynamic_gather %add3A_1524[%gather3A_1570] in [0] : vector<16xi32>, vector<16xi32> -> vector<16xi32>
    %add3A_1572 = arith.addi %add3A_1524, %gather3A_1571 : vector<16xi32>
    %add3A_1573 = arith.constant 4 : i32
    %add3A_1574 = vector.broadcast %add3A_1573 : i32 to vector<16xi32>
    %add3A_1575 = arith.addi %iota3A_1562, %add3A_1574 : vector<16xi32>
    %and3A_1576 = arith.constant 15 : i32
    %and3A_1577 = vector.broadcast %and3A_1576 : i32 to vector<16xi32>
    %and3A_1578 = arith.andi %add3A_1575, %and3A_1577 : vector<16xi32>
    %reshape3A_1579 = vector.shape_cast %and3A_1578 : vector<16xi32> to vector<16x1xi32>
    %gather3A_1580 = vector.shape_cast %reshape3A_1579 : vector<16x1xi32> to vector<16xi32>
    %gather3A_1581 = tpu.dynamic_gather %add3A_1572[%gather3A_1580] in [0] : vector<16xi32>, vector<16xi32> -> vector<16xi32>
    %add3A_1582 = arith.addi %add3A_1572, %gather3A_1581 : vector<16xi32>
    %add3A_1583 = arith.constant 2 : i32
    %add3A_1584 = vector.broadcast %add3A_1583 : i32 to vector<16xi32>
    %add3A_1585 = arith.addi %iota3A_1562, %add3A_1584 : vector<16xi32>
    %and3A_1586 = arith.constant 15 : i32
    %and3A_1587 = vector.broadcast %and3A_1586 : i32 to vector<16xi32>
    %and3A_1588 = arith.andi %add3A_1585, %and3A_1587 : vector<16xi32>
    %reshape3A_1589 = vector.shape_cast %and3A_1588 : vector<16xi32> to vector<16x1xi32>
    %gather3A_1590 = vector.shape_cast %reshape3A_1589 : vector<16x1xi32> to vector<16xi32>
    %gather3A_1591 = tpu.dynamic_gather %add3A_1582[%gather3A_1590] in [0] : vector<16xi32>, vector<16xi32> -> vector<16xi32>
    %add3A_1592 = arith.addi %add3A_1582, %gather3A_1591 : vector<16xi32>
    %add3A_1593 = arith.constant 1 : i32
    %add3A_1594 = vector.broadcast %add3A_1593 : i32 to vector<16xi32>
    %add3A_1595 = arith.addi %iota3A_1562, %add3A_1594 : vector<16xi32>
    %and3A_1596 = arith.constant 15 : i32
    %and3A_1597 = vector.broadcast %and3A_1596 : i32 to vector<16xi32>
    %and3A_1598 = arith.andi %add3A_1595, %and3A_1597 : vector<16xi32>
    %reshape3A_1599 = vector.shape_cast %and3A_1598 : vector<16xi32> to vector<16x1xi32>
    %gather3A_1600 = vector.shape_cast %reshape3A_1599 : vector<16x1xi32> to vector<16xi32>
    %gather3A_1601 = tpu.dynamic_gather %add3A_1592[%gather3A_1600] in [0] : vector<16xi32>, vector<16xi32> -> vector<16xi32>
    %add3A_1602 = arith.addi %add3A_1592, %gather3A_1601 : vector<16xi32>
    %get3A_1603 = arith.constant 0 : index
    %get3A_1604 = tpu.vector_load %arg10[%get3A_1603] {strides = array<i32>} : memref<1568xi32, #tpu.memory_space<vmem>>, vector<16xi32>,
    %get3A_1605 = vector.shape_cast %get3A_1604 : vector<16xi32> to vector<16xi32>
    %slice3A_1606 = vector.extract_strided_slice %get3A_1605 {offsets = [0], sizes = [1], strides = [1]} : vector<16xi32> to vector<1xi32>
    %squeeze3A_1607 = vector.extract %slice3A_1606[0] : i32 from vector<1xi32>
    %slice3A_1608 = vector.extract_strided_slice %add3A_1561 {offsets = [0], sizes = [1], strides = [1]} : vector<16xi32> to vector<1xi32>
    %squeeze3A_1609 = vector.extract %slice3A_1608[0] : i32 from vector<1xi32>
    %lt3A_1610 = arith.cmpi slt, %squeeze3A_1607, %mul3A_438 : i32
    %jit3A = arith.constant 1 : i32
    %jit3A_1611 = arith.constant 0 : i32
    %select_n3A_1612 = arith.select %lt3A_1610, %jit3A, %jit3A_1611 : i32
    %sub3A = arith.subi %squeeze3A_1609, %select_n3A_1612 : i32
    %slice3A_1613 = vector.extract_strided_slice %add3A_1602 {offsets = [0], sizes = [1], strides = [1]} : vector<16xi32> to vector<1xi32>
    %squeeze3A_1614 = vector.extract %slice3A_1613[0] : i32 from vector<1xi32>
    %sub3A_1615 = arith.subi %squeeze3A_1614, %sub3A : i32
    %gt3A = arith.constant 0 : i32
    %gt3A_1616 = arith.cmpi sgt, %sub3A_1615, %gt3A : i32
    %convert_element_type3A = arith.extui %gt3A_1616 : i1 to i32
    %cond3A = arith.constant 0 : i32
    %cond3A_1617 = arith.cmpi ne, %convert_element_type3A, %cond3A : i32
    scf.if %cond3A_1617 {
      %add3A_1649 = arith.constant 0 : i32
      %add3A_1650 = arith.addi %sub3A, %add3A_1649 : i32
      %mul3A_1651 = arith.constant 64 : i32
      %mul3A_1652 = arith.muli %add3A_1650, %mul3A_1651 : i32
      %min3A = arith.constant 99936 : i32
      %min3A_1653 = arith.minsi %mul3A_1652, %min3A : i32
      %dma_start3A = arith.constant 0 : i32
      %dma_start3A_1654 = tpu.memref_slice %arg2[%min3A_1653, %dma_start3A] : memref<100000x128xf32, #tpu.memory_space<hbm>> -> memref<64x128xf32, #tpu.memory_space<hbm>>
      %dma_start3A_1655 = arith.constant 0 : i32
      %dma_start3A_1656 = tpu.memref_slice %arg2[%min3A_1653, %dma_start3A_1655] : memref<100000x128xf32, #tpu.memory_space<hbm>> -> memref<64x128xf32, #tpu.memory_space<hbm>>
      tpu.enqueue_dma source(%dma_start3A_1656 : memref<64x128xf32, #tpu.memory_space<hbm>>) target(%arg11 : memref<64x128xf32, #tpu.memory_space<vmem>>) target_semaphore(%arg16 : memref<!tpu.dma_semaphore, #tpu.memory_space<semaphore_mem>>)
      %dma_start3A_1657 = arith.constant 0 : i32
      %dma_start3A_1658 = tpu.memref_slice %arg13[%dma_start3A_1657] : memref<80xi32, #tpu.memory_space<vmem>> -> memref<64xi32, #tpu.memory_space<vmem>>
      %dma_start3A_1659 = tpu.memref_slice %arg3[%min3A_1653] : memref<100000xi32, #tpu.memory_space<hbm>> -> memref<64xi32, #tpu.memory_space<hbm>>
      %dma_start3A_1660 = arith.constant 0 : i32
      %dma_start3A_1661 = tpu.memref_slice %arg13[%dma_start3A_1660] : memref<80xi32, #tpu.memory_space<vmem>> -> memref<64xi32, #tpu.memory_space<vmem>>
      %dma_start3A_1662 = tpu.memref_slice %arg3[%min3A_1653] : memref<100000xi32, #tpu.memory_space<hbm>> -> memref<64xi32, #tpu.memory_space<hbm>>
      tpu.enqueue_dma source(%dma_start3A_1662 : memref<64xi32, #tpu.memory_space<hbm>>) target(%dma_start3A_1661 : memref<64xi32, #tpu.memory_space<vmem>>) target_semaphore(%arg16 : memref<!tpu.dma_semaphore, #tpu.memory_space<semaphore_mem>>)
    } else {
    }
    %add3A_1618 = arith.constant 1 : i32
    %add3A_1619 = arith.addi %sub3A_1615, %add3A_1618 : i32
    %jit3A_1620 = arith.constant 2 : i32
    %div3A = arith.divsi %add3A_1619, %jit3A_1620 : i32
    %sign3A = arith.constant 0 : i32
    %sign3A_1621 = arith.cmpi sgt, %add3A_1619, %sign3A : i32
    %sign3A_1622 = arith.extui %sign3A_1621 : i1 to i32
    %sign3A_1623 = arith.constant 0 : i32
    %sign3A_1624 = arith.cmpi slt, %add3A_1619, %sign3A_1623 : i32
    %sign3A_1625 = arith.extui %sign3A_1624 : i1 to i32
    %sign3A_1626 = arith.subi %sign3A_1622, %sign3A_1625 : i32
    %sign3A_1627 = arith.constant 0 : i32
    %sign3A_1628 = arith.cmpi sgt, %jit3A_1620, %sign3A_1627 : i32
    %sign3A_1629 = arith.extui %sign3A_1628 : i1 to i32
    %sign3A_1630 = arith.constant 0 : i32
    %sign3A_1631 = arith.cmpi slt, %jit3A_1620, %sign3A_1630 : i32
    %sign3A_1632 = arith.extui %sign3A_1631 : i1 to i32
    %sign3A_1633 = arith.subi %sign3A_1629, %sign3A_1632 : i32
    %ne3A = arith.cmpi ne, %sign3A_1626, %sign3A_1633 : i32
    %rem3A = arith.remsi %add3A_1619, %jit3A_1620 : i32
    %ne3A_1634 = arith.constant 0 : i32
    %ne3A_1635 = arith.cmpi ne, %rem3A, %ne3A_1634 : i32
    %and3A_1636 = arith.andi %ne3A, %ne3A_1635 : i1
    %sub3A_1637 = arith.constant 1 : i32
    %sub3A_1638 = arith.subi %div3A, %sub3A_1637 : i32
    %select_n3A_1639 = arith.select %and3A_1636, %sub3A_1638, %div3A : i32
    %while3A = arith.constant 0 : i32
    %while3A_1640 = arith.constant 0 : i32
    %while3A_1641 = arith.subi %select_n3A_1639, %while3A_1640 : i32
    %while3A_1642 = arith.addi %while3A_1640, %while3A_1641 : i32
    %while3A_1643 = arith.constant 1 : i32
    %while3A_1644 = arith.divsi %while3A_1641, %while3A_1643 : i32
    %while3A_1645 = arith.muli %while3A_1644, %while3A_1643 : i32
    %while3A_1646 = arith.addi %while3A_1640, %while3A_1645 : i32
    %while3A_1647 = arith.constant 1 : i32
    scf.for %while3A_1649 = %while3A_1640 to %while3A_1646 step %while3A_1647  : i32 {
      %mul3A_1650 = arith.constant 2 : i32
      %mul3A_1651 = arith.muli %mul3A_1650, %while3A_1649 : i32
      %add3A_1652 = arith.constant 0 : i32
      %add3A_1653 = arith.addi %mul3A_1651, %add3A_1652 : i32
      %lt3A_1654 = arith.cmpi slt, %add3A_1653, %sub3A_1615 : i32
      %convert_element_type3A_1655 = arith.extui %lt3A_1654 : i1 to i32
      %cond3A_1656 = arith.constant 0 : i32
      %cond3A_1657 = arith.cmpi ne, %convert_element_type3A_1655, %cond3A_1656 : i32
      scf.if %cond3A_1657 {
        %add3A_1666 = arith.constant 1 : i32
        %add3A_1667 = arith.addi %add3A_1653, %add3A_1666 : i32
        %lt3A_1668 = arith.cmpi slt, %add3A_1667, %sub3A_1615 : i32
        %convert_element_type3A_1669 = arith.extui %lt3A_1668 : i1 to i32
        %cond3A_1670 = arith.constant 0 : i32
        %cond3A_1671 = arith.cmpi ne, %convert_element_type3A_1669, %cond3A_1670 : i32
        scf.if %cond3A_1671 {
          %add3A_1692 = arith.constant 1 : i32
          %add3A_1693 = arith.addi %add3A_1653, %add3A_1692 : i32
          %add3A_1694 = arith.addi %sub3A, %add3A_1693 : i32
          %mul3A_1695 = arith.constant 64 : i32
          %mul3A_1696 = arith.muli %add3A_1694, %mul3A_1695 : i32
          %min3A_1697 = arith.constant 99936 : i32
          %min3A_1698 = arith.minsi %mul3A_1696, %min3A_1697 : i32
          %dma_start3A = arith.constant 0 : i32
          %dma_start3A_1699 = tpu.memref_slice %arg2[%min3A_1698, %dma_start3A] : memref<100000x128xf32, #tpu.memory_space<hbm>> -> memref<64x128xf32, #tpu.memory_space<hbm>>
          %dma_start3A_1700 = arith.constant 0 : i32
          %dma_start3A_1701 = tpu.memref_slice %arg2[%min3A_1698, %dma_start3A_1700] : memref<100000x128xf32, #tpu.memory_space<hbm>> -> memref<64x128xf32, #tpu.memory_space<hbm>>
          tpu.enqueue_dma source(%dma_start3A_1701 : memref<64x128xf32, #tpu.memory_space<hbm>>) target(%arg12 : memref<64x128xf32, #tpu.memory_space<vmem>>) target_semaphore(%arg17 : memref<!tpu.dma_semaphore, #tpu.memory_space<semaphore_mem>>)
          %dma_start3A_1702 = arith.constant 0 : i32
          %dma_start3A_1703 = tpu.memref_slice %arg14[%dma_start3A_1702] : memref<80xi32, #tpu.memory_space<vmem>> -> memref<64xi32, #tpu.memory_space<vmem>>
          %dma_start3A_1704 = tpu.memref_slice %arg3[%min3A_1698] : memref<100000xi32, #tpu.memory_space<hbm>> -> memref<64xi32, #tpu.memory_space<hbm>>
          %dma_start3A_1705 = arith.constant 0 : i32
          %dma_start3A_1706 = tpu.memref_slice %arg14[%dma_start3A_1705] : memref<80xi32, #tpu.memory_space<vmem>> -> memref<64xi32, #tpu.memory_space<vmem>>
          %dma_start3A_1707 = tpu.memref_slice %arg3[%min3A_1698] : memref<100000xi32, #tpu.memory_space<hbm>> -> memref<64xi32, #tpu.memory_space<hbm>>
          tpu.enqueue_dma source(%dma_start3A_1707 : memref<64xi32, #tpu.memory_space<hbm>>) target(%dma_start3A_1706 : memref<64xi32, #tpu.memory_space<vmem>>) target_semaphore(%arg17 : memref<!tpu.dma_semaphore, #tpu.memory_space<semaphore_mem>>)
        } else {
        }
        %dma_wait3A = arith.constant 0 : i32
        %dma_wait3A_1672 = arith.constant 0 : i32
        %dma_wait3A_1673 = tpu.memref_slice %arg2[%dma_wait3A, %dma_wait3A_1672] : memref<100000x128xf32, #tpu.memory_space<hbm>> -> memref<64x128xf32, #tpu.memory_space<hbm>>
        %dma_wait3A_1674 = arith.constant 0 : i32
        %dma_wait3A_1675 = arith.constant 0 : i32
        %dma_wait3A_1676 = tpu.memref_slice %arg2[%dma_wait3A_1674, %dma_wait3A_1675] : memref<100000x128xf32, #tpu.memory_space<hbm>> -> memref<64x128xf32, #tpu.memory_space<hbm>>
        tpu.wait_dma2 semaphore(%arg16 : memref<!tpu.dma_semaphore, #tpu.memory_space<semaphore_mem>>) src(%dma_wait3A_1676 : memref<64x128xf32, #tpu.memory_space<hbm>>) dst(%arg11 : memref<64x128xf32, #tpu.memory_space<vmem>>)
        %dma_wait3A_1677 = arith.constant 0 : i32
        %dma_wait3A_1678 = tpu.memref_slice %arg13[%dma_wait3A_1677] : memref<80xi32, #tpu.memory_space<vmem>> -> memref<64xi32, #tpu.memory_space<vmem>>
        %dma_wait3A_1679 = arith.constant 0 : i32
        %dma_wait3A_1680 = tpu.memref_slice %arg3[%dma_wait3A_1679] : memref<100000xi32, #tpu.memory_space<hbm>> -> memref<64xi32, #tpu.memory_space<hbm>>
        %dma_wait3A_1681 = arith.constant 0 : i32
        %dma_wait3A_1682 = tpu.memref_slice %arg13[%dma_wait3A_1681] : memref<80xi32, #tpu.memory_space<vmem>> -> memref<64xi32, #tpu.memory_space<vmem>>
        %dma_wait3A_1683 = arith.constant 0 : i32
        %dma_wait3A_1684 = tpu.memref_slice %arg3[%dma_wait3A_1683] : memref<100000xi32, #tpu.memory_space<hbm>> -> memref<64xi32, #tpu.memory_space<hbm>>
        tpu.wait_dma2 semaphore(%arg16 : memref<!tpu.dma_semaphore, #tpu.memory_space<semaphore_mem>>) src(%dma_wait3A_1684 : memref<64xi32, #tpu.memory_space<hbm>>) dst(%dma_wait3A_1682 : memref<64xi32, #tpu.memory_space<vmem>>)
        %add3A_1685 = arith.addi %sub3A, %add3A_1653 : i32
        %mul3A_1686 = arith.constant 64 : i32
        %mul3A_1687 = arith.muli %add3A_1685, %mul3A_1686 : i32
        %min3A = arith.constant 99936 : i32
        %min3A_1688 = arith.minsi %mul3A_1687, %min3A : i32
        %sub3A_1689 = arith.subi %mul3A_1687, %min3A_1688 : i32
        %parallel_loop3A = arith.constant 0 : i32
        %parallel_loop3A_1690 = arith.constant 64 : i32
        %parallel_loop3A_1691 = arith.constant 2 : i32
        scf.for %parallel_loop3A_1692 = %parallel_loop3A to %parallel_loop3A_1690 step %parallel_loop3A_1691  : i32 {
          %parallel_loop3A_1693 = arith.index_cast %parallel_loop3A_1692 : i32 to index
          %parallel_loop3A_1694 = tpu.vector_load %arg13[%parallel_loop3A_1693] {strides = array<i32>} : memref<80xi32, #tpu.memory_space<vmem>>, vector<16xi32>,
          %parallel_loop3A_1695 = vector.shape_cast %parallel_loop3A_1694 : vector<16xi32> to vector<16xi32>
          %parallel_loop3A_1696 = tpu.iota {dimensions = array<i32: 0>} : vector<16xi32>
          %parallel_loop3A_1697 = arith.constant 8 : i32
          %parallel_loop3A_1698 = vector.broadcast %parallel_loop3A_1697 : i32 to vector<16xi32>
          %parallel_loop3A_1699 = arith.cmpi slt, %parallel_loop3A_1696, %parallel_loop3A_1698 : vector<16xi32>
          %parallel_loop3A_1700 = vector.extract_strided_slice %parallel_loop3A_1695 {offsets = [0], sizes = [1], strides = [1]} : vector<16xi32> to vector<1xi32>
          %parallel_loop3A_1701 = vector.extract %parallel_loop3A_1700[0] : i32 from vector<1xi32>
          %parallel_loop3A_1702 = vector.extract_strided_slice %parallel_loop3A_1695 {offsets = [1], sizes = [1], strides = [1]} : vector<16xi32> to vector<1xi32>
          %parallel_loop3A_1703 = vector.extract %parallel_loop3A_1702[0] : i32 from vector<1xi32>
          %parallel_loop3A_1704 = arith.subi %parallel_loop3A_1701, %mul3A_438 : i32
          %parallel_loop3A_1705 = arith.constant 7 : i32
          %parallel_loop3A_1706 = arith.andi %parallel_loop3A_1704, %parallel_loop3A_1705 : i32
          %parallel_loop3A_1707 = arith.subi %parallel_loop3A_1703, %mul3A_438 : i32
          %parallel_loop3A_1708 = arith.constant 7 : i32
          %parallel_loop3A_1709 = arith.andi %parallel_loop3A_1707, %parallel_loop3A_1708 : i32
          %parallel_loop3A_1710 = arith.cmpi sge, %parallel_loop3A_1701, %mul3A_438 : i32
          %parallel_loop3A_1711 = arith.cmpi slt, %parallel_loop3A_1701, %add3A_440 : i32
          %parallel_loop3A_1712 = arith.andi %parallel_loop3A_1710, %parallel_loop3A_1711 : i1
          %parallel_loop3A_1713 = arith.cmpi sge, %parallel_loop3A_1692, %sub3A_1689 : i32
          %parallel_loop3A_1714 = arith.andi %parallel_loop3A_1712, %parallel_loop3A_1713 : i1
          %parallel_loop3A_1715 = arith.cmpi sge, %parallel_loop3A_1703, %mul3A_438 : i32
          %parallel_loop3A_1716 = arith.cmpi slt, %parallel_loop3A_1703, %add3A_440 : i32
          %parallel_loop3A_1717 = arith.andi %parallel_loop3A_1715, %parallel_loop3A_1716 : i1
          %parallel_loop3A_1718 = arith.constant 1 : i32
          %parallel_loop3A_1719 = arith.addi %parallel_loop3A_1692, %parallel_loop3A_1718 : i32
          %parallel_loop3A_1720 = arith.cmpi sge, %parallel_loop3A_1719, %sub3A_1689 : i32
          %parallel_loop3A_1721 = arith.andi %parallel_loop3A_1717, %parallel_loop3A_1720 : i1
          %parallel_loop3A_1722 = arith.constant 1.000000e+30 : f32
          %parallel_loop3A_1723 = arith.select %parallel_loop3A_1714, %squeeze3A, %parallel_loop3A_1722 : f32
          %parallel_loop3A_1724 = arith.constant 1.000000e+30 : f32
          %parallel_loop3A_1725 = arith.select %parallel_loop3A_1721, %squeeze3A, %parallel_loop3A_1724 : f32
          %parallel_loop3A_1726 = arith.index_cast %parallel_loop3A_1692 : i32 to index
          %parallel_loop3A_1727 = arith.constant 0 : index
          %parallel_loop3A_1728 = tpu.vector_load %arg11[%parallel_loop3A_1726, %parallel_loop3A_1727] {strides = array<i32>} : memref<64x128xf32, #tpu.memory_space<vmem>>, vector<1x16xf32>,
          %parallel_loop3A_1729 = vector.shape_cast %parallel_loop3A_1728 : vector<1x16xf32> to vector<16xf32>
          %parallel_loop3A_1730 = arith.index_cast %parallel_loop3A_1692 : i32 to index
          %parallel_loop3A_1731 = arith.constant 16 : index
          %parallel_loop3A_1732 = tpu.vector_load %arg11[%parallel_loop3A_1730, %parallel_loop3A_1731] {strides = array<i32>} : memref<64x128xf32, #tpu.memory_space<vmem>>, vector<1x16xf32>,
          %parallel_loop3A_1733 = vector.shape_cast %parallel_loop3A_1732 : vector<1x16xf32> to vector<16xf32>
          %parallel_loop3A_1734 = arith.index_cast %parallel_loop3A_1692 : i32 to index
          %parallel_loop3A_1735 = arith.constant 32 : index
          %parallel_loop3A_1736 = tpu.vector_load %arg11[%parallel_loop3A_1734, %parallel_loop3A_1735] {strides = array<i32>} : memref<64x128xf32, #tpu.memory_space<vmem>>, vector<1x16xf32>,
          %parallel_loop3A_1737 = vector.shape_cast %parallel_loop3A_1736 : vector<1x16xf32> to vector<16xf32>
          %parallel_loop3A_1738 = arith.index_cast %parallel_loop3A_1692 : i32 to index
          %parallel_loop3A_1739 = arith.constant 48 : index
          %parallel_loop3A_1740 = tpu.vector_load %arg11[%parallel_loop3A_1738, %parallel_loop3A_1739] {strides = array<i32>} : memref<64x128xf32, #tpu.memory_space<vmem>>, vector<1x16xf32>,
          %parallel_loop3A_1741 = vector.shape_cast %parallel_loop3A_1740 : vector<1x16xf32> to vector<16xf32>
          %parallel_loop3A_1742 = arith.index_cast %parallel_loop3A_1692 : i32 to index
          %parallel_loop3A_1743 = arith.constant 64 : index
          %parallel_loop3A_1744 = tpu.vector_load %arg11[%parallel_loop3A_1742, %parallel_loop3A_1743] {strides = array<i32>} : memref<64x128xf32, #tpu.memory_space<vmem>>, vector<1x16xf32>,
          %parallel_loop3A_1745 = vector.shape_cast %parallel_loop3A_1744 : vector<1x16xf32> to vector<16xf32>
          %parallel_loop3A_1746 = arith.index_cast %parallel_loop3A_1692 : i32 to index
          %parallel_loop3A_1747 = arith.constant 80 : index
          %parallel_loop3A_1748 = tpu.vector_load %arg11[%parallel_loop3A_1746, %parallel_loop3A_1747] {strides = array<i32>} : memref<64x128xf32, #tpu.memory_space<vmem>>, vector<1x16xf32>,
          %parallel_loop3A_1749 = vector.shape_cast %parallel_loop3A_1748 : vector<1x16xf32> to vector<16xf32>
          %parallel_loop3A_1750 = arith.index_cast %parallel_loop3A_1692 : i32 to index
          %parallel_loop3A_1751 = arith.constant 96 : index
          %parallel_loop3A_1752 = tpu.vector_load %arg11[%parallel_loop3A_1750, %parallel_loop3A_1751] {strides = array<i32>} : memref<64x128xf32, #tpu.memory_space<vmem>>, vector<1x16xf32>,
          %parallel_loop3A_1753 = vector.shape_cast %parallel_loop3A_1752 : vector<1x16xf32> to vector<16xf32>
          %parallel_loop3A_1754 = arith.index_cast %parallel_loop3A_1692 : i32 to index
          %parallel_loop3A_1755 = arith.constant 112 : index
          %parallel_loop3A_1756 = tpu.vector_load %arg11[%parallel_loop3A_1754, %parallel_loop3A_1755] {strides = array<i32>} : memref<64x128xf32, #tpu.memory_space<vmem>>, vector<1x16xf32>,
          %parallel_loop3A_1757 = vector.shape_cast %parallel_loop3A_1756 : vector<1x16xf32> to vector<16xf32>
          %parallel_loop3A_1758 = arith.constant 1 : i32
          %parallel_loop3A_1759 = arith.addi %parallel_loop3A_1692, %parallel_loop3A_1758 : i32
          %parallel_loop3A_1760 = arith.index_cast %parallel_loop3A_1759 : i32 to index
          %parallel_loop3A_1761 = arith.constant 0 : index
          %parallel_loop3A_1762 = tpu.vector_load %arg11[%parallel_loop3A_1760, %parallel_loop3A_1761] {strides = array<i32>} : memref<64x128xf32, #tpu.memory_space<vmem>>, vector<1x16xf32>,
          %parallel_loop3A_1763 = vector.shape_cast %parallel_loop3A_1762 : vector<1x16xf32> to vector<16xf32>
          %parallel_loop3A_1764 = arith.constant 1 : i32
          %parallel_loop3A_1765 = arith.addi %parallel_loop3A_1692, %parallel_loop3A_1764 : i32
          %parallel_loop3A_1766 = arith.index_cast %parallel_loop3A_1765 : i32 to index
          %parallel_loop3A_1767 = arith.constant 16 : index
          %parallel_loop3A_1768 = tpu.vector_load %arg11[%parallel_loop3A_1766, %parallel_loop3A_1767] {strides = array<i32>} : memref<64x128xf32, #tpu.memory_space<vmem>>, vector<1x16xf32>,
          %parallel_loop3A_1769 = vector.shape_cast %parallel_loop3A_1768 : vector<1x16xf32> to vector<16xf32>
          %parallel_loop3A_1770 = arith.constant 1 : i32
          %parallel_loop3A_1771 = arith.addi %parallel_loop3A_1692, %parallel_loop3A_1770 : i32
          %parallel_loop3A_1772 = arith.index_cast %parallel_loop3A_1771 : i32 to index
          %parallel_loop3A_1773 = arith.constant 32 : index
          %parallel_loop3A_1774 = tpu.vector_load %arg11[%parallel_loop3A_1772, %parallel_loop3A_1773] {strides = array<i32>} : memref<64x128xf32, #tpu.memory_space<vmem>>, vector<1x16xf32>,
          %parallel_loop3A_1775 = vector.shape_cast %parallel_loop3A_1774 : vector<1x16xf32> to vector<16xf32>
          %parallel_loop3A_1776 = arith.constant 1 : i32
          %parallel_loop3A_1777 = arith.addi %parallel_loop3A_1692, %parallel_loop3A_1776 : i32
          %parallel_loop3A_1778 = arith.index_cast %parallel_loop3A_1777 : i32 to index
          %parallel_loop3A_1779 = arith.constant 48 : index
          %parallel_loop3A_1780 = tpu.vector_load %arg11[%parallel_loop3A_1778, %parallel_loop3A_1779] {strides = array<i32>} : memref<64x128xf32, #tpu.memory_space<vmem>>, vector<1x16xf32>,
          %parallel_loop3A_1781 = vector.shape_cast %parallel_loop3A_1780 : vector<1x16xf32> to vector<16xf32>
          %parallel_loop3A_1782 = arith.constant 1 : i32
          %parallel_loop3A_1783 = arith.addi %parallel_loop3A_1692, %parallel_loop3A_1782 : i32
          %parallel_loop3A_1784 = arith.index_cast %parallel_loop3A_1783 : i32 to index
          %parallel_loop3A_1785 = arith.constant 64 : index
          %parallel_loop3A_1786 = tpu.vector_load %arg11[%parallel_loop3A_1784, %parallel_loop3A_1785] {strides = array<i32>} : memref<64x128xf32, #tpu.memory_space<vmem>>, vector<1x16xf32>,
          %parallel_loop3A_1787 = vector.shape_cast %parallel_loop3A_1786 : vector<1x16xf32> to vector<16xf32>
          %parallel_loop3A_1788 = arith.constant 1 : i32
          %parallel_loop3A_1789 = arith.addi %parallel_loop3A_1692, %parallel_loop3A_1788 : i32
          %parallel_loop3A_1790 = arith.index_cast %parallel_loop3A_1789 : i32 to index
          %parallel_loop3A_1791 = arith.constant 80 : index
          %parallel_loop3A_1792 = tpu.vector_load %arg11[%parallel_loop3A_1790, %parallel_loop3A_1791] {strides = array<i32>} : memref<64x128xf32, #tpu.memory_space<vmem>>, vector<1x16xf32>,
          %parallel_loop3A_1793 = vector.shape_cast %parallel_loop3A_1792 : vector<1x16xf32> to vector<16xf32>
          %parallel_loop3A_1794 = arith.constant 1 : i32
          %parallel_loop3A_1795 = arith.addi %parallel_loop3A_1692, %parallel_loop3A_1794 : i32
          %parallel_loop3A_1796 = arith.index_cast %parallel_loop3A_1795 : i32 to index
          %parallel_loop3A_1797 = arith.constant 96 : index
          %parallel_loop3A_1798 = tpu.vector_load %arg11[%parallel_loop3A_1796, %parallel_loop3A_1797] {strides = array<i32>} : memref<64x128xf32, #tpu.memory_space<vmem>>, vector<1x16xf32>,
          %parallel_loop3A_1799 = vector.shape_cast %parallel_loop3A_1798 : vector<1x16xf32> to vector<16xf32>
          %parallel_loop3A_1800 = arith.constant 1 : i32
          %parallel_loop3A_1801 = arith.addi %parallel_loop3A_1692, %parallel_loop3A_1800 : i32
          %parallel_loop3A_1802 = arith.index_cast %parallel_loop3A_1801 : i32 to index
          %parallel_loop3A_1803 = arith.constant 112 : index
          %parallel_loop3A_1804 = tpu.vector_load %arg11[%parallel_loop3A_1802, %parallel_loop3A_1803] {strides = array<i32>} : memref<64x128xf32, #tpu.memory_space<vmem>>, vector<1x16xf32>,
          %parallel_loop3A_1805 = vector.shape_cast %parallel_loop3A_1804 : vector<1x16xf32> to vector<16xf32>
          %parallel_loop3A_1806 = arith.mulf %parallel_loop3A_1729, %neg3A_388 : vector<16xf32>
          %parallel_loop3A_1807 = arith.mulf %parallel_loop3A_1733, %neg3A_394 : vector<16xf32>
          %parallel_loop3A_1808 = arith.mulf %parallel_loop3A_1737, %neg3A_400 : vector<16xf32>
          %parallel_loop3A_1809 = arith.mulf %parallel_loop3A_1741, %neg3A_406 : vector<16xf32>
          %parallel_loop3A_1810 = arith.mulf %parallel_loop3A_1745, %neg3A_412 : vector<16xf32>
          %parallel_loop3A_1811 = arith.mulf %parallel_loop3A_1749, %neg3A_418 : vector<16xf32>
          %parallel_loop3A_1812 = arith.mulf %parallel_loop3A_1753, %neg3A_424 : vector<16xf32>
          %parallel_loop3A_1813 = arith.mulf %parallel_loop3A_1757, %neg3A_430 : vector<16xf32>
          %parallel_loop3A_1814 = arith.addf %parallel_loop3A_1806, %parallel_loop3A_1807 : vector<16xf32>
          %parallel_loop3A_1815 = arith.addf %parallel_loop3A_1808, %parallel_loop3A_1809 : vector<16xf32>
          %parallel_loop3A_1816 = arith.addf %parallel_loop3A_1814, %parallel_loop3A_1815 : vector<16xf32>
          %parallel_loop3A_1817 = arith.addf %parallel_loop3A_1810, %parallel_loop3A_1811 : vector<16xf32>
          %parallel_loop3A_1818 = arith.addf %parallel_loop3A_1812, %parallel_loop3A_1813 : vector<16xf32>
          %parallel_loop3A_1819 = arith.addf %parallel_loop3A_1817, %parallel_loop3A_1818 : vector<16xf32>
          %parallel_loop3A_1820 = arith.addf %parallel_loop3A_1816, %parallel_loop3A_1819 : vector<16xf32>
          %parallel_loop3A_1821 = arith.mulf %parallel_loop3A_1763, %neg3A_388 : vector<16xf32>
          %parallel_loop3A_1822 = arith.mulf %parallel_loop3A_1769, %neg3A_394 : vector<16xf32>
          %parallel_loop3A_1823 = arith.mulf %parallel_loop3A_1775, %neg3A_400 : vector<16xf32>
          %parallel_loop3A_1824 = arith.mulf %parallel_loop3A_1781, %neg3A_406 : vector<16xf32>
          %parallel_loop3A_1825 = arith.mulf %parallel_loop3A_1787, %neg3A_412 : vector<16xf32>
          %parallel_loop3A_1826 = arith.mulf %parallel_loop3A_1793, %neg3A_418 : vector<16xf32>
          %parallel_loop3A_1827 = arith.mulf %parallel_loop3A_1799, %neg3A_424 : vector<16xf32>
          %parallel_loop3A_1828 = arith.mulf %parallel_loop3A_1805, %neg3A_430 : vector<16xf32>
          %parallel_loop3A_1829 = arith.addf %parallel_loop3A_1821, %parallel_loop3A_1822 : vector<16xf32>
          %parallel_loop3A_1830 = arith.addf %parallel_loop3A_1823, %parallel_loop3A_1824 : vector<16xf32>
          %parallel_loop3A_1831 = arith.addf %parallel_loop3A_1829, %parallel_loop3A_1830 : vector<16xf32>
          %parallel_loop3A_1832 = arith.addf %parallel_loop3A_1825, %parallel_loop3A_1826 : vector<16xf32>
          %parallel_loop3A_1833 = arith.addf %parallel_loop3A_1827, %parallel_loop3A_1828 : vector<16xf32>
          %parallel_loop3A_1834 = arith.addf %parallel_loop3A_1832, %parallel_loop3A_1833 : vector<16xf32>
          %parallel_loop3A_1835 = arith.addf %parallel_loop3A_1831, %parallel_loop3A_1834 : vector<16xf32>
          %parallel_loop3A_1836 = arith.constant 8 : i32
          %parallel_loop3A_1837 = vector.broadcast %parallel_loop3A_1836 : i32 to vector<16xi32>
          %parallel_loop3A_1838 = arith.xori %parallel_loop3A_1696, %parallel_loop3A_1837 : vector<16xi32>
          %parallel_loop3A_1839 = vector.shape_cast %parallel_loop3A_1838 : vector<16xi32> to vector<16x1xi32>
          %parallel_loop3A_1840 = vector.shape_cast %parallel_loop3A_1839 : vector<16x1xi32> to vector<16xi32>
          %parallel_loop3A_1841 = tpu.dynamic_gather %parallel_loop3A_1820[%parallel_loop3A_1840] in [0] : vector<16xf32>, vector<16xi32> -> vector<16xf32>
          %parallel_loop3A_1842 = arith.addf %parallel_loop3A_1820, %parallel_loop3A_1841 : vector<16xf32>
          %parallel_loop3A_1843 = arith.constant 8 : i32
          %parallel_loop3A_1844 = vector.broadcast %parallel_loop3A_1843 : i32 to vector<16xi32>
          %parallel_loop3A_1845 = arith.xori %parallel_loop3A_1696, %parallel_loop3A_1844 : vector<16xi32>
          %parallel_loop3A_1846 = vector.shape_cast %parallel_loop3A_1845 : vector<16xi32> to vector<16x1xi32>
          %parallel_loop3A_1847 = vector.shape_cast %parallel_loop3A_1846 : vector<16x1xi32> to vector<16xi32>
          %parallel_loop3A_1848 = tpu.dynamic_gather %parallel_loop3A_1835[%parallel_loop3A_1847] in [0] : vector<16xf32>, vector<16xi32> -> vector<16xf32>
          %parallel_loop3A_1849 = arith.addf %parallel_loop3A_1835, %parallel_loop3A_1848 : vector<16xf32>
          %parallel_loop3A_1850 = arith.select %parallel_loop3A_1699, %parallel_loop3A_1842, %parallel_loop3A_1849 : vector<16xi1>, vector<16xf32>
          %parallel_loop3A_1851 = arith.constant 4 : i32
          %parallel_loop3A_1852 = vector.broadcast %parallel_loop3A_1851 : i32 to vector<16xi32>
          %parallel_loop3A_1853 = arith.xori %parallel_loop3A_1696, %parallel_loop3A_1852 : vector<16xi32>
          %parallel_loop3A_1854 = vector.shape_cast %parallel_loop3A_1853 : vector<16xi32> to vector<16x1xi32>
          %parallel_loop3A_1855 = vector.shape_cast %parallel_loop3A_1854 : vector<16x1xi32> to vector<16xi32>
          %parallel_loop3A_1856 = tpu.dynamic_gather %parallel_loop3A_1850[%parallel_loop3A_1855] in [0] : vector<16xf32>, vector<16xi32> -> vector<16xf32>
          %parallel_loop3A_1857 = arith.addf %parallel_loop3A_1850, %parallel_loop3A_1856 : vector<16xf32>
          %parallel_loop3A_1858 = arith.constant 2 : i32
          %parallel_loop3A_1859 = vector.broadcast %parallel_loop3A_1858 : i32 to vector<16xi32>
          %parallel_loop3A_1860 = arith.xori %parallel_loop3A_1696, %parallel_loop3A_1859 : vector<16xi32>
          %parallel_loop3A_1861 = vector.shape_cast %parallel_loop3A_1860 : vector<16xi32> to vector<16x1xi32>
          %parallel_loop3A_1862 = vector.shape_cast %parallel_loop3A_1861 : vector<16x1xi32> to vector<16xi32>
          %parallel_loop3A_1863 = tpu.dynamic_gather %parallel_loop3A_1857[%parallel_loop3A_1862] in [0] : vector<16xf32>, vector<16xi32> -> vector<16xf32>
          %parallel_loop3A_1864 = arith.addf %parallel_loop3A_1857, %parallel_loop3A_1863 : vector<16xf32>
          %parallel_loop3A_1865 = arith.constant 1 : i32
          %parallel_loop3A_1866 = vector.broadcast %parallel_loop3A_1865 : i32 to vector<16xi32>
          %parallel_loop3A_1867 = arith.xori %parallel_loop3A_1696, %parallel_loop3A_1866 : vector<16xi32>
          %parallel_loop3A_1868 = vector.shape_cast %parallel_loop3A_1867 : vector<16xi32> to vector<16x1xi32>
          %parallel_loop3A_1869 = vector.shape_cast %parallel_loop3A_1868 : vector<16x1xi32> to vector<16xi32>
          %parallel_loop3A_1870 = tpu.dynamic_gather %parallel_loop3A_1864[%parallel_loop3A_1869] in [0] : vector<16xf32>, vector<16xi32> -> vector<16xf32>
          %parallel_loop3A_1871 = arith.addf %parallel_loop3A_1864, %parallel_loop3A_1870 : vector<16xf32>
          %parallel_loop3A_1872 = vector.broadcast %parallel_loop3A_1723 : f32 to vector<16xf32>
          %parallel_loop3A_1873 = vector.broadcast %parallel_loop3A_1725 : f32 to vector<16xf32>
          %parallel_loop3A_1874 = arith.select %parallel_loop3A_1699, %parallel_loop3A_1872, %parallel_loop3A_1873 : vector<16xi1>, vector<16xf32>
          %parallel_loop3A_1875 = arith.addf %parallel_loop3A_1871, %parallel_loop3A_1874 : vector<16xf32>
          %parallel_loop3A_1876 = math.exp %parallel_loop3A_1875 : vector<16xf32>
          %parallel_loop3A_1877 = arith.constant 1.000000e+00 : f32
          %parallel_loop3A_1878 = vector.broadcast %parallel_loop3A_1877 : f32 to vector<16xf32>
          %parallel_loop3A_1879 = arith.addf %parallel_loop3A_1878, %parallel_loop3A_1876 : vector<16xf32>
          %parallel_loop3A_1880 = arith.constant 1.000000e+00 : f32
          %parallel_loop3A_1881 = vector.broadcast %parallel_loop3A_1880 : f32 to vector<16xf32>
          %parallel_loop3A_1882 = arith.divf %parallel_loop3A_1881, %parallel_loop3A_1879 : vector<16xf32>
          %parallel_loop3A_1883 = vector.extract_strided_slice %parallel_loop3A_1882 {offsets = [0], sizes = [1], strides = [1]} : vector<16xf32> to vector<1xf32>
          %parallel_loop3A_1884 = vector.extract %parallel_loop3A_1883[0] : f32 from vector<1xf32>
          %parallel_loop3A_1885 = vector.extract_strided_slice %parallel_loop3A_1882 {offsets = [8], sizes = [1], strides = [1]} : vector<16xf32> to vector<1xf32>
          %parallel_loop3A_1886 = vector.extract %parallel_loop3A_1885[0] : f32 from vector<1xf32>
          %parallel_loop3A_1887 = vector.broadcast %parallel_loop3A_1884 : f32 to vector<16xf32>
          %parallel_loop3A_1888 = arith.mulf %parallel_loop3A_1729, %parallel_loop3A_1887 : vector<16xf32>
          %parallel_loop3A_1889 = arith.index_cast %parallel_loop3A_1706 : i32 to index
          %parallel_loop3A_1890 = arith.constant 0 : index
          %parallel_loop3A_1891 = tpu.vector_load %arg15[%parallel_loop3A_1889, %parallel_loop3A_1890] {strides = array<i32>} : memref<8x128xf32, #tpu.memory_space<vmem>>, vector<1x16xf32>,
          %parallel_loop3A_1892 = vector.shape_cast %parallel_loop3A_1891 : vector<1x16xf32> to vector<16xf32>
          %parallel_loop3A_1893 = vector.shape_cast %parallel_loop3A_1888 : vector<16xf32> to vector<1x16xf32>
          tpu.vector_store %arg15[%parallel_loop3A_1889, %parallel_loop3A_1890], %parallel_loop3A_1893 {add = true, strides = array<i32>} : memref<8x128xf32, #tpu.memory_space<vmem>>, vector<1x16xf32>,
          %parallel_loop3A_1894 = vector.broadcast %parallel_loop3A_1884 : f32 to vector<16xf32>
          %parallel_loop3A_1895 = arith.mulf %parallel_loop3A_1733, %parallel_loop3A_1894 : vector<16xf32>
          %parallel_loop3A_1896 = arith.index_cast %parallel_loop3A_1706 : i32 to index
          %parallel_loop3A_1897 = arith.constant 16 : index
          %parallel_loop3A_1898 = tpu.vector_load %arg15[%parallel_loop3A_1896, %parallel_loop3A_1897] {strides = array<i32>} : memref<8x128xf32, #tpu.memory_space<vmem>>, vector<1x16xf32>,
          %parallel_loop3A_1899 = vector.shape_cast %parallel_loop3A_1898 : vector<1x16xf32> to vector<16xf32>
          %parallel_loop3A_1900 = vector.shape_cast %parallel_loop3A_1895 : vector<16xf32> to vector<1x16xf32>
          tpu.vector_store %arg15[%parallel_loop3A_1896, %parallel_loop3A_1897], %parallel_loop3A_1900 {add = true, strides = array<i32>} : memref<8x128xf32, #tpu.memory_space<vmem>>, vector<1x16xf32>,
          %parallel_loop3A_1901 = vector.broadcast %parallel_loop3A_1884 : f32 to vector<16xf32>
          %parallel_loop3A_1902 = arith.mulf %parallel_loop3A_1737, %parallel_loop3A_1901 : vector<16xf32>
          %parallel_loop3A_1903 = arith.index_cast %parallel_loop3A_1706 : i32 to index
          %parallel_loop3A_1904 = arith.constant 32 : index
          %parallel_loop3A_1905 = tpu.vector_load %arg15[%parallel_loop3A_1903, %parallel_loop3A_1904] {strides = array<i32>} : memref<8x128xf32, #tpu.memory_space<vmem>>, vector<1x16xf32>,
          %parallel_loop3A_1906 = vector.shape_cast %parallel_loop3A_1905 : vector<1x16xf32> to vector<16xf32>
          %parallel_loop3A_1907 = vector.shape_cast %parallel_loop3A_1902 : vector<16xf32> to vector<1x16xf32>
          tpu.vector_store %arg15[%parallel_loop3A_1903, %parallel_loop3A_1904], %parallel_loop3A_1907 {add = true, strides = array<i32>} : memref<8x128xf32, #tpu.memory_space<vmem>>, vector<1x16xf32>,
          %parallel_loop3A_1908 = vector.broadcast %parallel_loop3A_1884 : f32 to vector<16xf32>
          %parallel_loop3A_1909 = arith.mulf %parallel_loop3A_1741, %parallel_loop3A_1908 : vector<16xf32>
          %parallel_loop3A_1910 = arith.index_cast %parallel_loop3A_1706 : i32 to index
          %parallel_loop3A_1911 = arith.constant 48 : index
          %parallel_loop3A_1912 = tpu.vector_load %arg15[%parallel_loop3A_1910, %parallel_loop3A_1911] {strides = array<i32>} : memref<8x128xf32, #tpu.memory_space<vmem>>, vector<1x16xf32>,
          %parallel_loop3A_1913 = vector.shape_cast %parallel_loop3A_1912 : vector<1x16xf32> to vector<16xf32>
          %parallel_loop3A_1914 = vector.shape_cast %parallel_loop3A_1909 : vector<16xf32> to vector<1x16xf32>
          tpu.vector_store %arg15[%parallel_loop3A_1910, %parallel_loop3A_1911], %parallel_loop3A_1914 {add = true, strides = array<i32>} : memref<8x128xf32, #tpu.memory_space<vmem>>, vector<1x16xf32>,
          %parallel_loop3A_1915 = vector.broadcast %parallel_loop3A_1884 : f32 to vector<16xf32>
          %parallel_loop3A_1916 = arith.mulf %parallel_loop3A_1745, %parallel_loop3A_1915 : vector<16xf32>
          %parallel_loop3A_1917 = arith.index_cast %parallel_loop3A_1706 : i32 to index
          %parallel_loop3A_1918 = arith.constant 64 : index
          %parallel_loop3A_1919 = tpu.vector_load %arg15[%parallel_loop3A_1917, %parallel_loop3A_1918] {strides = array<i32>} : memref<8x128xf32, #tpu.memory_space<vmem>>, vector<1x16xf32>,
          %parallel_loop3A_1920 = vector.shape_cast %parallel_loop3A_1919 : vector<1x16xf32> to vector<16xf32>
          %parallel_loop3A_1921 = vector.shape_cast %parallel_loop3A_1916 : vector<16xf32> to vector<1x16xf32>
          tpu.vector_store %arg15[%parallel_loop3A_1917, %parallel_loop3A_1918], %parallel_loop3A_1921 {add = true, strides = array<i32>} : memref<8x128xf32, #tpu.memory_space<vmem>>, vector<1x16xf32>,
          %parallel_loop3A_1922 = vector.broadcast %parallel_loop3A_1884 : f32 to vector<16xf32>
          %parallel_loop3A_1923 = arith.mulf %parallel_loop3A_1749, %parallel_loop3A_1922 : vector<16xf32>
          %parallel_loop3A_1924 = arith.index_cast %parallel_loop3A_1706 : i32 to index
          %parallel_loop3A_1925 = arith.constant 80 : index
          %parallel_loop3A_1926 = tpu.vector_load %arg15[%parallel_loop3A_1924, %parallel_loop3A_1925] {strides = array<i32>} : memref<8x128xf32, #tpu.memory_space<vmem>>, vector<1x16xf32>,
          %parallel_loop3A_1927 = vector.shape_cast %parallel_loop3A_1926 : vector<1x16xf32> to vector<16xf32>
          %parallel_loop3A_1928 = vector.shape_cast %parallel_loop3A_1923 : vector<16xf32> to vector<1x16xf32>
          tpu.vector_store %arg15[%parallel_loop3A_1924, %parallel_loop3A_1925], %parallel_loop3A_1928 {add = true, strides = array<i32>} : memref<8x128xf32, #tpu.memory_space<vmem>>, vector<1x16xf32>,
          %parallel_loop3A_1929 = vector.broadcast %parallel_loop3A_1884 : f32 to vector<16xf32>
          %parallel_loop3A_1930 = arith.mulf %parallel_loop3A_1753, %parallel_loop3A_1929 : vector<16xf32>
          %parallel_loop3A_1931 = arith.index_cast %parallel_loop3A_1706 : i32 to index
          %parallel_loop3A_1932 = arith.constant 96 : index
          %parallel_loop3A_1933 = tpu.vector_load %arg15[%parallel_loop3A_1931, %parallel_loop3A_1932] {strides = array<i32>} : memref<8x128xf32, #tpu.memory_space<vmem>>, vector<1x16xf32>,
          %parallel_loop3A_1934 = vector.shape_cast %parallel_loop3A_1933 : vector<1x16xf32> to vector<16xf32>
          %parallel_loop3A_1935 = vector.shape_cast %parallel_loop3A_1930 : vector<16xf32> to vector<1x16xf32>
          tpu.vector_store %arg15[%parallel_loop3A_1931, %parallel_loop3A_1932], %parallel_loop3A_1935 {add = true, strides = array<i32>} : memref<8x128xf32, #tpu.memory_space<vmem>>, vector<1x16xf32>,
          %parallel_loop3A_1936 = vector.broadcast %parallel_loop3A_1884 : f32 to vector<16xf32>
          %parallel_loop3A_1937 = arith.mulf %parallel_loop3A_1757, %parallel_loop3A_1936 : vector<16xf32>
          %parallel_loop3A_1938 = arith.index_cast %parallel_loop3A_1706 : i32 to index
          %parallel_loop3A_1939 = arith.constant 112 : index
          %parallel_loop3A_1940 = tpu.vector_load %arg15[%parallel_loop3A_1938, %parallel_loop3A_1939] {strides = array<i32>} : memref<8x128xf32, #tpu.memory_space<vmem>>, vector<1x16xf32>,
          %parallel_loop3A_1941 = vector.shape_cast %parallel_loop3A_1940 : vector<1x16xf32> to vector<16xf32>
          %parallel_loop3A_1942 = vector.shape_cast %parallel_loop3A_1937 : vector<16xf32> to vector<1x16xf32>
          tpu.vector_store %arg15[%parallel_loop3A_1938, %parallel_loop3A_1939], %parallel_loop3A_1942 {add = true, strides = array<i32>} : memref<8x128xf32, #tpu.memory_space<vmem>>, vector<1x16xf32>,
          %parallel_loop3A_1943 = vector.broadcast %parallel_loop3A_1886 : f32 to vector<16xf32>
          %parallel_loop3A_1944 = arith.mulf %parallel_loop3A_1763, %parallel_loop3A_1943 : vector<16xf32>
          %parallel_loop3A_1945 = arith.index_cast %parallel_loop3A_1709 : i32 to index
          %parallel_loop3A_1946 = arith.constant 0 : index
          %parallel_loop3A_1947 = tpu.vector_load %arg15[%parallel_loop3A_1945, %parallel_loop3A_1946] {strides = array<i32>} : memref<8x128xf32, #tpu.memory_space<vmem>>, vector<1x16xf32>,
          %parallel_loop3A_1948 = vector.shape_cast %parallel_loop3A_1947 : vector<1x16xf32> to vector<16xf32>
          %parallel_loop3A_1949 = vector.shape_cast %parallel_loop3A_1944 : vector<16xf32> to vector<1x16xf32>
          tpu.vector_store %arg15[%parallel_loop3A_1945, %parallel_loop3A_1946], %parallel_loop3A_1949 {add = true, strides = array<i32>} : memref<8x128xf32, #tpu.memory_space<vmem>>, vector<1x16xf32>,
          %parallel_loop3A_1950 = vector.broadcast %parallel_loop3A_1886 : f32 to vector<16xf32>
          %parallel_loop3A_1951 = arith.mulf %parallel_loop3A_1769, %parallel_loop3A_1950 : vector<16xf32>
          %parallel_loop3A_1952 = arith.index_cast %parallel_loop3A_1709 : i32 to index
          %parallel_loop3A_1953 = arith.constant 16 : index
          %parallel_loop3A_1954 = tpu.vector_load %arg15[%parallel_loop3A_1952, %parallel_loop3A_1953] {strides = array<i32>} : memref<8x128xf32, #tpu.memory_space<vmem>>, vector<1x16xf32>,
          %parallel_loop3A_1955 = vector.shape_cast %parallel_loop3A_1954 : vector<1x16xf32> to vector<16xf32>
          %parallel_loop3A_1956 = vector.shape_cast %parallel_loop3A_1951 : vector<16xf32> to vector<1x16xf32>
          tpu.vector_store %arg15[%parallel_loop3A_1952, %parallel_loop3A_1953], %parallel_loop3A_1956 {add = true, strides = array<i32>} : memref<8x128xf32, #tpu.memory_space<vmem>>, vector<1x16xf32>,
          %parallel_loop3A_1957 = vector.broadcast %parallel_loop3A_1886 : f32 to vector<16xf32>
          %parallel_loop3A_1958 = arith.mulf %parallel_loop3A_1775, %parallel_loop3A_1957 : vector<16xf32>
          %parallel_loop3A_1959 = arith.index_cast %parallel_loop3A_1709 : i32 to index
          %parallel_loop3A_1960 = arith.constant 32 : index
          %parallel_loop3A_1961 = tpu.vector_load %arg15[%parallel_loop3A_1959, %parallel_loop3A_1960] {strides = array<i32>} : memref<8x128xf32, #tpu.memory_space<vmem>>, vector<1x16xf32>,
          %parallel_loop3A_1962 = vector.shape_cast %parallel_loop3A_1961 : vector<1x16xf32> to vector<16xf32>
          %parallel_loop3A_1963 = vector.shape_cast %parallel_loop3A_1958 : vector<16xf32> to vector<1x16xf32>
          tpu.vector_store %arg15[%parallel_loop3A_1959, %parallel_loop3A_1960], %parallel_loop3A_1963 {add = true, strides = array<i32>} : memref<8x128xf32, #tpu.memory_space<vmem>>, vector<1x16xf32>,
          %parallel_loop3A_1964 = vector.broadcast %parallel_loop3A_1886 : f32 to vector<16xf32>
          %parallel_loop3A_1965 = arith.mulf %parallel_loop3A_1781, %parallel_loop3A_1964 : vector<16xf32>
          %parallel_loop3A_1966 = arith.index_cast %parallel_loop3A_1709 : i32 to index
          %parallel_loop3A_1967 = arith.constant 48 : index
          %parallel_loop3A_1968 = tpu.vector_load %arg15[%parallel_loop3A_1966, %parallel_loop3A_1967] {strides = array<i32>} : memref<8x128xf32, #tpu.memory_space<vmem>>, vector<1x16xf32>,
          %parallel_loop3A_1969 = vector.shape_cast %parallel_loop3A_1968 : vector<1x16xf32> to vector<16xf32>
          %parallel_loop3A_1970 = vector.shape_cast %parallel_loop3A_1965 : vector<16xf32> to vector<1x16xf32>
          tpu.vector_store %arg15[%parallel_loop3A_1966, %parallel_loop3A_1967], %parallel_loop3A_1970 {add = true, strides = array<i32>} : memref<8x128xf32, #tpu.memory_space<vmem>>, vector<1x16xf32>,
          %parallel_loop3A_1971 = vector.broadcast %parallel_loop3A_1886 : f32 to vector<16xf32>
          %parallel_loop3A_1972 = arith.mulf %parallel_loop3A_1787, %parallel_loop3A_1971 : vector<16xf32>
          %parallel_loop3A_1973 = arith.index_cast %parallel_loop3A_1709 : i32 to index
          %parallel_loop3A_1974 = arith.constant 64 : index
          %parallel_loop3A_1975 = tpu.vector_load %arg15[%parallel_loop3A_1973, %parallel_loop3A_1974] {strides = array<i32>} : memref<8x128xf32, #tpu.memory_space<vmem>>, vector<1x16xf32>,
          %parallel_loop3A_1976 = vector.shape_cast %parallel_loop3A_1975 : vector<1x16xf32> to vector<16xf32>
          %parallel_loop3A_1977 = vector.shape_cast %parallel_loop3A_1972 : vector<16xf32> to vector<1x16xf32>
          tpu.vector_store %arg15[%parallel_loop3A_1973, %parallel_loop3A_1974], %parallel_loop3A_1977 {add = true, strides = array<i32>} : memref<8x128xf32, #tpu.memory_space<vmem>>, vector<1x16xf32>,
          %parallel_loop3A_1978 = vector.broadcast %parallel_loop3A_1886 : f32 to vector<16xf32>
          %parallel_loop3A_1979 = arith.mulf %parallel_loop3A_1793, %parallel_loop3A_1978 : vector<16xf32>
          %parallel_loop3A_1980 = arith.index_cast %parallel_loop3A_1709 : i32 to index
          %parallel_loop3A_1981 = arith.constant 80 : index
          %parallel_loop3A_1982 = tpu.vector_load %arg15[%parallel_loop3A_1980, %parallel_loop3A_1981] {strides = array<i32>} : memref<8x128xf32, #tpu.memory_space<vmem>>, vector<1x16xf32>,
          %parallel_loop3A_1983 = vector.shape_cast %parallel_loop3A_1982 : vector<1x16xf32> to vector<16xf32>
          %parallel_loop3A_1984 = vector.shape_cast %parallel_loop3A_1979 : vector<16xf32> to vector<1x16xf32>
          tpu.vector_store %arg15[%parallel_loop3A_1980, %parallel_loop3A_1981], %parallel_loop3A_1984 {add = true, strides = array<i32>} : memref<8x128xf32, #tpu.memory_space<vmem>>, vector<1x16xf32>,
          %parallel_loop3A_1985 = vector.broadcast %parallel_loop3A_1886 : f32 to vector<16xf32>
          %parallel_loop3A_1986 = arith.mulf %parallel_loop3A_1799, %parallel_loop3A_1985 : vector<16xf32>
          %parallel_loop3A_1987 = arith.index_cast %parallel_loop3A_1709 : i32 to index
          %parallel_loop3A_1988 = arith.constant 96 : index
          %parallel_loop3A_1989 = tpu.vector_load %arg15[%parallel_loop3A_1987, %parallel_loop3A_1988] {strides = array<i32>} : memref<8x128xf32, #tpu.memory_space<vmem>>, vector<1x16xf32>,
          %parallel_loop3A_1990 = vector.shape_cast %parallel_loop3A_1989 : vector<1x16xf32> to vector<16xf32>
          %parallel_loop3A_1991 = vector.shape_cast %parallel_loop3A_1986 : vector<16xf32> to vector<1x16xf32>
          tpu.vector_store %arg15[%parallel_loop3A_1987, %parallel_loop3A_1988], %parallel_loop3A_1991 {add = true, strides = array<i32>} : memref<8x128xf32, #tpu.memory_space<vmem>>, vector<1x16xf32>,
          %parallel_loop3A_1992 = vector.broadcast %parallel_loop3A_1886 : f32 to vector<16xf32>
          %parallel_loop3A_1993 = arith.mulf %parallel_loop3A_1805, %parallel_loop3A_1992 : vector<16xf32>
          %parallel_loop3A_1994 = arith.index_cast %parallel_loop3A_1709 : i32 to index
          %parallel_loop3A_1995 = arith.constant 112 : index
          %parallel_loop3A_1996 = tpu.vector_load %arg15[%parallel_loop3A_1994, %parallel_loop3A_1995] {strides = array<i32>} : memref<8x128xf32, #tpu.memory_space<vmem>>, vector<1x16xf32>,
          %parallel_loop3A_1997 = vector.shape_cast %parallel_loop3A_1996 : vector<1x16xf32> to vector<16xf32>
          %parallel_loop3A_1998 = vector.shape_cast %parallel_loop3A_1993 : vector<16xf32> to vector<1x16xf32>
          tpu.vector_store %arg15[%parallel_loop3A_1994, %parallel_loop3A_1995], %parallel_loop3A_1998 {add = true, strides = array<i32>} : memref<8x128xf32, #tpu.memory_space<vmem>>, vector<1x16xf32>,
        } {sc.loop_unroll_factor = 2 : i64, sc.parallel_access}
      } else {
      }
      %mul3A_1658 = arith.constant 2 : i32
      %mul3A_1659 = arith.muli %mul3A_1658, %while3A_1649 : i32
      %add3A_1660 = arith.constant 1 : i32
      %add3A_1661 = arith.addi %mul3A_1659, %add3A_1660 : i32
      %lt3A_1662 = arith.cmpi slt, %add3A_1661, %sub3A_1615 : i32
      %convert_element_type3A_1663 = arith.extui %lt3A_1662 : i1 to i32
      %cond3A_1664 = arith.constant 0 : i32
      %cond3A_1665 = arith.cmpi ne, %convert_element_type3A_1663, %cond3A_1664 : i32
      scf.if %cond3A_1665 {
        %add3A_1666 = arith.constant 1 : i32
        %add3A_1667 = arith.addi %add3A_1661, %add3A_1666 : i32
        %lt3A_1668 = arith.cmpi slt, %add3A_1667, %sub3A_1615 : i32
        %convert_element_type3A_1669 = arith.extui %lt3A_1668 : i1 to i32
        %cond3A_1670 = arith.constant 0 : i32
        %cond3A_1671 = arith.cmpi ne, %convert_element_type3A_1669, %cond3A_1670 : i32
        scf.if %cond3A_1671 {
          %add3A_1692 = arith.constant 1 : i32
          %add3A_1693 = arith.addi %add3A_1661, %add3A_1692 : i32
          %add3A_1694 = arith.addi %sub3A, %add3A_1693 : i32
          %mul3A_1695 = arith.constant 64 : i32
          %mul3A_1696 = arith.muli %add3A_1694, %mul3A_1695 : i32
          %min3A_1697 = arith.constant 99936 : i32
          %min3A_1698 = arith.minsi %mul3A_1696, %min3A_1697 : i32
          %dma_start3A = arith.constant 0 : i32
          %dma_start3A_1699 = tpu.memref_slice %arg2[%min3A_1698, %dma_start3A] : memref<100000x128xf32, #tpu.memory_space<hbm>> -> memref<64x128xf32, #tpu.memory_space<hbm>>
          %dma_start3A_1700 = arith.constant 0 : i32
          %dma_start3A_1701 = tpu.memref_slice %arg2[%min3A_1698, %dma_start3A_1700] : memref<100000x128xf32, #tpu.memory_space<hbm>> -> memref<64x128xf32, #tpu.memory_space<hbm>>
          tpu.enqueue_dma source(%dma_start3A_1701 : memref<64x128xf32, #tpu.memory_space<hbm>>) target(%arg11 : memref<64x128xf32, #tpu.memory_space<vmem>>) target_semaphore(%arg16 : memref<!tpu.dma_semaphore, #tpu.memory_space<semaphore_mem>>)
          %dma_start3A_1702 = arith.constant 0 : i32
          %dma_start3A_1703 = tpu.memref_slice %arg13[%dma_start3A_1702] : memref<80xi32, #tpu.memory_space<vmem>> -> memref<64xi32, #tpu.memory_space<vmem>>
          %dma_start3A_1704 = tpu.memref_slice %arg3[%min3A_1698] : memref<100000xi32, #tpu.memory_space<hbm>> -> memref<64xi32, #tpu.memory_space<hbm>>
          %dma_start3A_1705 = arith.constant 0 : i32
          %dma_start3A_1706 = tpu.memref_slice %arg13[%dma_start3A_1705] : memref<80xi32, #tpu.memory_space<vmem>> -> memref<64xi32, #tpu.memory_space<vmem>>
          %dma_start3A_1707 = tpu.memref_slice %arg3[%min3A_1698] : memref<100000xi32, #tpu.memory_space<hbm>> -> memref<64xi32, #tpu.memory_space<hbm>>
          tpu.enqueue_dma source(%dma_start3A_1707 : memref<64xi32, #tpu.memory_space<hbm>>) target(%dma_start3A_1706 : memref<64xi32, #tpu.memory_space<vmem>>) target_semaphore(%arg16 : memref<!tpu.dma_semaphore, #tpu.memory_space<semaphore_mem>>)
        } else {
        }
        %dma_wait3A = arith.constant 0 : i32
        %dma_wait3A_1672 = arith.constant 0 : i32
        %dma_wait3A_1673 = tpu.memref_slice %arg2[%dma_wait3A, %dma_wait3A_1672] : memref<100000x128xf32, #tpu.memory_space<hbm>> -> memref<64x128xf32, #tpu.memory_space<hbm>>
        %dma_wait3A_1674 = arith.constant 0 : i32
        %dma_wait3A_1675 = arith.constant 0 : i32
        %dma_wait3A_1676 = tpu.memref_slice %arg2[%dma_wait3A_1674, %dma_wait3A_1675] : memref<100000x128xf32, #tpu.memory_space<hbm>> -> memref<64x128xf32, #tpu.memory_space<hbm>>
        tpu.wait_dma2 semaphore(%arg17 : memref<!tpu.dma_semaphore, #tpu.memory_space<semaphore_mem>>) src(%dma_wait3A_1676 : memref<64x128xf32, #tpu.memory_space<hbm>>) dst(%arg12 : memref<64x128xf32, #tpu.memory_space<vmem>>)
        %dma_wait3A_1677 = arith.constant 0 : i32
        %dma_wait3A_1678 = tpu.memref_slice %arg14[%dma_wait3A_1677] : memref<80xi32, #tpu.memory_space<vmem>> -> memref<64xi32, #tpu.memory_space<vmem>>
        %dma_wait3A_1679 = arith.constant 0 : i32
        %dma_wait3A_1680 = tpu.memref_slice %arg3[%dma_wait3A_1679] : memref<100000xi32, #tpu.memory_space<hbm>> -> memref<64xi32, #tpu.memory_space<hbm>>
        %dma_wait3A_1681 = arith.constant 0 : i32
        %dma_wait3A_1682 = tpu.memref_slice %arg14[%dma_wait3A_1681] : memref<80xi32, #tpu.memory_space<vmem>> -> memref<64xi32, #tpu.memory_space<vmem>>
        %dma_wait3A_1683 = arith.constant 0 : i32
        %dma_wait3A_1684 = tpu.memref_slice %arg3[%dma_wait3A_1683] : memref<100000xi32, #tpu.memory_space<hbm>> -> memref<64xi32, #tpu.memory_space<hbm>>
        tpu.wait_dma2 semaphore(%arg17 : memref<!tpu.dma_semaphore, #tpu.memory_space<semaphore_mem>>) src(%dma_wait3A_1684 : memref<64xi32, #tpu.memory_space<hbm>>) dst(%dma_wait3A_1682 : memref<64xi32, #tpu.memory_space<vmem>>)
        %add3A_1685 = arith.addi %sub3A, %add3A_1661 : i32
        %mul3A_1686 = arith.constant 64 : i32
        %mul3A_1687 = arith.muli %add3A_1685, %mul3A_1686 : i32
        %min3A = arith.constant 99936 : i32
        %min3A_1688 = arith.minsi %mul3A_1687, %min3A : i32
        %sub3A_1689 = arith.subi %mul3A_1687, %min3A_1688 : i32
        %parallel_loop3A = arith.constant 0 : i32
        %parallel_loop3A_1690 = arith.constant 64 : i32
        %parallel_loop3A_1691 = arith.constant 2 : i32
        scf.for %parallel_loop3A_1692 = %parallel_loop3A to %parallel_loop3A_1690 step %parallel_loop3A_1691  : i32 {
          %parallel_loop3A_1693 = arith.index_cast %parallel_loop3A_1692 : i32 to index
          %parallel_loop3A_1694 = tpu.vector_load %arg14[%parallel_loop3A_1693] {strides = array<i32>} : memref<80xi32, #tpu.memory_space<vmem>>, vector<16xi32>,
          %parallel_loop3A_1695 = vector.shape_cast %parallel_loop3A_1694 : vector<16xi32> to vector<16xi32>
          %parallel_loop3A_1696 = tpu.iota {dimensions = array<i32: 0>} : vector<16xi32>
          %parallel_loop3A_1697 = arith.constant 8 : i32
          %parallel_loop3A_1698 = vector.broadcast %parallel_loop3A_1697 : i32 to vector<16xi32>
          %parallel_loop3A_1699 = arith.cmpi slt, %parallel_loop3A_1696, %parallel_loop3A_1698 : vector<16xi32>
          %parallel_loop3A_1700 = vector.extract_strided_slice %parallel_loop3A_1695 {offsets = [0], sizes = [1], strides = [1]} : vector<16xi32> to vector<1xi32>
          %parallel_loop3A_1701 = vector.extract %parallel_loop3A_1700[0] : i32 from vector<1xi32>
          %parallel_loop3A_1702 = vector.extract_strided_slice %parallel_loop3A_1695 {offsets = [1], sizes = [1], strides = [1]} : vector<16xi32> to vector<1xi32>
          %parallel_loop3A_1703 = vector.extract %parallel_loop3A_1702[0] : i32 from vector<1xi32>
          %parallel_loop3A_1704 = arith.subi %parallel_loop3A_1701, %mul3A_438 : i32
          %parallel_loop3A_1705 = arith.constant 7 : i32
          %parallel_loop3A_1706 = arith.andi %parallel_loop3A_1704, %parallel_loop3A_1705 : i32
          %parallel_loop3A_1707 = arith.subi %parallel_loop3A_1703, %mul3A_438 : i32
          %parallel_loop3A_1708 = arith.constant 7 : i32
          %parallel_loop3A_1709 = arith.andi %parallel_loop3A_1707, %parallel_loop3A_1708 : i32
          %parallel_loop3A_1710 = arith.cmpi sge, %parallel_loop3A_1701, %mul3A_438 : i32
          %parallel_loop3A_1711 = arith.cmpi slt, %parallel_loop3A_1701, %add3A_440 : i32
          %parallel_loop3A_1712 = arith.andi %parallel_loop3A_1710, %parallel_loop3A_1711 : i1
          %parallel_loop3A_1713 = arith.cmpi sge, %parallel_loop3A_1692, %sub3A_1689 : i32
          %parallel_loop3A_1714 = arith.andi %parallel_loop3A_1712, %parallel_loop3A_1713 : i1
          %parallel_loop3A_1715 = arith.cmpi sge, %parallel_loop3A_1703, %mul3A_438 : i32
          %parallel_loop3A_1716 = arith.cmpi slt, %parallel_loop3A_1703, %add3A_440 : i32
          %parallel_loop3A_1717 = arith.andi %parallel_loop3A_1715, %parallel_loop3A_1716 : i1
          %parallel_loop3A_1718 = arith.constant 1 : i32
          %parallel_loop3A_1719 = arith.addi %parallel_loop3A_1692, %parallel_loop3A_1718 : i32
          %parallel_loop3A_1720 = arith.cmpi sge, %parallel_loop3A_1719, %sub3A_1689 : i32
          %parallel_loop3A_1721 = arith.andi %parallel_loop3A_1717, %parallel_loop3A_1720 : i1
          %parallel_loop3A_1722 = arith.constant 1.000000e+30 : f32
          %parallel_loop3A_1723 = arith.select %parallel_loop3A_1714, %squeeze3A, %parallel_loop3A_1722 : f32
          %parallel_loop3A_1724 = arith.constant 1.000000e+30 : f32
          %parallel_loop3A_1725 = arith.select %parallel_loop3A_1721, %squeeze3A, %parallel_loop3A_1724 : f32
          %parallel_loop3A_1726 = arith.index_cast %parallel_loop3A_1692 : i32 to index
          %parallel_loop3A_1727 = arith.constant 0 : index
          %parallel_loop3A_1728 = tpu.vector_load %arg12[%parallel_loop3A_1726, %parallel_loop3A_1727] {strides = array<i32>} : memref<64x128xf32, #tpu.memory_space<vmem>>, vector<1x16xf32>,
          %parallel_loop3A_1729 = vector.shape_cast %parallel_loop3A_1728 : vector<1x16xf32> to vector<16xf32>
          %parallel_loop3A_1730 = arith.index_cast %parallel_loop3A_1692 : i32 to index
          %parallel_loop3A_1731 = arith.constant 16 : index
          %parallel_loop3A_1732 = tpu.vector_load %arg12[%parallel_loop3A_1730, %parallel_loop3A_1731] {strides = array<i32>} : memref<64x128xf32, #tpu.memory_space<vmem>>, vector<1x16xf32>,
          %parallel_loop3A_1733 = vector.shape_cast %parallel_loop3A_1732 : vector<1x16xf32> to vector<16xf32>
          %parallel_loop3A_1734 = arith.index_cast %parallel_loop3A_1692 : i32 to index
          %parallel_loop3A_1735 = arith.constant 32 : index
          %parallel_loop3A_1736 = tpu.vector_load %arg12[%parallel_loop3A_1734, %parallel_loop3A_1735] {strides = array<i32>} : memref<64x128xf32, #tpu.memory_space<vmem>>, vector<1x16xf32>,
          %parallel_loop3A_1737 = vector.shape_cast %parallel_loop3A_1736 : vector<1x16xf32> to vector<16xf32>
          %parallel_loop3A_1738 = arith.index_cast %parallel_loop3A_1692 : i32 to index
          %parallel_loop3A_1739 = arith.constant 48 : index
          %parallel_loop3A_1740 = tpu.vector_load %arg12[%parallel_loop3A_1738, %parallel_loop3A_1739] {strides = array<i32>} : memref<64x128xf32, #tpu.memory_space<vmem>>, vector<1x16xf32>,
          %parallel_loop3A_1741 = vector.shape_cast %parallel_loop3A_1740 : vector<1x16xf32> to vector<16xf32>
          %parallel_loop3A_1742 = arith.index_cast %parallel_loop3A_1692 : i32 to index
          %parallel_loop3A_1743 = arith.constant 64 : index
          %parallel_loop3A_1744 = tpu.vector_load %arg12[%parallel_loop3A_1742, %parallel_loop3A_1743] {strides = array<i32>} : memref<64x128xf32, #tpu.memory_space<vmem>>, vector<1x16xf32>,
          %parallel_loop3A_1745 = vector.shape_cast %parallel_loop3A_1744 : vector<1x16xf32> to vector<16xf32>
          %parallel_loop3A_1746 = arith.index_cast %parallel_loop3A_1692 : i32 to index
          %parallel_loop3A_1747 = arith.constant 80 : index
          %parallel_loop3A_1748 = tpu.vector_load %arg12[%parallel_loop3A_1746, %parallel_loop3A_1747] {strides = array<i32>} : memref<64x128xf32, #tpu.memory_space<vmem>>, vector<1x16xf32>,
          %parallel_loop3A_1749 = vector.shape_cast %parallel_loop3A_1748 : vector<1x16xf32> to vector<16xf32>
          %parallel_loop3A_1750 = arith.index_cast %parallel_loop3A_1692 : i32 to index
          %parallel_loop3A_1751 = arith.constant 96 : index
          %parallel_loop3A_1752 = tpu.vector_load %arg12[%parallel_loop3A_1750, %parallel_loop3A_1751] {strides = array<i32>} : memref<64x128xf32, #tpu.memory_space<vmem>>, vector<1x16xf32>,
          %parallel_loop3A_1753 = vector.shape_cast %parallel_loop3A_1752 : vector<1x16xf32> to vector<16xf32>
          %parallel_loop3A_1754 = arith.index_cast %parallel_loop3A_1692 : i32 to index
          %parallel_loop3A_1755 = arith.constant 112 : index
          %parallel_loop3A_1756 = tpu.vector_load %arg12[%parallel_loop3A_1754, %parallel_loop3A_1755] {strides = array<i32>} : memref<64x128xf32, #tpu.memory_space<vmem>>, vector<1x16xf32>,
          %parallel_loop3A_1757 = vector.shape_cast %parallel_loop3A_1756 : vector<1x16xf32> to vector<16xf32>
          %parallel_loop3A_1758 = arith.constant 1 : i32
          %parallel_loop3A_1759 = arith.addi %parallel_loop3A_1692, %parallel_loop3A_1758 : i32
          %parallel_loop3A_1760 = arith.index_cast %parallel_loop3A_1759 : i32 to index
          %parallel_loop3A_1761 = arith.constant 0 : index
          %parallel_loop3A_1762 = tpu.vector_load %arg12[%parallel_loop3A_1760, %parallel_loop3A_1761] {strides = array<i32>} : memref<64x128xf32, #tpu.memory_space<vmem>>, vector<1x16xf32>,
          %parallel_loop3A_1763 = vector.shape_cast %parallel_loop3A_1762 : vector<1x16xf32> to vector<16xf32>
          %parallel_loop3A_1764 = arith.constant 1 : i32
          %parallel_loop3A_1765 = arith.addi %parallel_loop3A_1692, %parallel_loop3A_1764 : i32
          %parallel_loop3A_1766 = arith.index_cast %parallel_loop3A_1765 : i32 to index
          %parallel_loop3A_1767 = arith.constant 16 : index
          %parallel_loop3A_1768 = tpu.vector_load %arg12[%parallel_loop3A_1766, %parallel_loop3A_1767] {strides = array<i32>} : memref<64x128xf32, #tpu.memory_space<vmem>>, vector<1x16xf32>,
          %parallel_loop3A_1769 = vector.shape_cast %parallel_loop3A_1768 : vector<1x16xf32> to vector<16xf32>
          %parallel_loop3A_1770 = arith.constant 1 : i32
          %parallel_loop3A_1771 = arith.addi %parallel_loop3A_1692, %parallel_loop3A_1770 : i32
          %parallel_loop3A_1772 = arith.index_cast %parallel_loop3A_1771 : i32 to index
          %parallel_loop3A_1773 = arith.constant 32 : index
          %parallel_loop3A_1774 = tpu.vector_load %arg12[%parallel_loop3A_1772, %parallel_loop3A_1773] {strides = array<i32>} : memref<64x128xf32, #tpu.memory_space<vmem>>, vector<1x16xf32>,
          %parallel_loop3A_1775 = vector.shape_cast %parallel_loop3A_1774 : vector<1x16xf32> to vector<16xf32>
          %parallel_loop3A_1776 = arith.constant 1 : i32
          %parallel_loop3A_1777 = arith.addi %parallel_loop3A_1692, %parallel_loop3A_1776 : i32
          %parallel_loop3A_1778 = arith.index_cast %parallel_loop3A_1777 : i32 to index
          %parallel_loop3A_1779 = arith.constant 48 : index
          %parallel_loop3A_1780 = tpu.vector_load %arg12[%parallel_loop3A_1778, %parallel_loop3A_1779] {strides = array<i32>} : memref<64x128xf32, #tpu.memory_space<vmem>>, vector<1x16xf32>,
          %parallel_loop3A_1781 = vector.shape_cast %parallel_loop3A_1780 : vector<1x16xf32> to vector<16xf32>
          %parallel_loop3A_1782 = arith.constant 1 : i32
          %parallel_loop3A_1783 = arith.addi %parallel_loop3A_1692, %parallel_loop3A_1782 : i32
          %parallel_loop3A_1784 = arith.index_cast %parallel_loop3A_1783 : i32 to index
          %parallel_loop3A_1785 = arith.constant 64 : index
          %parallel_loop3A_1786 = tpu.vector_load %arg12[%parallel_loop3A_1784, %parallel_loop3A_1785] {strides = array<i32>} : memref<64x128xf32, #tpu.memory_space<vmem>>, vector<1x16xf32>,
          %parallel_loop3A_1787 = vector.shape_cast %parallel_loop3A_1786 : vector<1x16xf32> to vector<16xf32>
          %parallel_loop3A_1788 = arith.constant 1 : i32
          %parallel_loop3A_1789 = arith.addi %parallel_loop3A_1692, %parallel_loop3A_1788 : i32
          %parallel_loop3A_1790 = arith.index_cast %parallel_loop3A_1789 : i32 to index
          %parallel_loop3A_1791 = arith.constant 80 : index
          %parallel_loop3A_1792 = tpu.vector_load %arg12[%parallel_loop3A_1790, %parallel_loop3A_1791] {strides = array<i32>} : memref<64x128xf32, #tpu.memory_space<vmem>>, vector<1x16xf32>,
          %parallel_loop3A_1793 = vector.shape_cast %parallel_loop3A_1792 : vector<1x16xf32> to vector<16xf32>
          %parallel_loop3A_1794 = arith.constant 1 : i32
          %parallel_loop3A_1795 = arith.addi %parallel_loop3A_1692, %parallel_loop3A_1794 : i32
          %parallel_loop3A_1796 = arith.index_cast %parallel_loop3A_1795 : i32 to index
          %parallel_loop3A_1797 = arith.constant 96 : index
          %parallel_loop3A_1798 = tpu.vector_load %arg12[%parallel_loop3A_1796, %parallel_loop3A_1797] {strides = array<i32>} : memref<64x128xf32, #tpu.memory_space<vmem>>, vector<1x16xf32>,
          %parallel_loop3A_1799 = vector.shape_cast %parallel_loop3A_1798 : vector<1x16xf32> to vector<16xf32>
          %parallel_loop3A_1800 = arith.constant 1 : i32
          %parallel_loop3A_1801 = arith.addi %parallel_loop3A_1692, %parallel_loop3A_1800 : i32
          %parallel_loop3A_1802 = arith.index_cast %parallel_loop3A_1801 : i32 to index
          %parallel_loop3A_1803 = arith.constant 112 : index
          %parallel_loop3A_1804 = tpu.vector_load %arg12[%parallel_loop3A_1802, %parallel_loop3A_1803] {strides = array<i32>} : memref<64x128xf32, #tpu.memory_space<vmem>>, vector<1x16xf32>,
          %parallel_loop3A_1805 = vector.shape_cast %parallel_loop3A_1804 : vector<1x16xf32> to vector<16xf32>
          %parallel_loop3A_1806 = arith.mulf %parallel_loop3A_1729, %neg3A_388 : vector<16xf32>
          %parallel_loop3A_1807 = arith.mulf %parallel_loop3A_1733, %neg3A_394 : vector<16xf32>
          %parallel_loop3A_1808 = arith.mulf %parallel_loop3A_1737, %neg3A_400 : vector<16xf32>
          %parallel_loop3A_1809 = arith.mulf %parallel_loop3A_1741, %neg3A_406 : vector<16xf32>
          %parallel_loop3A_1810 = arith.mulf %parallel_loop3A_1745, %neg3A_412 : vector<16xf32>
          %parallel_loop3A_1811 = arith.mulf %parallel_loop3A_1749, %neg3A_418 : vector<16xf32>
          %parallel_loop3A_1812 = arith.mulf %parallel_loop3A_1753, %neg3A_424 : vector<16xf32>
          %parallel_loop3A_1813 = arith.mulf %parallel_loop3A_1757, %neg3A_430 : vector<16xf32>
          %parallel_loop3A_1814 = arith.addf %parallel_loop3A_1806, %parallel_loop3A_1807 : vector<16xf32>
          %parallel_loop3A_1815 = arith.addf %parallel_loop3A_1808, %parallel_loop3A_1809 : vector<16xf32>
          %parallel_loop3A_1816 = arith.addf %parallel_loop3A_1814, %parallel_loop3A_1815 : vector<16xf32>
          %parallel_loop3A_1817 = arith.addf %parallel_loop3A_1810, %parallel_loop3A_1811 : vector<16xf32>
          %parallel_loop3A_1818 = arith.addf %parallel_loop3A_1812, %parallel_loop3A_1813 : vector<16xf32>
          %parallel_loop3A_1819 = arith.addf %parallel_loop3A_1817, %parallel_loop3A_1818 : vector<16xf32>
          %parallel_loop3A_1820 = arith.addf %parallel_loop3A_1816, %parallel_loop3A_1819 : vector<16xf32>
          %parallel_loop3A_1821 = arith.mulf %parallel_loop3A_1763, %neg3A_388 : vector<16xf32>
          %parallel_loop3A_1822 = arith.mulf %parallel_loop3A_1769, %neg3A_394 : vector<16xf32>
          %parallel_loop3A_1823 = arith.mulf %parallel_loop3A_1775, %neg3A_400 : vector<16xf32>
          %parallel_loop3A_1824 = arith.mulf %parallel_loop3A_1781, %neg3A_406 : vector<16xf32>
          %parallel_loop3A_1825 = arith.mulf %parallel_loop3A_1787, %neg3A_412 : vector<16xf32>
          %parallel_loop3A_1826 = arith.mulf %parallel_loop3A_1793, %neg3A_418 : vector<16xf32>
          %parallel_loop3A_1827 = arith.mulf %parallel_loop3A_1799, %neg3A_424 : vector<16xf32>
          %parallel_loop3A_1828 = arith.mulf %parallel_loop3A_1805, %neg3A_430 : vector<16xf32>
          %parallel_loop3A_1829 = arith.addf %parallel_loop3A_1821, %parallel_loop3A_1822 : vector<16xf32>
          %parallel_loop3A_1830 = arith.addf %parallel_loop3A_1823, %parallel_loop3A_1824 : vector<16xf32>
          %parallel_loop3A_1831 = arith.addf %parallel_loop3A_1829, %parallel_loop3A_1830 : vector<16xf32>
          %parallel_loop3A_1832 = arith.addf %parallel_loop3A_1825, %parallel_loop3A_1826 : vector<16xf32>
          %parallel_loop3A_1833 = arith.addf %parallel_loop3A_1827, %parallel_loop3A_1828 : vector<16xf32>
          %parallel_loop3A_1834 = arith.addf %parallel_loop3A_1832, %parallel_loop3A_1833 : vector<16xf32>
          %parallel_loop3A_1835 = arith.addf %parallel_loop3A_1831, %parallel_loop3A_1834 : vector<16xf32>
          %parallel_loop3A_1836 = arith.constant 8 : i32
          %parallel_loop3A_1837 = vector.broadcast %parallel_loop3A_1836 : i32 to vector<16xi32>
          %parallel_loop3A_1838 = arith.xori %parallel_loop3A_1696, %parallel_loop3A_1837 : vector<16xi32>
          %parallel_loop3A_1839 = vector.shape_cast %parallel_loop3A_1838 : vector<16xi32> to vector<16x1xi32>
          %parallel_loop3A_1840 = vector.shape_cast %parallel_loop3A_1839 : vector<16x1xi32> to vector<16xi32>
          %parallel_loop3A_1841 = tpu.dynamic_gather %parallel_loop3A_1820[%parallel_loop3A_1840] in [0] : vector<16xf32>, vector<16xi32> -> vector<16xf32>
          %parallel_loop3A_1842 = arith.addf %parallel_loop3A_1820, %parallel_loop3A_1841 : vector<16xf32>
          %parallel_loop3A_1843 = arith.constant 8 : i32
          %parallel_loop3A_1844 = vector.broadcast %parallel_loop3A_1843 : i32 to vector<16xi32>
          %parallel_loop3A_1845 = arith.xori %parallel_loop3A_1696, %parallel_loop3A_1844 : vector<16xi32>
          %parallel_loop3A_1846 = vector.shape_cast %parallel_loop3A_1845 : vector<16xi32> to vector<16x1xi32>
          %parallel_loop3A_1847 = vector.shape_cast %parallel_loop3A_1846 : vector<16x1xi32> to vector<16xi32>
          %parallel_loop3A_1848 = tpu.dynamic_gather %parallel_loop3A_1835[%parallel_loop3A_1847] in [0] : vector<16xf32>, vector<16xi32> -> vector<16xf32>
          %parallel_loop3A_1849 = arith.addf %parallel_loop3A_1835, %parallel_loop3A_1848 : vector<16xf32>
          %parallel_loop3A_1850 = arith.select %parallel_loop3A_1699, %parallel_loop3A_1842, %parallel_loop3A_1849 : vector<16xi1>, vector<16xf32>
          %parallel_loop3A_1851 = arith.constant 4 : i32
          %parallel_loop3A_1852 = vector.broadcast %parallel_loop3A_1851 : i32 to vector<16xi32>
          %parallel_loop3A_1853 = arith.xori %parallel_loop3A_1696, %parallel_loop3A_1852 : vector<16xi32>
          %parallel_loop3A_1854 = vector.shape_cast %parallel_loop3A_1853 : vector<16xi32> to vector<16x1xi32>
          %parallel_loop3A_1855 = vector.shape_cast %parallel_loop3A_1854 : vector<16x1xi32> to vector<16xi32>
          %parallel_loop3A_1856 = tpu.dynamic_gather %parallel_loop3A_1850[%parallel_loop3A_1855] in [0] : vector<16xf32>, vector<16xi32> -> vector<16xf32>
          %parallel_loop3A_1857 = arith.addf %parallel_loop3A_1850, %parallel_loop3A_1856 : vector<16xf32>
          %parallel_loop3A_1858 = arith.constant 2 : i32
          %parallel_loop3A_1859 = vector.broadcast %parallel_loop3A_1858 : i32 to vector<16xi32>
          %parallel_loop3A_1860 = arith.xori %parallel_loop3A_1696, %parallel_loop3A_1859 : vector<16xi32>
          %parallel_loop3A_1861 = vector.shape_cast %parallel_loop3A_1860 : vector<16xi32> to vector<16x1xi32>
          %parallel_loop3A_1862 = vector.shape_cast %parallel_loop3A_1861 : vector<16x1xi32> to vector<16xi32>
          %parallel_loop3A_1863 = tpu.dynamic_gather %parallel_loop3A_1857[%parallel_loop3A_1862] in [0] : vector<16xf32>, vector<16xi32> -> vector<16xf32>
          %parallel_loop3A_1864 = arith.addf %parallel_loop3A_1857, %parallel_loop3A_1863 : vector<16xf32>
          %parallel_loop3A_1865 = arith.constant 1 : i32
          %parallel_loop3A_1866 = vector.broadcast %parallel_loop3A_1865 : i32 to vector<16xi32>
          %parallel_loop3A_1867 = arith.xori %parallel_loop3A_1696, %parallel_loop3A_1866 : vector<16xi32>
          %parallel_loop3A_1868 = vector.shape_cast %parallel_loop3A_1867 : vector<16xi32> to vector<16x1xi32>
          %parallel_loop3A_1869 = vector.shape_cast %parallel_loop3A_1868 : vector<16x1xi32> to vector<16xi32>
          %parallel_loop3A_1870 = tpu.dynamic_gather %parallel_loop3A_1864[%parallel_loop3A_1869] in [0] : vector<16xf32>, vector<16xi32> -> vector<16xf32>
          %parallel_loop3A_1871 = arith.addf %parallel_loop3A_1864, %parallel_loop3A_1870 : vector<16xf32>
          %parallel_loop3A_1872 = vector.broadcast %parallel_loop3A_1723 : f32 to vector<16xf32>
          %parallel_loop3A_1873 = vector.broadcast %parallel_loop3A_1725 : f32 to vector<16xf32>
          %parallel_loop3A_1874 = arith.select %parallel_loop3A_1699, %parallel_loop3A_1872, %parallel_loop3A_1873 : vector<16xi1>, vector<16xf32>
          %parallel_loop3A_1875 = arith.addf %parallel_loop3A_1871, %parallel_loop3A_1874 : vector<16xf32>
          %parallel_loop3A_1876 = math.exp %parallel_loop3A_1875 : vector<16xf32>
          %parallel_loop3A_1877 = arith.constant 1.000000e+00 : f32
          %parallel_loop3A_1878 = vector.broadcast %parallel_loop3A_1877 : f32 to vector<16xf32>
          %parallel_loop3A_1879 = arith.addf %parallel_loop3A_1878, %parallel_loop3A_1876 : vector<16xf32>
          %parallel_loop3A_1880 = arith.constant 1.000000e+00 : f32
          %parallel_loop3A_1881 = vector.broadcast %parallel_loop3A_1880 : f32 to vector<16xf32>
          %parallel_loop3A_1882 = arith.divf %parallel_loop3A_1881, %parallel_loop3A_1879 : vector<16xf32>
          %parallel_loop3A_1883 = vector.extract_strided_slice %parallel_loop3A_1882 {offsets = [0], sizes = [1], strides = [1]} : vector<16xf32> to vector<1xf32>
          %parallel_loop3A_1884 = vector.extract %parallel_loop3A_1883[0] : f32 from vector<1xf32>
          %parallel_loop3A_1885 = vector.extract_strided_slice %parallel_loop3A_1882 {offsets = [8], sizes = [1], strides = [1]} : vector<16xf32> to vector<1xf32>
          %parallel_loop3A_1886 = vector.extract %parallel_loop3A_1885[0] : f32 from vector<1xf32>
          %parallel_loop3A_1887 = vector.broadcast %parallel_loop3A_1884 : f32 to vector<16xf32>
          %parallel_loop3A_1888 = arith.mulf %parallel_loop3A_1729, %parallel_loop3A_1887 : vector<16xf32>
          %parallel_loop3A_1889 = arith.index_cast %parallel_loop3A_1706 : i32 to index
          %parallel_loop3A_1890 = arith.constant 0 : index
          %parallel_loop3A_1891 = tpu.vector_load %arg15[%parallel_loop3A_1889, %parallel_loop3A_1890] {strides = array<i32>} : memref<8x128xf32, #tpu.memory_space<vmem>>, vector<1x16xf32>,
          %parallel_loop3A_1892 = vector.shape_cast %parallel_loop3A_1891 : vector<1x16xf32> to vector<16xf32>
          %parallel_loop3A_1893 = vector.shape_cast %parallel_loop3A_1888 : vector<16xf32> to vector<1x16xf32>
          tpu.vector_store %arg15[%parallel_loop3A_1889, %parallel_loop3A_1890], %parallel_loop3A_1893 {add = true, strides = array<i32>} : memref<8x128xf32, #tpu.memory_space<vmem>>, vector<1x16xf32>,
          %parallel_loop3A_1894 = vector.broadcast %parallel_loop3A_1884 : f32 to vector<16xf32>
          %parallel_loop3A_1895 = arith.mulf %parallel_loop3A_1733, %parallel_loop3A_1894 : vector<16xf32>
          %parallel_loop3A_1896 = arith.index_cast %parallel_loop3A_1706 : i32 to index
          %parallel_loop3A_1897 = arith.constant 16 : index
          %parallel_loop3A_1898 = tpu.vector_load %arg15[%parallel_loop3A_1896, %parallel_loop3A_1897] {strides = array<i32>} : memref<8x128xf32, #tpu.memory_space<vmem>>, vector<1x16xf32>,
          %parallel_loop3A_1899 = vector.shape_cast %parallel_loop3A_1898 : vector<1x16xf32> to vector<16xf32>
          %parallel_loop3A_1900 = vector.shape_cast %parallel_loop3A_1895 : vector<16xf32> to vector<1x16xf32>
          tpu.vector_store %arg15[%parallel_loop3A_1896, %parallel_loop3A_1897], %parallel_loop3A_1900 {add = true, strides = array<i32>} : memref<8x128xf32, #tpu.memory_space<vmem>>, vector<1x16xf32>,
          %parallel_loop3A_1901 = vector.broadcast %parallel_loop3A_1884 : f32 to vector<16xf32>
          %parallel_loop3A_1902 = arith.mulf %parallel_loop3A_1737, %parallel_loop3A_1901 : vector<16xf32>
          %parallel_loop3A_1903 = arith.index_cast %parallel_loop3A_1706 : i32 to index
          %parallel_loop3A_1904 = arith.constant 32 : index
          %parallel_loop3A_1905 = tpu.vector_load %arg15[%parallel_loop3A_1903, %parallel_loop3A_1904] {strides = array<i32>} : memref<8x128xf32, #tpu.memory_space<vmem>>, vector<1x16xf32>,
          %parallel_loop3A_1906 = vector.shape_cast %parallel_loop3A_1905 : vector<1x16xf32> to vector<16xf32>
          %parallel_loop3A_1907 = vector.shape_cast %parallel_loop3A_1902 : vector<16xf32> to vector<1x16xf32>
          tpu.vector_store %arg15[%parallel_loop3A_1903, %parallel_loop3A_1904], %parallel_loop3A_1907 {add = true, strides = array<i32>} : memref<8x128xf32, #tpu.memory_space<vmem>>, vector<1x16xf32>,
          %parallel_loop3A_1908 = vector.broadcast %parallel_loop3A_1884 : f32 to vector<16xf32>
          %parallel_loop3A_1909 = arith.mulf %parallel_loop3A_1741, %parallel_loop3A_1908 : vector<16xf32>
          %parallel_loop3A_1910 = arith.index_cast %parallel_loop3A_1706 : i32 to index
          %parallel_loop3A_1911 = arith.constant 48 : index
          %parallel_loop3A_1912 = tpu.vector_load %arg15[%parallel_loop3A_1910, %parallel_loop3A_1911] {strides = array<i32>} : memref<8x128xf32, #tpu.memory_space<vmem>>, vector<1x16xf32>,
          %parallel_loop3A_1913 = vector.shape_cast %parallel_loop3A_1912 : vector<1x16xf32> to vector<16xf32>
          %parallel_loop3A_1914 = vector.shape_cast %parallel_loop3A_1909 : vector<16xf32> to vector<1x16xf32>
          tpu.vector_store %arg15[%parallel_loop3A_1910, %parallel_loop3A_1911], %parallel_loop3A_1914 {add = true, strides = array<i32>} : memref<8x128xf32, #tpu.memory_space<vmem>>, vector<1x16xf32>,
          %parallel_loop3A_1915 = vector.broadcast %parallel_loop3A_1884 : f32 to vector<16xf32>
          %parallel_loop3A_1916 = arith.mulf %parallel_loop3A_1745, %parallel_loop3A_1915 : vector<16xf32>
          %parallel_loop3A_1917 = arith.index_cast %parallel_loop3A_1706 : i32 to index
          %parallel_loop3A_1918 = arith.constant 64 : index
          %parallel_loop3A_1919 = tpu.vector_load %arg15[%parallel_loop3A_1917, %parallel_loop3A_1918] {strides = array<i32>} : memref<8x128xf32, #tpu.memory_space<vmem>>, vector<1x16xf32>,
          %parallel_loop3A_1920 = vector.shape_cast %parallel_loop3A_1919 : vector<1x16xf32> to vector<16xf32>
          %parallel_loop3A_1921 = vector.shape_cast %parallel_loop3A_1916 : vector<16xf32> to vector<1x16xf32>
          tpu.vector_store %arg15[%parallel_loop3A_1917, %parallel_loop3A_1918], %parallel_loop3A_1921 {add = true, strides = array<i32>} : memref<8x128xf32, #tpu.memory_space<vmem>>, vector<1x16xf32>,
          %parallel_loop3A_1922 = vector.broadcast %parallel_loop3A_1884 : f32 to vector<16xf32>
          %parallel_loop3A_1923 = arith.mulf %parallel_loop3A_1749, %parallel_loop3A_1922 : vector<16xf32>
          %parallel_loop3A_1924 = arith.index_cast %parallel_loop3A_1706 : i32 to index
          %parallel_loop3A_1925 = arith.constant 80 : index
          %parallel_loop3A_1926 = tpu.vector_load %arg15[%parallel_loop3A_1924, %parallel_loop3A_1925] {strides = array<i32>} : memref<8x128xf32, #tpu.memory_space<vmem>>, vector<1x16xf32>,
          %parallel_loop3A_1927 = vector.shape_cast %parallel_loop3A_1926 : vector<1x16xf32> to vector<16xf32>
          %parallel_loop3A_1928 = vector.shape_cast %parallel_loop3A_1923 : vector<16xf32> to vector<1x16xf32>
          tpu.vector_store %arg15[%parallel_loop3A_1924, %parallel_loop3A_1925], %parallel_loop3A_1928 {add = true, strides = array<i32>} : memref<8x128xf32, #tpu.memory_space<vmem>>, vector<1x16xf32>,
          %parallel_loop3A_1929 = vector.broadcast %parallel_loop3A_1884 : f32 to vector<16xf32>
          %parallel_loop3A_1930 = arith.mulf %parallel_loop3A_1753, %parallel_loop3A_1929 : vector<16xf32>
          %parallel_loop3A_1931 = arith.index_cast %parallel_loop3A_1706 : i32 to index
          %parallel_loop3A_1932 = arith.constant 96 : index
          %parallel_loop3A_1933 = tpu.vector_load %arg15[%parallel_loop3A_1931, %parallel_loop3A_1932] {strides = array<i32>} : memref<8x128xf32, #tpu.memory_space<vmem>>, vector<1x16xf32>,
          %parallel_loop3A_1934 = vector.shape_cast %parallel_loop3A_1933 : vector<1x16xf32> to vector<16xf32>
          %parallel_loop3A_1935 = vector.shape_cast %parallel_loop3A_1930 : vector<16xf32> to vector<1x16xf32>
          tpu.vector_store %arg15[%parallel_loop3A_1931, %parallel_loop3A_1932], %parallel_loop3A_1935 {add = true, strides = array<i32>} : memref<8x128xf32, #tpu.memory_space<vmem>>, vector<1x16xf32>,
          %parallel_loop3A_1936 = vector.broadcast %parallel_loop3A_1884 : f32 to vector<16xf32>
          %parallel_loop3A_1937 = arith.mulf %parallel_loop3A_1757, %parallel_loop3A_1936 : vector<16xf32>
          %parallel_loop3A_1938 = arith.index_cast %parallel_loop3A_1706 : i32 to index
          %parallel_loop3A_1939 = arith.constant 112 : index
          %parallel_loop3A_1940 = tpu.vector_load %arg15[%parallel_loop3A_1938, %parallel_loop3A_1939] {strides = array<i32>} : memref<8x128xf32, #tpu.memory_space<vmem>>, vector<1x16xf32>,
          %parallel_loop3A_1941 = vector.shape_cast %parallel_loop3A_1940 : vector<1x16xf32> to vector<16xf32>
          %parallel_loop3A_1942 = vector.shape_cast %parallel_loop3A_1937 : vector<16xf32> to vector<1x16xf32>
          tpu.vector_store %arg15[%parallel_loop3A_1938, %parallel_loop3A_1939], %parallel_loop3A_1942 {add = true, strides = array<i32>} : memref<8x128xf32, #tpu.memory_space<vmem>>, vector<1x16xf32>,
          %parallel_loop3A_1943 = vector.broadcast %parallel_loop3A_1886 : f32 to vector<16xf32>
          %parallel_loop3A_1944 = arith.mulf %parallel_loop3A_1763, %parallel_loop3A_1943 : vector<16xf32>
          %parallel_loop3A_1945 = arith.index_cast %parallel_loop3A_1709 : i32 to index
          %parallel_loop3A_1946 = arith.constant 0 : index
          %parallel_loop3A_1947 = tpu.vector_load %arg15[%parallel_loop3A_1945, %parallel_loop3A_1946] {strides = array<i32>} : memref<8x128xf32, #tpu.memory_space<vmem>>, vector<1x16xf32>,
          %parallel_loop3A_1948 = vector.shape_cast %parallel_loop3A_1947 : vector<1x16xf32> to vector<16xf32>
          %parallel_loop3A_1949 = vector.shape_cast %parallel_loop3A_1944 : vector<16xf32> to vector<1x16xf32>
          tpu.vector_store %arg15[%parallel_loop3A_1945, %parallel_loop3A_1946], %parallel_loop3A_1949 {add = true, strides = array<i32>} : memref<8x128xf32, #tpu.memory_space<vmem>>, vector<1x16xf32>,
          %parallel_loop3A_1950 = vector.broadcast %parallel_loop3A_1886 : f32 to vector<16xf32>
          %parallel_loop3A_1951 = arith.mulf %parallel_loop3A_1769, %parallel_loop3A_1950 : vector<16xf32>
          %parallel_loop3A_1952 = arith.index_cast %parallel_loop3A_1709 : i32 to index
          %parallel_loop3A_1953 = arith.constant 16 : index
          %parallel_loop3A_1954 = tpu.vector_load %arg15[%parallel_loop3A_1952, %parallel_loop3A_1953] {strides = array<i32>} : memref<8x128xf32, #tpu.memory_space<vmem>>, vector<1x16xf32>,
          %parallel_loop3A_1955 = vector.shape_cast %parallel_loop3A_1954 : vector<1x16xf32> to vector<16xf32>
          %parallel_loop3A_1956 = vector.shape_cast %parallel_loop3A_1951 : vector<16xf32> to vector<1x16xf32>
          tpu.vector_store %arg15[%parallel_loop3A_1952, %parallel_loop3A_1953], %parallel_loop3A_1956 {add = true, strides = array<i32>} : memref<8x128xf32, #tpu.memory_space<vmem>>, vector<1x16xf32>,
          %parallel_loop3A_1957 = vector.broadcast %parallel_loop3A_1886 : f32 to vector<16xf32>
          %parallel_loop3A_1958 = arith.mulf %parallel_loop3A_1775, %parallel_loop3A_1957 : vector<16xf32>
          %parallel_loop3A_1959 = arith.index_cast %parallel_loop3A_1709 : i32 to index
          %parallel_loop3A_1960 = arith.constant 32 : index
          %parallel_loop3A_1961 = tpu.vector_load %arg15[%parallel_loop3A_1959, %parallel_loop3A_1960] {strides = array<i32>} : memref<8x128xf32, #tpu.memory_space<vmem>>, vector<1x16xf32>,
          %parallel_loop3A_1962 = vector.shape_cast %parallel_loop3A_1961 : vector<1x16xf32> to vector<16xf32>
          %parallel_loop3A_1963 = vector.shape_cast %parallel_loop3A_1958 : vector<16xf32> to vector<1x16xf32>
          tpu.vector_store %arg15[%parallel_loop3A_1959, %parallel_loop3A_1960], %parallel_loop3A_1963 {add = true, strides = array<i32>} : memref<8x128xf32, #tpu.memory_space<vmem>>, vector<1x16xf32>,
          %parallel_loop3A_1964 = vector.broadcast %parallel_loop3A_1886 : f32 to vector<16xf32>
          %parallel_loop3A_1965 = arith.mulf %parallel_loop3A_1781, %parallel_loop3A_1964 : vector<16xf32>
          %parallel_loop3A_1966 = arith.index_cast %parallel_loop3A_1709 : i32 to index
          %parallel_loop3A_1967 = arith.constant 48 : index
          %parallel_loop3A_1968 = tpu.vector_load %arg15[%parallel_loop3A_1966, %parallel_loop3A_1967] {strides = array<i32>} : memref<8x128xf32, #tpu.memory_space<vmem>>, vector<1x16xf32>,
          %parallel_loop3A_1969 = vector.shape_cast %parallel_loop3A_1968 : vector<1x16xf32> to vector<16xf32>
          %parallel_loop3A_1970 = vector.shape_cast %parallel_loop3A_1965 : vector<16xf32> to vector<1x16xf32>
          tpu.vector_store %arg15[%parallel_loop3A_1966, %parallel_loop3A_1967], %parallel_loop3A_1970 {add = true, strides = array<i32>} : memref<8x128xf32, #tpu.memory_space<vmem>>, vector<1x16xf32>,
          %parallel_loop3A_1971 = vector.broadcast %parallel_loop3A_1886 : f32 to vector<16xf32>
          %parallel_loop3A_1972 = arith.mulf %parallel_loop3A_1787, %parallel_loop3A_1971 : vector<16xf32>
          %parallel_loop3A_1973 = arith.index_cast %parallel_loop3A_1709 : i32 to index
          %parallel_loop3A_1974 = arith.constant 64 : index
          %parallel_loop3A_1975 = tpu.vector_load %arg15[%parallel_loop3A_1973, %parallel_loop3A_1974] {strides = array<i32>} : memref<8x128xf32, #tpu.memory_space<vmem>>, vector<1x16xf32>,
          %parallel_loop3A_1976 = vector.shape_cast %parallel_loop3A_1975 : vector<1x16xf32> to vector<16xf32>
          %parallel_loop3A_1977 = vector.shape_cast %parallel_loop3A_1972 : vector<16xf32> to vector<1x16xf32>
          tpu.vector_store %arg15[%parallel_loop3A_1973, %parallel_loop3A_1974], %parallel_loop3A_1977 {add = true, strides = array<i32>} : memref<8x128xf32, #tpu.memory_space<vmem>>, vector<1x16xf32>,
          %parallel_loop3A_1978 = vector.broadcast %parallel_loop3A_1886 : f32 to vector<16xf32>
          %parallel_loop3A_1979 = arith.mulf %parallel_loop3A_1793, %parallel_loop3A_1978 : vector<16xf32>
          %parallel_loop3A_1980 = arith.index_cast %parallel_loop3A_1709 : i32 to index
          %parallel_loop3A_1981 = arith.constant 80 : index
          %parallel_loop3A_1982 = tpu.vector_load %arg15[%parallel_loop3A_1980, %parallel_loop3A_1981] {strides = array<i32>} : memref<8x128xf32, #tpu.memory_space<vmem>>, vector<1x16xf32>,
          %parallel_loop3A_1983 = vector.shape_cast %parallel_loop3A_1982 : vector<1x16xf32> to vector<16xf32>
          %parallel_loop3A_1984 = vector.shape_cast %parallel_loop3A_1979 : vector<16xf32> to vector<1x16xf32>
          tpu.vector_store %arg15[%parallel_loop3A_1980, %parallel_loop3A_1981], %parallel_loop3A_1984 {add = true, strides = array<i32>} : memref<8x128xf32, #tpu.memory_space<vmem>>, vector<1x16xf32>,
          %parallel_loop3A_1985 = vector.broadcast %parallel_loop3A_1886 : f32 to vector<16xf32>
          %parallel_loop3A_1986 = arith.mulf %parallel_loop3A_1799, %parallel_loop3A_1985 : vector<16xf32>
          %parallel_loop3A_1987 = arith.index_cast %parallel_loop3A_1709 : i32 to index
          %parallel_loop3A_1988 = arith.constant 96 : index
          %parallel_loop3A_1989 = tpu.vector_load %arg15[%parallel_loop3A_1987, %parallel_loop3A_1988] {strides = array<i32>} : memref<8x128xf32, #tpu.memory_space<vmem>>, vector<1x16xf32>,
          %parallel_loop3A_1990 = vector.shape_cast %parallel_loop3A_1989 : vector<1x16xf32> to vector<16xf32>
          %parallel_loop3A_1991 = vector.shape_cast %parallel_loop3A_1986 : vector<16xf32> to vector<1x16xf32>
          tpu.vector_store %arg15[%parallel_loop3A_1987, %parallel_loop3A_1988], %parallel_loop3A_1991 {add = true, strides = array<i32>} : memref<8x128xf32, #tpu.memory_space<vmem>>, vector<1x16xf32>,
          %parallel_loop3A_1992 = vector.broadcast %parallel_loop3A_1886 : f32 to vector<16xf32>
          %parallel_loop3A_1993 = arith.mulf %parallel_loop3A_1805, %parallel_loop3A_1992 : vector<16xf32>
          %parallel_loop3A_1994 = arith.index_cast %parallel_loop3A_1709 : i32 to index
          %parallel_loop3A_1995 = arith.constant 112 : index
          %parallel_loop3A_1996 = tpu.vector_load %arg15[%parallel_loop3A_1994, %parallel_loop3A_1995] {strides = array<i32>} : memref<8x128xf32, #tpu.memory_space<vmem>>, vector<1x16xf32>,
          %parallel_loop3A_1997 = vector.shape_cast %parallel_loop3A_1996 : vector<1x16xf32> to vector<16xf32>
          %parallel_loop3A_1998 = vector.shape_cast %parallel_loop3A_1993 : vector<16xf32> to vector<1x16xf32>
          tpu.vector_store %arg15[%parallel_loop3A_1994, %parallel_loop3A_1995], %parallel_loop3A_1998 {add = true, strides = array<i32>} : memref<8x128xf32, #tpu.memory_space<vmem>>, vector<1x16xf32>,
        } {sc.loop_unroll_factor = 2 : i64, sc.parallel_access}
      } else {
      }
    }
    %while3A_1648 = arith.constant 1 : i32
    scf.for %while3A_1649 = %while3A_1646 to %while3A_1642 step %while3A_1648  : i32 {
      %mul3A_1650 = arith.constant 2 : i32
      %mul3A_1651 = arith.muli %mul3A_1650, %while3A_1649 : i32
      %add3A_1652 = arith.constant 0 : i32
      %add3A_1653 = arith.addi %mul3A_1651, %add3A_1652 : i32
      %lt3A_1654 = arith.cmpi slt, %add3A_1653, %sub3A_1615 : i32
      %convert_element_type3A_1655 = arith.extui %lt3A_1654 : i1 to i32
      %cond3A_1656 = arith.constant 0 : i32
      %cond3A_1657 = arith.cmpi ne, %convert_element_type3A_1655, %cond3A_1656 : i32
      scf.if %cond3A_1657 {
        %add3A_1666 = arith.constant 1 : i32
        %add3A_1667 = arith.addi %add3A_1653, %add3A_1666 : i32
        %lt3A_1668 = arith.cmpi slt, %add3A_1667, %sub3A_1615 : i32
        %convert_element_type3A_1669 = arith.extui %lt3A_1668 : i1 to i32
        %cond3A_1670 = arith.constant 0 : i32
        %cond3A_1671 = arith.cmpi ne, %convert_element_type3A_1669, %cond3A_1670 : i32
        scf.if %cond3A_1671 {
          %add3A_1692 = arith.constant 1 : i32
          %add3A_1693 = arith.addi %add3A_1653, %add3A_1692 : i32
          %add3A_1694 = arith.addi %sub3A, %add3A_1693 : i32
          %mul3A_1695 = arith.constant 64 : i32
          %mul3A_1696 = arith.muli %add3A_1694, %mul3A_1695 : i32
          %min3A_1697 = arith.constant 99936 : i32
          %min3A_1698 = arith.minsi %mul3A_1696, %min3A_1697 : i32
          %dma_start3A = arith.constant 0 : i32
          %dma_start3A_1699 = tpu.memref_slice %arg2[%min3A_1698, %dma_start3A] : memref<100000x128xf32, #tpu.memory_space<hbm>> -> memref<64x128xf32, #tpu.memory_space<hbm>>
          %dma_start3A_1700 = arith.constant 0 : i32
          %dma_start3A_1701 = tpu.memref_slice %arg2[%min3A_1698, %dma_start3A_1700] : memref<100000x128xf32, #tpu.memory_space<hbm>> -> memref<64x128xf32, #tpu.memory_space<hbm>>
          tpu.enqueue_dma source(%dma_start3A_1701 : memref<64x128xf32, #tpu.memory_space<hbm>>) target(%arg12 : memref<64x128xf32, #tpu.memory_space<vmem>>) target_semaphore(%arg17 : memref<!tpu.dma_semaphore, #tpu.memory_space<semaphore_mem>>)
          %dma_start3A_1702 = arith.constant 0 : i32
          %dma_start3A_1703 = tpu.memref_slice %arg14[%dma_start3A_1702] : memref<80xi32, #tpu.memory_space<vmem>> -> memref<64xi32, #tpu.memory_space<vmem>>
          %dma_start3A_1704 = tpu.memref_slice %arg3[%min3A_1698] : memref<100000xi32, #tpu.memory_space<hbm>> -> memref<64xi32, #tpu.memory_space<hbm>>
          %dma_start3A_1705 = arith.constant 0 : i32
          %dma_start3A_1706 = tpu.memref_slice %arg14[%dma_start3A_1705] : memref<80xi32, #tpu.memory_space<vmem>> -> memref<64xi32, #tpu.memory_space<vmem>>
          %dma_start3A_1707 = tpu.memref_slice %arg3[%min3A_1698] : memref<100000xi32, #tpu.memory_space<hbm>> -> memref<64xi32, #tpu.memory_space<hbm>>
          tpu.enqueue_dma source(%dma_start3A_1707 : memref<64xi32, #tpu.memory_space<hbm>>) target(%dma_start3A_1706 : memref<64xi32, #tpu.memory_space<vmem>>) target_semaphore(%arg17 : memref<!tpu.dma_semaphore, #tpu.memory_space<semaphore_mem>>)
        } else {
        }
        %dma_wait3A = arith.constant 0 : i32
        %dma_wait3A_1672 = arith.constant 0 : i32
        %dma_wait3A_1673 = tpu.memref_slice %arg2[%dma_wait3A, %dma_wait3A_1672] : memref<100000x128xf32, #tpu.memory_space<hbm>> -> memref<64x128xf32, #tpu.memory_space<hbm>>
        %dma_wait3A_1674 = arith.constant 0 : i32
        %dma_wait3A_1675 = arith.constant 0 : i32
        %dma_wait3A_1676 = tpu.memref_slice %arg2[%dma_wait3A_1674, %dma_wait3A_1675] : memref<100000x128xf32, #tpu.memory_space<hbm>> -> memref<64x128xf32, #tpu.memory_space<hbm>>
        tpu.wait_dma2 semaphore(%arg16 : memref<!tpu.dma_semaphore, #tpu.memory_space<semaphore_mem>>) src(%dma_wait3A_1676 : memref<64x128xf32, #tpu.memory_space<hbm>>) dst(%arg11 : memref<64x128xf32, #tpu.memory_space<vmem>>)
        %dma_wait3A_1677 = arith.constant 0 : i32
        %dma_wait3A_1678 = tpu.memref_slice %arg13[%dma_wait3A_1677] : memref<80xi32, #tpu.memory_space<vmem>> -> memref<64xi32, #tpu.memory_space<vmem>>
        %dma_wait3A_1679 = arith.constant 0 : i32
        %dma_wait3A_1680 = tpu.memref_slice %arg3[%dma_wait3A_1679] : memref<100000xi32, #tpu.memory_space<hbm>> -> memref<64xi32, #tpu.memory_space<hbm>>
        %dma_wait3A_1681 = arith.constant 0 : i32
        %dma_wait3A_1682 = tpu.memref_slice %arg13[%dma_wait3A_1681] : memref<80xi32, #tpu.memory_space<vmem>> -> memref<64xi32, #tpu.memory_space<vmem>>
        %dma_wait3A_1683 = arith.constant 0 : i32
        %dma_wait3A_1684 = tpu.memref_slice %arg3[%dma_wait3A_1683] : memref<100000xi32, #tpu.memory_space<hbm>> -> memref<64xi32, #tpu.memory_space<hbm>>
        tpu.wait_dma2 semaphore(%arg16 : memref<!tpu.dma_semaphore, #tpu.memory_space<semaphore_mem>>) src(%dma_wait3A_1684 : memref<64xi32, #tpu.memory_space<hbm>>) dst(%dma_wait3A_1682 : memref<64xi32, #tpu.memory_space<vmem>>)
        %add3A_1685 = arith.addi %sub3A, %add3A_1653 : i32
        %mul3A_1686 = arith.constant 64 : i32
        %mul3A_1687 = arith.muli %add3A_1685, %mul3A_1686 : i32
        %min3A = arith.constant 99936 : i32
        %min3A_1688 = arith.minsi %mul3A_1687, %min3A : i32
        %sub3A_1689 = arith.subi %mul3A_1687, %min3A_1688 : i32
        %parallel_loop3A = arith.constant 0 : i32
        %parallel_loop3A_1690 = arith.constant 64 : i32
        %parallel_loop3A_1691 = arith.constant 2 : i32
        scf.for %parallel_loop3A_1692 = %parallel_loop3A to %parallel_loop3A_1690 step %parallel_loop3A_1691  : i32 {
          %parallel_loop3A_1693 = arith.index_cast %parallel_loop3A_1692 : i32 to index
          %parallel_loop3A_1694 = tpu.vector_load %arg13[%parallel_loop3A_1693] {strides = array<i32>} : memref<80xi32, #tpu.memory_space<vmem>>, vector<16xi32>,
          %parallel_loop3A_1695 = vector.shape_cast %parallel_loop3A_1694 : vector<16xi32> to vector<16xi32>
          %parallel_loop3A_1696 = tpu.iota {dimensions = array<i32: 0>} : vector<16xi32>
          %parallel_loop3A_1697 = arith.constant 8 : i32
          %parallel_loop3A_1698 = vector.broadcast %parallel_loop3A_1697 : i32 to vector<16xi32>
          %parallel_loop3A_1699 = arith.cmpi slt, %parallel_loop3A_1696, %parallel_loop3A_1698 : vector<16xi32>
          %parallel_loop3A_1700 = vector.extract_strided_slice %parallel_loop3A_1695 {offsets = [0], sizes = [1], strides = [1]} : vector<16xi32> to vector<1xi32>
          %parallel_loop3A_1701 = vector.extract %parallel_loop3A_1700[0] : i32 from vector<1xi32>
          %parallel_loop3A_1702 = vector.extract_strided_slice %parallel_loop3A_1695 {offsets = [1], sizes = [1], strides = [1]} : vector<16xi32> to vector<1xi32>
          %parallel_loop3A_1703 = vector.extract %parallel_loop3A_1702[0] : i32 from vector<1xi32>
          %parallel_loop3A_1704 = arith.subi %parallel_loop3A_1701, %mul3A_438 : i32
          %parallel_loop3A_1705 = arith.constant 7 : i32
          %parallel_loop3A_1706 = arith.andi %parallel_loop3A_1704, %parallel_loop3A_1705 : i32
          %parallel_loop3A_1707 = arith.subi %parallel_loop3A_1703, %mul3A_438 : i32
          %parallel_loop3A_1708 = arith.constant 7 : i32
          %parallel_loop3A_1709 = arith.andi %parallel_loop3A_1707, %parallel_loop3A_1708 : i32
          %parallel_loop3A_1710 = arith.cmpi sge, %parallel_loop3A_1701, %mul3A_438 : i32
          %parallel_loop3A_1711 = arith.cmpi slt, %parallel_loop3A_1701, %add3A_440 : i32
          %parallel_loop3A_1712 = arith.andi %parallel_loop3A_1710, %parallel_loop3A_1711 : i1
          %parallel_loop3A_1713 = arith.cmpi sge, %parallel_loop3A_1692, %sub3A_1689 : i32
          %parallel_loop3A_1714 = arith.andi %parallel_loop3A_1712, %parallel_loop3A_1713 : i1
          %parallel_loop3A_1715 = arith.cmpi sge, %parallel_loop3A_1703, %mul3A_438 : i32
          %parallel_loop3A_1716 = arith.cmpi slt, %parallel_loop3A_1703, %add3A_440 : i32
          %parallel_loop3A_1717 = arith.andi %parallel_loop3A_1715, %parallel_loop3A_1716 : i1
          %parallel_loop3A_1718 = arith.constant 1 : i32
          %parallel_loop3A_1719 = arith.addi %parallel_loop3A_1692, %parallel_loop3A_1718 : i32
          %parallel_loop3A_1720 = arith.cmpi sge, %parallel_loop3A_1719, %sub3A_1689 : i32
          %parallel_loop3A_1721 = arith.andi %parallel_loop3A_1717, %parallel_loop3A_1720 : i1
          %parallel_loop3A_1722 = arith.constant 1.000000e+30 : f32
          %parallel_loop3A_1723 = arith.select %parallel_loop3A_1714, %squeeze3A, %parallel_loop3A_1722 : f32
          %parallel_loop3A_1724 = arith.constant 1.000000e+30 : f32
          %parallel_loop3A_1725 = arith.select %parallel_loop3A_1721, %squeeze3A, %parallel_loop3A_1724 : f32
          %parallel_loop3A_1726 = arith.index_cast %parallel_loop3A_1692 : i32 to index
          %parallel_loop3A_1727 = arith.constant 0 : index
          %parallel_loop3A_1728 = tpu.vector_load %arg11[%parallel_loop3A_1726, %parallel_loop3A_1727] {strides = array<i32>} : memref<64x128xf32, #tpu.memory_space<vmem>>, vector<1x16xf32>,
          %parallel_loop3A_1729 = vector.shape_cast %parallel_loop3A_1728 : vector<1x16xf32> to vector<16xf32>
          %parallel_loop3A_1730 = arith.index_cast %parallel_loop3A_1692 : i32 to index
          %parallel_loop3A_1731 = arith.constant 16 : index
          %parallel_loop3A_1732 = tpu.vector_load %arg11[%parallel_loop3A_1730, %parallel_loop3A_1731] {strides = array<i32>} : memref<64x128xf32, #tpu.memory_space<vmem>>, vector<1x16xf32>,
          %parallel_loop3A_1733 = vector.shape_cast %parallel_loop3A_1732 : vector<1x16xf32> to vector<16xf32>
          %parallel_loop3A_1734 = arith.index_cast %parallel_loop3A_1692 : i32 to index
          %parallel_loop3A_1735 = arith.constant 32 : index
          %parallel_loop3A_1736 = tpu.vector_load %arg11[%parallel_loop3A_1734, %parallel_loop3A_1735] {strides = array<i32>} : memref<64x128xf32, #tpu.memory_space<vmem>>, vector<1x16xf32>,
          %parallel_loop3A_1737 = vector.shape_cast %parallel_loop3A_1736 : vector<1x16xf32> to vector<16xf32>
          %parallel_loop3A_1738 = arith.index_cast %parallel_loop3A_1692 : i32 to index
          %parallel_loop3A_1739 = arith.constant 48 : index
          %parallel_loop3A_1740 = tpu.vector_load %arg11[%parallel_loop3A_1738, %parallel_loop3A_1739] {strides = array<i32>} : memref<64x128xf32, #tpu.memory_space<vmem>>, vector<1x16xf32>,
          %parallel_loop3A_1741 = vector.shape_cast %parallel_loop3A_1740 : vector<1x16xf32> to vector<16xf32>
          %parallel_loop3A_1742 = arith.index_cast %parallel_loop3A_1692 : i32 to index
          %parallel_loop3A_1743 = arith.constant 64 : index
          %parallel_loop3A_1744 = tpu.vector_load %arg11[%parallel_loop3A_1742, %parallel_loop3A_1743] {strides = array<i32>} : memref<64x128xf32, #tpu.memory_space<vmem>>, vector<1x16xf32>,
          %parallel_loop3A_1745 = vector.shape_cast %parallel_loop3A_1744 : vector<1x16xf32> to vector<16xf32>
          %parallel_loop3A_1746 = arith.index_cast %parallel_loop3A_1692 : i32 to index
          %parallel_loop3A_1747 = arith.constant 80 : index
          %parallel_loop3A_1748 = tpu.vector_load %arg11[%parallel_loop3A_1746, %parallel_loop3A_1747] {strides = array<i32>} : memref<64x128xf32, #tpu.memory_space<vmem>>, vector<1x16xf32>,
          %parallel_loop3A_1749 = vector.shape_cast %parallel_loop3A_1748 : vector<1x16xf32> to vector<16xf32>
          %parallel_loop3A_1750 = arith.index_cast %parallel_loop3A_1692 : i32 to index
          %parallel_loop3A_1751 = arith.constant 96 : index
          %parallel_loop3A_1752 = tpu.vector_load %arg11[%parallel_loop3A_1750, %parallel_loop3A_1751] {strides = array<i32>} : memref<64x128xf32, #tpu.memory_space<vmem>>, vector<1x16xf32>,
          %parallel_loop3A_1753 = vector.shape_cast %parallel_loop3A_1752 : vector<1x16xf32> to vector<16xf32>
          %parallel_loop3A_1754 = arith.index_cast %parallel_loop3A_1692 : i32 to index
          %parallel_loop3A_1755 = arith.constant 112 : index
          %parallel_loop3A_1756 = tpu.vector_load %arg11[%parallel_loop3A_1754, %parallel_loop3A_1755] {strides = array<i32>} : memref<64x128xf32, #tpu.memory_space<vmem>>, vector<1x16xf32>,
          %parallel_loop3A_1757 = vector.shape_cast %parallel_loop3A_1756 : vector<1x16xf32> to vector<16xf32>
          %parallel_loop3A_1758 = arith.constant 1 : i32
          %parallel_loop3A_1759 = arith.addi %parallel_loop3A_1692, %parallel_loop3A_1758 : i32
          %parallel_loop3A_1760 = arith.index_cast %parallel_loop3A_1759 : i32 to index
          %parallel_loop3A_1761 = arith.constant 0 : index
          %parallel_loop3A_1762 = tpu.vector_load %arg11[%parallel_loop3A_1760, %parallel_loop3A_1761] {strides = array<i32>} : memref<64x128xf32, #tpu.memory_space<vmem>>, vector<1x16xf32>,
          %parallel_loop3A_1763 = vector.shape_cast %parallel_loop3A_1762 : vector<1x16xf32> to vector<16xf32>
          %parallel_loop3A_1764 = arith.constant 1 : i32
          %parallel_loop3A_1765 = arith.addi %parallel_loop3A_1692, %parallel_loop3A_1764 : i32
          %parallel_loop3A_1766 = arith.index_cast %parallel_loop3A_1765 : i32 to index
          %parallel_loop3A_1767 = arith.constant 16 : index
          %parallel_loop3A_1768 = tpu.vector_load %arg11[%parallel_loop3A_1766, %parallel_loop3A_1767] {strides = array<i32>} : memref<64x128xf32, #tpu.memory_space<vmem>>, vector<1x16xf32>,
          %parallel_loop3A_1769 = vector.shape_cast %parallel_loop3A_1768 : vector<1x16xf32> to vector<16xf32>
          %parallel_loop3A_1770 = arith.constant 1 : i32
          %parallel_loop3A_1771 = arith.addi %parallel_loop3A_1692, %parallel_loop3A_1770 : i32
          %parallel_loop3A_1772 = arith.index_cast %parallel_loop3A_1771 : i32 to index
          %parallel_loop3A_1773 = arith.constant 32 : index
          %parallel_loop3A_1774 = tpu.vector_load %arg11[%parallel_loop3A_1772, %parallel_loop3A_1773] {strides = array<i32>} : memref<64x128xf32, #tpu.memory_space<vmem>>, vector<1x16xf32>,
          %parallel_loop3A_1775 = vector.shape_cast %parallel_loop3A_1774 : vector<1x16xf32> to vector<16xf32>
          %parallel_loop3A_1776 = arith.constant 1 : i32
          %parallel_loop3A_1777 = arith.addi %parallel_loop3A_1692, %parallel_loop3A_1776 : i32
          %parallel_loop3A_1778 = arith.index_cast %parallel_loop3A_1777 : i32 to index
          %parallel_loop3A_1779 = arith.constant 48 : index
          %parallel_loop3A_1780 = tpu.vector_load %arg11[%parallel_loop3A_1778, %parallel_loop3A_1779] {strides = array<i32>} : memref<64x128xf32, #tpu.memory_space<vmem>>, vector<1x16xf32>,
          %parallel_loop3A_1781 = vector.shape_cast %parallel_loop3A_1780 : vector<1x16xf32> to vector<16xf32>
          %parallel_loop3A_1782 = arith.constant 1 : i32
          %parallel_loop3A_1783 = arith.addi %parallel_loop3A_1692, %parallel_loop3A_1782 : i32
          %parallel_loop3A_1784 = arith.index_cast %parallel_loop3A_1783 : i32 to index
          %parallel_loop3A_1785 = arith.constant 64 : index
          %parallel_loop3A_1786 = tpu.vector_load %arg11[%parallel_loop3A_1784, %parallel_loop3A_1785] {strides = array<i32>} : memref<64x128xf32, #tpu.memory_space<vmem>>, vector<1x16xf32>,
          %parallel_loop3A_1787 = vector.shape_cast %parallel_loop3A_1786 : vector<1x16xf32> to vector<16xf32>
          %parallel_loop3A_1788 = arith.constant 1 : i32
          %parallel_loop3A_1789 = arith.addi %parallel_loop3A_1692, %parallel_loop3A_1788 : i32
          %parallel_loop3A_1790 = arith.index_cast %parallel_loop3A_1789 : i32 to index
          %parallel_loop3A_1791 = arith.constant 80 : index
          %parallel_loop3A_1792 = tpu.vector_load %arg11[%parallel_loop3A_1790, %parallel_loop3A_1791] {strides = array<i32>} : memref<64x128xf32, #tpu.memory_space<vmem>>, vector<1x16xf32>,
          %parallel_loop3A_1793 = vector.shape_cast %parallel_loop3A_1792 : vector<1x16xf32> to vector<16xf32>
          %parallel_loop3A_1794 = arith.constant 1 : i32
          %parallel_loop3A_1795 = arith.addi %parallel_loop3A_1692, %parallel_loop3A_1794 : i32
          %parallel_loop3A_1796 = arith.index_cast %parallel_loop3A_1795 : i32 to index
          %parallel_loop3A_1797 = arith.constant 96 : index
          %parallel_loop3A_1798 = tpu.vector_load %arg11[%parallel_loop3A_1796, %parallel_loop3A_1797] {strides = array<i32>} : memref<64x128xf32, #tpu.memory_space<vmem>>, vector<1x16xf32>,
          %parallel_loop3A_1799 = vector.shape_cast %parallel_loop3A_1798 : vector<1x16xf32> to vector<16xf32>
          %parallel_loop3A_1800 = arith.constant 1 : i32
          %parallel_loop3A_1801 = arith.addi %parallel_loop3A_1692, %parallel_loop3A_1800 : i32
          %parallel_loop3A_1802 = arith.index_cast %parallel_loop3A_1801 : i32 to index
          %parallel_loop3A_1803 = arith.constant 112 : index
          %parallel_loop3A_1804 = tpu.vector_load %arg11[%parallel_loop3A_1802, %parallel_loop3A_1803] {strides = array<i32>} : memref<64x128xf32, #tpu.memory_space<vmem>>, vector<1x16xf32>,
          %parallel_loop3A_1805 = vector.shape_cast %parallel_loop3A_1804 : vector<1x16xf32> to vector<16xf32>
          %parallel_loop3A_1806 = arith.mulf %parallel_loop3A_1729, %neg3A_388 : vector<16xf32>
          %parallel_loop3A_1807 = arith.mulf %parallel_loop3A_1733, %neg3A_394 : vector<16xf32>
          %parallel_loop3A_1808 = arith.mulf %parallel_loop3A_1737, %neg3A_400 : vector<16xf32>
          %parallel_loop3A_1809 = arith.mulf %parallel_loop3A_1741, %neg3A_406 : vector<16xf32>
          %parallel_loop3A_1810 = arith.mulf %parallel_loop3A_1745, %neg3A_412 : vector<16xf32>
          %parallel_loop3A_1811 = arith.mulf %parallel_loop3A_1749, %neg3A_418 : vector<16xf32>
          %parallel_loop3A_1812 = arith.mulf %parallel_loop3A_1753, %neg3A_424 : vector<16xf32>
          %parallel_loop3A_1813 = arith.mulf %parallel_loop3A_1757, %neg3A_430 : vector<16xf32>
          %parallel_loop3A_1814 = arith.addf %parallel_loop3A_1806, %parallel_loop3A_1807 : vector<16xf32>
          %parallel_loop3A_1815 = arith.addf %parallel_loop3A_1808, %parallel_loop3A_1809 : vector<16xf32>
          %parallel_loop3A_1816 = arith.addf %parallel_loop3A_1814, %parallel_loop3A_1815 : vector<16xf32>
          %parallel_loop3A_1817 = arith.addf %parallel_loop3A_1810, %parallel_loop3A_1811 : vector<16xf32>
          %parallel_loop3A_1818 = arith.addf %parallel_loop3A_1812, %parallel_loop3A_1813 : vector<16xf32>
          %parallel_loop3A_1819 = arith.addf %parallel_loop3A_1817, %parallel_loop3A_1818 : vector<16xf32>
          %parallel_loop3A_1820 = arith.addf %parallel_loop3A_1816, %parallel_loop3A_1819 : vector<16xf32>
          %parallel_loop3A_1821 = arith.mulf %parallel_loop3A_1763, %neg3A_388 : vector<16xf32>
          %parallel_loop3A_1822 = arith.mulf %parallel_loop3A_1769, %neg3A_394 : vector<16xf32>
          %parallel_loop3A_1823 = arith.mulf %parallel_loop3A_1775, %neg3A_400 : vector<16xf32>
          %parallel_loop3A_1824 = arith.mulf %parallel_loop3A_1781, %neg3A_406 : vector<16xf32>
          %parallel_loop3A_1825 = arith.mulf %parallel_loop3A_1787, %neg3A_412 : vector<16xf32>
          %parallel_loop3A_1826 = arith.mulf %parallel_loop3A_1793, %neg3A_418 : vector<16xf32>
          %parallel_loop3A_1827 = arith.mulf %parallel_loop3A_1799, %neg3A_424 : vector<16xf32>
          %parallel_loop3A_1828 = arith.mulf %parallel_loop3A_1805, %neg3A_430 : vector<16xf32>
          %parallel_loop3A_1829 = arith.addf %parallel_loop3A_1821, %parallel_loop3A_1822 : vector<16xf32>
          %parallel_loop3A_1830 = arith.addf %parallel_loop3A_1823, %parallel_loop3A_1824 : vector<16xf32>
          %parallel_loop3A_1831 = arith.addf %parallel_loop3A_1829, %parallel_loop3A_1830 : vector<16xf32>
          %parallel_loop3A_1832 = arith.addf %parallel_loop3A_1825, %parallel_loop3A_1826 : vector<16xf32>
          %parallel_loop3A_1833 = arith.addf %parallel_loop3A_1827, %parallel_loop3A_1828 : vector<16xf32>
          %parallel_loop3A_1834 = arith.addf %parallel_loop3A_1832, %parallel_loop3A_1833 : vector<16xf32>
          %parallel_loop3A_1835 = arith.addf %parallel_loop3A_1831, %parallel_loop3A_1834 : vector<16xf32>
          %parallel_loop3A_1836 = arith.constant 8 : i32
          %parallel_loop3A_1837 = vector.broadcast %parallel_loop3A_1836 : i32 to vector<16xi32>
          %parallel_loop3A_1838 = arith.xori %parallel_loop3A_1696, %parallel_loop3A_1837 : vector<16xi32>
          %parallel_loop3A_1839 = vector.shape_cast %parallel_loop3A_1838 : vector<16xi32> to vector<16x1xi32>
          %parallel_loop3A_1840 = vector.shape_cast %parallel_loop3A_1839 : vector<16x1xi32> to vector<16xi32>
          %parallel_loop3A_1841 = tpu.dynamic_gather %parallel_loop3A_1820[%parallel_loop3A_1840] in [0] : vector<16xf32>, vector<16xi32> -> vector<16xf32>
          %parallel_loop3A_1842 = arith.addf %parallel_loop3A_1820, %parallel_loop3A_1841 : vector<16xf32>
          %parallel_loop3A_1843 = arith.constant 8 : i32
          %parallel_loop3A_1844 = vector.broadcast %parallel_loop3A_1843 : i32 to vector<16xi32>
          %parallel_loop3A_1845 = arith.xori %parallel_loop3A_1696, %parallel_loop3A_1844 : vector<16xi32>
          %parallel_loop3A_1846 = vector.shape_cast %parallel_loop3A_1845 : vector<16xi32> to vector<16x1xi32>
          %parallel_loop3A_1847 = vector.shape_cast %parallel_loop3A_1846 : vector<16x1xi32> to vector<16xi32>
          %parallel_loop3A_1848 = tpu.dynamic_gather %parallel_loop3A_1835[%parallel_loop3A_1847] in [0] : vector<16xf32>, vector<16xi32> -> vector<16xf32>
          %parallel_loop3A_1849 = arith.addf %parallel_loop3A_1835, %parallel_loop3A_1848 : vector<16xf32>
          %parallel_loop3A_1850 = arith.select %parallel_loop3A_1699, %parallel_loop3A_1842, %parallel_loop3A_1849 : vector<16xi1>, vector<16xf32>
          %parallel_loop3A_1851 = arith.constant 4 : i32
          %parallel_loop3A_1852 = vector.broadcast %parallel_loop3A_1851 : i32 to vector<16xi32>
          %parallel_loop3A_1853 = arith.xori %parallel_loop3A_1696, %parallel_loop3A_1852 : vector<16xi32>
          %parallel_loop3A_1854 = vector.shape_cast %parallel_loop3A_1853 : vector<16xi32> to vector<16x1xi32>
          %parallel_loop3A_1855 = vector.shape_cast %parallel_loop3A_1854 : vector<16x1xi32> to vector<16xi32>
          %parallel_loop3A_1856 = tpu.dynamic_gather %parallel_loop3A_1850[%parallel_loop3A_1855] in [0] : vector<16xf32>, vector<16xi32> -> vector<16xf32>
          %parallel_loop3A_1857 = arith.addf %parallel_loop3A_1850, %parallel_loop3A_1856 : vector<16xf32>
          %parallel_loop3A_1858 = arith.constant 2 : i32
          %parallel_loop3A_1859 = vector.broadcast %parallel_loop3A_1858 : i32 to vector<16xi32>
          %parallel_loop3A_1860 = arith.xori %parallel_loop3A_1696, %parallel_loop3A_1859 : vector<16xi32>
          %parallel_loop3A_1861 = vector.shape_cast %parallel_loop3A_1860 : vector<16xi32> to vector<16x1xi32>
          %parallel_loop3A_1862 = vector.shape_cast %parallel_loop3A_1861 : vector<16x1xi32> to vector<16xi32>
          %parallel_loop3A_1863 = tpu.dynamic_gather %parallel_loop3A_1857[%parallel_loop3A_1862] in [0] : vector<16xf32>, vector<16xi32> -> vector<16xf32>
          %parallel_loop3A_1864 = arith.addf %parallel_loop3A_1857, %parallel_loop3A_1863 : vector<16xf32>
          %parallel_loop3A_1865 = arith.constant 1 : i32
          %parallel_loop3A_1866 = vector.broadcast %parallel_loop3A_1865 : i32 to vector<16xi32>
          %parallel_loop3A_1867 = arith.xori %parallel_loop3A_1696, %parallel_loop3A_1866 : vector<16xi32>
          %parallel_loop3A_1868 = vector.shape_cast %parallel_loop3A_1867 : vector<16xi32> to vector<16x1xi32>
          %parallel_loop3A_1869 = vector.shape_cast %parallel_loop3A_1868 : vector<16x1xi32> to vector<16xi32>
          %parallel_loop3A_1870 = tpu.dynamic_gather %parallel_loop3A_1864[%parallel_loop3A_1869] in [0] : vector<16xf32>, vector<16xi32> -> vector<16xf32>
          %parallel_loop3A_1871 = arith.addf %parallel_loop3A_1864, %parallel_loop3A_1870 : vector<16xf32>
          %parallel_loop3A_1872 = vector.broadcast %parallel_loop3A_1723 : f32 to vector<16xf32>
          %parallel_loop3A_1873 = vector.broadcast %parallel_loop3A_1725 : f32 to vector<16xf32>
          %parallel_loop3A_1874 = arith.select %parallel_loop3A_1699, %parallel_loop3A_1872, %parallel_loop3A_1873 : vector<16xi1>, vector<16xf32>
          %parallel_loop3A_1875 = arith.addf %parallel_loop3A_1871, %parallel_loop3A_1874 : vector<16xf32>
          %parallel_loop3A_1876 = math.exp %parallel_loop3A_1875 : vector<16xf32>
          %parallel_loop3A_1877 = arith.constant 1.000000e+00 : f32
          %parallel_loop3A_1878 = vector.broadcast %parallel_loop3A_1877 : f32 to vector<16xf32>
          %parallel_loop3A_1879 = arith.addf %parallel_loop3A_1878, %parallel_loop3A_1876 : vector<16xf32>
          %parallel_loop3A_1880 = arith.constant 1.000000e+00 : f32
          %parallel_loop3A_1881 = vector.broadcast %parallel_loop3A_1880 : f32 to vector<16xf32>
          %parallel_loop3A_1882 = arith.divf %parallel_loop3A_1881, %parallel_loop3A_1879 : vector<16xf32>
          %parallel_loop3A_1883 = vector.extract_strided_slice %parallel_loop3A_1882 {offsets = [0], sizes = [1], strides = [1]} : vector<16xf32> to vector<1xf32>
          %parallel_loop3A_1884 = vector.extract %parallel_loop3A_1883[0] : f32 from vector<1xf32>
          %parallel_loop3A_1885 = vector.extract_strided_slice %parallel_loop3A_1882 {offsets = [8], sizes = [1], strides = [1]} : vector<16xf32> to vector<1xf32>
          %parallel_loop3A_1886 = vector.extract %parallel_loop3A_1885[0] : f32 from vector<1xf32>
          %parallel_loop3A_1887 = vector.broadcast %parallel_loop3A_1884 : f32 to vector<16xf32>
          %parallel_loop3A_1888 = arith.mulf %parallel_loop3A_1729, %parallel_loop3A_1887 : vector<16xf32>
          %parallel_loop3A_1889 = arith.index_cast %parallel_loop3A_1706 : i32 to index
          %parallel_loop3A_1890 = arith.constant 0 : index
          %parallel_loop3A_1891 = tpu.vector_load %arg15[%parallel_loop3A_1889, %parallel_loop3A_1890] {strides = array<i32>} : memref<8x128xf32, #tpu.memory_space<vmem>>, vector<1x16xf32>,
          %parallel_loop3A_1892 = vector.shape_cast %parallel_loop3A_1891 : vector<1x16xf32> to vector<16xf32>
          %parallel_loop3A_1893 = vector.shape_cast %parallel_loop3A_1888 : vector<16xf32> to vector<1x16xf32>
          tpu.vector_store %arg15[%parallel_loop3A_1889, %parallel_loop3A_1890], %parallel_loop3A_1893 {add = true, strides = array<i32>} : memref<8x128xf32, #tpu.memory_space<vmem>>, vector<1x16xf32>,
          %parallel_loop3A_1894 = vector.broadcast %parallel_loop3A_1884 : f32 to vector<16xf32>
          %parallel_loop3A_1895 = arith.mulf %parallel_loop3A_1733, %parallel_loop3A_1894 : vector<16xf32>
          %parallel_loop3A_1896 = arith.index_cast %parallel_loop3A_1706 : i32 to index
          %parallel_loop3A_1897 = arith.constant 16 : index
          %parallel_loop3A_1898 = tpu.vector_load %arg15[%parallel_loop3A_1896, %parallel_loop3A_1897] {strides = array<i32>} : memref<8x128xf32, #tpu.memory_space<vmem>>, vector<1x16xf32>,
          %parallel_loop3A_1899 = vector.shape_cast %parallel_loop3A_1898 : vector<1x16xf32> to vector<16xf32>
          %parallel_loop3A_1900 = vector.shape_cast %parallel_loop3A_1895 : vector<16xf32> to vector<1x16xf32>
          tpu.vector_store %arg15[%parallel_loop3A_1896, %parallel_loop3A_1897], %parallel_loop3A_1900 {add = true, strides = array<i32>} : memref<8x128xf32, #tpu.memory_space<vmem>>, vector<1x16xf32>,
          %parallel_loop3A_1901 = vector.broadcast %parallel_loop3A_1884 : f32 to vector<16xf32>
          %parallel_loop3A_1902 = arith.mulf %parallel_loop3A_1737, %parallel_loop3A_1901 : vector<16xf32>
          %parallel_loop3A_1903 = arith.index_cast %parallel_loop3A_1706 : i32 to index
          %parallel_loop3A_1904 = arith.constant 32 : index
          %parallel_loop3A_1905 = tpu.vector_load %arg15[%parallel_loop3A_1903, %parallel_loop3A_1904] {strides = array<i32>} : memref<8x128xf32, #tpu.memory_space<vmem>>, vector<1x16xf32>,
          %parallel_loop3A_1906 = vector.shape_cast %parallel_loop3A_1905 : vector<1x16xf32> to vector<16xf32>
          %parallel_loop3A_1907 = vector.shape_cast %parallel_loop3A_1902 : vector<16xf32> to vector<1x16xf32>
          tpu.vector_store %arg15[%parallel_loop3A_1903, %parallel_loop3A_1904], %parallel_loop3A_1907 {add = true, strides = array<i32>} : memref<8x128xf32, #tpu.memory_space<vmem>>, vector<1x16xf32>,
          %parallel_loop3A_1908 = vector.broadcast %parallel_loop3A_1884 : f32 to vector<16xf32>
          %parallel_loop3A_1909 = arith.mulf %parallel_loop3A_1741, %parallel_loop3A_1908 : vector<16xf32>
          %parallel_loop3A_1910 = arith.index_cast %parallel_loop3A_1706 : i32 to index
          %parallel_loop3A_1911 = arith.constant 48 : index
          %parallel_loop3A_1912 = tpu.vector_load %arg15[%parallel_loop3A_1910, %parallel_loop3A_1911] {strides = array<i32>} : memref<8x128xf32, #tpu.memory_space<vmem>>, vector<1x16xf32>,
          %parallel_loop3A_1913 = vector.shape_cast %parallel_loop3A_1912 : vector<1x16xf32> to vector<16xf32>
          %parallel_loop3A_1914 = vector.shape_cast %parallel_loop3A_1909 : vector<16xf32> to vector<1x16xf32>
          tpu.vector_store %arg15[%parallel_loop3A_1910, %parallel_loop3A_1911], %parallel_loop3A_1914 {add = true, strides = array<i32>} : memref<8x128xf32, #tpu.memory_space<vmem>>, vector<1x16xf32>,
          %parallel_loop3A_1915 = vector.broadcast %parallel_loop3A_1884 : f32 to vector<16xf32>
          %parallel_loop3A_1916 = arith.mulf %parallel_loop3A_1745, %parallel_loop3A_1915 : vector<16xf32>
          %parallel_loop3A_1917 = arith.index_cast %parallel_loop3A_1706 : i32 to index
          %parallel_loop3A_1918 = arith.constant 64 : index
          %parallel_loop3A_1919 = tpu.vector_load %arg15[%parallel_loop3A_1917, %parallel_loop3A_1918] {strides = array<i32>} : memref<8x128xf32, #tpu.memory_space<vmem>>, vector<1x16xf32>,
          %parallel_loop3A_1920 = vector.shape_cast %parallel_loop3A_1919 : vector<1x16xf32> to vector<16xf32>
          %parallel_loop3A_1921 = vector.shape_cast %parallel_loop3A_1916 : vector<16xf32> to vector<1x16xf32>
          tpu.vector_store %arg15[%parallel_loop3A_1917, %parallel_loop3A_1918], %parallel_loop3A_1921 {add = true, strides = array<i32>} : memref<8x128xf32, #tpu.memory_space<vmem>>, vector<1x16xf32>,
          %parallel_loop3A_1922 = vector.broadcast %parallel_loop3A_1884 : f32 to vector<16xf32>
          %parallel_loop3A_1923 = arith.mulf %parallel_loop3A_1749, %parallel_loop3A_1922 : vector<16xf32>
          %parallel_loop3A_1924 = arith.index_cast %parallel_loop3A_1706 : i32 to index
          %parallel_loop3A_1925 = arith.constant 80 : index
          %parallel_loop3A_1926 = tpu.vector_load %arg15[%parallel_loop3A_1924, %parallel_loop3A_1925] {strides = array<i32>} : memref<8x128xf32, #tpu.memory_space<vmem>>, vector<1x16xf32>,
          %parallel_loop3A_1927 = vector.shape_cast %parallel_loop3A_1926 : vector<1x16xf32> to vector<16xf32>
          %parallel_loop3A_1928 = vector.shape_cast %parallel_loop3A_1923 : vector<16xf32> to vector<1x16xf32>
          tpu.vector_store %arg15[%parallel_loop3A_1924, %parallel_loop3A_1925], %parallel_loop3A_1928 {add = true, strides = array<i32>} : memref<8x128xf32, #tpu.memory_space<vmem>>, vector<1x16xf32>,
          %parallel_loop3A_1929 = vector.broadcast %parallel_loop3A_1884 : f32 to vector<16xf32>
          %parallel_loop3A_1930 = arith.mulf %parallel_loop3A_1753, %parallel_loop3A_1929 : vector<16xf32>
          %parallel_loop3A_1931 = arith.index_cast %parallel_loop3A_1706 : i32 to index
          %parallel_loop3A_1932 = arith.constant 96 : index
          %parallel_loop3A_1933 = tpu.vector_load %arg15[%parallel_loop3A_1931, %parallel_loop3A_1932] {strides = array<i32>} : memref<8x128xf32, #tpu.memory_space<vmem>>, vector<1x16xf32>,
          %parallel_loop3A_1934 = vector.shape_cast %parallel_loop3A_1933 : vector<1x16xf32> to vector<16xf32>
          %parallel_loop3A_1935 = vector.shape_cast %parallel_loop3A_1930 : vector<16xf32> to vector<1x16xf32>
          tpu.vector_store %arg15[%parallel_loop3A_1931, %parallel_loop3A_1932], %parallel_loop3A_1935 {add = true, strides = array<i32>} : memref<8x128xf32, #tpu.memory_space<vmem>>, vector<1x16xf32>,
          %parallel_loop3A_1936 = vector.broadcast %parallel_loop3A_1884 : f32 to vector<16xf32>
          %parallel_loop3A_1937 = arith.mulf %parallel_loop3A_1757, %parallel_loop3A_1936 : vector<16xf32>
          %parallel_loop3A_1938 = arith.index_cast %parallel_loop3A_1706 : i32 to index
          %parallel_loop3A_1939 = arith.constant 112 : index
          %parallel_loop3A_1940 = tpu.vector_load %arg15[%parallel_loop3A_1938, %parallel_loop3A_1939] {strides = array<i32>} : memref<8x128xf32, #tpu.memory_space<vmem>>, vector<1x16xf32>,
          %parallel_loop3A_1941 = vector.shape_cast %parallel_loop3A_1940 : vector<1x16xf32> to vector<16xf32>
          %parallel_loop3A_1942 = vector.shape_cast %parallel_loop3A_1937 : vector<16xf32> to vector<1x16xf32>
          tpu.vector_store %arg15[%parallel_loop3A_1938, %parallel_loop3A_1939], %parallel_loop3A_1942 {add = true, strides = array<i32>} : memref<8x128xf32, #tpu.memory_space<vmem>>, vector<1x16xf32>,
          %parallel_loop3A_1943 = vector.broadcast %parallel_loop3A_1886 : f32 to vector<16xf32>
          %parallel_loop3A_1944 = arith.mulf %parallel_loop3A_1763, %parallel_loop3A_1943 : vector<16xf32>
          %parallel_loop3A_1945 = arith.index_cast %parallel_loop3A_1709 : i32 to index
          %parallel_loop3A_1946 = arith.constant 0 : index
          %parallel_loop3A_1947 = tpu.vector_load %arg15[%parallel_loop3A_1945, %parallel_loop3A_1946] {strides = array<i32>} : memref<8x128xf32, #tpu.memory_space<vmem>>, vector<1x16xf32>,
          %parallel_loop3A_1948 = vector.shape_cast %parallel_loop3A_1947 : vector<1x16xf32> to vector<16xf32>
          %parallel_loop3A_1949 = vector.shape_cast %parallel_loop3A_1944 : vector<16xf32> to vector<1x16xf32>
          tpu.vector_store %arg15[%parallel_loop3A_1945, %parallel_loop3A_1946], %parallel_loop3A_1949 {add = true, strides = array<i32>} : memref<8x128xf32, #tpu.memory_space<vmem>>, vector<1x16xf32>,
          %parallel_loop3A_1950 = vector.broadcast %parallel_loop3A_1886 : f32 to vector<16xf32>
          %parallel_loop3A_1951 = arith.mulf %parallel_loop3A_1769, %parallel_loop3A_1950 : vector<16xf32>
          %parallel_loop3A_1952 = arith.index_cast %parallel_loop3A_1709 : i32 to index
          %parallel_loop3A_1953 = arith.constant 16 : index
          %parallel_loop3A_1954 = tpu.vector_load %arg15[%parallel_loop3A_1952, %parallel_loop3A_1953] {strides = array<i32>} : memref<8x128xf32, #tpu.memory_space<vmem>>, vector<1x16xf32>,
          %parallel_loop3A_1955 = vector.shape_cast %parallel_loop3A_1954 : vector<1x16xf32> to vector<16xf32>
          %parallel_loop3A_1956 = vector.shape_cast %parallel_loop3A_1951 : vector<16xf32> to vector<1x16xf32>
          tpu.vector_store %arg15[%parallel_loop3A_1952, %parallel_loop3A_1953], %parallel_loop3A_1956 {add = true, strides = array<i32>} : memref<8x128xf32, #tpu.memory_space<vmem>>, vector<1x16xf32>,
          %parallel_loop3A_1957 = vector.broadcast %parallel_loop3A_1886 : f32 to vector<16xf32>
          %parallel_loop3A_1958 = arith.mulf %parallel_loop3A_1775, %parallel_loop3A_1957 : vector<16xf32>
          %parallel_loop3A_1959 = arith.index_cast %parallel_loop3A_1709 : i32 to index
          %parallel_loop3A_1960 = arith.constant 32 : index
          %parallel_loop3A_1961 = tpu.vector_load %arg15[%parallel_loop3A_1959, %parallel_loop3A_1960] {strides = array<i32>} : memref<8x128xf32, #tpu.memory_space<vmem>>, vector<1x16xf32>,
          %parallel_loop3A_1962 = vector.shape_cast %parallel_loop3A_1961 : vector<1x16xf32> to vector<16xf32>
          %parallel_loop3A_1963 = vector.shape_cast %parallel_loop3A_1958 : vector<16xf32> to vector<1x16xf32>
          tpu.vector_store %arg15[%parallel_loop3A_1959, %parallel_loop3A_1960], %parallel_loop3A_1963 {add = true, strides = array<i32>} : memref<8x128xf32, #tpu.memory_space<vmem>>, vector<1x16xf32>,
          %parallel_loop3A_1964 = vector.broadcast %parallel_loop3A_1886 : f32 to vector<16xf32>
          %parallel_loop3A_1965 = arith.mulf %parallel_loop3A_1781, %parallel_loop3A_1964 : vector<16xf32>
          %parallel_loop3A_1966 = arith.index_cast %parallel_loop3A_1709 : i32 to index
          %parallel_loop3A_1967 = arith.constant 48 : index
          %parallel_loop3A_1968 = tpu.vector_load %arg15[%parallel_loop3A_1966, %parallel_loop3A_1967] {strides = array<i32>} : memref<8x128xf32, #tpu.memory_space<vmem>>, vector<1x16xf32>,
          %parallel_loop3A_1969 = vector.shape_cast %parallel_loop3A_1968 : vector<1x16xf32> to vector<16xf32>
          %parallel_loop3A_1970 = vector.shape_cast %parallel_loop3A_1965 : vector<16xf32> to vector<1x16xf32>
          tpu.vector_store %arg15[%parallel_loop3A_1966, %parallel_loop3A_1967], %parallel_loop3A_1970 {add = true, strides = array<i32>} : memref<8x128xf32, #tpu.memory_space<vmem>>, vector<1x16xf32>,
          %parallel_loop3A_1971 = vector.broadcast %parallel_loop3A_1886 : f32 to vector<16xf32>
          %parallel_loop3A_1972 = arith.mulf %parallel_loop3A_1787, %parallel_loop3A_1971 : vector<16xf32>
          %parallel_loop3A_1973 = arith.index_cast %parallel_loop3A_1709 : i32 to index
          %parallel_loop3A_1974 = arith.constant 64 : index
          %parallel_loop3A_1975 = tpu.vector_load %arg15[%parallel_loop3A_1973, %parallel_loop3A_1974] {strides = array<i32>} : memref<8x128xf32, #tpu.memory_space<vmem>>, vector<1x16xf32>,
          %parallel_loop3A_1976 = vector.shape_cast %parallel_loop3A_1975 : vector<1x16xf32> to vector<16xf32>
          %parallel_loop3A_1977 = vector.shape_cast %parallel_loop3A_1972 : vector<16xf32> to vector<1x16xf32>
          tpu.vector_store %arg15[%parallel_loop3A_1973, %parallel_loop3A_1974], %parallel_loop3A_1977 {add = true, strides = array<i32>} : memref<8x128xf32, #tpu.memory_space<vmem>>, vector<1x16xf32>,
          %parallel_loop3A_1978 = vector.broadcast %parallel_loop3A_1886 : f32 to vector<16xf32>
          %parallel_loop3A_1979 = arith.mulf %parallel_loop3A_1793, %parallel_loop3A_1978 : vector<16xf32>
          %parallel_loop3A_1980 = arith.index_cast %parallel_loop3A_1709 : i32 to index
          %parallel_loop3A_1981 = arith.constant 80 : index
          %parallel_loop3A_1982 = tpu.vector_load %arg15[%parallel_loop3A_1980, %parallel_loop3A_1981] {strides = array<i32>} : memref<8x128xf32, #tpu.memory_space<vmem>>, vector<1x16xf32>,
          %parallel_loop3A_1983 = vector.shape_cast %parallel_loop3A_1982 : vector<1x16xf32> to vector<16xf32>
          %parallel_loop3A_1984 = vector.shape_cast %parallel_loop3A_1979 : vector<16xf32> to vector<1x16xf32>
          tpu.vector_store %arg15[%parallel_loop3A_1980, %parallel_loop3A_1981], %parallel_loop3A_1984 {add = true, strides = array<i32>} : memref<8x128xf32, #tpu.memory_space<vmem>>, vector<1x16xf32>,
          %parallel_loop3A_1985 = vector.broadcast %parallel_loop3A_1886 : f32 to vector<16xf32>
          %parallel_loop3A_1986 = arith.mulf %parallel_loop3A_1799, %parallel_loop3A_1985 : vector<16xf32>
          %parallel_loop3A_1987 = arith.index_cast %parallel_loop3A_1709 : i32 to index
          %parallel_loop3A_1988 = arith.constant 96 : index
          %parallel_loop3A_1989 = tpu.vector_load %arg15[%parallel_loop3A_1987, %parallel_loop3A_1988] {strides = array<i32>} : memref<8x128xf32, #tpu.memory_space<vmem>>, vector<1x16xf32>,
          %parallel_loop3A_1990 = vector.shape_cast %parallel_loop3A_1989 : vector<1x16xf32> to vector<16xf32>
          %parallel_loop3A_1991 = vector.shape_cast %parallel_loop3A_1986 : vector<16xf32> to vector<1x16xf32>
          tpu.vector_store %arg15[%parallel_loop3A_1987, %parallel_loop3A_1988], %parallel_loop3A_1991 {add = true, strides = array<i32>} : memref<8x128xf32, #tpu.memory_space<vmem>>, vector<1x16xf32>,
          %parallel_loop3A_1992 = vector.broadcast %parallel_loop3A_1886 : f32 to vector<16xf32>
          %parallel_loop3A_1993 = arith.mulf %parallel_loop3A_1805, %parallel_loop3A_1992 : vector<16xf32>
          %parallel_loop3A_1994 = arith.index_cast %parallel_loop3A_1709 : i32 to index
          %parallel_loop3A_1995 = arith.constant 112 : index
          %parallel_loop3A_1996 = tpu.vector_load %arg15[%parallel_loop3A_1994, %parallel_loop3A_1995] {strides = array<i32>} : memref<8x128xf32, #tpu.memory_space<vmem>>, vector<1x16xf32>,
          %parallel_loop3A_1997 = vector.shape_cast %parallel_loop3A_1996 : vector<1x16xf32> to vector<16xf32>
          %parallel_loop3A_1998 = vector.shape_cast %parallel_loop3A_1993 : vector<16xf32> to vector<1x16xf32>
          tpu.vector_store %arg15[%parallel_loop3A_1994, %parallel_loop3A_1995], %parallel_loop3A_1998 {add = true, strides = array<i32>} : memref<8x128xf32, #tpu.memory_space<vmem>>, vector<1x16xf32>,
        } {sc.loop_unroll_factor = 2 : i64, sc.parallel_access}
      } else {
      }
      %mul3A_1658 = arith.constant 2 : i32
      %mul3A_1659 = arith.muli %mul3A_1658, %while3A_1649 : i32
      %add3A_1660 = arith.constant 1 : i32
      %add3A_1661 = arith.addi %mul3A_1659, %add3A_1660 : i32
      %lt3A_1662 = arith.cmpi slt, %add3A_1661, %sub3A_1615 : i32
      %convert_element_type3A_1663 = arith.extui %lt3A_1662 : i1 to i32
      %cond3A_1664 = arith.constant 0 : i32
      %cond3A_1665 = arith.cmpi ne, %convert_element_type3A_1663, %cond3A_1664 : i32
      scf.if %cond3A_1665 {
        %add3A_1666 = arith.constant 1 : i32
        %add3A_1667 = arith.addi %add3A_1661, %add3A_1666 : i32
        %lt3A_1668 = arith.cmpi slt, %add3A_1667, %sub3A_1615 : i32
        %convert_element_type3A_1669 = arith.extui %lt3A_1668 : i1 to i32
        %cond3A_1670 = arith.constant 0 : i32
        %cond3A_1671 = arith.cmpi ne, %convert_element_type3A_1669, %cond3A_1670 : i32
        scf.if %cond3A_1671 {
          %add3A_1692 = arith.constant 1 : i32
          %add3A_1693 = arith.addi %add3A_1661, %add3A_1692 : i32
          %add3A_1694 = arith.addi %sub3A, %add3A_1693 : i32
          %mul3A_1695 = arith.constant 64 : i32
          %mul3A_1696 = arith.muli %add3A_1694, %mul3A_1695 : i32
          %min3A_1697 = arith.constant 99936 : i32
          %min3A_1698 = arith.minsi %mul3A_1696, %min3A_1697 : i32
          %dma_start3A = arith.constant 0 : i32
          %dma_start3A_1699 = tpu.memref_slice %arg2[%min3A_1698, %dma_start3A] : memref<100000x128xf32, #tpu.memory_space<hbm>> -> memref<64x128xf32, #tpu.memory_space<hbm>>
          %dma_start3A_1700 = arith.constant 0 : i32
          %dma_start3A_1701 = tpu.memref_slice %arg2[%min3A_1698, %dma_start3A_1700] : memref<100000x128xf32, #tpu.memory_space<hbm>> -> memref<64x128xf32, #tpu.memory_space<hbm>>
          tpu.enqueue_dma source(%dma_start3A_1701 : memref<64x128xf32, #tpu.memory_space<hbm>>) target(%arg11 : memref<64x128xf32, #tpu.memory_space<vmem>>) target_semaphore(%arg16 : memref<!tpu.dma_semaphore, #tpu.memory_space<semaphore_mem>>)
          %dma_start3A_1702 = arith.constant 0 : i32
          %dma_start3A_1703 = tpu.memref_slice %arg13[%dma_start3A_1702] : memref<80xi32, #tpu.memory_space<vmem>> -> memref<64xi32, #tpu.memory_space<vmem>>
          %dma_start3A_1704 = tpu.memref_slice %arg3[%min3A_1698] : memref<100000xi32, #tpu.memory_space<hbm>> -> memref<64xi32, #tpu.memory_space<hbm>>
          %dma_start3A_1705 = arith.constant 0 : i32
          %dma_start3A_1706 = tpu.memref_slice %arg13[%dma_start3A_1705] : memref<80xi32, #tpu.memory_space<vmem>> -> memref<64xi32, #tpu.memory_space<vmem>>
          %dma_start3A_1707 = tpu.memref_slice %arg3[%min3A_1698] : memref<100000xi32, #tpu.memory_space<hbm>> -> memref<64xi32, #tpu.memory_space<hbm>>
          tpu.enqueue_dma source(%dma_start3A_1707 : memref<64xi32, #tpu.memory_space<hbm>>) target(%dma_start3A_1706 : memref<64xi32, #tpu.memory_space<vmem>>) target_semaphore(%arg16 : memref<!tpu.dma_semaphore, #tpu.memory_space<semaphore_mem>>)
        } else {
        }
        %dma_wait3A = arith.constant 0 : i32
        %dma_wait3A_1672 = arith.constant 0 : i32
        %dma_wait3A_1673 = tpu.memref_slice %arg2[%dma_wait3A, %dma_wait3A_1672] : memref<100000x128xf32, #tpu.memory_space<hbm>> -> memref<64x128xf32, #tpu.memory_space<hbm>>
        %dma_wait3A_1674 = arith.constant 0 : i32
        %dma_wait3A_1675 = arith.constant 0 : i32
        %dma_wait3A_1676 = tpu.memref_slice %arg2[%dma_wait3A_1674, %dma_wait3A_1675] : memref<100000x128xf32, #tpu.memory_space<hbm>> -> memref<64x128xf32, #tpu.memory_space<hbm>>
        tpu.wait_dma2 semaphore(%arg17 : memref<!tpu.dma_semaphore, #tpu.memory_space<semaphore_mem>>) src(%dma_wait3A_1676 : memref<64x128xf32, #tpu.memory_space<hbm>>) dst(%arg12 : memref<64x128xf32, #tpu.memory_space<vmem>>)
        %dma_wait3A_1677 = arith.constant 0 : i32
        %dma_wait3A_1678 = tpu.memref_slice %arg14[%dma_wait3A_1677] : memref<80xi32, #tpu.memory_space<vmem>> -> memref<64xi32, #tpu.memory_space<vmem>>
        %dma_wait3A_1679 = arith.constant 0 : i32
        %dma_wait3A_1680 = tpu.memref_slice %arg3[%dma_wait3A_1679] : memref<100000xi32, #tpu.memory_space<hbm>> -> memref<64xi32, #tpu.memory_space<hbm>>
        %dma_wait3A_1681 = arith.constant 0 : i32
        %dma_wait3A_1682 = tpu.memref_slice %arg14[%dma_wait3A_1681] : memref<80xi32, #tpu.memory_space<vmem>> -> memref<64xi32, #tpu.memory_space<vmem>>
        %dma_wait3A_1683 = arith.constant 0 : i32
        %dma_wait3A_1684 = tpu.memref_slice %arg3[%dma_wait3A_1683] : memref<100000xi32, #tpu.memory_space<hbm>> -> memref<64xi32, #tpu.memory_space<hbm>>
        tpu.wait_dma2 semaphore(%arg17 : memref<!tpu.dma_semaphore, #tpu.memory_space<semaphore_mem>>) src(%dma_wait3A_1684 : memref<64xi32, #tpu.memory_space<hbm>>) dst(%dma_wait3A_1682 : memref<64xi32, #tpu.memory_space<vmem>>)
        %add3A_1685 = arith.addi %sub3A, %add3A_1661 : i32
        %mul3A_1686 = arith.constant 64 : i32
        %mul3A_1687 = arith.muli %add3A_1685, %mul3A_1686 : i32
        %min3A = arith.constant 99936 : i32
        %min3A_1688 = arith.minsi %mul3A_1687, %min3A : i32
        %sub3A_1689 = arith.subi %mul3A_1687, %min3A_1688 : i32
        %parallel_loop3A = arith.constant 0 : i32
        %parallel_loop3A_1690 = arith.constant 64 : i32
        %parallel_loop3A_1691 = arith.constant 2 : i32
        scf.for %parallel_loop3A_1692 = %parallel_loop3A to %parallel_loop3A_1690 step %parallel_loop3A_1691  : i32 {
          %parallel_loop3A_1693 = arith.index_cast %parallel_loop3A_1692 : i32 to index
          %parallel_loop3A_1694 = tpu.vector_load %arg14[%parallel_loop3A_1693] {strides = array<i32>} : memref<80xi32, #tpu.memory_space<vmem>>, vector<16xi32>,
          %parallel_loop3A_1695 = vector.shape_cast %parallel_loop3A_1694 : vector<16xi32> to vector<16xi32>
          %parallel_loop3A_1696 = tpu.iota {dimensions = array<i32: 0>} : vector<16xi32>
          %parallel_loop3A_1697 = arith.constant 8 : i32
          %parallel_loop3A_1698 = vector.broadcast %parallel_loop3A_1697 : i32 to vector<16xi32>
          %parallel_loop3A_1699 = arith.cmpi slt, %parallel_loop3A_1696, %parallel_loop3A_1698 : vector<16xi32>
          %parallel_loop3A_1700 = vector.extract_strided_slice %parallel_loop3A_1695 {offsets = [0], sizes = [1], strides = [1]} : vector<16xi32> to vector<1xi32>
          %parallel_loop3A_1701 = vector.extract %parallel_loop3A_1700[0] : i32 from vector<1xi32>
          %parallel_loop3A_1702 = vector.extract_strided_slice %parallel_loop3A_1695 {offsets = [1], sizes = [1], strides = [1]} : vector<16xi32> to vector<1xi32>
          %parallel_loop3A_1703 = vector.extract %parallel_loop3A_1702[0] : i32 from vector<1xi32>
          %parallel_loop3A_1704 = arith.subi %parallel_loop3A_1701, %mul3A_438 : i32
          %parallel_loop3A_1705 = arith.constant 7 : i32
          %parallel_loop3A_1706 = arith.andi %parallel_loop3A_1704, %parallel_loop3A_1705 : i32
          %parallel_loop3A_1707 = arith.subi %parallel_loop3A_1703, %mul3A_438 : i32
          %parallel_loop3A_1708 = arith.constant 7 : i32
          %parallel_loop3A_1709 = arith.andi %parallel_loop3A_1707, %parallel_loop3A_1708 : i32
          %parallel_loop3A_1710 = arith.cmpi sge, %parallel_loop3A_1701, %mul3A_438 : i32
          %parallel_loop3A_1711 = arith.cmpi slt, %parallel_loop3A_1701, %add3A_440 : i32
          %parallel_loop3A_1712 = arith.andi %parallel_loop3A_1710, %parallel_loop3A_1711 : i1
          %parallel_loop3A_1713 = arith.cmpi sge, %parallel_loop3A_1692, %sub3A_1689 : i32
          %parallel_loop3A_1714 = arith.andi %parallel_loop3A_1712, %parallel_loop3A_1713 : i1
          %parallel_loop3A_1715 = arith.cmpi sge, %parallel_loop3A_1703, %mul3A_438 : i32
          %parallel_loop3A_1716 = arith.cmpi slt, %parallel_loop3A_1703, %add3A_440 : i32
          %parallel_loop3A_1717 = arith.andi %parallel_loop3A_1715, %parallel_loop3A_1716 : i1
          %parallel_loop3A_1718 = arith.constant 1 : i32
          %parallel_loop3A_1719 = arith.addi %parallel_loop3A_1692, %parallel_loop3A_1718 : i32
          %parallel_loop3A_1720 = arith.cmpi sge, %parallel_loop3A_1719, %sub3A_1689 : i32
          %parallel_loop3A_1721 = arith.andi %parallel_loop3A_1717, %parallel_loop3A_1720 : i1
          %parallel_loop3A_1722 = arith.constant 1.000000e+30 : f32
          %parallel_loop3A_1723 = arith.select %parallel_loop3A_1714, %squeeze3A, %parallel_loop3A_1722 : f32
          %parallel_loop3A_1724 = arith.constant 1.000000e+30 : f32
          %parallel_loop3A_1725 = arith.select %parallel_loop3A_1721, %squeeze3A, %parallel_loop3A_1724 : f32
          %parallel_loop3A_1726 = arith.index_cast %parallel_loop3A_1692 : i32 to index
          %parallel_loop3A_1727 = arith.constant 0 : index
          %parallel_loop3A_1728 = tpu.vector_load %arg12[%parallel_loop3A_1726, %parallel_loop3A_1727] {strides = array<i32>} : memref<64x128xf32, #tpu.memory_space<vmem>>, vector<1x16xf32>,
          %parallel_loop3A_1729 = vector.shape_cast %parallel_loop3A_1728 : vector<1x16xf32> to vector<16xf32>
          %parallel_loop3A_1730 = arith.index_cast %parallel_loop3A_1692 : i32 to index
          %parallel_loop3A_1731 = arith.constant 16 : index
          %parallel_loop3A_1732 = tpu.vector_load %arg12[%parallel_loop3A_1730, %parallel_loop3A_1731] {strides = array<i32>} : memref<64x128xf32, #tpu.memory_space<vmem>>, vector<1x16xf32>,
          %parallel_loop3A_1733 = vector.shape_cast %parallel_loop3A_1732 : vector<1x16xf32> to vector<16xf32>
          %parallel_loop3A_1734 = arith.index_cast %parallel_loop3A_1692 : i32 to index
          %parallel_loop3A_1735 = arith.constant 32 : index
          %parallel_loop3A_1736 = tpu.vector_load %arg12[%parallel_loop3A_1734, %parallel_loop3A_1735] {strides = array<i32>} : memref<64x128xf32, #tpu.memory_space<vmem>>, vector<1x16xf32>,
          %parallel_loop3A_1737 = vector.shape_cast %parallel_loop3A_1736 : vector<1x16xf32> to vector<16xf32>
          %parallel_loop3A_1738 = arith.index_cast %parallel_loop3A_1692 : i32 to index
          %parallel_loop3A_1739 = arith.constant 48 : index
          %parallel_loop3A_1740 = tpu.vector_load %arg12[%parallel_loop3A_1738, %parallel_loop3A_1739] {strides = array<i32>} : memref<64x128xf32, #tpu.memory_space<vmem>>, vector<1x16xf32>,
          %parallel_loop3A_1741 = vector.shape_cast %parallel_loop3A_1740 : vector<1x16xf32> to vector<16xf32>
          %parallel_loop3A_1742 = arith.index_cast %parallel_loop3A_1692 : i32 to index
          %parallel_loop3A_1743 = arith.constant 64 : index
          %parallel_loop3A_1744 = tpu.vector_load %arg12[%parallel_loop3A_1742, %parallel_loop3A_1743] {strides = array<i32>} : memref<64x128xf32, #tpu.memory_space<vmem>>, vector<1x16xf32>,
          %parallel_loop3A_1745 = vector.shape_cast %parallel_loop3A_1744 : vector<1x16xf32> to vector<16xf32>
          %parallel_loop3A_1746 = arith.index_cast %parallel_loop3A_1692 : i32 to index
          %parallel_loop3A_1747 = arith.constant 80 : index
          %parallel_loop3A_1748 = tpu.vector_load %arg12[%parallel_loop3A_1746, %parallel_loop3A_1747] {strides = array<i32>} : memref<64x128xf32, #tpu.memory_space<vmem>>, vector<1x16xf32>,
          %parallel_loop3A_1749 = vector.shape_cast %parallel_loop3A_1748 : vector<1x16xf32> to vector<16xf32>
          %parallel_loop3A_1750 = arith.index_cast %parallel_loop3A_1692 : i32 to index
          %parallel_loop3A_1751 = arith.constant 96 : index
          %parallel_loop3A_1752 = tpu.vector_load %arg12[%parallel_loop3A_1750, %parallel_loop3A_1751] {strides = array<i32>} : memref<64x128xf32, #tpu.memory_space<vmem>>, vector<1x16xf32>,
          %parallel_loop3A_1753 = vector.shape_cast %parallel_loop3A_1752 : vector<1x16xf32> to vector<16xf32>
          %parallel_loop3A_1754 = arith.index_cast %parallel_loop3A_1692 : i32 to index
          %parallel_loop3A_1755 = arith.constant 112 : index
          %parallel_loop3A_1756 = tpu.vector_load %arg12[%parallel_loop3A_1754, %parallel_loop3A_1755] {strides = array<i32>} : memref<64x128xf32, #tpu.memory_space<vmem>>, vector<1x16xf32>,
          %parallel_loop3A_1757 = vector.shape_cast %parallel_loop3A_1756 : vector<1x16xf32> to vector<16xf32>
          %parallel_loop3A_1758 = arith.constant 1 : i32
          %parallel_loop3A_1759 = arith.addi %parallel_loop3A_1692, %parallel_loop3A_1758 : i32
          %parallel_loop3A_1760 = arith.index_cast %parallel_loop3A_1759 : i32 to index
          %parallel_loop3A_1761 = arith.constant 0 : index
          %parallel_loop3A_1762 = tpu.vector_load %arg12[%parallel_loop3A_1760, %parallel_loop3A_1761] {strides = array<i32>} : memref<64x128xf32, #tpu.memory_space<vmem>>, vector<1x16xf32>,
          %parallel_loop3A_1763 = vector.shape_cast %parallel_loop3A_1762 : vector<1x16xf32> to vector<16xf32>
          %parallel_loop3A_1764 = arith.constant 1 : i32
          %parallel_loop3A_1765 = arith.addi %parallel_loop3A_1692, %parallel_loop3A_1764 : i32
          %parallel_loop3A_1766 = arith.index_cast %parallel_loop3A_1765 : i32 to index
          %parallel_loop3A_1767 = arith.constant 16 : index
          %parallel_loop3A_1768 = tpu.vector_load %arg12[%parallel_loop3A_1766, %parallel_loop3A_1767] {strides = array<i32>} : memref<64x128xf32, #tpu.memory_space<vmem>>, vector<1x16xf32>,
          %parallel_loop3A_1769 = vector.shape_cast %parallel_loop3A_1768 : vector<1x16xf32> to vector<16xf32>
          %parallel_loop3A_1770 = arith.constant 1 : i32
          %parallel_loop3A_1771 = arith.addi %parallel_loop3A_1692, %parallel_loop3A_1770 : i32
          %parallel_loop3A_1772 = arith.index_cast %parallel_loop3A_1771 : i32 to index
          %parallel_loop3A_1773 = arith.constant 32 : index
          %parallel_loop3A_1774 = tpu.vector_load %arg12[%parallel_loop3A_1772, %parallel_loop3A_1773] {strides = array<i32>} : memref<64x128xf32, #tpu.memory_space<vmem>>, vector<1x16xf32>,
          %parallel_loop3A_1775 = vector.shape_cast %parallel_loop3A_1774 : vector<1x16xf32> to vector<16xf32>
          %parallel_loop3A_1776 = arith.constant 1 : i32
          %parallel_loop3A_1777 = arith.addi %parallel_loop3A_1692, %parallel_loop3A_1776 : i32
          %parallel_loop3A_1778 = arith.index_cast %parallel_loop3A_1777 : i32 to index
          %parallel_loop3A_1779 = arith.constant 48 : index
          %parallel_loop3A_1780 = tpu.vector_load %arg12[%parallel_loop3A_1778, %parallel_loop3A_1779] {strides = array<i32>} : memref<64x128xf32, #tpu.memory_space<vmem>>, vector<1x16xf32>,
          %parallel_loop3A_1781 = vector.shape_cast %parallel_loop3A_1780 : vector<1x16xf32> to vector<16xf32>
          %parallel_loop3A_1782 = arith.constant 1 : i32
          %parallel_loop3A_1783 = arith.addi %parallel_loop3A_1692, %parallel_loop3A_1782 : i32
          %parallel_loop3A_1784 = arith.index_cast %parallel_loop3A_1783 : i32 to index
          %parallel_loop3A_1785 = arith.constant 64 : index
          %parallel_loop3A_1786 = tpu.vector_load %arg12[%parallel_loop3A_1784, %parallel_loop3A_1785] {strides = array<i32>} : memref<64x128xf32, #tpu.memory_space<vmem>>, vector<1x16xf32>,
          %parallel_loop3A_1787 = vector.shape_cast %parallel_loop3A_1786 : vector<1x16xf32> to vector<16xf32>
          %parallel_loop3A_1788 = arith.constant 1 : i32
          %parallel_loop3A_1789 = arith.addi %parallel_loop3A_1692, %parallel_loop3A_1788 : i32
          %parallel_loop3A_1790 = arith.index_cast %parallel_loop3A_1789 : i32 to index
          %parallel_loop3A_1791 = arith.constant 80 : index
          %parallel_loop3A_1792 = tpu.vector_load %arg12[%parallel_loop3A_1790, %parallel_loop3A_1791] {strides = array<i32>} : memref<64x128xf32, #tpu.memory_space<vmem>>, vector<1x16xf32>,
          %parallel_loop3A_1793 = vector.shape_cast %parallel_loop3A_1792 : vector<1x16xf32> to vector<16xf32>
          %parallel_loop3A_1794 = arith.constant 1 : i32
          %parallel_loop3A_1795 = arith.addi %parallel_loop3A_1692, %parallel_loop3A_1794 : i32
          %parallel_loop3A_1796 = arith.index_cast %parallel_loop3A_1795 : i32 to index
          %parallel_loop3A_1797 = arith.constant 96 : index
          %parallel_loop3A_1798 = tpu.vector_load %arg12[%parallel_loop3A_1796, %parallel_loop3A_1797] {strides = array<i32>} : memref<64x128xf32, #tpu.memory_space<vmem>>, vector<1x16xf32>,
          %parallel_loop3A_1799 = vector.shape_cast %parallel_loop3A_1798 : vector<1x16xf32> to vector<16xf32>
          %parallel_loop3A_1800 = arith.constant 1 : i32
          %parallel_loop3A_1801 = arith.addi %parallel_loop3A_1692, %parallel_loop3A_1800 : i32
          %parallel_loop3A_1802 = arith.index_cast %parallel_loop3A_1801 : i32 to index
          %parallel_loop3A_1803 = arith.constant 112 : index
          %parallel_loop3A_1804 = tpu.vector_load %arg12[%parallel_loop3A_1802, %parallel_loop3A_1803] {strides = array<i32>} : memref<64x128xf32, #tpu.memory_space<vmem>>, vector<1x16xf32>,
          %parallel_loop3A_1805 = vector.shape_cast %parallel_loop3A_1804 : vector<1x16xf32> to vector<16xf32>
          %parallel_loop3A_1806 = arith.mulf %parallel_loop3A_1729, %neg3A_388 : vector<16xf32>
          %parallel_loop3A_1807 = arith.mulf %parallel_loop3A_1733, %neg3A_394 : vector<16xf32>
          %parallel_loop3A_1808 = arith.mulf %parallel_loop3A_1737, %neg3A_400 : vector<16xf32>
          %parallel_loop3A_1809 = arith.mulf %parallel_loop3A_1741, %neg3A_406 : vector<16xf32>
          %parallel_loop3A_1810 = arith.mulf %parallel_loop3A_1745, %neg3A_412 : vector<16xf32>
          %parallel_loop3A_1811 = arith.mulf %parallel_loop3A_1749, %neg3A_418 : vector<16xf32>
          %parallel_loop3A_1812 = arith.mulf %parallel_loop3A_1753, %neg3A_424 : vector<16xf32>
          %parallel_loop3A_1813 = arith.mulf %parallel_loop3A_1757, %neg3A_430 : vector<16xf32>
          %parallel_loop3A_1814 = arith.addf %parallel_loop3A_1806, %parallel_loop3A_1807 : vector<16xf32>
          %parallel_loop3A_1815 = arith.addf %parallel_loop3A_1808, %parallel_loop3A_1809 : vector<16xf32>
          %parallel_loop3A_1816 = arith.addf %parallel_loop3A_1814, %parallel_loop3A_1815 : vector<16xf32>
          %parallel_loop3A_1817 = arith.addf %parallel_loop3A_1810, %parallel_loop3A_1811 : vector<16xf32>
          %parallel_loop3A_1818 = arith.addf %parallel_loop3A_1812, %parallel_loop3A_1813 : vector<16xf32>
          %parallel_loop3A_1819 = arith.addf %parallel_loop3A_1817, %parallel_loop3A_1818 : vector<16xf32>
          %parallel_loop3A_1820 = arith.addf %parallel_loop3A_1816, %parallel_loop3A_1819 : vector<16xf32>
          %parallel_loop3A_1821 = arith.mulf %parallel_loop3A_1763, %neg3A_388 : vector<16xf32>
          %parallel_loop3A_1822 = arith.mulf %parallel_loop3A_1769, %neg3A_394 : vector<16xf32>
          %parallel_loop3A_1823 = arith.mulf %parallel_loop3A_1775, %neg3A_400 : vector<16xf32>
          %parallel_loop3A_1824 = arith.mulf %parallel_loop3A_1781, %neg3A_406 : vector<16xf32>
          %parallel_loop3A_1825 = arith.mulf %parallel_loop3A_1787, %neg3A_412 : vector<16xf32>
          %parallel_loop3A_1826 = arith.mulf %parallel_loop3A_1793, %neg3A_418 : vector<16xf32>
          %parallel_loop3A_1827 = arith.mulf %parallel_loop3A_1799, %neg3A_424 : vector<16xf32>
          %parallel_loop3A_1828 = arith.mulf %parallel_loop3A_1805, %neg3A_430 : vector<16xf32>
          %parallel_loop3A_1829 = arith.addf %parallel_loop3A_1821, %parallel_loop3A_1822 : vector<16xf32>
          %parallel_loop3A_1830 = arith.addf %parallel_loop3A_1823, %parallel_loop3A_1824 : vector<16xf32>
          %parallel_loop3A_1831 = arith.addf %parallel_loop3A_1829, %parallel_loop3A_1830 : vector<16xf32>
          %parallel_loop3A_1832 = arith.addf %parallel_loop3A_1825, %parallel_loop3A_1826 : vector<16xf32>
          %parallel_loop3A_1833 = arith.addf %parallel_loop3A_1827, %parallel_loop3A_1828 : vector<16xf32>
          %parallel_loop3A_1834 = arith.addf %parallel_loop3A_1832, %parallel_loop3A_1833 : vector<16xf32>
          %parallel_loop3A_1835 = arith.addf %parallel_loop3A_1831, %parallel_loop3A_1834 : vector<16xf32>
          %parallel_loop3A_1836 = arith.constant 8 : i32
          %parallel_loop3A_1837 = vector.broadcast %parallel_loop3A_1836 : i32 to vector<16xi32>
          %parallel_loop3A_1838 = arith.xori %parallel_loop3A_1696, %parallel_loop3A_1837 : vector<16xi32>
          %parallel_loop3A_1839 = vector.shape_cast %parallel_loop3A_1838 : vector<16xi32> to vector<16x1xi32>
          %parallel_loop3A_1840 = vector.shape_cast %parallel_loop3A_1839 : vector<16x1xi32> to vector<16xi32>
          %parallel_loop3A_1841 = tpu.dynamic_gather %parallel_loop3A_1820[%parallel_loop3A_1840] in [0] : vector<16xf32>, vector<16xi32> -> vector<16xf32>
          %parallel_loop3A_1842 = arith.addf %parallel_loop3A_1820, %parallel_loop3A_1841 : vector<16xf32>
          %parallel_loop3A_1843 = arith.constant 8 : i32
          %parallel_loop3A_1844 = vector.broadcast %parallel_loop3A_1843 : i32 to vector<16xi32>
          %parallel_loop3A_1845 = arith.xori %parallel_loop3A_1696, %parallel_loop3A_1844 : vector<16xi32>
          %parallel_loop3A_1846 = vector.shape_cast %parallel_loop3A_1845 : vector<16xi32> to vector<16x1xi32>
          %parallel_loop3A_1847 = vector.shape_cast %parallel_loop3A_1846 : vector<16x1xi32> to vector<16xi32>
          %parallel_loop3A_1848 = tpu.dynamic_gather %parallel_loop3A_1835[%parallel_loop3A_1847] in [0] : vector<16xf32>, vector<16xi32> -> vector<16xf32>
          %parallel_loop3A_1849 = arith.addf %parallel_loop3A_1835, %parallel_loop3A_1848 : vector<16xf32>
          %parallel_loop3A_1850 = arith.select %parallel_loop3A_1699, %parallel_loop3A_1842, %parallel_loop3A_1849 : vector<16xi1>, vector<16xf32>
          %parallel_loop3A_1851 = arith.constant 4 : i32
          %parallel_loop3A_1852 = vector.broadcast %parallel_loop3A_1851 : i32 to vector<16xi32>
          %parallel_loop3A_1853 = arith.xori %parallel_loop3A_1696, %parallel_loop3A_1852 : vector<16xi32>
          %parallel_loop3A_1854 = vector.shape_cast %parallel_loop3A_1853 : vector<16xi32> to vector<16x1xi32>
          %parallel_loop3A_1855 = vector.shape_cast %parallel_loop3A_1854 : vector<16x1xi32> to vector<16xi32>
          %parallel_loop3A_1856 = tpu.dynamic_gather %parallel_loop3A_1850[%parallel_loop3A_1855] in [0] : vector<16xf32>, vector<16xi32> -> vector<16xf32>
          %parallel_loop3A_1857 = arith.addf %parallel_loop3A_1850, %parallel_loop3A_1856 : vector<16xf32>
          %parallel_loop3A_1858 = arith.constant 2 : i32
          %parallel_loop3A_1859 = vector.broadcast %parallel_loop3A_1858 : i32 to vector<16xi32>
          %parallel_loop3A_1860 = arith.xori %parallel_loop3A_1696, %parallel_loop3A_1859 : vector<16xi32>
          %parallel_loop3A_1861 = vector.shape_cast %parallel_loop3A_1860 : vector<16xi32> to vector<16x1xi32>
          %parallel_loop3A_1862 = vector.shape_cast %parallel_loop3A_1861 : vector<16x1xi32> to vector<16xi32>
          %parallel_loop3A_1863 = tpu.dynamic_gather %parallel_loop3A_1857[%parallel_loop3A_1862] in [0] : vector<16xf32>, vector<16xi32> -> vector<16xf32>
          %parallel_loop3A_1864 = arith.addf %parallel_loop3A_1857, %parallel_loop3A_1863 : vector<16xf32>
          %parallel_loop3A_1865 = arith.constant 1 : i32
          %parallel_loop3A_1866 = vector.broadcast %parallel_loop3A_1865 : i32 to vector<16xi32>
          %parallel_loop3A_1867 = arith.xori %parallel_loop3A_1696, %parallel_loop3A_1866 : vector<16xi32>
          %parallel_loop3A_1868 = vector.shape_cast %parallel_loop3A_1867 : vector<16xi32> to vector<16x1xi32>
          %parallel_loop3A_1869 = vector.shape_cast %parallel_loop3A_1868 : vector<16x1xi32> to vector<16xi32>
          %parallel_loop3A_1870 = tpu.dynamic_gather %parallel_loop3A_1864[%parallel_loop3A_1869] in [0] : vector<16xf32>, vector<16xi32> -> vector<16xf32>
          %parallel_loop3A_1871 = arith.addf %parallel_loop3A_1864, %parallel_loop3A_1870 : vector<16xf32>
          %parallel_loop3A_1872 = vector.broadcast %parallel_loop3A_1723 : f32 to vector<16xf32>
          %parallel_loop3A_1873 = vector.broadcast %parallel_loop3A_1725 : f32 to vector<16xf32>
          %parallel_loop3A_1874 = arith.select %parallel_loop3A_1699, %parallel_loop3A_1872, %parallel_loop3A_1873 : vector<16xi1>, vector<16xf32>
          %parallel_loop3A_1875 = arith.addf %parallel_loop3A_1871, %parallel_loop3A_1874 : vector<16xf32>
          %parallel_loop3A_1876 = math.exp %parallel_loop3A_1875 : vector<16xf32>
          %parallel_loop3A_1877 = arith.constant 1.000000e+00 : f32
          %parallel_loop3A_1878 = vector.broadcast %parallel_loop3A_1877 : f32 to vector<16xf32>
          %parallel_loop3A_1879 = arith.addf %parallel_loop3A_1878, %parallel_loop3A_1876 : vector<16xf32>
          %parallel_loop3A_1880 = arith.constant 1.000000e+00 : f32
          %parallel_loop3A_1881 = vector.broadcast %parallel_loop3A_1880 : f32 to vector<16xf32>
          %parallel_loop3A_1882 = arith.divf %parallel_loop3A_1881, %parallel_loop3A_1879 : vector<16xf32>
          %parallel_loop3A_1883 = vector.extract_strided_slice %parallel_loop3A_1882 {offsets = [0], sizes = [1], strides = [1]} : vector<16xf32> to vector<1xf32>
          %parallel_loop3A_1884 = vector.extract %parallel_loop3A_1883[0] : f32 from vector<1xf32>
          %parallel_loop3A_1885 = vector.extract_strided_slice %parallel_loop3A_1882 {offsets = [8], sizes = [1], strides = [1]} : vector<16xf32> to vector<1xf32>
          %parallel_loop3A_1886 = vector.extract %parallel_loop3A_1885[0] : f32 from vector<1xf32>
          %parallel_loop3A_1887 = vector.broadcast %parallel_loop3A_1884 : f32 to vector<16xf32>
          %parallel_loop3A_1888 = arith.mulf %parallel_loop3A_1729, %parallel_loop3A_1887 : vector<16xf32>
          %parallel_loop3A_1889 = arith.index_cast %parallel_loop3A_1706 : i32 to index
          %parallel_loop3A_1890 = arith.constant 0 : index
          %parallel_loop3A_1891 = tpu.vector_load %arg15[%parallel_loop3A_1889, %parallel_loop3A_1890] {strides = array<i32>} : memref<8x128xf32, #tpu.memory_space<vmem>>, vector<1x16xf32>,
          %parallel_loop3A_1892 = vector.shape_cast %parallel_loop3A_1891 : vector<1x16xf32> to vector<16xf32>
          %parallel_loop3A_1893 = vector.shape_cast %parallel_loop3A_1888 : vector<16xf32> to vector<1x16xf32>
          tpu.vector_store %arg15[%parallel_loop3A_1889, %parallel_loop3A_1890], %parallel_loop3A_1893 {add = true, strides = array<i32>} : memref<8x128xf32, #tpu.memory_space<vmem>>, vector<1x16xf32>,
          %parallel_loop3A_1894 = vector.broadcast %parallel_loop3A_1884 : f32 to vector<16xf32>
          %parallel_loop3A_1895 = arith.mulf %parallel_loop3A_1733, %parallel_loop3A_1894 : vector<16xf32>
          %parallel_loop3A_1896 = arith.index_cast %parallel_loop3A_1706 : i32 to index
          %parallel_loop3A_1897 = arith.constant 16 : index
          %parallel_loop3A_1898 = tpu.vector_load %arg15[%parallel_loop3A_1896, %parallel_loop3A_1897] {strides = array<i32>} : memref<8x128xf32, #tpu.memory_space<vmem>>, vector<1x16xf32>,
          %parallel_loop3A_1899 = vector.shape_cast %parallel_loop3A_1898 : vector<1x16xf32> to vector<16xf32>
          %parallel_loop3A_1900 = vector.shape_cast %parallel_loop3A_1895 : vector<16xf32> to vector<1x16xf32>
          tpu.vector_store %arg15[%parallel_loop3A_1896, %parallel_loop3A_1897], %parallel_loop3A_1900 {add = true, strides = array<i32>} : memref<8x128xf32, #tpu.memory_space<vmem>>, vector<1x16xf32>,
          %parallel_loop3A_1901 = vector.broadcast %parallel_loop3A_1884 : f32 to vector<16xf32>
          %parallel_loop3A_1902 = arith.mulf %parallel_loop3A_1737, %parallel_loop3A_1901 : vector<16xf32>
          %parallel_loop3A_1903 = arith.index_cast %parallel_loop3A_1706 : i32 to index
          %parallel_loop3A_1904 = arith.constant 32 : index
          %parallel_loop3A_1905 = tpu.vector_load %arg15[%parallel_loop3A_1903, %parallel_loop3A_1904] {strides = array<i32>} : memref<8x128xf32, #tpu.memory_space<vmem>>, vector<1x16xf32>,
          %parallel_loop3A_1906 = vector.shape_cast %parallel_loop3A_1905 : vector<1x16xf32> to vector<16xf32>
          %parallel_loop3A_1907 = vector.shape_cast %parallel_loop3A_1902 : vector<16xf32> to vector<1x16xf32>
          tpu.vector_store %arg15[%parallel_loop3A_1903, %parallel_loop3A_1904], %parallel_loop3A_1907 {add = true, strides = array<i32>} : memref<8x128xf32, #tpu.memory_space<vmem>>, vector<1x16xf32>,
          %parallel_loop3A_1908 = vector.broadcast %parallel_loop3A_1884 : f32 to vector<16xf32>
          %parallel_loop3A_1909 = arith.mulf %parallel_loop3A_1741, %parallel_loop3A_1908 : vector<16xf32>
          %parallel_loop3A_1910 = arith.index_cast %parallel_loop3A_1706 : i32 to index
          %parallel_loop3A_1911 = arith.constant 48 : index
          %parallel_loop3A_1912 = tpu.vector_load %arg15[%parallel_loop3A_1910, %parallel_loop3A_1911] {strides = array<i32>} : memref<8x128xf32, #tpu.memory_space<vmem>>, vector<1x16xf32>,
          %parallel_loop3A_1913 = vector.shape_cast %parallel_loop3A_1912 : vector<1x16xf32> to vector<16xf32>
          %parallel_loop3A_1914 = vector.shape_cast %parallel_loop3A_1909 : vector<16xf32> to vector<1x16xf32>
          tpu.vector_store %arg15[%parallel_loop3A_1910, %parallel_loop3A_1911], %parallel_loop3A_1914 {add = true, strides = array<i32>} : memref<8x128xf32, #tpu.memory_space<vmem>>, vector<1x16xf32>,
          %parallel_loop3A_1915 = vector.broadcast %parallel_loop3A_1884 : f32 to vector<16xf32>
          %parallel_loop3A_1916 = arith.mulf %parallel_loop3A_1745, %parallel_loop3A_1915 : vector<16xf32>
          %parallel_loop3A_1917 = arith.index_cast %parallel_loop3A_1706 : i32 to index
          %parallel_loop3A_1918 = arith.constant 64 : index
          %parallel_loop3A_1919 = tpu.vector_load %arg15[%parallel_loop3A_1917, %parallel_loop3A_1918] {strides = array<i32>} : memref<8x128xf32, #tpu.memory_space<vmem>>, vector<1x16xf32>,
          %parallel_loop3A_1920 = vector.shape_cast %parallel_loop3A_1919 : vector<1x16xf32> to vector<16xf32>
          %parallel_loop3A_1921 = vector.shape_cast %parallel_loop3A_1916 : vector<16xf32> to vector<1x16xf32>
          tpu.vector_store %arg15[%parallel_loop3A_1917, %parallel_loop3A_1918], %parallel_loop3A_1921 {add = true, strides = array<i32>} : memref<8x128xf32, #tpu.memory_space<vmem>>, vector<1x16xf32>,
          %parallel_loop3A_1922 = vector.broadcast %parallel_loop3A_1884 : f32 to vector<16xf32>
          %parallel_loop3A_1923 = arith.mulf %parallel_loop3A_1749, %parallel_loop3A_1922 : vector<16xf32>
          %parallel_loop3A_1924 = arith.index_cast %parallel_loop3A_1706 : i32 to index
          %parallel_loop3A_1925 = arith.constant 80 : index
          %parallel_loop3A_1926 = tpu.vector_load %arg15[%parallel_loop3A_1924, %parallel_loop3A_1925] {strides = array<i32>} : memref<8x128xf32, #tpu.memory_space<vmem>>, vector<1x16xf32>,
          %parallel_loop3A_1927 = vector.shape_cast %parallel_loop3A_1926 : vector<1x16xf32> to vector<16xf32>
          %parallel_loop3A_1928 = vector.shape_cast %parallel_loop3A_1923 : vector<16xf32> to vector<1x16xf32>
          tpu.vector_store %arg15[%parallel_loop3A_1924, %parallel_loop3A_1925], %parallel_loop3A_1928 {add = true, strides = array<i32>} : memref<8x128xf32, #tpu.memory_space<vmem>>, vector<1x16xf32>,
          %parallel_loop3A_1929 = vector.broadcast %parallel_loop3A_1884 : f32 to vector<16xf32>
          %parallel_loop3A_1930 = arith.mulf %parallel_loop3A_1753, %parallel_loop3A_1929 : vector<16xf32>
          %parallel_loop3A_1931 = arith.index_cast %parallel_loop3A_1706 : i32 to index
          %parallel_loop3A_1932 = arith.constant 96 : index
          %parallel_loop3A_1933 = tpu.vector_load %arg15[%parallel_loop3A_1931, %parallel_loop3A_1932] {strides = array<i32>} : memref<8x128xf32, #tpu.memory_space<vmem>>, vector<1x16xf32>,
          %parallel_loop3A_1934 = vector.shape_cast %parallel_loop3A_1933 : vector<1x16xf32> to vector<16xf32>
          %parallel_loop3A_1935 = vector.shape_cast %parallel_loop3A_1930 : vector<16xf32> to vector<1x16xf32>
          tpu.vector_store %arg15[%parallel_loop3A_1931, %parallel_loop3A_1932], %parallel_loop3A_1935 {add = true, strides = array<i32>} : memref<8x128xf32, #tpu.memory_space<vmem>>, vector<1x16xf32>,
          %parallel_loop3A_1936 = vector.broadcast %parallel_loop3A_1884 : f32 to vector<16xf32>
          %parallel_loop3A_1937 = arith.mulf %parallel_loop3A_1757, %parallel_loop3A_1936 : vector<16xf32>
          %parallel_loop3A_1938 = arith.index_cast %parallel_loop3A_1706 : i32 to index
          %parallel_loop3A_1939 = arith.constant 112 : index
          %parallel_loop3A_1940 = tpu.vector_load %arg15[%parallel_loop3A_1938, %parallel_loop3A_1939] {strides = array<i32>} : memref<8x128xf32, #tpu.memory_space<vmem>>, vector<1x16xf32>,
          %parallel_loop3A_1941 = vector.shape_cast %parallel_loop3A_1940 : vector<1x16xf32> to vector<16xf32>
          %parallel_loop3A_1942 = vector.shape_cast %parallel_loop3A_1937 : vector<16xf32> to vector<1x16xf32>
          tpu.vector_store %arg15[%parallel_loop3A_1938, %parallel_loop3A_1939], %parallel_loop3A_1942 {add = true, strides = array<i32>} : memref<8x128xf32, #tpu.memory_space<vmem>>, vector<1x16xf32>,
          %parallel_loop3A_1943 = vector.broadcast %parallel_loop3A_1886 : f32 to vector<16xf32>
          %parallel_loop3A_1944 = arith.mulf %parallel_loop3A_1763, %parallel_loop3A_1943 : vector<16xf32>
          %parallel_loop3A_1945 = arith.index_cast %parallel_loop3A_1709 : i32 to index
          %parallel_loop3A_1946 = arith.constant 0 : index
          %parallel_loop3A_1947 = tpu.vector_load %arg15[%parallel_loop3A_1945, %parallel_loop3A_1946] {strides = array<i32>} : memref<8x128xf32, #tpu.memory_space<vmem>>, vector<1x16xf32>,
          %parallel_loop3A_1948 = vector.shape_cast %parallel_loop3A_1947 : vector<1x16xf32> to vector<16xf32>
          %parallel_loop3A_1949 = vector.shape_cast %parallel_loop3A_1944 : vector<16xf32> to vector<1x16xf32>
          tpu.vector_store %arg15[%parallel_loop3A_1945, %parallel_loop3A_1946], %parallel_loop3A_1949 {add = true, strides = array<i32>} : memref<8x128xf32, #tpu.memory_space<vmem>>, vector<1x16xf32>,
          %parallel_loop3A_1950 = vector.broadcast %parallel_loop3A_1886 : f32 to vector<16xf32>
          %parallel_loop3A_1951 = arith.mulf %parallel_loop3A_1769, %parallel_loop3A_1950 : vector<16xf32>
          %parallel_loop3A_1952 = arith.index_cast %parallel_loop3A_1709 : i32 to index
          %parallel_loop3A_1953 = arith.constant 16 : index
          %parallel_loop3A_1954 = tpu.vector_load %arg15[%parallel_loop3A_1952, %parallel_loop3A_1953] {strides = array<i32>} : memref<8x128xf32, #tpu.memory_space<vmem>>, vector<1x16xf32>,
          %parallel_loop3A_1955 = vector.shape_cast %parallel_loop3A_1954 : vector<1x16xf32> to vector<16xf32>
          %parallel_loop3A_1956 = vector.shape_cast %parallel_loop3A_1951 : vector<16xf32> to vector<1x16xf32>
          tpu.vector_store %arg15[%parallel_loop3A_1952, %parallel_loop3A_1953], %parallel_loop3A_1956 {add = true, strides = array<i32>} : memref<8x128xf32, #tpu.memory_space<vmem>>, vector<1x16xf32>,
          %parallel_loop3A_1957 = vector.broadcast %parallel_loop3A_1886 : f32 to vector<16xf32>
          %parallel_loop3A_1958 = arith.mulf %parallel_loop3A_1775, %parallel_loop3A_1957 : vector<16xf32>
          %parallel_loop3A_1959 = arith.index_cast %parallel_loop3A_1709 : i32 to index
          %parallel_loop3A_1960 = arith.constant 32 : index
          %parallel_loop3A_1961 = tpu.vector_load %arg15[%parallel_loop3A_1959, %parallel_loop3A_1960] {strides = array<i32>} : memref<8x128xf32, #tpu.memory_space<vmem>>, vector<1x16xf32>,
          %parallel_loop3A_1962 = vector.shape_cast %parallel_loop3A_1961 : vector<1x16xf32> to vector<16xf32>
          %parallel_loop3A_1963 = vector.shape_cast %parallel_loop3A_1958 : vector<16xf32> to vector<1x16xf32>
          tpu.vector_store %arg15[%parallel_loop3A_1959, %parallel_loop3A_1960], %parallel_loop3A_1963 {add = true, strides = array<i32>} : memref<8x128xf32, #tpu.memory_space<vmem>>, vector<1x16xf32>,
          %parallel_loop3A_1964 = vector.broadcast %parallel_loop3A_1886 : f32 to vector<16xf32>
          %parallel_loop3A_1965 = arith.mulf %parallel_loop3A_1781, %parallel_loop3A_1964 : vector<16xf32>
          %parallel_loop3A_1966 = arith.index_cast %parallel_loop3A_1709 : i32 to index
          %parallel_loop3A_1967 = arith.constant 48 : index
          %parallel_loop3A_1968 = tpu.vector_load %arg15[%parallel_loop3A_1966, %parallel_loop3A_1967] {strides = array<i32>} : memref<8x128xf32, #tpu.memory_space<vmem>>, vector<1x16xf32>,
          %parallel_loop3A_1969 = vector.shape_cast %parallel_loop3A_1968 : vector<1x16xf32> to vector<16xf32>
          %parallel_loop3A_1970 = vector.shape_cast %parallel_loop3A_1965 : vector<16xf32> to vector<1x16xf32>
          tpu.vector_store %arg15[%parallel_loop3A_1966, %parallel_loop3A_1967], %parallel_loop3A_1970 {add = true, strides = array<i32>} : memref<8x128xf32, #tpu.memory_space<vmem>>, vector<1x16xf32>,
          %parallel_loop3A_1971 = vector.broadcast %parallel_loop3A_1886 : f32 to vector<16xf32>
          %parallel_loop3A_1972 = arith.mulf %parallel_loop3A_1787, %parallel_loop3A_1971 : vector<16xf32>
          %parallel_loop3A_1973 = arith.index_cast %parallel_loop3A_1709 : i32 to index
          %parallel_loop3A_1974 = arith.constant 64 : index
          %parallel_loop3A_1975 = tpu.vector_load %arg15[%parallel_loop3A_1973, %parallel_loop3A_1974] {strides = array<i32>} : memref<8x128xf32, #tpu.memory_space<vmem>>, vector<1x16xf32>,
          %parallel_loop3A_1976 = vector.shape_cast %parallel_loop3A_1975 : vector<1x16xf32> to vector<16xf32>
          %parallel_loop3A_1977 = vector.shape_cast %parallel_loop3A_1972 : vector<16xf32> to vector<1x16xf32>
          tpu.vector_store %arg15[%parallel_loop3A_1973, %parallel_loop3A_1974], %parallel_loop3A_1977 {add = true, strides = array<i32>} : memref<8x128xf32, #tpu.memory_space<vmem>>, vector<1x16xf32>,
          %parallel_loop3A_1978 = vector.broadcast %parallel_loop3A_1886 : f32 to vector<16xf32>
          %parallel_loop3A_1979 = arith.mulf %parallel_loop3A_1793, %parallel_loop3A_1978 : vector<16xf32>
          %parallel_loop3A_1980 = arith.index_cast %parallel_loop3A_1709 : i32 to index
          %parallel_loop3A_1981 = arith.constant 80 : index
          %parallel_loop3A_1982 = tpu.vector_load %arg15[%parallel_loop3A_1980, %parallel_loop3A_1981] {strides = array<i32>} : memref<8x128xf32, #tpu.memory_space<vmem>>, vector<1x16xf32>,
          %parallel_loop3A_1983 = vector.shape_cast %parallel_loop3A_1982 : vector<1x16xf32> to vector<16xf32>
          %parallel_loop3A_1984 = vector.shape_cast %parallel_loop3A_1979 : vector<16xf32> to vector<1x16xf32>
          tpu.vector_store %arg15[%parallel_loop3A_1980, %parallel_loop3A_1981], %parallel_loop3A_1984 {add = true, strides = array<i32>} : memref<8x128xf32, #tpu.memory_space<vmem>>, vector<1x16xf32>,
          %parallel_loop3A_1985 = vector.broadcast %parallel_loop3A_1886 : f32 to vector<16xf32>
          %parallel_loop3A_1986 = arith.mulf %parallel_loop3A_1799, %parallel_loop3A_1985 : vector<16xf32>
          %parallel_loop3A_1987 = arith.index_cast %parallel_loop3A_1709 : i32 to index
          %parallel_loop3A_1988 = arith.constant 96 : index
          %parallel_loop3A_1989 = tpu.vector_load %arg15[%parallel_loop3A_1987, %parallel_loop3A_1988] {strides = array<i32>} : memref<8x128xf32, #tpu.memory_space<vmem>>, vector<1x16xf32>,
          %parallel_loop3A_1990 = vector.shape_cast %parallel_loop3A_1989 : vector<1x16xf32> to vector<16xf32>
          %parallel_loop3A_1991 = vector.shape_cast %parallel_loop3A_1986 : vector<16xf32> to vector<1x16xf32>
          tpu.vector_store %arg15[%parallel_loop3A_1987, %parallel_loop3A_1988], %parallel_loop3A_1991 {add = true, strides = array<i32>} : memref<8x128xf32, #tpu.memory_space<vmem>>, vector<1x16xf32>,
          %parallel_loop3A_1992 = vector.broadcast %parallel_loop3A_1886 : f32 to vector<16xf32>
          %parallel_loop3A_1993 = arith.mulf %parallel_loop3A_1805, %parallel_loop3A_1992 : vector<16xf32>
          %parallel_loop3A_1994 = arith.index_cast %parallel_loop3A_1709 : i32 to index
          %parallel_loop3A_1995 = arith.constant 112 : index
          %parallel_loop3A_1996 = tpu.vector_load %arg15[%parallel_loop3A_1994, %parallel_loop3A_1995] {strides = array<i32>} : memref<8x128xf32, #tpu.memory_space<vmem>>, vector<1x16xf32>,
          %parallel_loop3A_1997 = vector.shape_cast %parallel_loop3A_1996 : vector<1x16xf32> to vector<16xf32>
          %parallel_loop3A_1998 = vector.shape_cast %parallel_loop3A_1993 : vector<16xf32> to vector<1x16xf32>
          tpu.vector_store %arg15[%parallel_loop3A_1994, %parallel_loop3A_1995], %parallel_loop3A_1998 {add = true, strides = array<i32>} : memref<8x128xf32, #tpu.memory_space<vmem>>, vector<1x16xf32>,
        } {sc.loop_unroll_factor = 2 : i64, sc.parallel_access}
      } else {
      }
    }
    "tpu.region"() ({
      %run_scoped3A = tpu.sem_alloc : memref<!tpu.dma_semaphore, #tpu.memory_space<semaphore_mem>>
      %dma_start3A = arith.constant 0 : i32
      %dma_start3A_1649 = tpu.memref_slice %arg7[%mul3A_438, %dma_start3A] : memref<256x128xf32, #tpu.memory_space<hbm>> -> memref<8x128xf32, #tpu.memory_space<hbm>>
      %dma_start3A_1650 = arith.constant 0 : i32
      %dma_start3A_1651 = tpu.memref_slice %arg7[%mul3A_438, %dma_start3A_1650] : memref<256x128xf32, #tpu.memory_space<hbm>> -> memref<8x128xf32, #tpu.memory_space<hbm>>
      tpu.enqueue_dma source(%arg15 : memref<8x128xf32, #tpu.memory_space<vmem>>) target(%dma_start3A_1651 : memref<8x128xf32, #tpu.memory_space<hbm>>) target_semaphore(%run_scoped3A : memref<!tpu.dma_semaphore, #tpu.memory_space<semaphore_mem>>)
      %dma_wait3A = arith.constant 0 : i32
      %dma_wait3A_1652 = tpu.memref_slice %arg7[%mul3A_438, %dma_wait3A] : memref<256x128xf32, #tpu.memory_space<hbm>> -> memref<8x128xf32, #tpu.memory_space<hbm>>
      %dma_wait3A_1653 = arith.constant 0 : i32
      %dma_wait3A_1654 = tpu.memref_slice %arg7[%mul3A_438, %dma_wait3A_1653] : memref<256x128xf32, #tpu.memory_space<hbm>> -> memref<8x128xf32, #tpu.memory_space<hbm>>
      tpu.wait_dma2 semaphore(%run_scoped3A : memref<!tpu.dma_semaphore, #tpu.memory_space<semaphore_mem>>) src(%arg15 : memref<8x128xf32, #tpu.memory_space<vmem>>) dst(%dma_wait3A_1654 : memref<8x128xf32, #tpu.memory_space<hbm>>)
      tpu.yield
    }) : () -> ()
    return
  }
}

</mosaic_0001>

<sc_bundles>
// kernel: kernel.3.cloned.1.call-start
scs
__scs_entry_jumppad:
0x0: {  	(pc) =	sbr.rel $0x88, $3  }
0x1: {  	(tag) =	ssettag $0x0;
	lr =	simm.s32 $0x1  }
0x2: {  	[smem:$0x3F9D] =	sst lr;
	_ =	strace $0xD0000000  }
0x3: {  	_ = 	snop  }
0x4: {  	_ = 	snop  }
0x5: {  	_ = 	snop  }
0x6: {  	_ = 	snop  }
0x7: {  	_ = 	snop  }
__scs_overlays_trampoline_lowered:
0x8: {  	[smem:$0x3FAC] =	sst s0  }
0x9: {  	[smem:$0x3FAD] =	sst s1  }
0xa: {  	[smem:$0x3FAE] =	sst s2  }
0xb: {  	[smem:$0x3FAF] =	sst s3  }
0xc: {  	[smem:$0x3FB0] =	sst s4  }
0xd: {  	[smem:$0x3FB1] =	sst s5  }
0xe: {  	[smem:$0x3FB2] =	sst s6  }
0xf: {  	[smem:$0x3FB3] =	sst s7  }
0x10: {  	[smem:$0x3FB4] =	sst s8  }
0x11: {  	[smem:$0x3FB5] =	sst s9;
	s0 =	simm.s32 @!p0 $0x0  }
0x12: {  	s1 =	sld [smem:$0x3F9B];
	s0 =	simm.s32 @p0 $0x1  }
0x13: {  	[smem:$0x3FB6] =	sst s0;
	s0 =	simm.s32 @!p1 $0x0  }
0x14: {  	s2 =	sld [smem:$0x3F9A];
	s0 =	simm.s32 @p1 $0x1  }
0x15: {  	[smem:$0x3FB7] =	sst s0;
	s0 =	simm.s32 @!p2 $0x0  }
0x16: {  	s3 =	sld [smem:$0x3FDB];
	s0 =	simm.s32 @p2 $0x1  }
0x17: {  	s4 =	simm.s32 $0x1BF5;
	[smem:$0x3FB9] =	sst s0  }
0x18: {  	s0 =	sld [smem:$0x3F9C];
	_ =	swait.ge [sflag:s4], $0x0  }
0x19: {  	s7 =	sld [smem:$0x3F9D]  }
0x1a: {  	s8 =	sadd.s32 $0xFFFFE003, lr  }
0x1b: {  	s9 =	sadd.s32 $0xFFFFFEF7, lr;
	s5 =	simm.s32 $0xFFFFFFFF;
	p2 =	slt.u32 s8, $0xFFFFF086  }
0x1c: {  	p1 =	slt.u32 s9, $0xF7A;
	s5 =	simm.s32 @!p2 $0x0  }
0x1d: {  	s5 =	simm.s32 @p1 $0x1;
	p0 =	seq.s32 s7, s2  }
0x1e: {  	s7 =	smul.u32 @!p0 $0xF7A, s2;
	p2 =	seq.s32 @!p0 s5, $0x0  }
0x1f: {  	s9 =	smul.u32 $0xF7A, s1;
	s8 =	simm.s32 @!p0 $0x1BF5;
	p2 =	por !p2, p0  }
0x20: {  	[sflag:s8] =	ssyncset.s32 @!p0 $0xFFFFF086;
	s6 =	sadd.s32 @!p0 s3, s7;
	s7 =	simm.s32 @!p0 $0x108  }
0x21: {  	s3 =	sadd.s32 s3, s9;
	s6 =	sadd.s32 @!p0 $0x88, s6;
	s7 =	simm.s32 @p2 $0x1082  }
0x22: {  	[simem:s7], [sflag:s8] =	dma.local @!p0 [hbm:s6], $0xF7A  }
0x23: {  	s9 =	sor.u32 $0xD0000000, s2;
	s6 =	simm.s32 $0x108;
	_ =	swait.ge @!p0 [sflag:s8], $0x0  }
0x24: {  	s3 =	sadd.s32 $0x88, s3;
	s6 =	simm.s32 @!p1 $0x1082;
	[sflag:s4] =	ssyncset.s32 $0xFFFFF086  }
0x25: {  	[simem:s6], [sflag:s4] =	dma.local [hbm:s3], $0xF7A  }
0x26: {  	[smem:$0x3F9D] =	sst s1;
	(tag) =	ssettag s2;
	_ =	strace s9  }
0x27: {  	s1 =	sld [smem:$0x3FAD]  }
0x28: {  	s2 =	sld [smem:$0x3FAE]  }
0x29: {  	s4 =	sld [smem:$0x3FB0]  }
0x2a: {  	p0 =	seq.s32 s5, $0x0;
	s5 =	sld [smem:$0x3FB1]  }
0x2b: {  	s6 =	sld [smem:$0x3FB2]  }
0x2c: {  	s7 =	sld [smem:$0x3FB3]  }
0x2d: {  	s3 =	simm.s32 $0x108;
	s8 =	sld [smem:$0x3FB4]  }
0x2e: {  	s3 =	simm.s32 @!p0 $0x1082;
	s9 =	sld [smem:$0x3FB5]  }
0x2f: {  	lr =	sadd.s32 s0, s3;
	s0 =	sld [smem:$0x3FAC]  }
0x30: {  	s3 =	sld [smem:$0x3FAF]  }
0x31: {  	[smem:$0x3FB8] =	sst s10  }
0x32: {  	s10 =	sld [smem:$0x3FB6];
	_ =	sdelay $0x3  }
0x33: {  	p0 =	seq.s32 s10, $0x1;
	s10 =	sld [smem:$0x3FB8];
	_ =	sdelay $0x3  }
0x34: {  	[smem:$0x3FB8] =	sst s10  }
0x35: {  	s10 =	sld [smem:$0x3FB7];
	_ =	sdelay $0x3  }
0x36: {  	p1 =	seq.s32 s10, $0x1;
	s10 =	sld [smem:$0x3FB8];
	_ =	sdelay $0x3  }
0x37: {  	[smem:$0x3FB8] =	sst s10  }
0x38: {  	s10 =	sld [smem:$0x3FB9]  }
0x39: {  	_ = 	snop;
	(pc) =	sbr.ind lr, $3  }
0x3a: {  	_ = 	snop  }
0x3b: {  	_ = 	snop  }
0x3c: {  	p2 =	seq.s32 s10, $0x1;
	s10 =	sld [smem:$0x3FB8]  }
0x3d: {  	_ =	shalt  }
0x3e: {  	_ =	shalt  }
0x3f: {  	_ =	shalt  }
0x40: {  	_ =	shalt  }
0x41: {  	_ =	shalt  }
0x42: {  	_ =	shalt  }
0x43: {  	_ =	shalt  }
0x44: {  	_ =	shalt  }
0x45: {  	_ =	shalt  }
0x46: {  	_ =	shalt  }
0x47: {  	_ =	shalt  }
0x48: {  	_ =	shalt  }
0x49: {  	_ =	shalt  }
0x4a: {  	_ =	shalt  }
0x4b: {  	_ =	shalt  }
0x4c: {  	_ =	shalt  }
0x4d: {  	_ =	shalt  }
0x4e: {  	_ =	shalt  }
0x4f: {  	_ =	shalt  }
0x50: {  	_ =	shalt  }
0x51: {  	_ =	shalt  }
0x52: {  	_ =	shalt  }
0x53: {  	_ =	shalt  }
0x54: {  	_ =	shalt  }
0x55: {  	_ =	shalt  }
0x56: {  	_ =	shalt  }
0x57: {  	_ =	shalt  }
0x58: {  	_ =	shalt  }
0x59: {  	_ =	shalt  }
0x5a: {  	_ =	shalt  }
0x5b: {  	_ =	shalt  }
0x5c: {  	_ =	shalt  }
0x5d: {  	_ =	shalt  }
0x5e: {  	_ =	shalt  }
0x5f: {  	_ =	shalt  }
0x60: {  	_ =	shalt  }
0x61: {  	_ =	shalt  }
0x62: {  	_ =	shalt  }
0x63: {  	_ =	shalt  }
0x64: {  	_ =	shalt  }
0x65: {  	_ =	shalt  }
0x66: {  	_ =	shalt  }
0x67: {  	_ =	shalt  }
0x68: {  	_ =	shalt  }
0x69: {  	_ =	shalt  }
0x6a: {  	_ =	shalt  }
0x6b: {  	_ =	shalt  }
0x6c: {  	_ =	shalt  }
0x6d: {  	_ =	shalt  }
0x6e: {  	_ =	shalt  }
0x6f: {  	_ =	shalt  }
0x70: {  	_ =	shalt  }
0x71: {  	_ =	shalt  }
0x72: {  	_ =	shalt  }
0x73: {  	_ =	shalt  }
0x74: {  	_ =	shalt  }
0x75: {  	_ =	shalt  }
0x76: {  	_ =	shalt  }
0x77: {  	_ =	shalt  }
0x78: {  	_ =	shalt  }
0x79: {  	_ =	shalt  }
0x7a: {  	_ =	shalt  }
0x7b: {  	_ =	shalt  }
0x7c: {  	_ =	shalt  }
0x7d: {  	_ =	shalt  }
0x7e: {  	_ =	shalt  }
0x7f: {  	_ =	shalt  }
0x80: {  	_ =	shalt  }
0x81: {  	_ =	shalt  }
0x82: {  	_ =	shalt  }
0x83: {  	_ =	shalt  }
0x84: {  	_ =	shalt  }
0x85: {  	_ =	shalt  }
0x86: {  	_ =	shalt  }
0x87: {  	_ =	shalt  }
.Lfunc_end0:
.L_simem_size_0:
called_computation_lowered:
.L_overlay_start_0:
0x88: {  	s2 =	sld [smem:$0x3FD9]  }
0x89: {  	s3 =	sld [smem:$0x3FFE];
	_ =	sdelay $0x1  }
0x8a: {  	s1 =	srdreg.scid  }
0x8b: {  	s0 =	sand.u32 $0x1, s1  }
0x8c: {  	s17 =	sshll.u32 s0, $0xA;
	s2 =	sadd.s32 s3, s2  }
0x8d: {  	s2 =	sadd.s32 s2, s17  }
0x8e: {  	[smem:$0x3FC4] =	sst s2  }
0x8f: {  	_ = 	snop  }
0x90: {  	s2 =	sld [smem:$0x3FC9]  }
0x91: {  	s18 =	sld [smem:$0x3FC8]  }
0x92: {  	s4 =	sld [smem:$0x3FC7]  }
0x93: {  	s5 =	sld [smem:$0x3FD0];
	(tm) =	ssettm $0x1  }
0x94: {  	s6 =	sld [smem:$0x3FFB];
	_ =	sdelay $0x3  }
0x95: {  	_ =	strace s6  }
0x96: {  	s6 =	sld [smem:$0x3FFC];
	_ =	sdelay $0x3  }
0x97: {  	_ =	strace s6  }
0x98: {  	s6 =	sld [smem:$0x3FFD];
	_ =	sdelay $0x3  }
0x99: {  	_ =	strace s6  }
0x9a: {  	_ =	strace $0x8FFFFFFF  }
0x9b: {  	s19 =	sld [smem:$0x3FDB];
	_ =	sdelay $0x1  }
0x9c: {  	s7 =	simm.s32 $_scs_section_size  }
0x9d: {  	s8 =	simm.s32 $_size__tile_overlayer_lowered;
	s9 =	simm.s32 $_tile_overlayer_lowered  }
0x9e: {  	s22 =	simm.s32 $0x1BFF;
	s21 =	sshll.u32 s9, $0x1;
	s6 =	sadd.s32 s7, s19  }
0x9f: {  	s10 =	simm.s32 $0x0;
	s20 =	sshll.u32 s8, $0x1;
	s8 =	sadd.s32 s21, s6  }
0xa0: {  	[timem:s10], [sflag:s22] =	dma.local [hbm:s8], s20  }
0xa1: {  	_ =	swait.ge [sflag:s22], s20  }
0xa2: {  	s7 =	ssub.s32 $0x0, s20;
	[sflag:s22] =	ssyncset.done $0x0  }
0xa3: {  	[sflag:s22] =	ssyncadd.s32 s7;
	_ =	sdelay $0x1  }
0xa4: {  	s23 =	simm.s32 $0x1B8B  }
0xa5: {  	_ =	swait.ge [sflag:s23], $0x1  }
0xa6: {  	[sflag:s23] =	ssyncset.done $0x0  }
0xa7: {  	s25 =	simm.s32 $0x1B8E;
	s24 =	sld [smem:$0x3FFE];
	[sflag:s23] =	ssyncadd.s32 $0xFFFFFFFF  }
0xa8: {  	s26 =	simm.s32 $execute0_lowered;
	[smem:$0x3FD2] =	sst s25  }
0xa9: {  	s8 =	sshll.u32 s26, $0x1;
	_ =	strace $0x80000046;
	[dreg:$0x1] =	wrdreg $0xFFFFFFFF  }
0xaa: {  	s28 =	simm.s32 $_size_execute0_lowered;
	s6 =	sadd.s32 s6, s8;
	[dreg:$0x0] =	wrdreg $0x0  }
0xab: {  	s8 =	sshll.u32 s28, $0x1;
	[dreg:$0x2] =	wrdreg s6  }
0xac: {  	[dreg:$0x3] =	wrdreg s8  }
0xad: {  	[dreg:$0x4] =	wrdreg $0xC0  }
0xae: {  	_ =	task [dreg:s10], $0x5FFFF  }
0xaf: {  	[dreg:$0x1] =	wrdreg $0xFFFFFFFF  }
0xb0: {  	[dreg:$0x0] =	wrdreg $0x60  }
0xb1: {  	[dreg:$0x2] =	wrdreg s2  }
0xb2: {  	[dreg:$0x3] =	wrdreg s18  }
0xb3: {  	[dreg:$0x4] =	wrdreg s4  }
0xb4: {  	[dreg:$0x5] =	wrdreg s24  }
0xb5: {  	[dreg:$0x6] =	wrdreg s5  }
0xb6: {  	[dreg:$0x7] =	wrdreg $0x9  }
0xb7: {  	_ =	task.clear_ibuf [dreg:s10], $0x8FFFF;
	_ =	strace $0x90000046  }
0xb8: {  	s29 =	simm.s32 $0x9;
	_ =	strace $0x80000048  }
0xb9: {  	_ =	swait.ge [sflag:s29], $0x1  }
0xba: {  	[sflag:s29] =	ssyncadd.s32 $0xFFFFFFFF  }
0xbb: {  	_ =	strace $0x90000048  }
0xbc: {  	_ =	sfence  }
0xbd: {  	s30 =	sld [smem:$0x0];
	_ =	sdelay $0x2  }
0xbe: {  	s31 =	sshll.u32 s1, $0xD;
	s1 =	sshrl.u32 s1, $0x2  }
0xbf: {  	s3 =	sand.u32 $0x4000, s31;
	s1 =	sadd.s32 s1, s30  }
0xc0: {  	s0 =	sor.u32 s3, s0;
	s1 =	sshll.u32 s1, $0x11  }
0xc1: {  	s0 =	sor.u32 s1, s0  }
0xc2: {  	s0 =	sadd.s32 $0x8F2B, s0  }
0xc3: {  	[sflag:s0] =	ssyncadd.remote.s32 $0x1  }
0xc4: {  	_ =	sfence.sel $0xFFFF  }
0xc5: {  	[dreg:$0x0] =	wrdreg $0xFFFFFFFF;
	(pc) =	sbr.abs _section_cstart, $3  }
0xc6: {  	[dreg:$0x1] =	wrdreg $0xFFFFFFFF  }
0xc7: {  	_ =	task.clear_ibuf [dreg:s10], $0x2FFFF;
	_ =	strace $0x9FFFFFFF  }
0xc8: {  	(tm) =	ssettm $0x7FFFFFFF  }
0xc9: {  	_ =	shalt  }
tec
execute0_lowered:
.L_overlay_start_1:
0x0: {  	(tag) =	ssettag $0x1  }
0x1: {  	v0 =	vimm.s32 $0xFEDCBA98;
	v1 =	vimm.s32 $0x76543210  }
0x2: {  	v2 =	vimm.s32 $0x3210FEDC;
	v3 =	vimm.s32 $0xBA987654;
	v4 =	vimm.s32 $0x10FEDCBA  }
0x3: {  	v5 =	vimm.s32 $0x98765432;
	v6 =	vimm.s32 $0xFEDCBA9;
	v7 =	vimm.s32 $0x87654321  }
0x4: {  	v55 =	vimm.s32 $0xBA98FEDC;
	v56 =	vimm.s32 $0x32107654;
	v57 =	vimm.s32 $0xDCFE98BA  }
0x5: {  	v58 =	vimm.s32 $0x54761032;
	v59 =	vimm.s32 $0xEFCDAB89;
	v8 =	vimm.s32 $0x67452301  }
0x6: {  	v0 =	vunpack.c.l.s4.s8 v0;
	v1 =	vunpack.c.l.s4.s8 v1;
	v2 =	vunpack.c.l.s4.s8 v2  }
0x7: {  	v3 =	vunpack.c.l.s4.s8 v3;
	v4 =	vunpack.c.l.s4.s8 v4;
	v5 =	vunpack.c.l.s4.s8 v5  }
0x8: {  	s0 =	srdreg.scid;
	v6 =	vunpack.c.l.s4.s8 v6;
	v7 =	vunpack.c.l.s4.s8 v7;
	v8 =	vunpack.c.l.s4.s8 v8  }
0x9: {  	s2 =	stileid.u32;
	s0 =	sand.u32 $0x1, s0;
	v0 =	vunpack.c.0.s8.s32 v0;
	v1 =	vunpack.c.0.s8.s32 v1;
	v2 =	vunpack.c.0.s8.s32 v2  }
0xa: {  	s3 =	sshll.u32 s2, $0x4;
	s4 =	sshll.u32 s0, $0x3;
	v3 =	vunpack.c.0.s8.s32 v3;
	v4 =	vunpack.c.0.s8.s32 v4;
	v5 =	vunpack.c.0.s8.s32 v5  }
0xb: {  	v6 =	vunpack.c.0.s8.s32 v6;
	v7 =	vunpack.c.0.s8.s32 v7;
	s3 =	sor.u32 s4, s3;
	v8 =	vunpack.c.0.s8.s32 v8  }
0xc: {  	s1 =	rddreg [dreg:$0x0];
	v52 =	vmov s3;
	v0 =	vand.u32 $0xF, v0;
	v51 =	vcombine.low v3, v2  }
0xd: {  	s29 =	rddreg [dreg:$0x3];
	v53 =	vcombine.low v5, v4;
	v54 =	vcombine.low v7, v6;
	v3 =	vunpack.c.l.s4.s8 v55  }
0xe: {  	s5 =	rddreg [dreg:$0x4];
	s6 =	simm.s32 $0x0;
	s8 =	sadd.s32 $0x8, s3;
	v4 =	vunpack.c.l.s4.s8 v56;
	v5 =	vunpack.c.l.s4.s8 v57;
	v6 =	vunpack.c.l.s4.s8 v58  }
0xf: {  	[smem:$0x7FF] =	sst s6;
	[tilespmem:$0x1FF70] =	vst v52;
	v7 =	vunpack.c.l.s4.s8 v59;
	v9 =	vmov s8;
	v22 =	vcombine.low v0, v1  }
0x10: {  	s2 =	rddreg [dreg:$0x1];
	_ =	strace $0x80000047;
	[tilespmem:$0x1FF80] =	vst v9;
	v3 =	vunpack.c.0.s8.s32 v3;
	v4 =	vunpack.c.0.s8.s32 v4;
	v0 =	vand.u32 $0xF, v51  }
0x11: {  	v5 =	vunpack.c.0.s8.s32 v5;
	v6 =	vunpack.c.0.s8.s32 v6;
	v62 =	vand.u32 $0xF, v53;
	[tilespmem:$0x1FF90] =	vst v0  }
0x12: {  	s12 =	simm.s32 $0x3;
	v7 =	vunpack.c.0.s8.s32 v7;
	v63 =	vand.u32 $0xF, v54;
	[tilespmem:$0x1FFA0] =	vst v62;
	v3 =	vcombine.low v4, v3  }
.Ltmp0:
0x13: {  	s15 =	simm.s32 $0x1;
	s0 =	ssub.s32 $0x2, s0;
	[tilespmem:$0x1FFB0] =	vst v63;
	v60 =	vcombine.low v6, v5;
	(pc) =	sbr.rel .LBB2_1-.Ltmp0, $4  }
0x14: {  	s16 =	simm.s32 $0x2;
	s7 =	sadd.s32 $0x400, s29;
	s30 =	sshrl.u32 s0, $0x1;
	[tilespmem:$0x1FFC0] =	vst v22;
	v61 =	vcombine.low v8, v7;
	v24 =	vand.u32 $0xF, v3  }
0x15: {  	s4 =	sadd.s32 $0x600, s29;
	s31 =	sshll.u32 s3, $0x4;
	[dreg:$0x6] =	wrdreg s7;
	v33 =	vand.u32 $0xF, v60;
	[tilespmem:$0x1FFD0] =	vst v24  }
0x16: {  	s0 =	ssub.s32 s0, s30;
	[dreg:$0x7] =	wrdreg s4;
	s4 =	sadd.s32 s5, s31;
	v37 =	vand.u32 $0xF, v61;
	[tilespmem:$0x1FFE0] =	vst v33  }
0x17: {  	s18 =	simm.s32 $0x0;
	s11 =	smax.u32 s0, $0x1;
	[dreg:$0x8] =	wrdreg s4;
	[tilespmem:$0x1FFF0] =	vst v37  }
.LBB2_12:
0x18: {  	s18 =	sadd.s32 $0x1, s18  }
0x19: {  	p0 =	sne.s32 s18, s11  }
.Ltmp1:
0x1a: {  	s0 =	rddreg [dreg:$0x8];
	s4 =	simm.s32 $0x4880;
	(pc) =	sbr.rel @!p0 .LBB2_13-.Ltmp1, $4  }
0x1b: {  	[hbm4b:s0+s6] =	stream.linear.scatter [tilespmem:s4], [sflag:$0x3], $0x400, $0x38;
	[tilespmem:$0x4C80] =	vst v63  }
0x1c: {  	_ =	swait.ge [sflag:s12], $0x400  }
0x1d: {  	[sflag:s12] =	ssyncset.done $0x0  }
0x1e: {  	[sflag:s12] =	ssyncadd.s32 $0xFFFFFC00  }
.LBB2_1:
0x1f: {  	s0 =	rddreg [dreg:$0x2]  }
0x20: {  	[tilespmem:s6], [sflag:$0x3] =	stream.linear.gather [hbm4b:s0+s6], $0x80, $0x38;
	[tilespmem:$0x4C80] =	vst v63  }
0x21: {  	_ =	swait.ge [sflag:s12], $0x80  }
0x22: {  	[sflag:s12] =	ssyncset.done $0x0  }
0x23: {  	s4 =	simm.s32 $0x80;
	s22 =	rddreg [dreg:$0x6];
	[sflag:s12] =	ssyncadd.s32 $0xFFFFFF80  }
0x24: {  	[tilespmem:s4], [sflag:$0x3] =	stream.linear.gather [hbm4b:s22+s6], $0x80, $0x38;
	[tilespmem:$0x4C80] =	vst v63  }
0x25: {  	_ =	swait.ge [sflag:s12], $0x80  }
0x26: {  	[sflag:s12] =	ssyncset.done $0x0  }
0x27: {  	s24 =	simm.s32 $0x100;
	s23 =	rddreg [dreg:$0x7];
	[sflag:s12] =	ssyncadd.s32 $0xFFFFFF80  }
0x28: {  	[tilespmem:s24], [sflag:$0x3] =	stream.linear.gather [hbm4b:s23+s6], $0x680, $0x38;
	[tilespmem:$0x4C80] =	vst v63  }
0x29: {  	_ =	swait.ge [sflag:s12], $0x680  }
0x2a: {  	[sflag:s12] =	ssyncset.done $0x0;
	v7 =	vld [tilespmem:$0x1FF70]  }
0x2b: {  	v8 =	vld [tilespmem:$0x1FF80];
	[sflag:s12] =	ssyncadd.s32 $0xFFFFF980  }
0x2c: {  	v11 =	vld [tilespmem:$0x100]  }
0x2d: {  	v0 =	vld [tilespmem:$0x110]  }
0x2e: {  	v1 =	vld [tilespmem:$0x120]  }
0x2f: {  	v2 =	vld [tilespmem:$0x130];
	_ =	sdelay $0x1  }
0x30: {  	v10 =	vimm.s32 $0x0;
	v9 =	vimm.f32 $0.0e+00  }
0x31: {  	vm0 =	vlt.s32 v11, v7;
	vm14 =	vlt.s32 v11, v8;
	vm15 =	vlt.s32 v0, v7  }
0x32: {  	vm1 =	vlt.s32 v0, v8;
	v0 =	vld [tilespmem:$0x140];
	vm4 =	vlt.s32 v1, v7;
	vm5 =	vlt.s32 v1, v8  }
0x33: {  	v1 =	vld [tilespmem:$0x150];
	vm6 =	vlt.s32 v2, v7;
	vm7 =	vlt.s32 v2, v8;
	v3 =	vsel vm0, $0x1, v10  }
0x34: {  	v2 =	vld [tilespmem:$0x160];
	v4 =	vsel vm14, $0x1, v10;
	v5 =	vsel vm15, $0x1, v10;
	v6 =	vsel vm1, $0x1, v10  }
0x35: {  	v3 =	vadd.s32 v3, v5;
	v5 =	vsel vm4, $0x1, v10;
	v4 =	vadd.s32 v4, v6  }
0x36: {  	v6 =	vsel vm5, $0x1, v10;
	v3 =	vadd.s32 v5, v3;
	v5 =	vsel vm6, $0x1, v10  }
0x37: {  	v4 =	vadd.s32 v6, v4;
	v6 =	vsel vm7, $0x1, v10;
	v3 =	vadd.s32 v5, v3  }
0x38: {  	v4 =	vadd.s32 v6, v4;
	vm8 =	vlt.s32 v0, v7;
	vm9 =	vlt.s32 v0, v8;
	v0 =	vld [tilespmem:$0x170]  }
0x39: {  	vm10 =	vlt.s32 v1, v7;
	vm11 =	vlt.s32 v1, v8;
	v1 =	vld [tilespmem:$0x180];
	vm12 =	vlt.s32 v2, v7  }
0x3a: {  	vm13 =	vlt.s32 v2, v8;
	v2 =	vld [tilespmem:$0x190];
	v5 =	vsel vm8, $0x1, v10;
	v6 =	vsel vm9, $0x1, v10  }
0x3b: {  	v3 =	vadd.s32 v5, v3;
	v5 =	vsel vm10, $0x1, v10;
	v4 =	vadd.s32 v6, v4  }
0x3c: {  	v6 =	vsel vm11, $0x1, v10;
	v3 =	vadd.s32 v5, v3;
	v5 =	vsel vm12, $0x1, v10  }
0x3d: {  	v4 =	vadd.s32 v6, v4;
	v6 =	vsel vm13, $0x1, v10;
	v3 =	vadd.s32 v5, v3  }
0x3e: {  	v4 =	vadd.s32 v6, v4;
	vm14 =	vlt.s32 v0, v7;
	vm15 =	vlt.s32 v0, v8;
	v0 =	vld [tilespmem:$0x1A0]  }
0x3f: {  	vm4 =	vlt.s32 v1, v7;
	vm5 =	vlt.s32 v1, v8;
	v1 =	vld [tilespmem:$0x1B0];
	vm6 =	vlt.s32 v2, v7  }
0x40: {  	vm7 =	vlt.s32 v2, v8;
	v2 =	vld [tilespmem:$0x1C0];
	v5 =	vsel vm14, $0x1, v10;
	v6 =	vsel vm15, $0x1, v10  }
0x41: {  	v3 =	vadd.s32 v5, v3;
	v5 =	vsel vm4, $0x1, v10;
	v4 =	vadd.s32 v6, v4  }
0x42: {  	v6 =	vsel vm5, $0x1, v10;
	v3 =	vadd.s32 v5, v3;
	v5 =	vsel vm6, $0x1, v10  }
0x43: {  	v4 =	vadd.s32 v6, v4;
	v6 =	vsel vm7, $0x1, v10;
	v3 =	vadd.s32 v5, v3  }
0x44: {  	v4 =	vadd.s32 v6, v4;
	vm8 =	vlt.s32 v0, v7;
	vm9 =	vlt.s32 v0, v8;
	v0 =	vld [tilespmem:$0x1D0]  }
0x45: {  	vm10 =	vlt.s32 v1, v7;
	vm11 =	vlt.s32 v1, v8;
	v1 =	vld [tilespmem:$0x1E0];
	vm12 =	vlt.s32 v2, v7  }
0x46: {  	vm13 =	vlt.s32 v2, v8;
	v2 =	vld [tilespmem:$0x1F0];
	v5 =	vsel vm8, $0x1, v10;
	v6 =	vsel vm9, $0x1, v10  }
0x47: {  	v3 =	vadd.s32 v5, v3;
	v5 =	vsel vm10, $0x1, v10;
	v4 =	vadd.s32 v6, v4  }
0x48: {  	v6 =	vsel vm11, $0x1, v10;
	v3 =	vadd.s32 v5, v3;
	v5 =	vsel vm12, $0x1, v10  }
0x49: {  	v4 =	vadd.s32 v6, v4;
	v6 =	vsel vm13, $0x1, v10;
	v3 =	vadd.s32 v5, v3  }
0x4a: {  	v4 =	vadd.s32 v6, v4;
	vm14 =	vlt.s32 v0, v7;
	vm15 =	vlt.s32 v0, v8;
	v0 =	vld [tilespmem:$0x200]  }
0x4b: {  	vm4 =	vlt.s32 v1, v7;
	vm5 =	vlt.s32 v1, v8;
	v1 =	vld [tilespmem:$0x210];
	vm6 =	vlt.s32 v2, v7  }
0x4c: {  	vm7 =	vlt.s32 v2, v8;
	v2 =	vld [tilespmem:$0x220];
	v5 =	vsel vm14, $0x1, v10;
	v6 =	vsel vm15, $0x1, v10  }
0x4d: {  	v3 =	vadd.s32 v5, v3;
	v5 =	vsel vm4, $0x1, v10;
	v4 =	vadd.s32 v6, v4  }
0x4e: {  	v6 =	vsel vm5, $0x1, v10;
	v3 =	vadd.s32 v5, v3;
	v5 =	vsel vm6, $0x1, v10  }
0x4f: {  	v4 =	vadd.s32 v6, v4;
	v6 =	vsel vm7, $0x1, v10;
	v3 =	vadd.s32 v5, v3  }
0x50: {  	v4 =	vadd.s32 v6, v4;
	vm8 =	vlt.s32 v0, v7;
	vm9 =	vlt.s32 v0, v8;
	v0 =	vld [tilespmem:$0x230]  }
0x51: {  	vm10 =	vlt.s32 v1, v7;
	vm11 =	vlt.s32 v1, v8;
	v1 =	vld [tilespmem:$0x240];
	vm12 =	vlt.s32 v2, v7  }
0x52: {  	vm13 =	vlt.s32 v2, v8;
	v2 =	vld [tilespmem:$0x250];
	v5 =	vsel vm8, $0x1, v10;
	v6 =	vsel vm9, $0x1, v10  }
0x53: {  	v3 =	vadd.s32 v5, v3;
	v5 =	vsel vm10, $0x1, v10;
	v4 =	vadd.s32 v6, v4  }
0x54: {  	v6 =	vsel vm11, $0x1, v10;
	v3 =	vadd.s32 v5, v3;
	v5 =	vsel vm12, $0x1, v10  }
0x55: {  	v4 =	vadd.s32 v6, v4;
	v6 =	vsel vm13, $0x1, v10;
	v3 =	vadd.s32 v5, v3  }
0x56: {  	v4 =	vadd.s32 v6, v4;
	vm14 =	vlt.s32 v0, v7;
	vm15 =	vlt.s32 v0, v8;
	v0 =	vld [tilespmem:$0x260]  }
0x57: {  	vm4 =	vlt.s32 v1, v7;
	vm5 =	vlt.s32 v1, v8;
	v1 =	vld [tilespmem:$0x270];
	vm6 =	vlt.s32 v2, v7  }
0x58: {  	vm7 =	vlt.s32 v2, v8;
	v2 =	vld [tilespmem:$0x280];
	v5 =	vsel vm14, $0x1, v10;
	v6 =	vsel vm15, $0x1, v10  }
0x59: {  	v3 =	vadd.s32 v5, v3;
	v5 =	vsel vm4, $0x1, v10;
	v4 =	vadd.s32 v6, v4  }
0x5a: {  	v6 =	vsel vm5, $0x1, v10;
	v3 =	vadd.s32 v5, v3;
	v5 =	vsel vm6, $0x1, v10  }
0x5b: {  	v4 =	vadd.s32 v6, v4;
	v6 =	vsel vm7, $0x1, v10;
	v3 =	vadd.s32 v5, v3  }
0x5c: {  	v4 =	vadd.s32 v6, v4;
	vm8 =	vlt.s32 v0, v7;
	vm9 =	vlt.s32 v0, v8;
	v0 =	vld [tilespmem:$0x290]  }
0x5d: {  	vm10 =	vlt.s32 v1, v7;
	vm11 =	vlt.s32 v1, v8;
	v1 =	vld [tilespmem:$0x2A0];
	vm12 =	vlt.s32 v2, v7  }
0x5e: {  	vm13 =	vlt.s32 v2, v8;
	v2 =	vld [tilespmem:$0x2B0];
	v5 =	vsel vm8, $0x1, v10;
	v6 =	vsel vm9, $0x1, v10  }
0x5f: {  	v3 =	vadd.s32 v5, v3;
	v5 =	vsel vm10, $0x1, v10;
	v4 =	vadd.s32 v6, v4  }
0x60: {  	v6 =	vsel vm11, $0x1, v10;
	v3 =	vadd.s32 v5, v3;
	v5 =	vsel vm12, $0x1, v10  }
0x61: {  	v4 =	vadd.s32 v6, v4;
	v6 =	vsel vm13, $0x1, v10;
	v3 =	vadd.s32 v5, v3  }
0x62: {  	v4 =	vadd.s32 v6, v4;
	vm14 =	vlt.s32 v0, v7;
	vm15 =	vlt.s32 v0, v8;
	v0 =	vld [tilespmem:$0x2C0]  }
0x63: {  	vm4 =	vlt.s32 v1, v7;
	vm5 =	vlt.s32 v1, v8;
	v1 =	vld [tilespmem:$0x2D0];
	vm6 =	vlt.s32 v2, v7  }
0x64: {  	vm7 =	vlt.s32 v2, v8;
	v2 =	vld [tilespmem:$0x2E0];
	v5 =	vsel vm14, $0x1, v10;
	v6 =	vsel vm15, $0x1, v10  }
0x65: {  	v3 =	vadd.s32 v5, v3;
	v5 =	vsel vm4, $0x1, v10;
	v4 =	vadd.s32 v6, v4  }
0x66: {  	v6 =	vsel vm5, $0x1, v10;
	v3 =	vadd.s32 v5, v3;
	v5 =	vsel vm6, $0x1, v10  }
0x67: {  	v4 =	vadd.s32 v6, v4;
	v6 =	vsel vm7, $0x1, v10;
	v3 =	vadd.s32 v5, v3  }
0x68: {  	v4 =	vadd.s32 v6, v4;
	vm8 =	vlt.s32 v0, v7;
	vm9 =	vlt.s32 v0, v8;
	v0 =	vld [tilespmem:$0x2F0]  }
0x69: {  	vm10 =	vlt.s32 v1, v7;
	vm11 =	vlt.s32 v1, v8;
	v1 =	vld [tilespmem:$0x300];
	vm12 =	vlt.s32 v2, v7  }
0x6a: {  	vm13 =	vlt.s32 v2, v8;
	v2 =	vld [tilespmem:$0x310];
	v5 =	vsel vm8, $0x1, v10;
	v6 =	vsel vm9, $0x1, v10  }
0x6b: {  	v3 =	vadd.s32 v5, v3;
	v5 =	vsel vm10, $0x1, v10;
	v4 =	vadd.s32 v6, v4  }
0x6c: {  	v6 =	vsel vm11, $0x1, v10;
	v3 =	vadd.s32 v5, v3;
	v5 =	vsel vm12, $0x1, v10  }
0x6d: {  	v4 =	vadd.s32 v6, v4;
	v6 =	vsel vm13, $0x1, v10;
	v3 =	vadd.s32 v5, v3  }
0x6e: {  	v4 =	vadd.s32 v6, v4;
	vm14 =	vlt.s32 v0, v7;
	vm15 =	vlt.s32 v0, v8;
	v0 =	vld [tilespmem:$0x320]  }
0x6f: {  	vm4 =	vlt.s32 v1, v7;
	vm5 =	vlt.s32 v1, v8;
	v1 =	vld [tilespmem:$0x330];
	vm6 =	vlt.s32 v2, v7  }
0x70: {  	vm7 =	vlt.s32 v2, v8;
	v2 =	vld [tilespmem:$0x340];
	v5 =	vsel vm14, $0x1, v10;
	v6 =	vsel vm15, $0x1, v10  }
0x71: {  	v3 =	vadd.s32 v5, v3;
	v5 =	vsel vm4, $0x1, v10;
	v4 =	vadd.s32 v6, v4  }
0x72: {  	v6 =	vsel vm5, $0x1, v10;
	v3 =	vadd.s32 v5, v3;
	v5 =	vsel vm6, $0x1, v10  }
0x73: {  	v4 =	vadd.s32 v6, v4;
	v6 =	vsel vm7, $0x1, v10;
	v3 =	vadd.s32 v5, v3  }
0x74: {  	v4 =	vadd.s32 v6, v4;
	vm8 =	vlt.s32 v0, v7;
	vm9 =	vlt.s32 v0, v8;
	v0 =	vld [tilespmem:$0x350]  }
0x75: {  	vm10 =	vlt.s32 v1, v7;
	vm11 =	vlt.s32 v1, v8;
	v1 =	vld [tilespmem:$0x360];
	vm12 =	vlt.s32 v2, v7  }
0x76: {  	vm13 =	vlt.s32 v2, v8;
	v2 =	vld [tilespmem:$0x370];
	v5 =	vsel vm8, $0x1, v10;
	v6 =	vsel vm9, $0x1, v10  }
0x77: {  	v3 =	vadd.s32 v5, v3;
	v5 =	vsel vm10, $0x1, v10;
	v4 =	vadd.s32 v6, v4  }
0x78: {  	v6 =	vsel vm11, $0x1, v10;
	v3 =	vadd.s32 v5, v3;
	v5 =	vsel vm12, $0x1, v10  }
0x79: {  	v4 =	vadd.s32 v6, v4;
	v6 =	vsel vm13, $0x1, v10;
	v3 =	vadd.s32 v5, v3  }
0x7a: {  	v4 =	vadd.s32 v6, v4;
	vm14 =	vlt.s32 v0, v7;
	vm15 =	vlt.s32 v0, v8;
	v0 =	vld [tilespmem:$0x380]  }
0x7b: {  	vm4 =	vlt.s32 v1, v7;
	vm5 =	vlt.s32 v1, v8;
	v1 =	vld [tilespmem:$0x390];
	vm6 =	vlt.s32 v2, v7  }
0x7c: {  	vm7 =	vlt.s32 v2, v8;
	v2 =	vld [tilespmem:$0x3A0];
	v5 =	vsel vm14, $0x1, v10;
	v6 =	vsel vm15, $0x1, v10  }
0x7d: {  	v3 =	vadd.s32 v5, v3;
	v5 =	vsel vm4, $0x1, v10;
	v4 =	vadd.s32 v6, v4  }
0x7e: {  	v6 =	vsel vm5, $0x1, v10;
	v3 =	vadd.s32 v5, v3;
	v5 =	vsel vm6, $0x1, v10  }
0x7f: {  	v4 =	vadd.s32 v6, v4;
	v6 =	vsel vm7, $0x1, v10;
	v3 =	vadd.s32 v5, v3  }
0x80: {  	v4 =	vadd.s32 v6, v4;
	vm8 =	vlt.s32 v0, v7;
	vm9 =	vlt.s32 v0, v8;
	v0 =	vld [tilespmem:$0x3B0]  }
0x81: {  	vm10 =	vlt.s32 v1, v7;
	vm11 =	vlt.s32 v1, v8;
	v1 =	vld [tilespmem:$0x3C0];
	vm12 =	vlt.s32 v2, v7  }
0x82: {  	vm13 =	vlt.s32 v2, v8;
	v2 =	vld [tilespmem:$0x3D0];
	v5 =	vsel vm8, $0x1, v10;
	v6 =	vsel vm9, $0x1, v10  }
0x83: {  	v3 =	vadd.s32 v5, v3;
	v5 =	vsel vm10, $0x1, v10;
	v4 =	vadd.s32 v6, v4  }
0x84: {  	v6 =	vsel vm11, $0x1, v10;
	v3 =	vadd.s32 v5, v3;
	v5 =	vsel vm12, $0x1, v10  }
0x85: {  	v4 =	vadd.s32 v6, v4;
	v6 =	vsel vm13, $0x1, v10;
	v3 =	vadd.s32 v5, v3  }
0x86: {  	v4 =	vadd.s32 v6, v4;
	vm14 =	vlt.s32 v0, v7;
	vm15 =	vlt.s32 v0, v8;
	v0 =	vld [tilespmem:$0x3E0]  }
0x87: {  	vm4 =	vlt.s32 v1, v7;
	vm5 =	vlt.s32 v1, v8;
	v1 =	vld [tilespmem:$0x3F0];
	vm6 =	vlt.s32 v2, v7  }
0x88: {  	vm7 =	vlt.s32 v2, v8;
	v2 =	vld [tilespmem:$0x400];
	v5 =	vsel vm14, $0x1, v10;
	v6 =	vsel vm15, $0x1, v10  }
0x89: {  	v3 =	vadd.s32 v5, v3;
	v5 =	vsel vm4, $0x1, v10;
	v4 =	vadd.s32 v6, v4  }
0x8a: {  	v6 =	vsel vm5, $0x1, v10;
	v3 =	vadd.s32 v5, v3;
	v5 =	vsel vm6, $0x1, v10  }
0x8b: {  	v4 =	vadd.s32 v6, v4;
	v6 =	vsel vm7, $0x1, v10;
	v3 =	vadd.s32 v5, v3  }
0x8c: {  	v4 =	vadd.s32 v6, v4;
	vm8 =	vlt.s32 v0, v7;
	vm9 =	vlt.s32 v0, v8;
	v0 =	vld [tilespmem:$0x410]  }
0x8d: {  	vm10 =	vlt.s32 v1, v7;
	vm11 =	vlt.s32 v1, v8;
	v1 =	vld [tilespmem:$0x420];
	vm12 =	vlt.s32 v2, v7  }
0x8e: {  	vm13 =	vlt.s32 v2, v8;
	v2 =	vld [tilespmem:$0x430];
	v5 =	vsel vm8, $0x1, v10;
	v6 =	vsel vm9, $0x1, v10  }
0x8f: {  	v3 =	vadd.s32 v5, v3;
	v5 =	vsel vm10, $0x1, v10;
	v4 =	vadd.s32 v6, v4  }
0x90: {  	v6 =	vsel vm11, $0x1, v10;
	v3 =	vadd.s32 v5, v3;
	v5 =	vsel vm12, $0x1, v10  }
0x91: {  	v4 =	vadd.s32 v6, v4;
	v6 =	vsel vm13, $0x1, v10;
	v3 =	vadd.s32 v5, v3  }
0x92: {  	v4 =	vadd.s32 v6, v4;
	vm14 =	vlt.s32 v0, v7;
	vm15 =	vlt.s32 v0, v8;
	v0 =	vld [tilespmem:$0x440]  }
0x93: {  	vm4 =	vlt.s32 v1, v7;
	vm5 =	vlt.s32 v1, v8;
	v1 =	vld [tilespmem:$0x450];
	vm6 =	vlt.s32 v2, v7  }
0x94: {  	vm7 =	vlt.s32 v2, v8;
	v2 =	vld [tilespmem:$0x460];
	v5 =	vsel vm14, $0x1, v10;
	v6 =	vsel vm15, $0x1, v10  }
0x95: {  	v3 =	vadd.s32 v5, v3;
	v5 =	vsel vm4, $0x1, v10;
	v4 =	vadd.s32 v6, v4  }
0x96: {  	v6 =	vsel vm5, $0x1, v10;
	v3 =	vadd.s32 v5, v3;
	v5 =	vsel vm6, $0x1, v10  }
0x97: {  	v4 =	vadd.s32 v6, v4;
	v6 =	vsel vm7, $0x1, v10;
	v3 =	vadd.s32 v5, v3  }
0x98: {  	v4 =	vadd.s32 v6, v4;
	vm8 =	vlt.s32 v0, v7;
	vm9 =	vlt.s32 v0, v8;
	v0 =	vld [tilespmem:$0x470]  }
0x99: {  	vm10 =	vlt.s32 v1, v7;
	vm11 =	vlt.s32 v1, v8;
	v1 =	vld [tilespmem:$0x480];
	vm12 =	vlt.s32 v2, v7  }
0x9a: {  	vm13 =	vlt.s32 v2, v8;
	v2 =	vld [tilespmem:$0x490];
	v5 =	vsel vm8, $0x1, v10;
	v6 =	vsel vm9, $0x1, v10  }
0x9b: {  	v3 =	vadd.s32 v5, v3;
	v5 =	vsel vm10, $0x1, v10;
	v4 =	vadd.s32 v6, v4  }
0x9c: {  	v6 =	vsel vm11, $0x1, v10;
	v3 =	vadd.s32 v5, v3;
	v5 =	vsel vm12, $0x1, v10  }
0x9d: {  	v4 =	vadd.s32 v6, v4;
	v6 =	vsel vm13, $0x1, v10;
	v3 =	vadd.s32 v5, v3  }
0x9e: {  	v4 =	vadd.s32 v6, v4;
	vm14 =	vlt.s32 v0, v7;
	vm15 =	vlt.s32 v0, v8;
	v0 =	vld [tilespmem:$0x4A0]  }
0x9f: {  	vm4 =	vlt.s32 v1, v7;
	vm5 =	vlt.s32 v1, v8;
	v1 =	vld [tilespmem:$0x4B0];
	vm6 =	vlt.s32 v2, v7  }
0xa0: {  	vm7 =	vlt.s32 v2, v8;
	v2 =	vld [tilespmem:$0x4C0];
	v5 =	vsel vm14, $0x1, v10;
	v6 =	vsel vm15, $0x1, v10  }
0xa1: {  	v3 =	vadd.s32 v5, v3;
	v5 =	vsel vm4, $0x1, v10;
	v4 =	vadd.s32 v6, v4  }
0xa2: {  	v6 =	vsel vm5, $0x1, v10;
	v3 =	vadd.s32 v5, v3;
	v5 =	vsel vm6, $0x1, v10  }
0xa3: {  	v4 =	vadd.s32 v6, v4;
	v6 =	vsel vm7, $0x1, v10;
	v3 =	vadd.s32 v5, v3  }
0xa4: {  	v4 =	vadd.s32 v6, v4;
	vm8 =	vlt.s32 v0, v7;
	vm9 =	vlt.s32 v0, v8;
	v0 =	vld [tilespmem:$0x4D0]  }
0xa5: {  	vm10 =	vlt.s32 v1, v7;
	vm11 =	vlt.s32 v1, v8;
	v1 =	vld [tilespmem:$0x4E0];
	vm12 =	vlt.s32 v2, v7  }
0xa6: {  	vm13 =	vlt.s32 v2, v8;
	v2 =	vld [tilespmem:$0x4F0];
	v5 =	vsel vm8, $0x1, v10;
	v6 =	vsel vm9, $0x1, v10  }
0xa7: {  	v3 =	vadd.s32 v5, v3;
	v5 =	vsel vm10, $0x1, v10;
	v4 =	vadd.s32 v6, v4  }
0xa8: {  	v6 =	vsel vm11, $0x1, v10;
	v3 =	vadd.s32 v5, v3;
	v5 =	vsel vm12, $0x1, v10  }
0xa9: {  	v4 =	vadd.s32 v6, v4;
	v6 =	vsel vm13, $0x1, v10;
	v3 =	vadd.s32 v5, v3  }
0xaa: {  	v4 =	vadd.s32 v6, v4;
	vm14 =	vlt.s32 v0, v7;
	vm15 =	vlt.s32 v0, v8;
	v0 =	vld [tilespmem:$0x500]  }
0xab: {  	vm4 =	vlt.s32 v1, v7;
	vm5 =	vlt.s32 v1, v8;
	v1 =	vld [tilespmem:$0x510];
	vm6 =	vlt.s32 v2, v7  }
0xac: {  	vm7 =	vlt.s32 v2, v8;
	v2 =	vld [tilespmem:$0x520];
	v5 =	vsel vm14, $0x1, v10;
	v6 =	vsel vm15, $0x1, v10  }
0xad: {  	v3 =	vadd.s32 v5, v3;
	v5 =	vsel vm4, $0x1, v10;
	v4 =	vadd.s32 v6, v4  }
0xae: {  	v6 =	vsel vm5, $0x1, v10;
	v3 =	vadd.s32 v5, v3;
	v5 =	vsel vm6, $0x1, v10  }
0xaf: {  	v4 =	vadd.s32 v6, v4;
	v6 =	vsel vm7, $0x1, v10;
	v3 =	vadd.s32 v5, v3  }
0xb0: {  	v4 =	vadd.s32 v6, v4;
	vm8 =	vlt.s32 v0, v7;
	vm9 =	vlt.s32 v0, v8;
	v0 =	vld [tilespmem:$0x530]  }
0xb1: {  	vm10 =	vlt.s32 v1, v7;
	vm11 =	vlt.s32 v1, v8;
	v1 =	vld [tilespmem:$0x540];
	vm12 =	vlt.s32 v2, v7  }
0xb2: {  	vm13 =	vlt.s32 v2, v8;
	v2 =	vld [tilespmem:$0x550];
	v5 =	vsel vm8, $0x1, v10;
	v6 =	vsel vm9, $0x1, v10  }
0xb3: {  	v3 =	vadd.s32 v5, v3;
	v5 =	vsel vm10, $0x1, v10;
	v4 =	vadd.s32 v6, v4  }
0xb4: {  	v6 =	vsel vm11, $0x1, v10;
	v3 =	vadd.s32 v5, v3;
	v5 =	vsel vm12, $0x1, v10  }
0xb5: {  	v4 =	vadd.s32 v6, v4;
	v6 =	vsel vm13, $0x1, v10;
	v3 =	vadd.s32 v5, v3  }
0xb6: {  	v4 =	vadd.s32 v6, v4;
	vm14 =	vlt.s32 v0, v7;
	vm15 =	vlt.s32 v0, v8;
	v0 =	vld [tilespmem:$0x560]  }
0xb7: {  	vm4 =	vlt.s32 v1, v7;
	vm5 =	vlt.s32 v1, v8;
	v1 =	vld [tilespmem:$0x570];
	vm6 =	vlt.s32 v2, v7  }
0xb8: {  	vm7 =	vlt.s32 v2, v8;
	v2 =	vld [tilespmem:$0x580];
	v5 =	vsel vm14, $0x1, v10;
	v6 =	vsel vm15, $0x1, v10  }
0xb9: {  	v3 =	vadd.s32 v5, v3;
	v5 =	vsel vm4, $0x1, v10;
	v4 =	vadd.s32 v6, v4  }
0xba: {  	v6 =	vsel vm5, $0x1, v10;
	v3 =	vadd.s32 v5, v3;
	v5 =	vsel vm6, $0x1, v10  }
0xbb: {  	v4 =	vadd.s32 v6, v4;
	v6 =	vsel vm7, $0x1, v10;
	v3 =	vadd.s32 v5, v3  }
0xbc: {  	v4 =	vadd.s32 v6, v4;
	vm8 =	vlt.s32 v0, v7;
	vm9 =	vlt.s32 v0, v8;
	v0 =	vld [tilespmem:$0x590]  }
0xbd: {  	vm10 =	vlt.s32 v1, v7;
	vm11 =	vlt.s32 v1, v8;
	v1 =	vld [tilespmem:$0x5A0];
	vm12 =	vlt.s32 v2, v7  }
0xbe: {  	vm13 =	vlt.s32 v2, v8;
	v2 =	vld [tilespmem:$0x5B0];
	v5 =	vsel vm8, $0x1, v10;
	v6 =	vsel vm9, $0x1, v10  }
0xbf: {  	v3 =	vadd.s32 v5, v3;
	v5 =	vsel vm10, $0x1, v10;
	v4 =	vadd.s32 v6, v4  }
0xc0: {  	v6 =	vsel vm11, $0x1, v10;
	v3 =	vadd.s32 v5, v3;
	v5 =	vsel vm12, $0x1, v10  }
0xc1: {  	v4 =	vadd.s32 v6, v4;
	v6 =	vsel vm13, $0x1, v10;
	v3 =	vadd.s32 v5, v3  }
0xc2: {  	v4 =	vadd.s32 v6, v4;
	vm14 =	vlt.s32 v0, v7;
	vm15 =	vlt.s32 v0, v8;
	v0 =	vld [tilespmem:$0x5C0]  }
0xc3: {  	vm4 =	vlt.s32 v1, v7;
	vm5 =	vlt.s32 v1, v8;
	v1 =	vld [tilespmem:$0x5D0];
	vm6 =	vlt.s32 v2, v7  }
0xc4: {  	vm7 =	vlt.s32 v2, v8;
	v2 =	vld [tilespmem:$0x5E0];
	v5 =	vsel vm14, $0x1, v10;
	v6 =	vsel vm15, $0x1, v10  }
0xc5: {  	v3 =	vadd.s32 v5, v3;
	v5 =	vsel vm4, $0x1, v10;
	v4 =	vadd.s32 v6, v4  }
0xc6: {  	v6 =	vsel vm5, $0x1, v10;
	v3 =	vadd.s32 v5, v3;
	v5 =	vsel vm6, $0x1, v10  }
0xc7: {  	v4 =	vadd.s32 v6, v4;
	v6 =	vsel vm7, $0x1, v10;
	v3 =	vadd.s32 v5, v3  }
0xc8: {  	v4 =	vadd.s32 v6, v4;
	vm8 =	vlt.s32 v0, v7;
	vm9 =	vlt.s32 v0, v8;
	v0 =	vld [tilespmem:$0x5F0]  }
0xc9: {  	vm10 =	vlt.s32 v1, v7;
	vm11 =	vlt.s32 v1, v8;
	v1 =	vld [tilespmem:$0x600];
	vm12 =	vlt.s32 v2, v7  }
0xca: {  	vm13 =	vlt.s32 v2, v8;
	v2 =	vld [tilespmem:$0x610];
	v5 =	vsel vm8, $0x1, v10;
	v6 =	vsel vm9, $0x1, v10  }
0xcb: {  	v3 =	vadd.s32 v5, v3;
	v5 =	vsel vm10, $0x1, v10;
	v4 =	vadd.s32 v6, v4  }
0xcc: {  	v6 =	vsel vm11, $0x1, v10;
	v3 =	vadd.s32 v5, v3;
	v5 =	vsel vm12, $0x1, v10  }
0xcd: {  	v4 =	vadd.s32 v6, v4;
	v6 =	vsel vm13, $0x1, v10;
	v3 =	vadd.s32 v5, v3  }
0xce: {  	v4 =	vadd.s32 v6, v4;
	vm14 =	vlt.s32 v0, v7;
	vm15 =	vlt.s32 v0, v8;
	v0 =	vld [tilespmem:$0x620]  }
0xcf: {  	vm4 =	vlt.s32 v1, v7;
	vm5 =	vlt.s32 v1, v8;
	v1 =	vld [tilespmem:$0x630];
	vm6 =	vlt.s32 v2, v7  }
0xd0: {  	vm7 =	vlt.s32 v2, v8;
	v2 =	vld [tilespmem:$0x640];
	v5 =	vsel vm14, $0x1, v10;
	v6 =	vsel vm15, $0x1, v10  }
0xd1: {  	v3 =	vadd.s32 v5, v3;
	v5 =	vsel vm4, $0x1, v10;
	v4 =	vadd.s32 v6, v4  }
0xd2: {  	v6 =	vsel vm5, $0x1, v10;
	v3 =	vadd.s32 v5, v3;
	v5 =	vsel vm6, $0x1, v10  }
0xd3: {  	v4 =	vadd.s32 v6, v4;
	v6 =	vsel vm7, $0x1, v10;
	v3 =	vadd.s32 v5, v3  }
0xd4: {  	v4 =	vadd.s32 v6, v4;
	vm8 =	vlt.s32 v0, v7;
	vm9 =	vlt.s32 v0, v8;
	v0 =	vld [tilespmem:$0x650]  }
0xd5: {  	vm10 =	vlt.s32 v1, v7;
	vm11 =	vlt.s32 v1, v8;
	v1 =	vld [tilespmem:$0x660];
	vm12 =	vlt.s32 v2, v7  }
0xd6: {  	vm13 =	vlt.s32 v2, v8;
	v2 =	vld [tilespmem:$0x670];
	v5 =	vsel vm8, $0x1, v10;
	v6 =	vsel vm9, $0x1, v10  }
0xd7: {  	v3 =	vadd.s32 v5, v3;
	v5 =	vsel vm10, $0x1, v10;
	v4 =	vadd.s32 v6, v4  }
0xd8: {  	v6 =	vsel vm11, $0x1, v10;
	v3 =	vadd.s32 v5, v3;
	v5 =	vsel vm12, $0x1, v10  }
0xd9: {  	v4 =	vadd.s32 v6, v4;
	v6 =	vsel vm13, $0x1, v10;
	v3 =	vadd.s32 v5, v3  }
0xda: {  	v4 =	vadd.s32 v6, v4;
	vm14 =	vlt.s32 v0, v7;
	vm15 =	vlt.s32 v0, v8;
	v0 =	vld [tilespmem:$0x680]  }
0xdb: {  	vm4 =	vlt.s32 v1, v7;
	vm5 =	vlt.s32 v1, v8;
	v1 =	vld [tilespmem:$0x690];
	vm6 =	vlt.s32 v2, v7  }
0xdc: {  	[tilespmem:$0x4880] =	vst v9;
	vm7 =	vlt.s32 v2, v8;
	v2 =	vld [tilespmem:$0x6A0];
	v5 =	vsel vm14, $0x1, v10;
	v6 =	vsel vm15, $0x1, v10  }
0xdd: {  	[tilespmem:$0x4890] =	vst v9;
	v3 =	vadd.s32 v5, v3;
	v5 =	vsel vm4, $0x1, v10;
	v4 =	vadd.s32 v6, v4  }
0xde: {  	[tilespmem:$0x48A0] =	vst v9;
	v6 =	vsel vm5, $0x1, v10;
	v3 =	vadd.s32 v5, v3;
	v5 =	vsel vm6, $0x1, v10  }
0xdf: {  	[tilespmem:$0x48B0] =	vst v9;
	v4 =	vadd.s32 v6, v4;
	v6 =	vsel vm7, $0x1, v10;
	v3 =	vadd.s32 v5, v3  }
0xe0: {  	[tilespmem:$0x48C0] =	vst v9;
	v4 =	vadd.s32 v6, v4;
	vm8 =	vlt.s32 v0, v7;
	vm9 =	vlt.s32 v0, v8;
	v0 =	vld [tilespmem:$0x6B0]  }
0xe1: {  	[tilespmem:$0x48D0] =	vst v9;
	vm10 =	vlt.s32 v1, v7;
	vm11 =	vlt.s32 v1, v8;
	v1 =	vld [tilespmem:$0x6C0];
	vm12 =	vlt.s32 v2, v7  }
0xe2: {  	[tilespmem:$0x48E0] =	vst v9;
	vm13 =	vlt.s32 v2, v8;
	v2 =	vld [tilespmem:$0x6D0];
	v5 =	vsel vm8, $0x1, v10;
	v6 =	vsel vm9, $0x1, v10  }
0xe3: {  	[tilespmem:$0x48F0] =	vst v9;
	v3 =	vadd.s32 v5, v3;
	v5 =	vsel vm10, $0x1, v10;
	v4 =	vadd.s32 v6, v4  }
0xe4: {  	[tilespmem:$0x4900] =	vst v9;
	v6 =	vsel vm11, $0x1, v10;
	v3 =	vadd.s32 v5, v3;
	v5 =	vsel vm12, $0x1, v10  }
0xe5: {  	[tilespmem:$0x4910] =	vst v9;
	v4 =	vadd.s32 v6, v4;
	v6 =	vsel vm13, $0x1, v10;
	v3 =	vadd.s32 v5, v3  }
0xe6: {  	[tilespmem:$0x4920] =	vst v9;
	v4 =	vadd.s32 v6, v4;
	vm14 =	vlt.s32 v0, v7;
	vm15 =	vlt.s32 v0, v8;
	v0 =	vld [tilespmem:$0x6E0]  }
0xe7: {  	[tilespmem:$0x4930] =	vst v9;
	vm4 =	vlt.s32 v1, v7;
	vm5 =	vlt.s32 v1, v8;
	v1 =	vld [tilespmem:$0x6F0];
	vm6 =	vlt.s32 v2, v7  }
0xe8: {  	[tilespmem:$0x4940] =	vst v9;
	vm7 =	vlt.s32 v2, v8;
	v2 =	vld [tilespmem:$0x700];
	v5 =	vsel vm14, $0x1, v10;
	v6 =	vsel vm15, $0x1, v10  }
0xe9: {  	[tilespmem:$0x4950] =	vst v9;
	v3 =	vadd.s32 v5, v3;
	v5 =	vsel vm4, $0x1, v10;
	v4 =	vadd.s32 v6, v4  }
0xea: {  	[tilespmem:$0x4960] =	vst v9;
	v6 =	vsel vm5, $0x1, v10;
	v3 =	vadd.s32 v5, v3;
	v5 =	vsel vm6, $0x1, v10  }
0xeb: {  	[tilespmem:$0x4970] =	vst v9;
	v4 =	vadd.s32 v6, v4;
	v6 =	vsel vm7, $0x1, v10;
	v3 =	vadd.s32 v5, v3  }
0xec: {  	[tilespmem:$0x4980] =	vst v9;
	v4 =	vadd.s32 v6, v4;
	vm8 =	vlt.s32 v0, v7;
	vm9 =	vlt.s32 v0, v8;
	v0 =	vld [tilespmem:$0x710]  }
0xed: {  	[tilespmem:$0x4990] =	vst v9;
	vm10 =	vlt.s32 v1, v7;
	vm11 =	vlt.s32 v1, v8;
	vm12 =	vlt.s32 v2, v7  }
0xee: {  	[tilespmem:$0x49A0] =	vst v9;
	vm13 =	vlt.s32 v2, v8;
	v5 =	vsel vm8, $0x1, v10;
	v6 =	vsel vm9, $0x1, v10  }
0xef: {  	[tilespmem:$0x49B0] =	vst v9;
	v2 =	vsel vm13, $0x1, v10;
	v3 =	vadd.s32 v5, v3;
	v5 =	vsel vm10, $0x1, v10  }
0xf0: {  	[tilespmem:$0x49C0] =	vst v9;
	v1 =	vadd.s32 v6, v4;
	v4 =	vsel vm11, $0x1, v10;
	v3 =	vadd.s32 v5, v3  }
0xf1: {  	[tilespmem:$0x49D0] =	vst v9;
	v5 =	vsel vm12, $0x1, v10;
	v1 =	vadd.s32 v4, v1;
	vm15 =	vlt.s32 v0, v8  }
0xf2: {  	[tilespmem:$0x49E0] =	vst v9;
	vm14 =	vlt.s32 v0, v7;
	v0 =	vadd.s32 v2, v1;
	v2 =	vsel vm15, $0x1, v10  }
0xf3: {  	[tilespmem:$0x49F0] =	vst v9;
	v3 =	vadd.s32 v5, v3;
	v4 =	vsel vm14, $0x1, v10;
	v0 =	vadd.s32 v2, v0  }
0xf4: {  	[tilespmem:$0x4A00] =	vst v9;
	v1 =	vadd.s32 v4, v3;
	v3 =	vperm.xlane v0, v22  }
0xf5: {  	[tilespmem:$0x4A10] =	vst v9;
	v4 =	vld [tilespmem:$0x1FF90]  }
0xf6: {  	[tilespmem:$0x4A20] =	vst v9;
	v0 =	vadd.s32 v0, v3;
	v3 =	vld [tilespmem:$0x80]  }
0xf7: {  	[tilespmem:$0x4A30] =	vst v9;
	v2 =	vperm.xlane v1, v22  }
0xf8: {  	[tilespmem:$0x4A40] =	vst v9;
	v5 =	vld [tilespmem:$0x1FFA0]  }
0xf9: {  	[tilespmem:$0x4A50] =	vst v9;
	v1 =	vadd.s32 v2, v1  }
0xfa: {  	[tilespmem:$0x4A60] =	vst v9;
	v2 =	vperm.xlane v1, v4  }
0xfb: {  	[tilespmem:$0x4A70] =	vst v9;
	v4 =	vperm.xlane v0, v4;
	(v2sf) =	vpush v3, $0x0;
	v3 =	vld [tilespmem:$0x1FFB0]  }
0xfc: {  	[tilespmem:$0x4A80] =	vst v9;
	v1 =	vadd.s32 v2, v1  }
0xfd: {  	[tilespmem:$0x4A90] =	vst v9;
	v0 =	vadd.s32 v4, v0;
	v2 =	vperm.xlane v1, v5  }
0xfe: {  	[tilespmem:$0x4AA0] =	vst v9;
	v4 =	vperm.xlane v0, v5  }
0xff: {  	[tilespmem:$0x4AB0] =	vst v9;
	v1 =	vadd.s32 v2, v1  }
0x100: {  	[tilespmem:$0x4AC0] =	vst v9;
	v0 =	vadd.s32 v4, v0;
	v2 =	vperm.xlane v1, v3  }
0x101: {  	[tilespmem:$0x4AD0] =	vst v9;
	(v2sf) =	vpush v11, $0x0;
	v3 =	vperm.xlane v0, v3  }
0x102: {  	[tilespmem:$0x4AE0] =	vst v9;
	v1 =	vadd.s32 v2, v1  }
0x103: {  	[tilespmem:$0x4AF0] =	vst v9;
	v0 =	vadd.s32 v3, v0;
	(v2sf) =	vpush v1, $0x0  }
0x104: {  	[tilespmem:$0x4B00] =	vst v9;
	(v2sf) =	vpush v0, $0x0  }
0x105: {  	[tilespmem:$0x4B10] =	vst v9  }
0x106: {  	[tilespmem:$0x4B20] =	vst v9  }
0x107: {  	[tilespmem:$0x4B30] =	vst v9  }
0x108: {  	[tilespmem:$0x4B40] =	vst v9  }
0x109: {  	[tilespmem:$0x4B50] =	vst v9  }
0x10a: {  	[tilespmem:$0x4B60] =	vst v9  }
0x10b: {  	[tilespmem:$0x4B70] =	vst v9  }
0x10c: {  	[tilespmem:$0x4B80] =	vst v9  }
0x10d: {  	[tilespmem:$0x4B90] =	vst v9  }
0x10e: {  	[tilespmem:$0x4BA0] =	vst v9  }
0x10f: {  	[tilespmem:$0x4BB0] =	vst v9;
	s0 =	spop (v2sf)  }
0x110: {  	[tilespmem:$0x4BC0] =	vst v9;
	s25 =	spop (v2sf)  }
0x111: {  	s4 =	simm.s32 $0x1;
	[tilespmem:$0x4BD0] =	vst v9;
	p0 =	slt.s32 s25, s3  }
0x112: {  	[tilespmem:$0x4BE0] =	vst v9;
	s4 =	simm.s32 @!p0 $0x0;
	s5 =	spop (v2sf)  }
0x113: {  	[tilespmem:$0x4BF0] =	vst v9;
	s19 =	ssub.s32 s5, s4;
	s26 =	spop (v2sf)  }
0x114: {  	[tilespmem:$0x4C00] =	vst v9;
	s20 =	ssub.s32 s26, s19  }
0x115: {  	[tilespmem:$0x4C10] =	vst v9;
	v6 =	vld [tilespmem:$0x60];
	p0 =	slt.s32 s20, $0x1  }
0x116: {  	[tilespmem:$0x4C20] =	vst v9;
	v7 =	vld [tilespmem:$0x70];
	s4 =	sshll.u32 @!p0 s19, $0x6  }
0x117: {  	[tilespmem:$0x4C30] =	vst v9;
	v5 =	vld [tilespmem:$0x50];
	p1 =	slt.s32 @!p0 s4, $0x18660  }
0x118: {  	[tilespmem:$0x4C40] =	vst v9;
	v4 =	vld [tilespmem:$0x40];
	p1 =	por !p1, p0  }
0x119: {  	[tilespmem:$0x4C50] =	vst v9;
	v2 =	vld [tilespmem:$0x20];
	s4 =	simm.s32 @p1 $0x18660  }
0x11a: {  	[tilespmem:$0x4C60] =	vst v9;
	v3 =	vld [tilespmem:$0x30];
	s7 =	simm.s32 @!p0 $0x0;
	s5 =	sshll.u32 @!p0 s4, $0x4  }
0x11b: {  	[tilespmem:$0x4C70] =	vst v9;
	v1 =	vld [tilespmem:$0x10];
	s13 =	simm.s32 @!p0 $0x780;
	s4 =	sshrl.u32 @!p0 s4, $0x3;
	s5 =	sadd.s32 @!p0 s1, s5  }
0x11c: {  	v0 =	vld [tilespmem:$0x0];
	[tilespmem:s13], [sflag:$0x1] =	stream.linear.gather @!p0 [hbm4b:s5+s7], $0x2000, $0x38  }
0x11d: {  	s4 =	sadd.s32 @!p0 s2, s4;
	s5 =	simm.s32 @!p0 $0x4780  }
0x11e: {  	[tilespmem:s5], [sflag:$0x1] =	stream.linear.gather @!p0 [hbm4b:s4+s7], $0x40, $0x38;
	[tilespmem:$0x4C80] =	vst v63  }
0x11f: {  	s28 =	sadd.s32 $0x1, s20;
	p0 =	slt.u32 s20, $0x7FFFFFFF;
	s5 =	simm.s32 $0x1  }
0x120: {  	s29 =	sshra.s32 s28, $0x1F;
	s5 =	simm.s32 @!p0 $0x0  }
0x121: {  	s30 =	sand.u32 $0x1, s28;
	s5 =	sadd.s32 s5, s29  }
0x122: {  	p6 =	seq.s32 s30, $0x1;
	p5 =	sne.s32 s5, $0x1  }
0x123: {  	s31 =	sshrl.u32 s28, $0x1F;
	p0 =	por !p5, !p6  }
0x124: {  	s4 =	sadd.s32 s31, s28;
	s5 =	simm.s32 $0x1;
	p0 =	por !p0, !p0  }
0x125: {  	s4 =	sshra.s32 s4, $0x1;
	s5 =	simm.s32 @!p0 $0x0  }
0x126: {  	s21 =	ssub.s32 s4, s5  }
0x127: {  	p0 =	slt.s32 s21, $0x1  }
.Ltmp2:
0x128: {  	_ = 	snop;
	(pc) =	sbr.rel @p0 .LBB2_12-.Ltmp2, $1  }
0x129: {  	_ =	sdelay $0x3  }
0x12a: {  	v0 =	vsub.f32 $0.0e+00, v0  }
0x12b: {  	v23 =	vsub.f32 $0.0e+00, v1  }
0x12c: {  	v32 =	vsub.f32 $0.0e+00, v2;
	[tilespmem:$0x1FEF0] =	vst v0  }
0x12d: {  	v17 =	vsub.f32 $0.0e+00, v4;
	[tilespmem:$0x1FF00] =	vst v23  }
0x12e: {  	v10 =	vsub.f32 $0.0e+00, v6;
	[tilespmem:$0x1FF10] =	vst v32  }
.Ltmp3:
0x12f: {  	v11 =	vsub.f32 $0.0e+00, v7;
	[tilespmem:$0x1FF20] =	vst v17;
	(pc) =	sbr.rel .LBB2_3-.Ltmp3, $4  }
0x130: {  	v15 =	vsub.f32 $0.0e+00, v3;
	[tilespmem:$0x1FF30] =	vst v10  }
0x131: {  	v18 =	vsub.f32 $0.0e+00, v5;
	[tilespmem:$0x1FF40] =	vst v11  }
0x132: {  	[tilespmem:$0x1FF50] =	vst v15  }
0x133: {  	s10 =	ssub.f32 $0.0e+00, s0;
	s23 =	simm.s32 $0x0;
	[tilespmem:$0x1FF60] =	vst v18  }
.LBB2_11:
0x134: {  	s23 =	sadd.s32 $0x1, s23  }
0x135: {  	p0 =	sne.s32 s23, s21  }
.Ltmp4:
0x136: {  	_ = 	snop;
	(pc) =	sbr.rel @!p0 .LBB2_12-.Ltmp4, $1  }
0x137: {  	_ =	sdelay $0x3  }
.LBB2_3:
0x138: {  	s25 =	sshll.u32 s23, $0x1  }
0x139: {  	p1 =	sge.s32 s25, s20  }
.Ltmp5:
0x13a: {  	_ = 	snop;
	(pc) =	sbr.rel @p1 .LBB2_7-.Ltmp5, $3  }
0x13b: {  	_ =	sdelay $0x1  }
0x13c: {  	s24 =	sshllo.u32 s23, $0x1  }
0x13d: {  	p0 =	sge.s32 s24, s20  }
0x13e: {  	s0 =	sadd.s32 @!p0 s19, s24  }
0x13f: {  	s0 =	sshll.u32 @!p0 s0, $0x6  }
0x140: {  	p1 =	slt.s32 @!p0 s0, $0x18660  }
0x141: {  	p1 =	por !p1, p0  }
0x142: {  	s0 =	simm.s32 @p1 $0x18660  }
0x143: {  	s4 =	sshll.u32 @!p0 s0, $0x4  }
0x144: {  	s5 =	simm.s32 @!p0 $0x0;
	s7 =	simm.s32 @!p0 $0x2780;
	s4 =	sadd.s32 @!p0 s1, s4  }
0x145: {  	[tilespmem:s7], [sflag:$0x2] =	stream.linear.gather @!p0 [hbm4b:s4+s5], $0x2000, $0x38;
	[tilespmem:$0x4C80] =	vst v63  }
0x146: {  	s7 =	simm.s32 @!p0 $0x0  }
0x147: {  	s0 =	sshrl.u32 @!p0 s0, $0x3;
	s7 =	simm.s32 @p0 $0x1  }
0x148: {  	s0 =	sadd.s32 @!p0 s2, s0;
	s4 =	simm.s32 @!p0 $0x4800;
	[smem:$0x7FD] =	sst s7  }
0x149: {  	[tilespmem:s4], [sflag:$0x2] =	stream.linear.gather @!p0 [hbm4b:s0+s5], $0x40, $0x38;
	[tilespmem:$0x4C80] =	vst v63  }
0x14a: {  	_ =	swait.ge [sflag:s15], $0x2000  }
0x14b: {  	[sflag:s15] =	ssyncset.done $0x0  }
0x14c: {  	[sflag:s15] =	ssyncadd.s32 $0xFFFFE000  }
0x14d: {  	_ =	swait.ge [sflag:s15], $0x40  }
0x14e: {  	[sflag:s15] =	ssyncset.done $0x0  }
0x14f: {  	s17 =	simm.s32 $0x4782;
	v2 =	vld [tilespmem:$0x1FEF0];
	[sflag:s15] =	ssyncadd.s32 $0xFFFFFFC0  }
0x150: {  	s22 =	simm.s32 $0x880;
	v0 =	vld [tilespmem:s17+$0x0]  }
0x151: {  	v20 =	vld [tilespmem:s22+$0x0]  }
0x152: {  	v21 =	vld [tilespmem:s22+$0x10]  }
0x153: {  	v34 =	vld [tilespmem:s22+$0x20]  }
0x154: {  	v1 =	vld [tilespmem:s22+$0x30]  }
0x155: {  	v30 =	vld [tilespmem:s22+$0x40]  }
0x156: {  	v29 =	vld [tilespmem:s22+$0x50]  }
0x157: {  	v27 =	vld [tilespmem:s22+$0x60]  }
0x158: {  	v25 =	vld [tilespmem:s22+$0x70]  }
0x159: {  	v31 =	vld [tilespmem:s22+$0xD0]  }
0x15a: {  	v26 =	vld [tilespmem:s22+$0x80]  }
0x15b: {  	v49 =	vld [tilespmem:s22+$0x90]  }
0x15c: {  	v54 =	vld [tilespmem:s22+$0xA0]  }
0x15d: {  	v52 =	vld [tilespmem:s22+$0xB0]  }
0x15e: {  	v53 =	vld [tilespmem:s22+$0xC0];
	[tilespmem:$0x1FE80] =	vst v31  }
0x15f: {  	v35 =	vld [tilespmem:s22+$0xE0];
	_ =	sdelay $0x2  }
0x160: {  	v2 =	vmul.f32 v20, v2;
	v3 =	vmul.f32 v21, v23  }
0x161: {  	v4 =	vmul.f32 v34, v32;
	v5 =	vmul.f32 v1, v15  }
0x162: {  	v16 =	vmov v10;
	v6 =	vmul.f32 v30, v17;
	v8 =	vmul.f32 v27, v10;
	v10 =	vld [tilespmem:$0x1FEF0];
	[tilespmem:$0x1FE90] =	vst v35  }
0x163: {  	v7 =	vmul.f32 v29, v18;
	v9 =	vmul.f32 v25, v11;
	v28 =	vld [tilespmem:s22+$0xF0]  }
0x164: {  	v19 =	vmovc v11;
	v11 =	vmul.f32 v49, v23;
	v12 =	vmul.f32 v54, v32;
	(v2sf) =	vpush v0, $0x0  }
0x165: {  	v22 =	vmul.f32 v53, v17;
	v23 =	vmul.f32 v31, v18;
	(v2sf) =	vpush v0, $0x1  }
0x166: {  	v13 =	vmul.f32 v52, v15;
	v0 =	vadd.f32 v3, v2;
	v2 =	vadd.f32 v5, v4  }
0x167: {  	v5 =	vadd.f32 v9, v8;
	v9 =	vadd.f32 v23, v22;
	v23 =	vld [tilespmem:$0x1FF00];
	v10 =	vmul.f32 v26, v10  }
0x168: {  	v4 =	vadd.f32 v7, v6;
	v22 =	vld [tilespmem:$0x1FFC0];
	v3 =	vmul.f32 v35, v16;
	v6 =	vmul.f32 v28, v19  }
0x169: {  	v8 =	vadd.f32 v13, v12;
	v57 =	vld [tilespmem:s22+$0xFFFFFF00]  }
0x16a: {  	v7 =	vadd.f32 v11, v10;
	v41 =	vld [tilespmem:s22+$0xFFFFFF10];
	v3 =	vadd.f32 v6, v3  }
0x16b: {  	v0 =	vadd.f32 v2, v0;
	v2 =	vadd.f32 v5, v4;
	v56 =	vld [tilespmem:s22+$0xFFFFFF20]  }
0x16c: {  	v47 =	vld [tilespmem:s22+$0xFFFFFF30];
	v4 =	vadd.f32 v8, v7;
	v3 =	vadd.f32 v3, v9  }
0x16d: {  	v48 =	vld [tilespmem:s22+$0xFFFFFF40]  }
0x16e: {  	v0 =	vadd.f32 v2, v0;
	v43 =	vld [tilespmem:s22+$0xFFFFFF50];
	v2 =	vadd.f32 v3, v4  }
0x16f: {  	v44 =	vld [tilespmem:s22+$0xFFFFFF60]  }
0x170: {  	v42 =	vld [tilespmem:s22+$0xFFFFFF70];
	v3 =	vperm.xlane v0, v22;
	v4 =	vperm.xlane v2, v22  }
0x171: {  	v62 =	vld [tilespmem:s22+$0xFFFFFF80]  }
0x172: {  	v46 =	vld [tilespmem:s22+$0xFFFFFFE0];
	v0 =	vadd.f32 v3, v0;
	v2 =	vadd.f32 v2, v4  }
0x173: {  	vm0 =	vmmov $0xff;
	v58 =	vld [tilespmem:s22+$0xFFFFFFF0]  }
0x174: {  	v5 =	vmul.f32 v56, v32;
	v6 =	vmul.f32 v47, v15;
	v0 =	vsel vm0, v0, v2;
	v2 =	vld [tilespmem:$0x1FEF0]  }
0x175: {  	v59 =	vld [tilespmem:s22+$0xFFFFFF90]  }
0x176: {  	v5 =	vadd.f32 v6, v5;
	v6 =	vld [tilespmem:$0x1FEF0];
	v3 =	vperm.xlane v0, v24  }
0x177: {  	s26 =	sadd.s32 s19, s25;
	v61 =	vld [tilespmem:s22+$0xFFFFFFA0];
	v7 =	vmul.f32 v48, v17;
	v8 =	vmul.f32 v44, v16  }
0x178: {  	s5 =	sshll.u32 s26, $0x6;
	v63 =	vld [tilespmem:s22+$0xFFFFFFB0];
	v11 =	vmul.f32 v46, v16;
	v12 =	vmul.f32 v58, v19;
	v0 =	vadd.f32 v0, v3  }
0x179: {  	p1 =	slt.s32 s5, $0x18660;
	s13 =	smov.u32 s5;
	v50 =	vld [tilespmem:s22+$0xFFFFFFC0];
	v4 =	vmul.f32 v41, v23;
	v2 =	vmul.f32 v57, v2  }
0x17a: {  	s13 =	simm.s32 @!p1 $0x18660;
	v45 =	vld [tilespmem:s22+$0xFFFFFFD0];
	s7 =	spop (v2sf);
	v3 =	vmul.f32 v43, v18;
	v9 =	vperm.xlane v0, v33  }
0x17b: {  	s26 =	ssub.s32 s5, s13;
	s5 =	smov.u32 s10;
	s4 =	spop (v2sf);
	v6 =	vmul.f32 v62, v6;
	v2 =	vadd.f32 v4, v2;
	v4 =	vmul.f32 v42, v19  }
0x17c: {  	s13 =	smov.u32 s10;
	p1 =	sle.s32 s26, $0x3;
	p2 =	slt.s32 s4, s8;
	v3 =	vadd.f32 v3, v7;
	v7 =	vmul.f32 v59, v23;
	v0 =	vadd.f32 v0, v9  }
0x17d: {  	p3 =	slt.s32 s7, s8;
	p4 =	sge.s32 s4, s3;
	s5 =	simm.s32 @!p2 $0x7149F2CA;
	v4 =	vadd.f32 v4, v8;
	v2 =	vadd.f32 v5, v2;
	v5 =	vmul.f32 v61, v32  }
0x17e: {  	s13 =	simm.s32 @!p3 $0x7149F2CA;
	p2 =	sge.s32 s7, s3;
	s5 =	simm.s32 @!p4 $0x7149F2CA;
	v6 =	vadd.f32 v7, v6;
	v8 =	vmul.f32 v63, v15;
	v10 =	vperm.xlane v0, v37  }
0x17f: {  	p3 =	sle.s32 s26, $0x2;
	s13 =	simm.s32 @!p2 $0x7149F2CA;
	s5 =	simm.s32 @!p1 $0x7149F2CA;
	v7 =	vmul.f32 v45, v18;
	v3 =	vadd.f32 v4, v3;
	v4 =	vmul.f32 v50, v17  }
0x180: {  	s13 =	simm.s32 @!p3 $0x7149F2CA;
	v0 =	vadd.f32 v0, v10;
	v10 =	vmov s5;
	v5 =	vadd.f32 v8, v5  }
0x181: {  	v8 =	vadd.f32 v12, v11;
	v4 =	vadd.f32 v7, v4;
	v7 =	vsel vm0, s13, v10  }
0x182: {  	v0 =	vadd.f32 v0, v7  }
0x183: {  	v5 =	vadd.f32 v5, v6;
	v4 =	vadd.f32 v8, v4  }
0x184: {  	v0 =	vmul.f32 $1.442695020e+00, v0  }
0x185: {  	v2 =	vadd.f32 v3, v2;
	v3 =	vadd.f32 v4, v5  }
0x186: {  	(erf) = vpow2.f32 v0  }
0x187: {  	v0 =	vperm.xlane v2, v22;
	v4 =	vperm.xlane v3, v22;
	_ =	sdelay $0x1  }
0x188: {  	v9 =	vld [tilespmem:s17+$0xFFFFFFFE];
	v0 =	vadd.f32 v0, v2;
	v2 =	vadd.f32 v3, v4;
	_ =	sdelay $0x1  }
0x189: {  	v0 =	vsel vm0, v0, v2  }
0x18a: {  	v2 =	vperm.xlane v0, v24;
	_ =	sdelay $0x1  }
0x18b: {  	(v2sf) =	vpush v9, $0x1;
	v0 =	vadd.f32 v0, v2  }
0x18c: {  	(v2sf) =	vpush v9, $0x0  }
0x18d: {  	v3 =	vperm.xlane v0, v33  }
0x18e: {  	s22 =	simm.s32 $0xA80  }
0x18f: {  	v0 =	vadd.f32 v0, v3;
	v3 =	vld [tilespmem:s22+$0x10];
	_ =	sdelay $0x3  }
0x190: {  	s0 =	simm.s32 $0x4786;
	v51 =	vld [tilespmem:s22+$0x0]  }
0x191: {  	v8 =	vld [tilespmem:s0+$0x0];
	[tilespmem:$0x1FEA0] =	vst v3  }
0x192: {  	v31 =	vld [tilespmem:s22+$0x20];
	_ =	sdelay $0x4  }
0x193: {  	s28 =	smov.u32 s10;
	p1 =	sle.s32 s26, $0x1;
	s9 =	spop (v2sf);
	v2 =	vpop (erf);
	[tilespmem:$0x1FEB0] =	vst v31  }
0x194: {  	s17 =	smov.u32 s10;
	p2 =	slt.s32 s9, s8;
	s14 =	spop (v2sf);
	v2 =	vadd.f32 $1.000000000e+00, v2;
	v35 =	vld [tilespmem:s22+$0x50]  }
0x195: {  	p3 =	sge.s32 s9, s3;
	p4 =	slt.s32 s14, s8;
	s17 =	simm.s32 @!p2 $0x7149F2CA  }
0x196: {  	p2 =	sge.s32 s14, s3;
	s28 =	simm.s32 @!p4 $0x7149F2CA;
	s17 =	simm.s32 @!p3 $0x7149F2CA;
	(erf) = vrcp.f32 v2;
	v2 =	vperm.xlane v0, v37  }
0x197: {  	p3 =	sle.s32 s26, $0x0;
	s28 =	simm.s32 @!p2 $0x7149F2CA;
	s17 =	simm.s32 @!p1 $0x7149F2CA  }
0x198: {  	s28 =	simm.s32 @!p3 $0x7149F2CA;
	v6 =	vmov s17;
	v0 =	vadd.f32 v0, v2;
	v55 =	vld [tilespmem:s22+$0x30]  }
0x199: {  	v2 =	vsel vm0, s28, v6;
	v7 =	vld [tilespmem:s22+$0x40];
	[tilespmem:$0x1FEC0] =	vst v35  }
0x19a: {  	v0 =	vadd.f32 v0, v2;
	v2 =	vld [tilespmem:s22+$0x70];
	_ =	sdelay $0x4  }
0x19b: {  	v60 =	vld [tilespmem:s22+$0x60];
	[tilespmem:$0x1FED0] =	vst v2  }
0x19c: {  	v36 =	vld [tilespmem:s22+$0x80];
	_ =	sdelay $0x2  }
0x19d: {  	v0 =	vmul.f32 $1.442695020e+00, v0;
	_ =	sdelay $0x1  }
0x19e: {  	v9 =	vpop (erf);
	(erf) = vpow2.f32 v0;
	v0 =	vld [tilespmem:$0x1FEF0];
	[tilespmem:$0x1FEE0] =	vst v36  }
0x19f: {  	v40 =	vld [tilespmem:s22+$0x90]  }
0x1a0: {  	v39 =	vld [tilespmem:s22+$0xA0]  }
0x1a1: {  	v38 =	vld [tilespmem:s22+$0xB0]  }
0x1a2: {  	v10 =	vbroadcast v9, $0x0;
	v4 =	vld [tilespmem:s22+$0xC0]  }
0x1a3: {  	v5 =	vld [tilespmem:s22+$0xD0]  }
0x1a4: {  	s7 =	sshll.u32 s7, $0x7;
	v12 =	vmul.f32 v3, v23;
	v11 =	vmul.f32 v10, v20;
	v3 =	vld [tilespmem:s22+$0xE0]  }
0x1a5: {  	s7 =	sand.u32 $0x380, s7;
	v13 =	vmul.f32 v10, v21;
	v6 =	vld [tilespmem:s22+$0xF0]  }
0x1a6: {  	v20 =	vmov v37;
	v37 =	vmul.f32 v10, v34;
	[tilespmem:s7+$0x4880] =	vst.add.f32.msk $0xffff, v11  }
0x1a7: {  	[tilespmem:s7+$0x4890] =	vst.add.f32.msk $0xffff, v13  }
0x1a8: {  	v1 =	vmul.f32 v10, v1;
	[tilespmem:s7+$0x48A0] =	vst.add.f32.msk $0xffff, v37  }
0x1a9: {  	v11 =	vmul.f32 v35, v18;
	v35 =	vmul.f32 v2, v19;
	v2 =	vld [tilespmem:$0x1FEF0];
	[tilespmem:$0x1FDA0] =	vst v40  }
0x1aa: {  	[tilespmem:s7+$0x48B0] =	vst.add.f32.msk $0xffff, v1  }
0x1ab: {  	v30 =	vmul.f32 v10, v30;
	[tilespmem:$0x1FDB0] =	vst v39  }
0x1ac: {  	[tilespmem:$0x1FDC0] =	vst v38  }
0x1ad: {  	(v2sf) =	vpush v8, $0x0;
	v31 =	vmul.f32 v31, v32;
	v0 =	vmul.f32 v51, v0;
	[tilespmem:s7+$0x48C0] =	vst.add.f32.msk $0xffff, v30  }
0x1ae: {  	(v2sf) =	vpush v8, $0x1;
	v21 =	vmovc v33;
	v29 =	vmul.f32 v10, v29;
	v33 =	vmul.f32 v55, v15;
	[tilespmem:$0x1FDD0] =	vst v4  }
0x1af: {  	v34 =	vmul.f32 v7, v17;
	v0 =	vadd.f32 v12, v0;
	v13 =	vmul.f32 v60, v16;
	[tilespmem:$0x1FDE0] =	vst v5  }
0x1b0: {  	v8 =	vadd.f32 v33, v31;
	v37 =	vmul.f32 v40, v23;
	v30 =	vmul.f32 v4, v17;
	[tilespmem:s7+$0x48D0] =	vst.add.f32.msk $0xffff, v29  }
0x1b1: {  	v11 =	vadd.f32 v11, v34;
	v4 =	vbroadcast v9, $0x8;
	v9 =	vmul.f32 v10, v25;
	[tilespmem:$0x1FDF0] =	vst v3;
	v25 =	vld [tilespmem:$0x1FEF0]  }
0x1b2: {  	v14 =	vmovc v32;
	v13 =	vadd.f32 v35, v13;
	v12 =	vmul.f32 v3, v16;
	v36 =	vmul.f32 v36, v2;
	v32 =	vld [tilespmem:s22+$0xFFFFFF00]  }
0x1b3: {  	v0 =	vadd.f32 v8, v0;
	v1 =	vmul.f32 v39, v14;
	v39 =	vmul.f32 v38, v15;
	v2 =	vld [tilespmem:s22+$0xFFFFFF10]  }
0x1b4: {  	v8 =	vadd.f32 v13, v11;
	v38 =	vmul.f32 v5, v18;
	v29 =	vmul.f32 v6, v19;
	v3 =	vld [tilespmem:s22+$0xFFFFFF20]  }
0x1b5: {  	v31 =	vadd.f32 v37, v36;
	v1 =	vadd.f32 v39, v1;
	v35 =	vld [tilespmem:s22+$0xFFFFFF30]  }
0x1b6: {  	v11 =	vpop (erf);
	v30 =	vadd.f32 v38, v30;
	v12 =	vadd.f32 v29, v12;
	v38 =	vld [tilespmem:s22+$0xFFFFFF40]  }
0x1b7: {  	v11 =	vadd.f32 $1.000000000e+00, v11;
	v40 =	vld [tilespmem:s22+$0xFFFFFF50]  }
0x1b8: {  	v13 =	vadd.f32 v1, v31;
	v1 =	vld [tilespmem:s22+$0xFFFFFF60];
	v12 =	vadd.f32 v12, v30  }
0x1b9: {  	v0 =	vadd.f32 v8, v0;
	v5 =	vld [tilespmem:s22+$0xFFFFFF70]  }
0x1ba: {  	(erf) = vrcp.f32 v11;
	v31 =	vmul.f32 v10, v27;
	v27 =	vld [tilespmem:s22+$0xFFFFFF80];
	v8 =	vadd.f32 v12, v13  }
0x1bb: {  	v11 =	vperm.xlane v0, v22;
	v10 =	vmul.f32 v4, v28;
	v28 =	vld [tilespmem:s22+$0xFFFFFF90]  }
0x1bc: {  	v29 =	vld [tilespmem:s22+$0xFFFFFFA0];
	v13 =	vmul.f32 v32, v25;
	[tilespmem:$0x1FE00] =	vst v38;
	v12 =	vperm.xlane v8, v22  }
0x1bd: {  	v0 =	vadd.f32 v11, v0;
	v36 =	vmul.f32 v2, v23;
	v34 =	vmul.f32 v3, v14;
	[tilespmem:s7+$0x48E0] =	vst.add.f32.msk $0xffff, v31  }
0x1be: {  	v33 =	vmov v35;
	v11 =	vmul.f32 v35, v15;
	v35 =	vld [tilespmem:s22+$0xFFFFFFB0];
	[tilespmem:$0x1FE10] =	vst v1;
	v8 =	vadd.f32 v8, v12  }
0x1bf: {  	v39 =	vmov v2;
	v2 =	vmul.f32 v40, v18;
	v12 =	vmul.f32 v38, v17;
	v31 =	vld [tilespmem:s22+$0xFFFFFFC0];
	[tilespmem:$0x1FE20] =	vst v5  }
0x1c0: {  	v11 =	vadd.f32 v11, v34;
	v0 =	vsel vm0, v0, v8;
	v8 =	vadd.f32 v36, v13;
	v36 =	vld [tilespmem:s22+$0xFFFFFFD0];
	[tilespmem:$0x1FE30] =	vst v27  }
0x1c1: {  	v13 =	vmul.f32 v5, v19;
	v5 =	vadd.f32 v2, v12;
	v12 =	vmul.f32 v27, v25;
	v27 =	vld [tilespmem:s22+$0xFFFFFFE0];
	[tilespmem:$0x1FE40] =	vst v28  }
0x1c2: {  	v37 =	vmovc v32;
	v32 =	vmov v3;
	v3 =	vmul.f32 v1, v16;
	v1 =	vperm.xlane v0, v24;
	[tilespmem:s7+$0x48F0] =	vst.add.f32.msk $0xffff, v9  }
0x1c3: {  	v8 =	vadd.f32 v11, v8;
	v11 =	vmul.f32 v35, v15;
	[tilespmem:$0x1FE50] =	vst v29  }
0x1c4: {  	s4 =	sshll.u32 s4, $0x7;
	v0 =	vadd.f32 v0, v1;
	v1 =	vmul.f32 v28, v23;
	[tilespmem:$0x1FE60] =	vst v35  }
0x1c5: {  	s28 =	sand.u32 $0x380, s4;
	v3 =	vadd.f32 v13, v3;
	v9 =	vmul.f32 v29, v14;
	v13 =	vmul.f32 v4, v26;
	v26 =	vld [tilespmem:s22+$0xFFFFFFF0]  }
0x1c6: {  	s14 =	sshll.u32 s14, $0x7;
	s4 =	spop (v2sf);
	[tilespmem:s28+$0x48F0] =	vst.add.f32.msk $0xffff, v10;
	v2 =	vadd.f32 v1, v12;
	v12 =	vperm.xlane v0, v21  }
0x1c7: {  	s5 =	smov.u32 s10;
	s13 =	sand.u32 $0x380, s14;
	s17 =	spop (v2sf);
	v30 =	vmul.f32 v4, v54;
	v10 =	vmul.f32 v4, v49;
	v9 =	vadd.f32 v11, v9;
	[tilespmem:s28+$0x4880] =	vst.add.f32.msk $0xffff, v13;
	v11 =	vpop (erf)  }
0x1c8: {  	s14 =	smov.u32 s10;
	p1 =	sle.s32 s26, $0x7;
	p2 =	slt.s32 s17, s8;
	v5 =	vadd.f32 v3, v5;
	v3 =	vld [tilespmem:s0+$0xFFFFFFFE];
	v0 =	vadd.f32 v0, v12;
	v12 =	vbroadcast v11, $0x0  }
0x1c9: {  	p3 =	slt.s32 s4, s8;
	p4 =	sge.s32 s17, s3;
	s14 =	simm.s32 @!p2 $0x7149F2CA;
	v13 =	vmul.f32 v31, v17;
	[tilespmem:s28+$0x48A0] =	vst.add.f32.msk $0xffff, v30;
	v35 =	vmul.f32 v36, v18  }
0x1ca: {  	s5 =	simm.s32 @!p3 $0x7149F2CA;
	p2 =	sge.s32 s4, s3;
	s14 =	simm.s32 @!p4 $0x7149F2CA;
	[tilespmem:s28+$0x4890] =	vst.add.f32.msk $0xffff, v10;
	v2 =	vadd.f32 v9, v2;
	v9 =	vmul.f32 v12, v57;
	v10 =	vperm.xlane v0, v20  }
0x1cb: {  	p3 =	sle.s32 s26, $0x6;
	s5 =	simm.s32 @!p2 $0x7149F2CA;
	s14 =	simm.s32 @!p1 $0x7149F2CA;
	v1 =	vmul.f32 v27, v16;
	v5 =	vadd.f32 v5, v8;
	[tilespmem:$0x1FE70] =	vst v26;
	v54 =	vmul.f32 v26, v19  }
0x1cc: {  	s5 =	simm.s32 @!p3 $0x7149F2CA;
	v13 =	vadd.f32 v35, v13;
	v0 =	vadd.f32 v0, v10;
	[tilespmem:s13+$0x4880] =	vst.add.f32.msk $0xffff, v9;
	v9 =	vmov s14  }
0x1cd: {  	v41 =	vmul.f32 v12, v41;
	v1 =	vadd.f32 v54, v1;
	v9 =	vsel vm0, s5, v9  }
0x1ce: {  	v57 =	vmul.f32 v12, v47;
	(v2sf) =	vpush v3, $0x1;
	v0 =	vadd.f32 v0, v9  }
0x1cf: {  	v30 =	vmul.f32 v12, v48;
	v8 =	vmul.f32 v12, v42;
	[tilespmem:s13+$0x4890] =	vst.add.f32.msk $0xffff, v41;
	v1 =	vadd.f32 v1, v13  }
0x1d0: {  	(v2sf) =	vpush v3, $0x0;
	v10 =	vmul.f32 v12, v56;
	[tilespmem:s13+$0x48B0] =	vst.add.f32.msk $0xffff, v57;
	v0 =	vmul.f32 $1.442695020e+00, v0  }
0x1d1: {  	v3 =	vbroadcast v11, $0x8;
	[tilespmem:s13+$0x48C0] =	vst.add.f32.msk $0xffff, v30;
	v9 =	vmul.f32 v12, v43;
	v1 =	vadd.f32 v1, v2  }
0x1d2: {  	[tilespmem:s13+$0x48A0] =	vst.add.f32.msk $0xffff, v10;
	v10 =	vmul.f32 v12, v44;
	(erf) = vpow2.f32 v0  }
0x1d3: {  	[tilespmem:s13+$0x48F0] =	vst.add.f32.msk $0xffff, v8;
	v0 =	vperm.xlane v5, v22;
	v8 =	vperm.xlane v1, v22  }
0x1d4: {  	s0 =	sshll.u32 s9, $0x7;
	[tilespmem:s13+$0x48D0] =	vst.add.f32.msk $0xffff, v9;
	v2 =	vmul.f32 v3, v62  }
0x1d5: {  	s29 =	sand.u32 $0x380, s0;
	[tilespmem:s13+$0x48E0] =	vst.add.f32.msk $0xffff, v10;
	v0 =	vadd.f32 v0, v5;
	v1 =	vadd.f32 v1, v8  }
0x1d6: {  	[tilespmem:s29+$0x4880] =	vst.add.f32.msk $0xffff, v2;
	v2 =	vmul.f32 v3, v63  }
0x1d7: {  	v0 =	vsel vm0, v0, v1  }
0x1d8: {  	[tilespmem:s29+$0x48B0] =	vst.add.f32.msk $0xffff, v2;
	v2 =	vperm.xlane v0, v24;
	_ =	sdelay $0x1  }
0x1d9: {  	v9 =	vmul.f32 v3, v59  }
0x1da: {  	v5 =	vmul.f32 v3, v50;
	v0 =	vadd.f32 v0, v2  }
0x1db: {  	v10 =	vmul.f32 v3, v61;
	[tilespmem:s29+$0x4890] =	vst.add.f32.msk $0xffff, v9;
	v2 =	vpop (erf)  }
0x1dc: {  	v8 =	vmul.f32 v3, v45;
	[tilespmem:s29+$0x48C0] =	vst.add.f32.msk $0xffff, v5;
	v5 =	vperm.xlane v0, v21;
	v2 =	vadd.f32 $1.000000000e+00, v2  }
0x1dd: {  	p1 =	sle.s32 s26, $0x5;
	s0 =	smov.u32 s10;
	[tilespmem:s29+$0x48A0] =	vst.add.f32.msk $0xffff, v10;
	v1 =	vmul.f32 v3, v46;
	s22 =	spop (v2sf)  }
0x1de: {  	s14 =	smov.u32 s10;
	[tilespmem:s29+$0x48D0] =	vst.add.f32.msk $0xffff, v8;
	p2 =	slt.s32 s22, s8;
	s9 =	spop (v2sf);
	v0 =	vadd.f32 v0, v5;
	(erf) = vrcp.f32 v2  }
0x1df: {  	[tilespmem:s29+$0x48E0] =	vst.add.f32.msk $0xffff, v1;
	p3 =	sge.s32 s22, s3;
	p4 =	slt.s32 s9, s8;
	s0 =	simm.s32 @!p2 $0x7149F2CA  }
0x1e0: {  	v1 =	vld [tilespmem:$0x1FE80];
	p2 =	sge.s32 s9, s3;
	s14 =	simm.s32 @!p4 $0x7149F2CA;
	s0 =	simm.s32 @!p3 $0x7149F2CA;
	v2 =	vperm.xlane v0, v20  }
0x1e1: {  	p3 =	sle.s32 s26, $0x4;
	s14 =	simm.s32 @!p2 $0x7149F2CA;
	s0 =	simm.s32 @!p1 $0x7149F2CA  }
0x1e2: {  	s14 =	simm.s32 @!p3 $0x7149F2CA;
	v5 =	vmov s0;
	v0 =	vadd.f32 v0, v2  }
0x1e3: {  	v2 =	vsel vm0, s14, v5  }
0x1e4: {  	v0 =	vadd.f32 v0, v2  }
0x1e5: {  	v57 =	vmul.f32 v4, v1;
	v1 =	vld [tilespmem:$0x1FE90]  }
0x1e6: {  	v0 =	vmul.f32 $1.442695020e+00, v0  }
0x1e7: {  	v61 =	vmul.f32 v3, v58;
	v2 =	vpop (erf)  }
0x1e8: {  	s30 =	simm.s32 $0x478A;
	(erf) = vpow2.f32 v0;
	v0 =	vld [tilespmem:$0x1FEA0];
	v3 =	vbroadcast v2, $0x0  }
0x1e9: {  	s31 =	simm.s32 $0xC80;
	v11 =	vld [tilespmem:s30+$0x0];
	v59 =	vmul.f32 v4, v52;
	v58 =	vmul.f32 v4, v53  }
0x1ea: {  	v42 =	vld [tilespmem:s31+$0x20];
	s14 =	sshll.u32 s4, $0x7;
	v56 =	vmul.f32 v4, v1;
	v4 =	vmul.f32 v3, v51  }
0x1eb: {  	v47 =	vld [tilespmem:s31+$0x50];
	s0 =	sand.u32 $0x380, s14  }
0x1ec: {  	[tilespmem:s0+$0x4880] =	vst.add.f32.msk $0xffff, v4  }
0x1ed: {  	v8 =	vmul.f32 v3, v0;
	v0 =	vld [tilespmem:$0x1FEB0]  }
0x1ee: {  	v48 =	vld [tilespmem:s31+$0x60]  }
0x1ef: {  	v49 =	vld [tilespmem:s31+$0x70]  }
0x1f0: {  	v41 =	vld [tilespmem:s31+$0x10]  }
0x1f1: {  	[tilespmem:s0+$0x4890] =	vst.add.f32.msk $0xffff, v8;
	v8 =	vmul.f32 v3, v55  }
0x1f2: {  	v54 =	vld [tilespmem:s31+$0xE0];
	v4 =	vmul.f32 v3, v0  }
0x1f3: {  	[tilespmem:s0+$0x48B0] =	vst.add.f32.msk $0xffff, v8  }
0x1f4: {  	[tilespmem:s0+$0x48A0] =	vst.add.f32.msk $0xffff, v4  }
0x1f5: {  	v0 =	vld [tilespmem:$0x1FEC0]  }
0x1f6: {  	v43 =	vld [tilespmem:s31+$0x0]  }
0x1f7: {  	v44 =	vld [tilespmem:s31+$0x30]  }
0x1f8: {  	v62 =	vld [tilespmem:s31+$0xA0]  }
0x1f9: {  	v52 =	vld [tilespmem:s31+$0xC0];
	v4 =	vmul.f32 v3, v7  }
0x1fa: {  	v45 =	vld [tilespmem:s31+$0x80];
	v7 =	vmul.f32 v3, v0  }
0x1fb: {  	[tilespmem:s0+$0x48C0] =	vst.add.f32.msk $0xffff, v4  }
0x1fc: {  	[tilespmem:s0+$0x48D0] =	vst.add.f32.msk $0xffff, v7  }
0x1fd: {  	v0 =	vld [tilespmem:$0x1FED0]  }
0x1fe: {  	v26 =	vmul.f32 v47, v18;
	v12 =	vmul.f32 v48, v16;
	v50 =	vld [tilespmem:s31+$0xB0]  }
0x1ff: {  	v53 =	vld [tilespmem:s31+$0xD0];
	v13 =	vmul.f32 v41, v23;
	v9 =	vmul.f32 v49, v19  }
0x200: {  	v34 =	vmov v31;
	v63 =	vld [tilespmem:s31+$0x90];
	v31 =	vmul.f32 v45, v25;
	v21 =	vmul.f32 v44, v15  }
0x201: {  	v46 =	vld [tilespmem:s31+$0x40];
	v55 =	vbroadcast v2, $0x8;
	v4 =	vmul.f32 v3, v60  }
0x202: {  	v20 =	vmul.f32 v42, v14;
	v51 =	vld [tilespmem:s31+$0xF0];
	v3 =	vmul.f32 v3, v0  }
0x203: {  	s4 =	sshll.u32 s17, $0x7;
	v5 =	vmul.f32 v50, v15;
	[tilespmem:s0+$0x48E0] =	vst.add.f32.msk $0xffff, v4;
	v4 =	vmul.f32 v55, v6  }
0x204: {  	(v2sf) =	vpush v11, $0x0;
	s4 =	sand.u32 $0x380, s4;
	v1 =	vmul.f32 v43, v25;
	v8 =	vmul.f32 v62, v14;
	v7 =	vpop (erf);
	[tilespmem:s0+$0x48F0] =	vst.add.f32.msk $0xffff, v3  }
0x205: {  	v10 =	vadd.f32 $1.000000000e+00, v7;
	v0 =	vmul.f32 v53, v18;
	[tilespmem:s4+$0x48F0] =	vst.add.f32.msk $0xffff, v4;
	v4 =	vmul.f32 v52, v17  }
0x206: {  	v14 =	vadd.f32 v13, v1;
	v1 =	vmul.f32 v54, v16;
	v13 =	vadd.f32 v9, v12;
	v6 =	vld [tilespmem:s31+$0xFFFFFF00]  }
0x207: {  	v12 =	vmul.f32 v51, v19;
	(erf) = vrcp.f32 v10;
	v10 =	vadd.f32 v0, v4;
	v0 =	vld [tilespmem:$0x1FEE0]  }
0x208: {  	v24 =	vmul.f32 v46, v17;
	(v2sf) =	vpush v11, $0x1;
	v9 =	vadd.f32 v5, v8;
	v5 =	vld [tilespmem:s31+$0xFFFFFF30]  }
0x209: {  	v11 =	vadd.f32 v21, v20;
	v2 =	vmul.f32 v63, v23;
	v12 =	vadd.f32 v12, v1;
	v1 =	vld [tilespmem:s31+$0xFFFFFF40]  }
0x20a: {  	s22 =	sshll.u32 s22, $0x7;
	v35 =	vadd.f32 v26, v24;
	v60 =	vld [tilespmem:s31+$0xFFFFFF50]  }
0x20b: {  	v38 =	vmovc v36;
	v36 =	vmovc v27;
	v27 =	vmov v18;
	s13 =	sand.u32 $0x380, s22;
	s17 =	sshll.u32 s9, $0x7;
	v2 =	vadd.f32 v2, v31;
	v11 =	vadd.f32 v11, v14;
	v7 =	vld [tilespmem:s31+$0xFFFFFF10]  }
0x20c: {  	v26 =	vmovc v15;
	s5 =	sand.u32 $0x380, s17;
	s14 =	simm.s32 $0xC;
	v13 =	vadd.f32 v13, v35;
	v3 =	vld [tilespmem:s31+$0xFFFFFF20];
	s0 =	simm.s32 $0x8;
	v4 =	vmul.f32 v55, v0;
	v0 =	vmul.f32 v6, v25  }
.LBB2_5:
0x20d: {  	v8 =	vld [tilespmem:s31+$0xFFFFFF60]  }
0x20e: {  	v28 =	vld [tilespmem:$0x1FF10]  }
0x20f: {  	v29 =	vld [tilespmem:$0x1FF20]  }
0x210: {  	v30 =	vld [tilespmem:$0x1FF30]  }
0x211: {  	v31 =	vld [tilespmem:$0x1FF40]  }
0x212: {  	v35 =	vld [tilespmem:$0x1FFE0];
	v14 =	vmul.f32 v7, v23  }
0x213: {  	v12 =	vadd.f32 v12, v10;
	v10 =	vld [tilespmem:$0x1FDA0]  }
0x214: {  	v2 =	vadd.f32 v9, v2;
	v14 =	vadd.f32 v14, v0;
	v0 =	vld [tilespmem:$0x1FDB0]  }
0x215: {  	v9 =	vld [tilespmem:s31+$0xFFFFFF70]  }
0x216: {  	v11 =	vadd.f32 v13, v11;
	[tilespmem:s4+$0x4880] =	vst.add.f32.msk $0xffff, v4;
	v13 =	vadd.f32 v12, v2  }
0x217: {  	v2 =	vld [tilespmem:s31+$0xFFFFFF90]  }
0x218: {  	v12 =	vld [tilespmem:s31+$0xFFFFFFB0];
	v24 =	vperm.xlane v13, v22;
	v16 =	vmul.f32 v55, v10;
	v10 =	vmov v63  }
0x219: {  	v21 =	vmul.f32 v8, v30;
	v63 =	vld [tilespmem:s31+$0xFFFFFFA0];
	[tilespmem:$0x1FDA0] =	vst v10;
	v19 =	vmul.f32 v55, v0;
	v0 =	vmov v62  }
0x21a: {  	v10 =	vld [tilespmem:s31+$0xFFFFFF80];
	[tilespmem:$0x1FDB0] =	vst v0;
	v0 =	vperm.xlane v11, v22;
	v22 =	vmul.f32 v9, v31  }
0x21b: {  	v13 =	vadd.f32 v13, v24;
	v24 =	vld [tilespmem:$0x1FFD0]  }
0x21c: {  	v21 =	vadd.f32 v22, v21;
	v22 =	vld [tilespmem:$0x1FF00]  }
0x21d: {  	v17 =	vmul.f32 v5, v26;
	v15 =	vmul.f32 v3, v28;
	v62 =	vld [tilespmem:s31+$0xFFFFFFC0];
	v23 =	vadd.f32 v0, v11  }
0x21e: {  	v20 =	vmul.f32 v60, v27;
	v18 =	vmul.f32 v1, v29;
	v11 =	vld [tilespmem:s31+$0xFFFFFFD0]  }
0x21f: {  	v15 =	vadd.f32 v17, v15;
	[tilespmem:s4+$0x4890] =	vst.add.f32.msk $0xffff, v16;
	v13 =	vsel vm0, v23, v13  }
0x220: {  	v18 =	vadd.f32 v20, v18;
	v20 =	vmul.f32 v10, v25;
	v25 =	vld [tilespmem:s30+$0xFFFFFFFE];
	v24 =	vperm.xlane v13, v24  }
0x221: {  	v14 =	vadd.f32 v15, v14;
	v15 =	vmul.f32 v63, v28;
	v0 =	vld [tilespmem:s31+$0xFFFFFFE0];
	v22 =	vmul.f32 v2, v22  }
0x222: {  	v23 =	vld [tilespmem:s31+$0xFFFFFFF0];
	v18 =	vadd.f32 v21, v18;
	v21 =	vmul.f32 v12, v26;
	v13 =	vadd.f32 v13, v24  }
0x223: {  	[tilespmem:s29+$0x48F0] =	vst.add.f32.msk $0xffff, v61;
	v61 =	vmul.f32 v11, v27;
	v20 =	vadd.f32 v22, v20;
	v22 =	vmul.f32 v62, v29  }
0x224: {  	[tilespmem:s4+$0x48A0] =	vst.add.f32.msk $0xffff, v19;
	v14 =	vadd.f32 v18, v14  }
0x225: {  	v17 =	vpop (erf);
	v15 =	vadd.f32 v21, v15;
	v21 =	vperm.xlane v13, v35;
	v18 =	vadd.f32 v61, v22;
	v22 =	vld [tilespmem:$0x1FFC0]  }
0x226: {  	[tilespmem:s28+$0x48B0] =	vst.add.f32.msk $0xffff, v59;
	v24 =	vbroadcast v17, $0x0  }
0x227: {  	v4 =	vmul.f32 v0, v30;
	v16 =	vmul.f32 v23, v31;
	v13 =	vadd.f32 v13, v21;
	v21 =	vld [tilespmem:$0x1FFF0]  }
0x228: {  	s22 =	sadd.s32 $0x3, s0;
	s9 =	sadd.s32 $0x2, s0;
	s7 =	spop (v2sf);
	[tilespmem:s28+$0x48C0] =	vst.add.f32.msk $0xffff, v58  }
0x229: {  	p2 =	sge.s32 s22, s26;
	s22 =	smov.u32 s10;
	s17 =	spop (v2sf);
	[tilespmem:s28+$0x48D0] =	vst.add.f32.msk $0xffff, v57;
	v59 =	vmul.f32 v24, v37;
	v4 =	vadd.f32 v16, v4  }
0x22a: {  	[tilespmem:s28+$0x48E0] =	vst.add.f32.msk $0xffff, v56;
	p3 =	slt.s32 s17, s8;
	s29 =	smov.u32 s13;
	s13 =	smov.u32 s10;
	v57 =	vmul.f32 v24, v33;
	v61 =	vperm.xlane v14, v22  }
0x22b: {  	p4 =	slt.s32 s7, s8;
	p5 =	sge.s32 s17, s3;
	s13 =	simm.s32 @!p3 $0x7149F2CA;
	v15 =	vadd.f32 v15, v20;
	v20 =	vmul.f32 v24, v32;
	[tilespmem:s5+$0x4880] =	vst.add.f32.msk $0xffff, v59;
	v4 =	vadd.f32 v4, v18  }
0x22c: {  	s22 =	simm.s32 @!p4 $0x7149F2CA;
	p3 =	sge.s32 s7, s3;
	s13 =	simm.s32 @!p5 $0x7149F2CA;
	v58 =	vperm.xlane v13, v21;
	v14 =	vadd.f32 v61, v14;
	v61 =	vmul.f32 v24, v39;
	v39 =	vmovc v7;
	v7 =	vld [tilespmem:$0x1FE00]  }
0x22d: {  	p4 =	sge.s32 s9, s26;
	s22 =	simm.s32 @!p3 $0x7149F2CA;
	s13 =	simm.s32 @!p2 $0x7149F2CA;
	[tilespmem:s5+$0x48B0] =	vst.add.f32.msk $0xffff, v57;
	v4 =	vadd.f32 v4, v15  }
0x22e: {  	s22 =	simm.s32 @!p4 $0x7149F2CA;
	v56 =	vmov s13;
	[tilespmem:s5+$0x48A0] =	vst.add.f32.msk $0xffff, v20;
	v13 =	vadd.f32 v13, v58  }
0x22f: {  	v37 =	vmov v6;
	v6 =	vsel vm0, s22, v56;
	v15 =	vperm.xlane v4, v22;
	v58 =	vld [tilespmem:$0x1FE20]  }
0x230: {  	v32 =	vmov v3;
	v3 =	vadd.f32 v13, v6;
	v13 =	vld [tilespmem:$0x1FE10]  }
0x231: {  	v33 =	vmovc v5;
	v5 =	vmov v1;
	v1 =	vadd.f32 v4, v15;
	v4 =	vld [tilespmem:$0x1FE40];
	v7 =	vmul.f32 v24, v7  }
0x232: {  	[tilespmem:s5+$0x4890] =	vst.add.f32.msk $0xffff, v61  }
0x233: {  	[tilespmem:s5+$0x48C0] =	vst.add.f32.msk $0xffff, v7  }
0x234: {  	v16 =	vbroadcast v17, $0x8;
	v59 =	vmovc v8;
	v8 =	vmov v9;
	v6 =	vmul.f32 v24, v40;
	v7 =	vld [tilespmem:$0x1FE30]  }
0x235: {  	[tilespmem:$0x1FE20] =	vst v8;
	v17 =	vmul.f32 v24, v58;
	v13 =	vmul.f32 v24, v13;
	v24 =	vld [tilespmem:$0x1FFD0]  }
0x236: {  	[tilespmem:s5+$0x48D0] =	vst.add.f32.msk $0xffff, v6  }
0x237: {  	v4 =	vmul.f32 v16, v4;
	[tilespmem:s5+$0x48F0] =	vst.add.f32.msk $0xffff, v17  }
0x238: {  	[tilespmem:s5+$0x48E0] =	vst.add.f32.msk $0xffff, v13  }
0x239: {  	v8 =	vmov v2;
	v1 =	vsel vm0, v14, v1;
	[tilespmem:s29+$0x4890] =	vst.add.f32.msk $0xffff, v4;
	v7 =	vmul.f32 v16, v7  }
0x23a: {  	[tilespmem:$0x1FE40] =	vst v8;
	v4 =	vld [tilespmem:$0x1FE70];
	v8 =	vperm.xlane v1, v24  }
0x23b: {  	[tilespmem:s29+$0x4880] =	vst.add.f32.msk $0xffff, v7;
	v7 =	vmul.f32 v16, v36;
	v36 =	vmov v0;
	v0 =	vmov v23  }
0x23c: {  	[tilespmem:$0x1FE70] =	vst v0;
	v0 =	vadd.f32 v1, v8;
	v1 =	vld [tilespmem:$0x1FDD0];
	_ =	sdelay $0x1  }
0x23d: {  	(v2sf) =	vpush v25, $0x1  }
0x23e: {  	(v2sf) =	vpush v25, $0x0;
	_ =	sdelay $0x1  }
0x23f: {  	v58 =	vmul.f32 v55, v1;
	v1 =	vld [tilespmem:$0x1FDE0]  }
0x240: {  	[tilespmem:$0x1FE00] =	vst v5;
	v5 =	vld [tilespmem:$0x1FE50];
	v3 =	vmul.f32 $1.442695020e+00, v3  }
0x241: {  	v25 =	vld [tilespmem:$0x1FEF0]  }
0x242: {  	s31 =	sadd.s32 $0x200, s31;
	(erf) = vpow2.f32 v3;
	v3 =	vld [tilespmem:$0x1FE60]  }
0x243: {  	v6 =	vmov v63;
	v63 =	vld [tilespmem:s31+$0x90]  }
0x244: {  	v2 =	vmov v12;
	v57 =	vmul.f32 v55, v1;
	v1 =	vld [tilespmem:$0x1FDF0]  }
0x245: {  	v9 =	vmovc v10;
	v5 =	vmul.f32 v16, v5;
	[tilespmem:$0x1FE60] =	vst v2;
	v2 =	vmul.f32 v16, v34;
	v34 =	vmov v62;
	v62 =	vld [tilespmem:s31+$0xA0]  }
0x246: {  	[tilespmem:$0x1FE30] =	vst v9;
	v9 =	vld [tilespmem:s31+$0x70]  }
0x247: {  	[tilespmem:s29+$0x48A0] =	vst.add.f32.msk $0xffff, v5  }
0x248: {  	[tilespmem:$0x1FE50] =	vst v6;
	v61 =	vmul.f32 v16, v4;
	v4 =	vld [tilespmem:$0x1FDC0]  }
0x249: {  	v6 =	vmul.f32 v16, v38;
	[tilespmem:s29+$0x48C0] =	vst.add.f32.msk $0xffff, v2;
	v56 =	vmul.f32 v55, v1;
	v1 =	vmov v54  }
0x24a: {  	s9 =	sadd.s32 $0x1, s0;
	v38 =	vmov v11;
	v11 =	vld [tilespmem:s31+$0x80];
	[tilespmem:$0x1FDF0] =	vst v1;
	v1 =	vperm.xlane v0, v35  }
0x24b: {  	p3 =	sge.s32 s9, s26;
	s9 =	smov.u32 s10;
	s13 =	spop (v2sf);
	[tilespmem:s29+$0x48D0] =	vst.add.f32.msk $0xffff, v6;
	v3 =	vmul.f32 v16, v3  }
0x24c: {  	[tilespmem:$0x1FE10] =	vst v59;
	p5 =	slt.s32 s13, s8;
	s22 =	spop (v2sf);
	s5 =	smov.u32 s10;
	v6 =	vld [tilespmem:s31+$0x10];
	v2 =	vpop (erf);
	v0 =	vadd.f32 v0, v1  }
0x24d: {  	p4 =	sge.s32 s13, s3;
	p0 =	slt.s32 s22, s8;
	s5 =	simm.s32 @!p5 $0x7149F2CA;
	[tilespmem:s29+$0x48B0] =	vst.add.f32.msk $0xffff, v3;
	v2 =	vadd.f32 $1.000000000e+00, v2;
	v59 =	vmul.f32 v55, v4;
	v4 =	vmov v52  }
0x24e: {  	p6 =	sge.s32 s22, s3;
	s9 =	simm.s32 @!p0 $0x7149F2CA;
	v5 =	vmov v50;
	v50 =	vld [tilespmem:s31+$0xB0];
	s5 =	simm.s32 @!p4 $0x7149F2CA;
	[tilespmem:$0x1FDD0] =	vst v4;
	v4 =	vperm.xlane v0, v21  }
0x24f: {  	p2 =	sge.s32 s0, s26;
	s9 =	simm.s32 @!p6 $0x7149F2CA;
	s5 =	simm.s32 @!p3 $0x7149F2CA;
	v23 =	vld [tilespmem:$0x1FF00];
	(erf) = vrcp.f32 v2  }
0x250: {  	s9 =	simm.s32 @!p2 $0x7149F2CA;
	[tilespmem:$0x1FDC0] =	vst v5;
	v5 =	vmov s5;
	v8 =	vld [tilespmem:s31+$0x60];
	v0 =	vadd.f32 v0, v4  }
0x251: {  	v3 =	vmov v53;
	v53 =	vld [tilespmem:s31+$0xD0];
	v5 =	vsel vm0, s9, v5  }
0x252: {  	[tilespmem:s29+$0x48E0] =	vst.add.f32.msk $0xffff, v7;
	v0 =	vadd.f32 v0, v5  }
0x253: {  	v7 =	vld [tilespmem:s31+$0x20]  }
0x254: {  	s30 =	sadd.s32 $0x4, s30;
	v2 =	vld [tilespmem:s31+$0x30];
	v0 =	vmul.f32 $1.442695020e+00, v0  }
0x255: {  	v1 =	vld [tilespmem:s30+$0x0]  }
0x256: {  	[tilespmem:$0x1FDE0] =	vst v3;
	v3 =	vld [tilespmem:s31+$0x0]  }
0x257: {  	v52 =	vld [tilespmem:s31+$0xC0]  }
0x258: {  	v54 =	vld [tilespmem:s31+$0xE0];
	(erf) = vpow2.f32 v0;
	v0 =	vpop (erf)  }
0x259: {  	v4 =	vld [tilespmem:s31+$0x40];
	v10 =	vbroadcast v0, $0x0  }
0x25a: {  	v17 =	vmul.f32 v62, v28;
	v18 =	vmul.f32 v50, v26;
	(v2sf) =	vpush v1, $0x0;
	v5 =	vld [tilespmem:s31+$0x50]  }
0x25b: {  	s28 =	smov.u32 s4;
	s4 =	sshll.u32 s22, $0x7;
	s9 =	sshll.u32 s7, $0x7;
	v14 =	vmul.f32 v6, v23;
	(v2sf) =	vpush v1, $0x1;
	v1 =	vld [tilespmem:s31+$0xFFFFFF40];
	v13 =	vmul.f32 v10, v43  }
0x25c: {  	v40 =	vmovc v60;
	s5 =	sand.u32 $0x380, s4;
	s4 =	sand.u32 $0x380, s9;
	v12 =	vmul.f32 v3, v25;
	v43 =	vmov v3;
	v3 =	vld [tilespmem:s31+$0xF0];
	v60 =	vmul.f32 v10, v41  }
0x25d: {  	v20 =	vmul.f32 v53, v27;
	v41 =	vmov v6;
	v6 =	vmul.f32 v10, v42;
	[tilespmem:s4+$0x4880] =	vst.add.f32.msk $0xffff, v13  }
0x25e: {  	v35 =	vmul.f32 v7, v28;
	v42 =	vmov v7;
	v7 =	vmul.f32 v10, v44;
	[tilespmem:s4+$0x4890] =	vst.add.f32.msk $0xffff, v60  }
0x25f: {  	v13 =	vmul.f32 v2, v26;
	[tilespmem:s4+$0x48A0] =	vst.add.f32.msk $0xffff, v6;
	v6 =	vmul.f32 v10, v46  }
0x260: {  	v44 =	vmov v2;
	v2 =	vmul.f32 v4, v29;
	[tilespmem:s4+$0x48B0] =	vst.add.f32.msk $0xffff, v7;
	v7 =	vmul.f32 v10, v47  }
0x261: {  	v46 =	vmovc v4;
	v4 =	vmul.f32 v5, v27;
	v47 =	vmov v5;
	v5 =	vmul.f32 v10, v48;
	[tilespmem:s4+$0x48C0] =	vst.add.f32.msk $0xffff, v6  }
0x262: {  	v14 =	vadd.f32 v14, v12;
	v55 =	vbroadcast v0, $0x8;
	[tilespmem:s4+$0x48D0] =	vst.add.f32.msk $0xffff, v7;
	v6 =	vmul.f32 v10, v49  }
0x263: {  	v12 =	vmul.f32 v54, v30;
	v48 =	vmov v8;
	v60 =	vmul.f32 v52, v29;
	[tilespmem:s4+$0x48E0] =	vst.add.f32.msk $0xffff, v5  }
0x264: {  	v0 =	vmul.f32 v48, v30;
	v5 =	vmul.f32 v55, v51;
	[tilespmem:s4+$0x48F0] =	vst.add.f32.msk $0xffff, v6  }
0x265: {  	p1 =	slt.u32 s14, $0x3C;
	v49 =	vmov v9;
	v9 =	vmul.f32 v11, v25;
	v10 =	vmul.f32 v63, v23;
	v6 =	vld [tilespmem:s31+$0xFFFFFF00]  }
.Ltmp6:
0x266: {  	v15 =	vpop (erf);
	v7 =	vld [tilespmem:s31+$0xFFFFFF10];
	v13 =	vadd.f32 v13, v35;
	v35 =	vadd.f32 v4, v2;
	v8 =	vmul.f32 v49, v31;
	(pc) =	sbr.rel @p1 .LBB2_5-.Ltmp6, $4  }
0x267: {  	s22 =	sshll.u32 s17, $0x7;
	v4 =	vmul.f32 v55, v45;
	v15 =	vadd.f32 $1.000000000e+00, v15;
	v51 =	vmovc v3;
	v3 =	vld [tilespmem:s31+$0xFFFFFF20];
	v2 =	vadd.f32 v10, v9  }
0x268: {  	s4 =	sand.u32 $0x380, s22;
	v10 =	vadd.f32 v20, v60;
	v60 =	vld [tilespmem:s31+$0xFFFFFF50];
	v8 =	vadd.f32 v8, v0;
	v0 =	vmul.f32 v51, v31  }
0x269: {  	s0 =	sshll.u32 s13, $0x7;
	v45 =	vmovc v11;
	v9 =	vadd.f32 v18, v17;
	v11 =	vadd.f32 v13, v14;
	[tilespmem:s4+$0x48F0] =	vst.add.f32.msk $0xffff, v5;
	(erf) = vrcp.f32 v15  }
0x26a: {  	s13 =	sand.u32 $0x380, s0;
	s0 =	smov.u32 s14;
	s14 =	sadd.s32 $0x4, s14;
	v5 =	vld [tilespmem:s31+$0xFFFFFF30];
	v12 =	vadd.f32 v0, v12;
	v13 =	vadd.f32 v8, v35;
	v0 =	vmul.f32 v6, v25  }
0x26b: {  	v14 =	vld [tilespmem:s31+$0xFFFFFF60];
	_ =	sdelay $0x4  }
0x26c: {  	[tilespmem:$0x1FD40] =	vst v14  }
0x26d: {  	v15 =	vld [tilespmem:s31+$0xFFFFFF70];
	_ =	sdelay $0x4  }
0x26e: {  	[tilespmem:$0x1FD50] =	vst v15  }
0x26f: {  	v8 =	vadd.f32 v12, v10;
	v12 =	vld [tilespmem:s31+$0xFFFFFF80];
	_ =	sdelay $0x4  }
0x270: {  	[tilespmem:$0x1FD60] =	vst v12  }
0x271: {  	v19 =	vld [tilespmem:s31+$0xFFFFFFA0];
	_ =	sdelay $0x3  }
0x272: {  	v35 =	vld [tilespmem:$0x1FF10]  }
0x273: {  	v2 =	vadd.f32 v9, v2;
	v20 =	vld [tilespmem:s31+$0xFFFFFF90];
	[tilespmem:$0x1FD70] =	vst v19  }
0x274: {  	v9 =	vadd.f32 v13, v11;
	v16 =	vld [tilespmem:s31+$0xFFFFFFB0]  }
0x275: {  	v2 =	vadd.f32 v8, v2  }
0x276: {  	v31 =	vld [tilespmem:$0x1FF20];
	v8 =	vperm.xlane v9, v22  }
0x277: {  	v10 =	vmul.f32 v7, v23;
	v11 =	vperm.xlane v2, v22  }
0x278: {  	v30 =	vmul.f32 v3, v35;
	v8 =	vadd.f32 v8, v9;
	v9 =	vmul.f32 v5, v26  }
0x279: {  	v29 =	vld [tilespmem:$0x1FF30];
	v2 =	vadd.f32 v2, v11;
	[tilespmem:$0x1FD80] =	vst v16  }
0x27a: {  	v21 =	vadd.f32 v10, v0;
	v9 =	vadd.f32 v9, v30;
	v18 =	vld [tilespmem:s31+$0xFFFFFFD0]  }
0x27b: {  	v28 =	vld [tilespmem:$0x1FF40];
	v13 =	vmul.f32 v60, v27;
	v11 =	vmul.f32 v1, v31;
	v8 =	vsel vm0, v8, v2  }
0x27c: {  	v2 =	vadd.f32 v9, v21;
	v25 =	vmul.f32 v12, v25;
	v9 =	vmul.f32 v20, v23;
	_ =	sdelay $0x1  }
0x27d: {  	v11 =	vadd.f32 v13, v11;
	v13 =	vperm.xlane v8, v24;
	v9 =	vadd.f32 v9, v25;
	v25 =	vld [tilespmem:$0x1FFE0]  }
0x27e: {  	v17 =	vld [tilespmem:s31+$0xFFFFFFC0];
	[tilespmem:$0x1FD90] =	vst v18  }
0x27f: {  	v10 =	vmul.f32 v14, v29;
	v14 =	vmul.f32 v15, v28;
	v8 =	vadd.f32 v8, v13;
	v13 =	vld [tilespmem:s30+$0xFFFFFFFE]  }
0x280: {  	v0 =	vld [tilespmem:s31+$0xFFFFFFE0]  }
0x281: {  	v10 =	vadd.f32 v14, v10;
	v30 =	vld [tilespmem:s31+$0xFFFFFFF0];
	_ =	sdelay $0x1  }
0x282: {  	s17 =	spop (v2sf);
	v10 =	vadd.f32 v10, v11;
	v14 =	vmul.f32 v19, v35  }
0x283: {  	s7 =	spop (v2sf);
	v15 =	vmul.f32 v16, v26;
	v12 =	vperm.xlane v8, v25;
	(v2sf) =	vpush v13, $0x1  }
0x284: {  	v16 =	vmul.f32 v17, v31;
	v11 =	vmul.f32 v18, v27;
	(v2sf) =	vpush v13, $0x0;
	v13 =	vld [tilespmem:$0x1FFF0]  }
0x285: {  	v21 =	vmov v17;
	v17 =	vmul.f32 v0, v29;
	v18 =	vmul.f32 v30, v28  }
0x286: {  	s9 =	sadd.s32 $0x3, s0;
	s14 =	sadd.s32 $0x2, s0;
	s22 =	smov.u32 s10;
	v14 =	vadd.f32 v15, v14;
	v8 =	vadd.f32 v8, v12  }
0x287: {  	p1 =	sge.s32 s9, s26;
	s9 =	smov.u32 s10;
	p0 =	slt.s32 s7, s8;
	v11 =	vadd.f32 v11, v16;
	v12 =	vadd.f32 v18, v17  }
0x288: {  	p2 =	slt.s32 s17, s8;
	p3 =	sge.s32 s7, s3;
	s9 =	simm.s32 @!p0 $0x7149F2CA  }
0x289: {  	s22 =	simm.s32 @!p2 $0x7149F2CA;
	p0 =	sge.s32 s17, s3;
	s9 =	simm.s32 @!p3 $0x7149F2CA;
	v9 =	vadd.f32 v14, v9;
	v11 =	vadd.f32 v12, v11;
	v12 =	vperm.xlane v8, v13  }
0x28a: {  	p2 =	sge.s32 s14, s26;
	s22 =	simm.s32 @!p0 $0x7149F2CA;
	s9 =	simm.s32 @!p1 $0x7149F2CA;
	v19 =	vmov v0;
	v0 =	vadd.f32 v10, v2  }
0x28b: {  	s22 =	simm.s32 @!p2 $0x7149F2CA;
	v10 =	vmov s9;
	v9 =	vadd.f32 v11, v9;
	v8 =	vadd.f32 v8, v12  }
0x28c: {  	v10 =	vsel vm0, s22, v10  }
0x28d: {  	[tilespmem:s29+$0x48F0] =	vst.add.f32.msk $0xffff, v61;
	v11 =	vperm.xlane v9, v22;
	v8 =	vadd.f32 v8, v10;
	v10 =	vperm.xlane v0, v22  }
0x28e: {  	[tilespmem:s4+$0x4880] =	vst.add.f32.msk $0xffff, v4  }
0x28f: {  	[tilespmem:s28+$0x48B0] =	vst.add.f32.msk $0xffff, v59;
	v9 =	vadd.f32 v9, v11;
	v0 =	vadd.f32 v10, v0  }
0x290: {  	[tilespmem:s28+$0x48C0] =	vst.add.f32.msk $0xffff, v58;
	v8 =	vmul.f32 $1.442695020e+00, v8  }
0x291: {  	[tilespmem:s28+$0x48D0] =	vst.add.f32.msk $0xffff, v57;
	v0 =	vsel vm0, v0, v9  }
0x292: {  	(erf) = vpow2.f32 v8;
	v9 =	vld [tilespmem:$0x1FDA0];
	v8 =	vperm.xlane v0, v24  }
0x293: {  	v10 =	vld [tilespmem:$0x1FDB0];
	_ =	sdelay $0x2  }
0x294: {  	v0 =	vadd.f32 v0, v8;
	v8 =	vpop (erf)  }
0x295: {  	v9 =	vmul.f32 v55, v9;
	v57 =	vbroadcast v8, $0x0  }
0x296: {  	[tilespmem:s28+$0x48E0] =	vst.add.f32.msk $0xffff, v56;
	v10 =	vmul.f32 v55, v10  }
0x297: {  	[tilespmem:s4+$0x4890] =	vst.add.f32.msk $0xffff, v9;
	v9 =	vmul.f32 v57, v37  }
0x298: {  	[tilespmem:s4+$0x48A0] =	vst.add.f32.msk $0xffff, v10;
	v10 =	vmul.f32 v57, v39  }
0x299: {  	[tilespmem:s5+$0x4880] =	vst.add.f32.msk $0xffff, v9;
	v9 =	vmul.f32 v57, v32  }
0x29a: {  	[tilespmem:s5+$0x4890] =	vst.add.f32.msk $0xffff, v10  }
0x29b: {  	[tilespmem:s5+$0x48A0] =	vst.add.f32.msk $0xffff, v9  }
0x29c: {  	v9 =	vld [tilespmem:$0x1FE00];
	_ =	sdelay $0x1  }
0x29d: {  	s9 =	smov.u32 s10;
	v2 =	vperm.xlane v0, v25  }
0x29e: {  	s29 =	sadd.s32 $0x1, s0;
	s22 =	smov.u32 s10;
	s30 =	spop (v2sf)  }
0x29f: {  	p1 =	sge.s32 s29, s26;
	p0 =	slt.s32 s30, s8;
	s31 =	spop (v2sf);
	v0 =	vadd.f32 v0, v2;
	v10 =	vmul.f32 v57, v33  }
0x2a0: {  	p2 =	sge.s32 s30, s3;
	p3 =	slt.s32 s31, s8;
	s9 =	simm.s32 @!p0 $0x7149F2CA;
	v9 =	vmul.f32 v57, v9  }
0x2a1: {  	p0 =	sge.s32 s31, s3;
	s22 =	simm.s32 @!p3 $0x7149F2CA;
	s9 =	simm.s32 @!p2 $0x7149F2CA;
	v11 =	vpop (erf);
	v12 =	vperm.xlane v0, v13;
	[tilespmem:s5+$0x48B0] =	vst.add.f32.msk $0xffff, v10  }
0x2a2: {  	p2 =	sge.s32 s0, s26;
	s22 =	simm.s32 @!p0 $0x7149F2CA;
	s9 =	simm.s32 @!p1 $0x7149F2CA;
	v11 =	vadd.f32 $1.000000000e+00, v11;
	[tilespmem:s5+$0x48C0] =	vst.add.f32.msk $0xffff, v9  }
0x2a3: {  	s22 =	simm.s32 @!p2 $0x7149F2CA;
	v0 =	vadd.f32 v0, v12;
	v12 =	vmov s9;
	v9 =	vld [tilespmem:$0x1FE10]  }
0x2a4: {  	(erf) = vrcp.f32 v11;
	v11 =	vsel vm0, s22, v12  }
0x2a5: {  	v0 =	vadd.f32 v0, v11;
	v11 =	vld [tilespmem:$0x1FE20];
	_ =	sdelay $0x1  }
0x2a6: {  	v10 =	vmul.f32 v57, v40  }
0x2a7: {  	v9 =	vmul.f32 v57, v9  }
0x2a8: {  	[tilespmem:s5+$0x48D0] =	vst.add.f32.msk $0xffff, v10  }
0x2a9: {  	v4 =	vmul.f32 v57, v11;
	[tilespmem:s5+$0x48E0] =	vst.add.f32.msk $0xffff, v9  }
0x2aa: {  	v58 =	vld [tilespmem:$0x1FE30]  }
0x2ab: {  	[tilespmem:s5+$0x48F0] =	vst.add.f32.msk $0xffff, v4  }
0x2ac: {  	v4 =	vld [tilespmem:$0x1FE40]  }
0x2ad: {  	v8 =	vbroadcast v8, $0x8;
	v0 =	vmul.f32 $1.442695020e+00, v0;
	_ =	sdelay $0x1  }
0x2ae: {  	(erf) = vpow2.f32 v0;
	v0 =	vmul.f32 v8, v58;
	_ =	sdelay $0x1  }
0x2af: {  	v4 =	vmul.f32 v8, v4;
	[tilespmem:s13+$0x4880] =	vst.add.f32.msk $0xffff, v0  }
0x2b0: {  	v0 =	vld [tilespmem:$0x1FE50]  }
0x2b1: {  	v59 =	vpop (erf);
	v9 =	vmul.f32 v8, v34;
	[tilespmem:s13+$0x4890] =	vst.add.f32.msk $0xffff, v4  }
0x2b2: {  	v10 =	vmul.f32 v8, v38;
	v61 =	vbroadcast v59, $0x0;
	v4 =	vld [tilespmem:$0x1FE60]  }
0x2b3: {  	[tilespmem:s13+$0x48C0] =	vst.add.f32.msk $0xffff, v9;
	v9 =	vmul.f32 v8, v36  }
0x2b4: {  	s17 =	sshll.u32 s17, $0x7;
	[tilespmem:s13+$0x48D0] =	vst.add.f32.msk $0xffff, v10;
	v10 =	vmul.f32 v61, v43  }
0x2b5: {  	s0 =	sand.u32 $0x380, s17;
	[tilespmem:s13+$0x48E0] =	vst.add.f32.msk $0xffff, v9;
	v9 =	vmul.f32 v61, v41  }
0x2b6: {  	[tilespmem:s0+$0x4880] =	vst.add.f32.msk $0xffff, v10;
	v10 =	vmul.f32 v61, v42  }
0x2b7: {  	v0 =	vmul.f32 v8, v0;
	[tilespmem:s0+$0x4890] =	vst.add.f32.msk $0xffff, v9  }
0x2b8: {  	v9 =	vmul.f32 v61, v44;
	[tilespmem:s0+$0x48A0] =	vst.add.f32.msk $0xffff, v10  }
0x2b9: {  	v10 =	vmul.f32 v61, v46;
	[tilespmem:s13+$0x48A0] =	vst.add.f32.msk $0xffff, v0  }
0x2ba: {  	v4 =	vmul.f32 v8, v4;
	[tilespmem:s0+$0x48B0] =	vst.add.f32.msk $0xffff, v9  }
0x2bb: {  	v9 =	vmul.f32 v61, v47;
	[tilespmem:s0+$0x48C0] =	vst.add.f32.msk $0xffff, v10  }
0x2bc: {  	v10 =	vmul.f32 v61, v48;
	[tilespmem:s13+$0x48B0] =	vst.add.f32.msk $0xffff, v4  }
0x2bd: {  	[tilespmem:s0+$0x48D0] =	vst.add.f32.msk $0xffff, v9  }
0x2be: {  	[tilespmem:s0+$0x48E0] =	vst.add.f32.msk $0xffff, v10  }
0x2bf: {  	v10 =	vld [tilespmem:$0x1FE70];
	_ =	sdelay $0x1  }
0x2c0: {  	v0 =	vbroadcast v59, $0x8  }
0x2c1: {  	v4 =	vmul.f32 v61, v49  }
0x2c2: {  	s22 =	sshll.u32 s7, $0x7;
	v11 =	vpop (erf);
	v9 =	vmul.f32 v0, v51  }
0x2c3: {  	s26 =	sand.u32 $0x380, s22;
	v11 =	vadd.f32 $1.000000000e+00, v11;
	[tilespmem:s0+$0x48F0] =	vst.add.f32.msk $0xffff, v4;
	v8 =	vmul.f32 v8, v10  }
0x2c4: {  	v32 =	vmul.f32 v0, v45;
	[tilespmem:s26+$0x48F0] =	vst.add.f32.msk $0xffff, v9  }
0x2c5: {  	(erf) = vrcp.f32 v11;
	[tilespmem:s13+$0x48F0] =	vst.add.f32.msk $0xffff, v8;
	v8 =	vmul.f32 v0, v63  }
0x2c6: {  	[tilespmem:s26+$0x4880] =	vst.add.f32.msk $0xffff, v32  }
0x2c7: {  	[tilespmem:s26+$0x4890] =	vst.add.f32.msk $0xffff, v8  }
0x2c8: {  	v33 =	vmul.f32 v0, v62;
	v8 =	vld [tilespmem:$0x1FDC0]  }
0x2c9: {  	v9 =	vld [tilespmem:$0x1FDD0]  }
0x2ca: {  	[tilespmem:s26+$0x48A0] =	vst.add.f32.msk $0xffff, v33  }
0x2cb: {  	v10 =	vld [tilespmem:$0x1FDE0];
	_ =	sdelay $0x1  }
0x2cc: {  	v8 =	vmul.f32 v55, v8  }
0x2cd: {  	v34 =	vpop (erf)  }
0x2ce: {  	v9 =	vmul.f32 v55, v9;
	[tilespmem:s4+$0x48B0] =	vst.add.f32.msk $0xffff, v8;
	v8 =	vbroadcast v34, $0x0  }
0x2cf: {  	v10 =	vmul.f32 v55, v10;
	v11 =	vld [tilespmem:$0x1FDF0]  }
0x2d0: {  	s28 =	sshll.u32 s31, $0x7;
	[tilespmem:s4+$0x48C0] =	vst.add.f32.msk $0xffff, v9;
	v6 =	vmul.f32 v8, v6  }
0x2d1: {  	s29 =	sand.u32 $0x380, s28;
	[tilespmem:s4+$0x48D0] =	vst.add.f32.msk $0xffff, v10;
	v36 =	vmul.f32 v8, v7  }
0x2d2: {  	v37 =	vmul.f32 v8, v3;
	[tilespmem:s29+$0x4880] =	vst.add.f32.msk $0xffff, v6  }
0x2d3: {  	v38 =	vmul.f32 v8, v5;
	[tilespmem:s29+$0x4890] =	vst.add.f32.msk $0xffff, v36  }
0x2d4: {  	v39 =	vmul.f32 v8, v1;
	[tilespmem:s29+$0x48A0] =	vst.add.f32.msk $0xffff, v37  }
0x2d5: {  	[tilespmem:s29+$0x48B0] =	vst.add.f32.msk $0xffff, v38;
	v11 =	vmul.f32 v55, v11  }
0x2d6: {  	[tilespmem:s29+$0x48C0] =	vst.add.f32.msk $0xffff, v39  }
0x2d7: {  	[tilespmem:s4+$0x48E0] =	vst.add.f32.msk $0xffff, v11  }
0x2d8: {  	v42 =	vld [tilespmem:$0x1FD40];
	_ =	sdelay $0x3  }
0x2d9: {  	v40 =	vmul.f32 v8, v60  }
0x2da: {  	v44 =	vld [tilespmem:$0x1FD50];
	v43 =	vmul.f32 v8, v42  }
0x2db: {  	[tilespmem:s29+$0x48D0] =	vst.add.f32.msk $0xffff, v40  }
0x2dc: {  	[tilespmem:s29+$0x48E0] =	vst.add.f32.msk $0xffff, v43  }
0x2dd: {  	v46 =	vld [tilespmem:$0x1FD60];
	_ =	sdelay $0x2  }
0x2de: {  	v41 =	vbroadcast v34, $0x8  }
0x2df: {  	v45 =	vmul.f32 v8, v44  }
0x2e0: {  	s30 =	sshll.u32 s30, $0x7;
	v47 =	vmul.f32 v41, v46  }
0x2e1: {  	s31 =	sand.u32 $0x380, s30;
	[tilespmem:s29+$0x48F0] =	vst.add.f32.msk $0xffff, v45  }
0x2e2: {  	v48 =	vmul.f32 v41, v20;
	[tilespmem:s31+$0x4880] =	vst.add.f32.msk $0xffff, v47  }
0x2e3: {  	v49 =	vld [tilespmem:$0x1FD70]  }
0x2e4: {  	[tilespmem:s31+$0x4890] =	vst.add.f32.msk $0xffff, v48  }
0x2e5: {  	v55 =	vld [tilespmem:$0x1FD80];
	_ =	sdelay $0x3  }
0x2e6: {  	v51 =	vmul.f32 v41, v49  }
0x2e7: {  	v56 =	vmul.f32 v41, v55  }
0x2e8: {  	[tilespmem:s31+$0x48A0] =	vst.add.f32.msk $0xffff, v51  }
0x2e9: {  	v57 =	vmul.f32 v41, v21;
	[tilespmem:s31+$0x48B0] =	vst.add.f32.msk $0xffff, v56  }
0x2ea: {  	v60 =	vmul.f32 v41, v19;
	v58 =	vld [tilespmem:$0x1FD90]  }
0x2eb: {  	v1 =	vmul.f32 v41, v30;
	[tilespmem:s31+$0x48C0] =	vst.add.f32.msk $0xffff, v57  }
0x2ec: {  	v61 =	vmul.f32 v0, v50;
	[tilespmem:s31+$0x48E0] =	vst.add.f32.msk $0xffff, v60  }
0x2ed: {  	v62 =	vmul.f32 v0, v52;
	[tilespmem:s31+$0x48F0] =	vst.add.f32.msk $0xffff, v1  }
0x2ee: {  	v63 =	vmul.f32 v0, v53;
	[tilespmem:s26+$0x48B0] =	vst.add.f32.msk $0xffff, v61  }
0x2ef: {  	v0 =	vmul.f32 v0, v54;
	[tilespmem:s26+$0x48C0] =	vst.add.f32.msk $0xffff, v62  }
0x2f0: {  	[tilespmem:s26+$0x48D0] =	vst.add.f32.msk $0xffff, v63;
	v59 =	vmul.f32 v41, v58  }
0x2f1: {  	[tilespmem:s26+$0x48E0] =	vst.add.f32.msk $0xffff, v0  }
0x2f2: {  	[tilespmem:s31+$0x48D0] =	vst.add.f32.msk $0xffff, v59  }
0x2f3: {  	s0 =	sld [smem:$0x7FD];
	_ =	sdelay $0x1  }
0x2f4: {  	v15 =	vmov v26;
	v17 =	vmov v31;
	v18 =	vmov v27  }
0x2f5: {  	v32 =	vmovc v35;
	v33 =	vmovc v25;
	v10 =	vmov v29;
	v37 =	vmov v13;
	v11 =	vmov v28;
	p0 =	seq.s32 s0, $0x1  }
.LBB2_7:
.Ltmp7:
0x2f6: {  	(pc) =	sbr.rel @p0 .LBB2_11-.Ltmp7, $1  }
0x2f7: {  	_ =	sdelay $0x3  }
0x2f8: {  	s0 =	sadd.s32 $0x2, s25  }
0x2f9: {  	p0 =	sge.s32 s0, s20  }
0x2fa: {  	s0 =	sadd.s32 @!p0 s19, s0  }
0x2fb: {  	s0 =	sshll.u32 @!p0 s0, $0x6  }
0x2fc: {  	p1 =	slt.s32 @!p0 s0, $0x18660  }
0x2fd: {  	p1 =	por !p1, p0  }
0x2fe: {  	s0 =	simm.s32 @p1 $0x18660  }
0x2ff: {  	s5 =	simm.s32 @!p0 $0x0;
	s4 =	sshll.u32 @!p0 s0, $0x4  }
0x300: {  	s7 =	simm.s32 @!p0 $0x780;
	s0 =	sshrl.u32 @!p0 s0, $0x3;
	s4 =	sadd.s32 @!p0 s1, s4  }
0x301: {  	[tilespmem:s7], [sflag:$0x1] =	stream.linear.gather @!p0 [hbm4b:s4+s5], $0x2000, $0x38;
	[tilespmem:$0x4C80] =	vst v63  }
0x302: {  	s0 =	sadd.s32 @!p0 s2, s0;
	s4 =	simm.s32 @!p0 $0x4780  }
0x303: {  	[tilespmem:s4], [sflag:$0x1] =	stream.linear.gather @!p0 [hbm4b:s0+s5], $0x40, $0x38;
	[tilespmem:$0x4C80] =	vst v63  }
0x304: {  	_ =	swait.ge [sflag:s16], $0x2000  }
0x305: {  	[sflag:s16] =	ssyncset.done $0x0  }
0x306: {  	[sflag:s16] =	ssyncadd.s32 $0xFFFFE000  }
0x307: {  	_ =	swait.ge [sflag:s16], $0x40  }
0x308: {  	[sflag:s16] =	ssyncset.done $0x0  }
0x309: {  	s22 =	simm.s32 $0x4802;
	[sflag:s16] =	ssyncadd.s32 $0xFFFFFFC0  }
0x30a: {  	s25 =	simm.s32 $0x2880;
	v0 =	vld [tilespmem:s22+$0x0]  }
0x30b: {  	v16 =	vld [tilespmem:s25+$0x0]  }
0x30c: {  	v39 =	vld [tilespmem:s25+$0x10]  }
0x30d: {  	v38 =	vld [tilespmem:s25+$0x20]  }
0x30e: {  	v1 =	vld [tilespmem:s25+$0x30]  }
0x30f: {  	v30 =	vld [tilespmem:s25+$0x40]  }
0x310: {  	v29 =	vld [tilespmem:s25+$0x50]  }
0x311: {  	v13 =	vld [tilespmem:s25+$0xB0]  }
0x312: {  	v35 =	vld [tilespmem:s25+$0x60]  }
0x313: {  	v25 =	vld [tilespmem:s25+$0x70]  }
0x314: {  	v42 =	vld [tilespmem:s25+$0x80]  }
0x315: {  	v49 =	vld [tilespmem:s25+$0x90]  }
0x316: {  	v54 =	vld [tilespmem:s25+$0xA0];
	[tilespmem:$0x1FCE0] =	vst v13  }
0x317: {  	v26 =	vld [tilespmem:s25+$0xC0];
	_ =	sdelay $0x4  }
0x318: {  	[tilespmem:$0x1FCF0] =	vst v26  }
0x319: {  	v19 =	vld [tilespmem:s25+$0xD0];
	_ =	sdelay $0x3  }
0x31a: {  	v2 =	vld [tilespmem:$0x1FEF0]  }
0x31b: {  	[tilespmem:$0x1FD00] =	vst v19  }
0x31c: {  	v34 =	vld [tilespmem:s25+$0xE0];
	_ =	sdelay $0x2  }
0x31d: {  	v2 =	vmul.f32 v16, v2  }
0x31e: {  	v27 =	vmov v10;
	v3 =	vmul.f32 v39, v23;
	v8 =	vmul.f32 v35, v10;
	v10 =	vld [tilespmem:$0x1FEF0]  }
0x31f: {  	v4 =	vmul.f32 v38, v32;
	v5 =	vmul.f32 v1, v15;
	[tilespmem:$0x1FD10] =	vst v34  }
0x320: {  	v6 =	vmul.f32 v30, v17;
	v7 =	vmul.f32 v29, v18;
	v36 =	vld [tilespmem:s25+$0xF0]  }
0x321: {  	v28 =	vmovc v11;
	v9 =	vmul.f32 v25, v11;
	v11 =	vmul.f32 v49, v23;
	(v2sf) =	vpush v0, $0x0  }
0x322: {  	v12 =	vmul.f32 v54, v32;
	v13 =	vmul.f32 v13, v15;
	(v2sf) =	vpush v0, $0x1  }
0x323: {  	v0 =	vadd.f32 v3, v2;
	v2 =	vadd.f32 v5, v4;
	v10 =	vmul.f32 v42, v10  }
0x324: {  	v4 =	vadd.f32 v7, v6;
	v14 =	vmul.f32 v26, v17;
	v26 =	vmovc v15;
	v15 =	vmul.f32 v19, v18  }
0x325: {  	v6 =	vadd.f32 v9, v8;
	v3 =	vmul.f32 v34, v27;
	v5 =	vmul.f32 v36, v28  }
0x326: {  	v8 =	vadd.f32 v13, v12;
	v7 =	vadd.f32 v11, v10;
	v41 =	vld [tilespmem:s25+$0xFFFFFF00]  }
0x327: {  	v9 =	vadd.f32 v15, v14;
	v62 =	vld [tilespmem:s25+$0xFFFFFF10];
	v3 =	vadd.f32 v5, v3  }
0x328: {  	v0 =	vadd.f32 v2, v0;
	v2 =	vadd.f32 v6, v4;
	v56 =	vld [tilespmem:s25+$0xFFFFFF20]  }
0x329: {  	v4 =	vadd.f32 v8, v7;
	v47 =	vld [tilespmem:s25+$0xFFFFFF30];
	v3 =	vadd.f32 v3, v9  }
0x32a: {  	v48 =	vld [tilespmem:s25+$0xFFFFFF40]  }
0x32b: {  	v0 =	vadd.f32 v2, v0;
	v43 =	vld [tilespmem:s25+$0xFFFFFF50];
	v2 =	vadd.f32 v3, v4  }
0x32c: {  	v44 =	vld [tilespmem:s25+$0xFFFFFF60]  }
0x32d: {  	v50 =	vld [tilespmem:s25+$0xFFFFFF70];
	v3 =	vperm.xlane v0, v22;
	v4 =	vperm.xlane v2, v22  }
0x32e: {  	v59 =	vld [tilespmem:s25+$0xFFFFFF80]  }
0x32f: {  	v58 =	vld [tilespmem:s25+$0xFFFFFF90];
	v0 =	vadd.f32 v3, v0;
	v2 =	vadd.f32 v2, v4  }
0x330: {  	vm0 =	vmmov $0xff;
	v53 =	vld [tilespmem:s25+$0xFFFFFFA0];
	v6 =	vmul.f32 v56, v32;
	v7 =	vmul.f32 v47, v26  }
0x331: {  	v0 =	vsel vm0, v0, v2;
	v2 =	vld [tilespmem:$0x1FEF0]  }
0x332: {  	v6 =	vadd.f32 v7, v6;
	v7 =	vld [tilespmem:$0x1FEF0];
	v3 =	vperm.xlane v0, v24  }
0x333: {  	v46 =	vld [tilespmem:s25+$0xFFFFFFE0]  }
0x334: {  	s26 =	sadd.s32 s19, s24;
	v57 =	vld [tilespmem:s25+$0xFFFFFFF0];
	v8 =	vmul.f32 v48, v17;
	v9 =	vmul.f32 v44, v27;
	v0 =	vadd.f32 v0, v3  }
0x335: {  	s5 =	sshll.u32 s26, $0x6;
	v45 =	vld [tilespmem:s25+$0xFFFFFFD0];
	v4 =	vmul.f32 v62, v23;
	v3 =	vmul.f32 v43, v18  }
0x336: {  	p0 =	slt.s32 s5, $0x18660;
	s9 =	smov.u32 s5;
	v61 =	vld [tilespmem:s25+$0xFFFFFFB0];
	v2 =	vmul.f32 v41, v2;
	v10 =	vperm.xlane v0, v33  }
0x337: {  	s9 =	simm.s32 @!p0 $0x18660;
	s30 =	spop (v2sf);
	v52 =	vld [tilespmem:s25+$0xFFFFFFC0];
	v7 =	vmul.f32 v59, v7;
	v3 =	vadd.f32 v3, v8;
	v8 =	vmul.f32 v58, v23  }
0x338: {  	s24 =	ssub.s32 s5, s9;
	s5 =	smov.u32 s10;
	s31 =	spop (v2sf);
	v2 =	vadd.f32 v4, v2;
	v4 =	vmul.f32 v50, v28;
	v0 =	vadd.f32 v0, v10  }
0x339: {  	s9 =	smov.u32 s10;
	p0 =	sle.s32 s24, $0x3;
	p1 =	slt.s32 s31, s8;
	v12 =	vmul.f32 v46, v27;
	v13 =	vmul.f32 v57, v28;
	v10 =	vld [tilespmem:s22+$0xFFFFFFFE];
	v7 =	vadd.f32 v8, v7  }
0x33a: {  	p2 =	slt.s32 s30, s8;
	p3 =	sge.s32 s31, s3;
	s5 =	simm.s32 @!p1 $0x7149F2CA;
	v8 =	vmul.f32 v45, v18;
	v4 =	vadd.f32 v4, v9;
	v11 =	vperm.xlane v0, v37  }
0x33b: {  	s9 =	simm.s32 @!p2 $0x7149F2CA;
	p1 =	sge.s32 s30, s3;
	s5 =	simm.s32 @!p3 $0x7149F2CA;
	v2 =	vadd.f32 v6, v2;
	v6 =	vmul.f32 v53, v32;
	v9 =	vmul.f32 v61, v26  }
0x33c: {  	p2 =	sle.s32 s24, $0x2;
	s9 =	simm.s32 @!p1 $0x7149F2CA;
	s5 =	simm.s32 @!p0 $0x7149F2CA;
	v3 =	vadd.f32 v4, v3;
	v4 =	vmul.f32 v52, v17;
	v0 =	vadd.f32 v0, v11  }
0x33d: {  	s9 =	simm.s32 @!p2 $0x7149F2CA;
	v11 =	vmov s5;
	v6 =	vadd.f32 v9, v6;
	v9 =	vadd.f32 v13, v12  }
0x33e: {  	(v2sf) =	vpush v10, $0x1;
	v4 =	vadd.f32 v8, v4;
	v8 =	vsel vm0, s9, v11  }
0x33f: {  	(v2sf) =	vpush v10, $0x0;
	v0 =	vadd.f32 v0, v8  }
0x340: {  	v6 =	vadd.f32 v6, v7;
	v4 =	vadd.f32 v9, v4  }
0x341: {  	v0 =	vmul.f32 $1.442695020e+00, v0  }
0x342: {  	v2 =	vadd.f32 v3, v2;
	v3 =	vadd.f32 v4, v6  }
0x343: {  	(erf) = vpow2.f32 v0  }
0x344: {  	v0 =	vperm.xlane v2, v22;
	v4 =	vperm.xlane v3, v22;
	_ =	sdelay $0x1  }
0x345: {  	v0 =	vadd.f32 v0, v2;
	v2 =	vadd.f32 v3, v4;
	_ =	sdelay $0x1  }
0x346: {  	v0 =	vsel vm0, v0, v2  }
0x347: {  	v2 =	vperm.xlane v0, v24  }
0x348: {  	s13 =	simm.s32 $0x2A80  }
0x349: {  	v51 =	vld [tilespmem:s13+$0x0];
	v0 =	vadd.f32 v0, v2  }
0x34a: {  	s17 =	smov.u32 s10;
	v63 =	vld [tilespmem:s13+$0x10]  }
0x34b: {  	s0 =	simm.s32 $0x4806;
	v55 =	vld [tilespmem:s13+$0x40];
	p0 =	sle.s32 s24, $0x1;
	s26 =	spop (v2sf);
	v2 =	vpop (erf);
	v3 =	vperm.xlane v0, v33  }
0x34c: {  	v21 =	vmov v17;
	v17 =	vld [tilespmem:s13+$0x70];
	s9 =	smov.u32 s10;
	p1 =	slt.s32 s26, s8;
	s14 =	spop (v2sf);
	v2 =	vadd.f32 $1.000000000e+00, v2  }
0x34d: {  	v60 =	vld [tilespmem:s13+$0x60];
	p2 =	sge.s32 s26, s3;
	p3 =	slt.s32 s14, s8;
	s9 =	simm.s32 @!p1 $0x7149F2CA;
	v0 =	vadd.f32 v0, v3  }
0x34e: {  	v8 =	vld [tilespmem:s0+$0x0];
	p1 =	sge.s32 s14, s3;
	s17 =	simm.s32 @!p3 $0x7149F2CA;
	s9 =	simm.s32 @!p2 $0x7149F2CA;
	(erf) = vrcp.f32 v2  }
0x34f: {  	v6 =	vld [tilespmem:s13+$0x30];
	p2 =	sle.s32 s24, $0x0;
	s17 =	simm.s32 @!p1 $0x7149F2CA;
	s9 =	simm.s32 @!p0 $0x7149F2CA;
	v2 =	vperm.xlane v0, v37  }
0x350: {  	v4 =	vld [tilespmem:s13+$0x20];
	s17 =	simm.s32 @!p2 $0x7149F2CA;
	v7 =	vmov s9  }
0x351: {  	v0 =	vadd.f32 v0, v2;
	v2 =	vsel vm0, s17, v7;
	v7 =	vld [tilespmem:s13+$0x50];
	[tilespmem:$0x1FD20] =	vst v17  }
0x352: {  	v31 =	vld [tilespmem:s13+$0x80]  }
0x353: {  	v0 =	vadd.f32 v0, v2;
	_ =	sdelay $0x1  }
0x354: {  	v0 =	vmul.f32 $1.442695020e+00, v0;
	_ =	sdelay $0x1  }
0x355: {  	[tilespmem:$0x1FD30] =	vst v31;
	v9 =	vpop (erf);
	(erf) = vpow2.f32 v0;
	v0 =	vld [tilespmem:$0x1FEF0]  }
0x356: {  	v5 =	vmov v37;
	v37 =	vld [tilespmem:s13+$0x90]  }
0x357: {  	v19 =	vmov v33;
	v33 =	vld [tilespmem:s13+$0xA0]  }
0x358: {  	v40 =	vld [tilespmem:s13+$0xB0]  }
0x359: {  	v10 =	vbroadcast v9, $0x0;
	v34 =	vld [tilespmem:s13+$0xC0]  }
0x35a: {  	v20 =	vmov v32;
	v14 =	vmul.f32 v4, v32;
	v32 =	vld [tilespmem:s13+$0xF0]  }
0x35b: {  	s7 =	sshll.u32 s30, $0x7;
	v11 =	vmul.f32 v10, v16;
	v13 =	vmul.f32 v10, v39;
	v39 =	vld [tilespmem:s13+$0xD0]  }
0x35c: {  	s7 =	sand.u32 $0x380, s7;
	v15 =	vmul.f32 v10, v38;
	v38 =	vld [tilespmem:s13+$0xE0]  }
0x35d: {  	[tilespmem:s7+$0x4880] =	vst.add.f32.msk $0xffff, v11  }
0x35e: {  	[tilespmem:s7+$0x4890] =	vst.add.f32.msk $0xffff, v13  }
0x35f: {  	v1 =	vmul.f32 v10, v1;
	[tilespmem:s7+$0x48A0] =	vst.add.f32.msk $0xffff, v15  }
0x360: {  	v15 =	vld [tilespmem:$0x1FEF0];
	[tilespmem:$0x1FC00] =	vst v37  }
0x361: {  	[tilespmem:s7+$0x48B0] =	vst.add.f32.msk $0xffff, v1  }
0x362: {  	v2 =	vmov v19;
	v19 =	vmov v18;
	v18 =	vmul.f32 v10, v30;
	[tilespmem:$0x1FC10] =	vst v33  }
0x363: {  	[tilespmem:$0x1FC20] =	vst v40  }
0x364: {  	v12 =	vmul.f32 v63, v23;
	v3 =	vmov v5;
	v5 =	vmul.f32 v55, v21;
	[tilespmem:s7+$0x48C0] =	vst.add.f32.msk $0xffff, v18  }
0x365: {  	v16 =	vmul.f32 v6, v26;
	v29 =	vmul.f32 v10, v29;
	[tilespmem:$0x1FC30] =	vst v34  }
0x366: {  	(v2sf) =	vpush v8, $0x0;
	v30 =	vmul.f32 v17, v28;
	v0 =	vmul.f32 v51, v0;
	[tilespmem:$0x1FC40] =	vst v39  }
0x367: {  	(v2sf) =	vpush v8, $0x1;
	v11 =	vmul.f32 v7, v19;
	v13 =	vmul.f32 v60, v27;
	[tilespmem:s7+$0x48D0] =	vst.add.f32.msk $0xffff, v29  }
0x368: {  	v8 =	vadd.f32 v16, v14;
	v14 =	vmul.f32 v32, v28;
	v1 =	vmul.f32 v33, v20;
	[tilespmem:$0x1FC50] =	vst v38  }
0x369: {  	v0 =	vadd.f32 v12, v0;
	v15 =	vmul.f32 v31, v15;
	v31 =	vmul.f32 v37, v23;
	v37 =	vld [tilespmem:s13+$0xFFFFFF00]  }
0x36a: {  	v11 =	vadd.f32 v11, v5;
	v13 =	vadd.f32 v30, v13;
	v33 =	vmul.f32 v40, v26;
	v29 =	vld [tilespmem:s13+$0xFFFFFF10]  }
0x36b: {  	v40 =	vmul.f32 v39, v19;
	v12 =	vmul.f32 v38, v27;
	v30 =	vld [tilespmem:s13+$0xFFFFFF20]  }
0x36c: {  	v18 =	vmul.f32 v34, v21;
	v0 =	vadd.f32 v8, v0;
	v8 =	vadd.f32 v13, v11;
	v38 =	vld [tilespmem:s13+$0xFFFFFF30]  }
0x36d: {  	v1 =	vadd.f32 v33, v1;
	v15 =	vadd.f32 v31, v15;
	v31 =	vld [tilespmem:s13+$0xFFFFFF40]  }
0x36e: {  	v12 =	vadd.f32 v14, v12;
	v34 =	vadd.f32 v40, v18;
	v11 =	vpop (erf);
	v40 =	vld [tilespmem:s13+$0xFFFFFF50]  }
0x36f: {  	v0 =	vadd.f32 v8, v0;
	v11 =	vadd.f32 $1.000000000e+00, v11;
	v17 =	vld [tilespmem:s13+$0xFFFFFF60]  }
0x370: {  	v14 =	vmul.f32 v10, v35;
	v12 =	vadd.f32 v12, v34;
	v18 =	vld [tilespmem:s13+$0xFFFFFF70];
	v13 =	vadd.f32 v1, v15  }
0x371: {  	v1 =	vbroadcast v9, $0x8;
	v9 =	vmul.f32 v10, v25;
	v25 =	vld [tilespmem:$0x1FEF0]  }
0x372: {  	v5 =	vld [tilespmem:s13+$0xFFFFFF80];
	(erf) = vrcp.f32 v11;
	v11 =	vperm.xlane v0, v22;
	v8 =	vadd.f32 v12, v13;
	[tilespmem:$0x1FC60] =	vst v29  }
0x373: {  	v10 =	vmul.f32 v1, v36;
	v15 =	vmul.f32 v29, v23;
	v29 =	vld [tilespmem:s13+$0xFFFFFF90]  }
0x374: {  	v36 =	vmov v30;
	v16 =	vmul.f32 v30, v20;
	v12 =	vperm.xlane v8, v22;
	v30 =	vld [tilespmem:s13+$0xFFFFFFA0]  }
0x375: {  	v0 =	vadd.f32 v11, v0;
	v35 =	vmov v31;
	[tilespmem:s7+$0x48E0] =	vst.add.f32.msk $0xffff, v14  }
0x376: {  	v13 =	vmul.f32 v37, v25;
	v8 =	vadd.f32 v8, v12;
	v12 =	vmul.f32 v31, v21;
	v31 =	vld [tilespmem:s13+$0xFFFFFFB0];
	[tilespmem:$0x1FC70] =	vst v17  }
0x377: {  	v34 =	vmov v37;
	v11 =	vmul.f32 v38, v26;
	v14 =	vmul.f32 v40, v19;
	v37 =	vld [tilespmem:s13+$0xFFFFFFC0];
	[tilespmem:$0x1FC80] =	vst v18  }
0x378: {  	v0 =	vsel vm0, v0, v8;
	v8 =	vadd.f32 v15, v13;
	v13 =	vmul.f32 v18, v28;
	v18 =	vld [tilespmem:s13+$0xFFFFFFD0];
	[tilespmem:$0x1FC90] =	vst v5  }
0x379: {  	v11 =	vadd.f32 v11, v16;
	v12 =	vadd.f32 v14, v12;
	v14 =	vmul.f32 v5, v25;
	v5 =	vld [tilespmem:s13+$0xFFFFFFE0];
	[tilespmem:$0x1FCA0] =	vst v29  }
0x37a: {  	v15 =	vperm.xlane v0, v24;
	[tilespmem:s7+$0x48F0] =	vst.add.f32.msk $0xffff, v9  }
0x37b: {  	v39 =	vmul.f32 v1, v42;
	v8 =	vadd.f32 v11, v8;
	[tilespmem:$0x1FCB0] =	vst v30;
	v11 =	vmul.f32 v31, v26  }
0x37c: {  	s4 =	sshll.u32 s31, $0x7;
	v17 =	vmul.f32 v17, v27;
	v0 =	vadd.f32 v0, v15;
	v15 =	vmul.f32 v29, v23;
	[tilespmem:$0x1FCC0] =	vst v31  }
0x37d: {  	s25 =	sand.u32 $0x380, s4;
	v54 =	vmul.f32 v1, v54;
	v9 =	vmul.f32 v30, v20;
	v42 =	vld [tilespmem:s13+$0xFFFFFFF0]  }
0x37e: {  	s5 =	smov.u32 s10;
	s22 =	spop (v2sf);
	v13 =	vadd.f32 v13, v17;
	[tilespmem:s25+$0x48F0] =	vst.add.f32.msk $0xffff, v10;
	v14 =	vadd.f32 v15, v14;
	v15 =	vperm.xlane v0, v2  }
0x37f: {  	s30 =	sshll.u32 s14, $0x7;
	p0 =	sle.s32 s24, $0x7;
	s31 =	spop (v2sf);
	v10 =	vmul.f32 v1, v49;
	[tilespmem:s25+$0x4880] =	vst.add.f32.msk $0xffff, v39;
	v30 =	vmul.f32 v37, v21;
	v9 =	vadd.f32 v11, v9;
	v11 =	vpop (erf)  }
0x380: {  	s9 =	sand.u32 $0x380, s30;
	p1 =	slt.s32 s31, s8;
	v33 =	vmovc v38;
	v39 =	vmovc v37;
	s13 =	smov.u32 s10;
	v12 =	vadd.f32 v13, v12;
	v13 =	vld [tilespmem:s0+$0xFFFFFFFE];
	v0 =	vadd.f32 v0, v15;
	v15 =	vbroadcast v11, $0x0  }
0x381: {  	p2 =	slt.s32 s22, s8;
	p3 =	sge.s32 s31, s3;
	[tilespmem:s25+$0x48A0] =	vst.add.f32.msk $0xffff, v54;
	s13 =	simm.s32 @!p1 $0x7149F2CA;
	v37 =	vmovc v18;
	v18 =	vmul.f32 v18, v19;
	v38 =	vmov v5;
	v31 =	vmul.f32 v5, v27  }
0x382: {  	s5 =	simm.s32 @!p2 $0x7149F2CA;
	p1 =	sge.s32 s22, s3;
	[tilespmem:s25+$0x4890] =	vst.add.f32.msk $0xffff, v10;
	s13 =	simm.s32 @!p3 $0x7149F2CA;
	v8 =	vadd.f32 v12, v8;
	v10 =	vperm.xlane v0, v3;
	v5 =	vmul.f32 v15, v41  }
0x383: {  	p2 =	sle.s32 s24, $0x6;
	s5 =	simm.s32 @!p1 $0x7149F2CA;
	v9 =	vadd.f32 v9, v14;
	v14 =	vadd.f32 v18, v30;
	s13 =	simm.s32 @!p0 $0x7149F2CA;
	[tilespmem:$0x1FCD0] =	vst v42;
	v42 =	vmul.f32 v42, v28  }
0x384: {  	s5 =	simm.s32 @!p2 $0x7149F2CA;
	v54 =	vmul.f32 v15, v62;
	v0 =	vadd.f32 v0, v10;
	[tilespmem:s9+$0x4880] =	vst.add.f32.msk $0xffff, v5;
	v5 =	vmov s13  }
0x385: {  	v10 =	vmul.f32 v15, v56;
	v16 =	vadd.f32 v42, v31;
	v5 =	vsel vm0, s5, v5  }
0x386: {  	(v2sf) =	vpush v13, $0x1;
	v62 =	vmul.f32 v15, v47;
	[tilespmem:s9+$0x4890] =	vst.add.f32.msk $0xffff, v54;
	v0 =	vadd.f32 v0, v5  }
0x387: {  	[tilespmem:s9+$0x48A0] =	vst.add.f32.msk $0xffff, v10;
	v10 =	vbroadcast v11, $0x8;
	v11 =	vadd.f32 v16, v14;
	v5 =	vmul.f32 v15, v43  }
0x388: {  	(v2sf) =	vpush v13, $0x0;
	v13 =	vmul.f32 v15, v44;
	[tilespmem:s9+$0x48B0] =	vst.add.f32.msk $0xffff, v62;
	v0 =	vmul.f32 $1.442695020e+00, v0  }
0x389: {  	v29 =	vmul.f32 v15, v48;
	v12 =	vmul.f32 v15, v50;
	[tilespmem:s9+$0x48D0] =	vst.add.f32.msk $0xffff, v5;
	v5 =	vadd.f32 v11, v9  }
0x38a: {  	[tilespmem:s9+$0x48E0] =	vst.add.f32.msk $0xffff, v13;
	v13 =	vmul.f32 v10, v53;
	(erf) = vpow2.f32 v0  }
0x38b: {  	s0 =	sshll.u32 s26, $0x7;
	[tilespmem:s9+$0x48F0] =	vst.add.f32.msk $0xffff, v12;
	v0 =	vperm.xlane v8, v22;
	v12 =	vperm.xlane v5, v22  }
0x38c: {  	s26 =	sand.u32 $0x380, s0;
	[tilespmem:s9+$0x48C0] =	vst.add.f32.msk $0xffff, v29;
	v9 =	vmul.f32 v10, v59  }
0x38d: {  	v11 =	vmul.f32 v10, v58;
	[tilespmem:s26+$0x48A0] =	vst.add.f32.msk $0xffff, v13;
	v0 =	vadd.f32 v0, v8;
	v5 =	vadd.f32 v5, v12  }
0x38e: {  	[tilespmem:s26+$0x4880] =	vst.add.f32.msk $0xffff, v9;
	v8 =	vmul.f32 v10, v52  }
0x38f: {  	v9 =	vmul.f32 v10, v61;
	[tilespmem:s26+$0x4890] =	vst.add.f32.msk $0xffff, v11;
	v0 =	vsel vm0, v0, v5  }
0x390: {  	v11 =	vmul.f32 v10, v45;
	[tilespmem:s26+$0x48C0] =	vst.add.f32.msk $0xffff, v8;
	v8 =	vperm.xlane v0, v24  }
0x391: {  	[tilespmem:s26+$0x48B0] =	vst.add.f32.msk $0xffff, v9;
	v5 =	vmul.f32 v10, v46  }
0x392: {  	[tilespmem:s26+$0x48D0] =	vst.add.f32.msk $0xffff, v11;
	v0 =	vadd.f32 v0, v8  }
0x393: {  	[tilespmem:s26+$0x48E0] =	vst.add.f32.msk $0xffff, v5  }
0x394: {  	v9 =	vperm.xlane v0, v2;
	v2 =	vld [tilespmem:$0x1FCE0];
	_ =	sdelay $0x3  }
0x395: {  	v5 =	vpop (erf)  }
0x396: {  	v5 =	vadd.f32 $1.000000000e+00, v5;
	v59 =	vmul.f32 v1, v2;
	v2 =	vld [tilespmem:$0x1FCF0]  }
0x397: {  	s29 =	simm.s32 $0x2C80  }
0x398: {  	v41 =	vld [tilespmem:s29+$0x10];
	(erf) = vrcp.f32 v5  }
0x399: {  	v44 =	vld [tilespmem:s29+$0x30];
	s14 =	spop (v2sf)  }
0x39a: {  	s0 =	smov.u32 s10;
	v47 =	vld [tilespmem:s29+$0x50];
	p1 =	slt.s32 s14, s8  }
0x39b: {  	p2 =	sge.s32 s14, s3;
	s0 =	simm.s32 @!p1 $0x7149F2CA;
	v58 =	vmul.f32 v1, v2;
	v2 =	vld [tilespmem:$0x1FD00]  }
0x39c: {  	p0 =	sle.s32 s24, $0x5;
	v48 =	vld [tilespmem:s29+$0x60];
	s17 =	spop (v2sf);
	s0 =	simm.s32 @!p2 $0x7149F2CA  }
0x39d: {  	v49 =	vld [tilespmem:s29+$0x70];
	s9 =	smov.u32 s10;
	p3 =	slt.s32 s17, s8;
	s0 =	simm.s32 @!p0 $0x7149F2CA;
	v0 =	vadd.f32 v0, v9  }
0x39e: {  	v50 =	vld [tilespmem:s29+$0xB0];
	p1 =	sge.s32 s17, s3;
	s9 =	simm.s32 @!p3 $0x7149F2CA;
	v9 =	vmov s0  }
0x39f: {  	v42 =	vld [tilespmem:s29+$0x20];
	p2 =	sle.s32 s24, $0x4;
	s9 =	simm.s32 @!p1 $0x7149F2CA;
	v5 =	vperm.xlane v0, v3  }
0x3a0: {  	v61 =	vmul.f32 v10, v57;
	s9 =	simm.s32 @!p2 $0x7149F2CA;
	v57 =	vmul.f32 v1, v2;
	v2 =	vld [tilespmem:$0x1FD10]  }
0x3a1: {  	v62 =	vld [tilespmem:s29+$0xA0];
	v0 =	vadd.f32 v0, v5;
	v5 =	vsel vm0, s9, v9;
	v9 =	vpop (erf)  }
0x3a2: {  	v54 =	vld [tilespmem:s29+$0xE0];
	v10 =	vbroadcast v9, $0x0  }
0x3a3: {  	v43 =	vld [tilespmem:s29+$0x0]  }
0x3a4: {  	s22 =	sshll.u32 s22, $0x7;
	v53 =	vld [tilespmem:s29+$0xD0];
	v12 =	vmul.f32 v10, v63  }
0x3a5: {  	v45 =	vld [tilespmem:s29+$0x80];
	s0 =	sand.u32 $0x380, s22;
	v56 =	vmul.f32 v1, v2;
	v1 =	vmul.f32 v10, v51  }
0x3a6: {  	v6 =	vmul.f32 v10, v6;
	[tilespmem:s0+$0x4890] =	vst.add.f32.msk $0xffff, v12  }
0x3a7: {  	[tilespmem:s0+$0x4880] =	vst.add.f32.msk $0xffff, v1;
	v1 =	vmul.f32 v10, v4  }
0x3a8: {  	[tilespmem:s0+$0x48B0] =	vst.add.f32.msk $0xffff, v6;
	v6 =	vmul.f32 v10, v7  }
0x3a9: {  	v0 =	vadd.f32 v0, v5;
	[tilespmem:s0+$0x48A0] =	vst.add.f32.msk $0xffff, v1;
	v1 =	vmul.f32 v10, v55  }
0x3aa: {  	[tilespmem:s0+$0x48D0] =	vst.add.f32.msk $0xffff, v6  }
0x3ab: {  	v0 =	vmul.f32 $1.442695020e+00, v0;
	[tilespmem:s0+$0x48C0] =	vst.add.f32.msk $0xffff, v1  }
0x3ac: {  	s28 =	simm.s32 $0x480A;
	v2 =	vld [tilespmem:$0x1FD20]  }
0x3ad: {  	v8 =	vld [tilespmem:s28+$0x0];
	(erf) = vpow2.f32 v0  }
0x3ae: {  	v30 =	vmul.f32 v50, v26;
	v13 =	vmul.f32 v42, v20;
	v46 =	vld [tilespmem:s29+$0x40]  }
0x3af: {  	v15 =	vmul.f32 v62, v20;
	v3 =	vmul.f32 v47, v19;
	v51 =	vld [tilespmem:s29+$0xF0]  }
0x3b0: {  	v52 =	vld [tilespmem:s29+$0xC0];
	v4 =	vmul.f32 v44, v26;
	v1 =	vmul.f32 v10, v60  }
0x3b1: {  	v5 =	vld [tilespmem:s29+$0x90];
	v55 =	vbroadcast v9, $0x8;
	v6 =	vmul.f32 v10, v2  }
0x3b2: {  	(v2sf) =	vpush v8, $0x0;
	v7 =	vmul.f32 v48, v27;
	[tilespmem:s0+$0x48E0] =	vst.add.f32.msk $0xffff, v1;
	v10 =	vmul.f32 v49, v28  }
0x3b3: {  	s4 =	sshll.u32 s31, $0x7;
	v12 =	vmul.f32 v46, v21;
	v13 =	vadd.f32 v4, v13;
	v1 =	vmul.f32 v55, v32;
	[tilespmem:s0+$0x48F0] =	vst.add.f32.msk $0xffff, v6  }
0x3b4: {  	s4 =	sand.u32 $0x380, s4;
	v4 =	vmul.f32 v54, v27;
	v6 =	vld [tilespmem:s29+$0xFFFFFF00];
	v10 =	vadd.f32 v10, v7;
	v7 =	vmul.f32 v51, v28  }
0x3b5: {  	v11 =	vmul.f32 v41, v23;
	(v2sf) =	vpush v8, $0x1;
	v0 =	vmul.f32 v43, v25;
	[tilespmem:s4+$0x48F0] =	vst.add.f32.msk $0xffff, v1  }
0x3b6: {  	v31 =	vmul.f32 v52, v21;
	v9 =	vpop (erf);
	v32 =	vadd.f32 v3, v12;
	v12 =	vadd.f32 v7, v4;
	v4 =	vld [tilespmem:$0x1FD30]  }
0x3b7: {  	v8 =	vmul.f32 v53, v19;
	v11 =	vadd.f32 v11, v0;
	v63 =	vld [tilespmem:s29+$0xFFFFFF30];
	v9 =	vadd.f32 $1.000000000e+00, v9  }
0x3b8: {  	v14 =	vmul.f32 v5, v23;
	v60 =	vld [tilespmem:s29+$0xFFFFFF50];
	v2 =	vmul.f32 v45, v25  }
0x3b9: {  	v11 =	vadd.f32 v13, v11;
	(erf) = vrcp.f32 v9;
	v9 =	vadd.f32 v8, v31;
	v3 =	vld [tilespmem:s29+$0xFFFFFF20]  }
0x3ba: {  	s31 =	sshll.u32 s14, $0x7;
	s14 =	simm.s32 $0xC;
	s30 =	sshll.u32 s17, $0x7;
	v0 =	vadd.f32 v14, v2;
	v2 =	vadd.f32 v30, v15;
	v1 =	vld [tilespmem:s29+$0xFFFFFF10]  }
0x3bb: {  	s13 =	sand.u32 $0x380, s31;
	s5 =	sand.u32 $0x380, s30;
	s0 =	simm.s32 $0x8;
	v7 =	vld [tilespmem:s29+$0xFFFFFF40];
	v13 =	vadd.f32 v10, v32;
	v10 =	vmul.f32 v6, v25;
	v4 =	vmul.f32 v55, v4  }
.LBB2_9:
0x3bc: {  	v8 =	vld [tilespmem:s29+$0xFFFFFF60]  }
0x3bd: {  	v26 =	vld [tilespmem:$0x1FF10]  }
0x3be: {  	v30 =	vld [tilespmem:$0x1FF50]  }
0x3bf: {  	v27 =	vld [tilespmem:$0x1FF20]  }
0x3c0: {  	v28 =	vld [tilespmem:$0x1FF30]  }
0x3c1: {  	v29 =	vld [tilespmem:$0x1FF40];
	v14 =	vmul.f32 v1, v23  }
0x3c2: {  	v12 =	vadd.f32 v12, v9;
	v9 =	vld [tilespmem:$0x1FC00]  }
0x3c3: {  	v2 =	vadd.f32 v2, v0;
	v14 =	vadd.f32 v14, v10;
	v10 =	vld [tilespmem:$0x1FC10]  }
0x3c4: {  	v0 =	vld [tilespmem:s29+$0xFFFFFF70]  }
0x3c5: {  	v32 =	vld [tilespmem:$0x1FF60];
	v11 =	vadd.f32 v13, v11;
	v13 =	vadd.f32 v12, v2  }
0x3c6: {  	v2 =	vld [tilespmem:s29+$0xFFFFFF90]  }
0x3c7: {  	v12 =	vld [tilespmem:s29+$0xFFFFFFB0];
	v24 =	vperm.xlane v13, v22;
	v16 =	vmul.f32 v55, v9;
	v9 =	vmov v5  }
0x3c8: {  	v21 =	vmul.f32 v8, v28;
	[tilespmem:$0x1FC00] =	vst v9;
	v9 =	vld [tilespmem:s29+$0xFFFFFF80];
	v18 =	vmul.f32 v55, v10;
	v10 =	vmov v62  }
0x3c9: {  	v13 =	vadd.f32 v13, v24;
	v24 =	vld [tilespmem:$0x1FFD0];
	[tilespmem:$0x1FC10] =	vst v10;
	v10 =	vperm.xlane v11, v22;
	v22 =	vmul.f32 v0, v29  }
0x3ca: {  	v15 =	vmul.f32 v3, v26;
	v5 =	vmul.f32 v63, v30;
	v62 =	vld [tilespmem:s29+$0xFFFFFFA0]  }
0x3cb: {  	v21 =	vadd.f32 v22, v21;
	v22 =	vld [tilespmem:$0x1FF00]  }
0x3cc: {  	v15 =	vadd.f32 v5, v15;
	v5 =	vld [tilespmem:s29+$0xFFFFFFC0];
	v23 =	vadd.f32 v10, v11  }
0x3cd: {  	v17 =	vmul.f32 v7, v27;
	v20 =	vmul.f32 v60, v32;
	v11 =	vld [tilespmem:s29+$0xFFFFFFD0]  }
0x3ce: {  	v31 =	vld [tilespmem:$0x1FFE0];
	v13 =	vsel vm0, v23, v13  }
0x3cf: {  	v17 =	vadd.f32 v20, v17;
	v20 =	vmul.f32 v9, v25;
	v25 =	vld [tilespmem:s28+$0xFFFFFFFE];
	v24 =	vperm.xlane v13, v24  }
0x3d0: {  	v14 =	vadd.f32 v15, v14;
	v10 =	vld [tilespmem:s29+$0xFFFFFFE0];
	v15 =	vmul.f32 v62, v26;
	v22 =	vmul.f32 v2, v22  }
0x3d1: {  	v23 =	vld [tilespmem:s29+$0xFFFFFFF0];
	v17 =	vadd.f32 v21, v17;
	v21 =	vmul.f32 v12, v30;
	v13 =	vadd.f32 v13, v24  }
0x3d2: {  	[tilespmem:s26+$0x48F0] =	vst.add.f32.msk $0xffff, v61;
	v61 =	vmul.f32 v11, v32;
	v20 =	vadd.f32 v22, v20;
	v22 =	vmul.f32 v5, v27  }
0x3d3: {  	v14 =	vadd.f32 v17, v14  }
0x3d4: {  	v15 =	vadd.f32 v21, v15;
	v21 =	vperm.xlane v13, v31;
	v17 =	vadd.f32 v61, v22;
	v22 =	vld [tilespmem:$0x1FFC0];
	_ =	sdelay $0x1  }
0x3d5: {  	v19 =	vpop (erf);
	v13 =	vadd.f32 v13, v21;
	v21 =	vld [tilespmem:$0x1FFF0]  }
0x3d6: {  	s9 =	sadd.s32 $0x3, s0;
	[tilespmem:s4+$0x4880] =	vst.add.f32.msk $0xffff, v4;
	s7 =	spop (v2sf);
	v24 =	vbroadcast v19, $0x0  }
0x3d7: {  	s31 =	sadd.s32 $0x2, s0;
	s22 =	smov.u32 s10;
	[tilespmem:s4+$0x4890] =	vst.add.f32.msk $0xffff, v16;
	s17 =	spop (v2sf);
	v4 =	vmul.f32 v10, v28;
	v16 =	vmul.f32 v23, v29  }
0x3d8: {  	p1 =	sge.s32 s9, s24;
	s9 =	smov.u32 s10;
	[tilespmem:s4+$0x48A0] =	vst.add.f32.msk $0xffff, v18;
	p2 =	slt.s32 s17, s8;
	v61 =	vperm.xlane v14, v22  }
0x3d9: {  	[tilespmem:s25+$0x48B0] =	vst.add.f32.msk $0xffff, v59;
	p3 =	slt.s32 s7, s8;
	p4 =	sge.s32 s17, s3;
	s9 =	simm.s32 @!p2 $0x7149F2CA;
	v34 =	vmul.f32 v24, v34;
	v4 =	vadd.f32 v16, v4  }
0x3da: {  	[tilespmem:s25+$0x48C0] =	vst.add.f32.msk $0xffff, v58;
	s22 =	simm.s32 @!p3 $0x7149F2CA;
	p2 =	sge.s32 s7, s3;
	s9 =	simm.s32 @!p4 $0x7149F2CA;
	v14 =	vadd.f32 v61, v14;
	v61 =	vperm.xlane v13, v21  }
0x3db: {  	v58 =	vld [tilespmem:$0x1FC60];
	p3 =	sge.s32 s31, s24;
	s22 =	simm.s32 @!p2 $0x7149F2CA;
	s9 =	simm.s32 @!p1 $0x7149F2CA;
	v15 =	vadd.f32 v15, v20;
	v4 =	vadd.f32 v4, v17  }
0x3dc: {  	s22 =	simm.s32 @!p3 $0x7149F2CA;
	v59 =	vmov s9;
	v20 =	vmul.f32 v24, v36;
	[tilespmem:s5+$0x4880] =	vst.add.f32.msk $0xffff, v34;
	v13 =	vadd.f32 v13, v61  }
0x3dd: {  	v34 =	vmovc v6;
	v6 =	vmovc v1;
	v1 =	vadd.f32 v4, v15;
	v4 =	vsel vm0, s22, v59;
	v61 =	vmul.f32 v24, v33  }
0x3de: {  	v36 =	vmovc v3;
	v33 =	vmul.f32 v24, v35;
	v35 =	vld [tilespmem:$0x1FC80];
	v3 =	vadd.f32 v13, v4;
	v4 =	vmul.f32 v24, v40  }
0x3df: {  	v13 =	vld [tilespmem:$0x1FC70]  }
0x3e0: {  	[tilespmem:s5+$0x48D0] =	vst.add.f32.msk $0xffff, v4  }
0x3e1: {  	v17 =	vmul.f32 v24, v58;
	v4 =	vld [tilespmem:$0x1FCA0]  }
0x3e2: {  	[tilespmem:s5+$0x48A0] =	vst.add.f32.msk $0xffff, v20  }
0x3e3: {  	[tilespmem:s5+$0x4890] =	vst.add.f32.msk $0xffff, v17  }
0x3e4: {  	v16 =	vbroadcast v19, $0x8;
	[tilespmem:s5+$0x48B0] =	vst.add.f32.msk $0xffff, v61;
	v17 =	vmul.f32 v24, v35  }
0x3e5: {  	[tilespmem:s5+$0x48C0] =	vst.add.f32.msk $0xffff, v33;
	v13 =	vmul.f32 v24, v13  }
0x3e6: {  	[tilespmem:s5+$0x48F0] =	vst.add.f32.msk $0xffff, v17;
	v4 =	vmul.f32 v16, v4  }
0x3e7: {  	s26 =	smov.u32 s13;
	[tilespmem:s5+$0x48E0] =	vst.add.f32.msk $0xffff, v13  }
0x3e8: {  	[tilespmem:s26+$0x4890] =	vst.add.f32.msk $0xffff, v4  }
0x3e9: {  	v4 =	vld [tilespmem:$0x1FCD0]  }
0x3ea: {  	v40 =	vmov v8;
	v8 =	vmov v0;
	v0 =	vmul.f32 $1.442695020e+00, v3  }
0x3eb: {  	[tilespmem:s25+$0x48D0] =	vst.add.f32.msk $0xffff, v57  }
0x3ec: {  	(erf) = vpow2.f32 v0;
	v0 =	vld [tilespmem:$0x1FCC0]  }
0x3ed: {  	[tilespmem:s25+$0x48E0] =	vst.add.f32.msk $0xffff, v56;
	(v2sf) =	vpush v25, $0x1  }
0x3ee: {  	(v2sf) =	vpush v25, $0x0;
	v61 =	vmul.f32 v16, v4;
	v4 =	vld [tilespmem:$0x1FC20]  }
0x3ef: {  	s29 =	sadd.s32 $0x200, s29;
	v25 =	vld [tilespmem:$0x1FEF0]  }
0x3f0: {  	[tilespmem:$0x1FC60] =	vst v6;
	v6 =	vmov v9;
	v9 =	vld [tilespmem:s29+$0x60]  }
0x3f1: {  	v3 =	vld [tilespmem:$0x1FC90];
	v0 =	vmul.f32 v16, v0  }
0x3f2: {  	v15 =	vperm.xlane v1, v22;
	[tilespmem:$0x1FC80] =	vst v8;
	v24 =	vld [tilespmem:$0x1FFD0]  }
0x3f3: {  	[tilespmem:s26+$0x48B0] =	vst.add.f32.msk $0xffff, v0;
	v59 =	vmul.f32 v55, v4;
	v4 =	vmov v23  }
0x3f4: {  	v1 =	vadd.f32 v1, v15;
	[tilespmem:$0x1FCD0] =	vst v4;
	v4 =	vld [tilespmem:$0x1FC30]  }
0x3f5: {  	[tilespmem:$0x1FC90] =	vst v6;
	v8 =	vmov v2;
	v0 =	vld [tilespmem:$0x1FC50]  }
0x3f6: {  	v1 =	vsel vm0, v14, v1;
	v6 =	vld [tilespmem:$0x1FCB0];
	v35 =	vmov v7;
	v7 =	vmov v62;
	[tilespmem:$0x1FCA0] =	vst v8  }
0x3f7: {  	v2 =	vmov v12;
	v62 =	vld [tilespmem:s29+$0xA0];
	[tilespmem:$0x1FCB0] =	vst v7;
	v8 =	vperm.xlane v1, v24  }
0x3f8: {  	[tilespmem:$0x1FCC0] =	vst v2;
	v2 =	vmul.f32 v16, v39;
	v7 =	vmul.f32 v16, v37;
	v37 =	vmov v11;
	v11 =	vld [tilespmem:s29+$0x80]  }
0x3f9: {  	v1 =	vadd.f32 v1, v8;
	v58 =	vmul.f32 v55, v4;
	v4 =	vld [tilespmem:$0x1FC40]  }
0x3fa: {  	[tilespmem:s26+$0x48C0] =	vst.add.f32.msk $0xffff, v2;
	v56 =	vmul.f32 v55, v0;
	v0 =	vmov v54  }
0x3fb: {  	s9 =	sadd.s32 $0x1, s0;
	v39 =	vmovc v5;
	v5 =	vmov v52;
	v52 =	vld [tilespmem:s29+$0xC0];
	v3 =	vmul.f32 v16, v3;
	[tilespmem:$0x1FC50] =	vst v0;
	v0 =	vperm.xlane v1, v31  }
0x3fc: {  	p2 =	sge.s32 s9, s24;
	s9 =	smov.u32 s10;
	s13 =	spop (v2sf);
	v6 =	vmul.f32 v16, v6;
	[tilespmem:s26+$0x48D0] =	vst.add.f32.msk $0xffff, v7  }
0x3fd: {  	p4 =	slt.s32 s13, s8;
	s22 =	spop (v2sf);
	s5 =	smov.u32 s10;
	[tilespmem:s26+$0x4880] =	vst.add.f32.msk $0xffff, v3;
	v2 =	vpop (erf);
	v0 =	vadd.f32 v1, v0  }
0x3fe: {  	p3 =	sge.s32 s13, s3;
	p6 =	slt.s32 s22, s8;
	s5 =	simm.s32 @!p4 $0x7149F2CA;
	v3 =	vmul.f32 v16, v38;
	[tilespmem:s26+$0x48A0] =	vst.add.f32.msk $0xffff, v6;
	v2 =	vadd.f32 $1.000000000e+00, v2;
	v57 =	vmul.f32 v55, v4;
	v4 =	vmovc v53  }
0x3ff: {  	p5 =	sge.s32 s22, s3;
	s9 =	simm.s32 @!p6 $0x7149F2CA;
	v7 =	vld [tilespmem:s29+$0x20];
	s5 =	simm.s32 @!p3 $0x7149F2CA;
	[tilespmem:$0x1FC40] =	vst v4;
	v4 =	vperm.xlane v0, v21  }
0x400: {  	p1 =	sge.s32 s0, s24;
	s9 =	simm.s32 @!p5 $0x7149F2CA;
	s5 =	simm.s32 @!p2 $0x7149F2CA;
	[tilespmem:s26+$0x48E0] =	vst.add.f32.msk $0xffff, v3;
	(erf) = vrcp.f32 v2  }
0x401: {  	s9 =	simm.s32 @!p1 $0x7149F2CA;
	v38 =	vmov v10;
	v10 =	vld [tilespmem:s29+$0x70];
	[tilespmem:$0x1FC30] =	vst v5;
	v5 =	vmov s5;
	v0 =	vadd.f32 v0, v4  }
0x402: {  	v3 =	vld [tilespmem:s29+$0x0];
	v5 =	vsel vm0, s9, v5  }
0x403: {  	v6 =	vmov v50;
	v50 =	vld [tilespmem:s29+$0xB0];
	v0 =	vadd.f32 v0, v5  }
0x404: {  	v8 =	vld [tilespmem:s29+$0x50]  }
0x405: {  	[tilespmem:$0x1FC20] =	vst v6;
	v6 =	vld [tilespmem:s29+$0x10];
	v0 =	vmul.f32 $1.442695020e+00, v0  }
0x406: {  	v2 =	vld [tilespmem:s29+$0x30]  }
0x407: {  	v54 =	vld [tilespmem:s29+$0xE0]  }
0x408: {  	s28 =	sadd.s32 $0x4, s28;
	v23 =	vld [tilespmem:$0x1FF00]  }
0x409: {  	v1 =	vld [tilespmem:s28+$0x0];
	(erf) = vpow2.f32 v0;
	v0 =	vpop (erf)  }
0x40a: {  	v53 =	vld [tilespmem:s29+$0xD0];
	v12 =	vbroadcast v0, $0x0  }
0x40b: {  	v4 =	vld [tilespmem:s29+$0x40]  }
0x40c: {  	s25 =	smov.u32 s4;
	s30 =	sshll.u32 s7, $0x7;
	s4 =	sshll.u32 s22, $0x7;
	v5 =	vld [tilespmem:s29+$0x90];
	v14 =	vmul.f32 v12, v43  }
0x40d: {  	[tilespmem:$0x1FC70] =	vst v40;
	v13 =	vmul.f32 v3, v25;
	s5 =	sand.u32 $0x380, s4;
	s4 =	sand.u32 $0x380, s30;
	v43 =	vmov v3;
	v3 =	vld [tilespmem:s29+$0xF0];
	v55 =	vmul.f32 v12, v41  }
0x40e: {  	v15 =	vmul.f32 v6, v23;
	v41 =	vmov v6;
	v6 =	vmul.f32 v12, v42;
	[tilespmem:s4+$0x4880] =	vst.add.f32.msk $0xffff, v14  }
0x40f: {  	v40 =	vmov v60;
	v60 =	vmul.f32 v7, v26;
	[tilespmem:s4+$0x4890] =	vst.add.f32.msk $0xffff, v55;
	v14 =	vmul.f32 v12, v44  }
0x410: {  	v42 =	vmov v7;
	v7 =	vmul.f32 v2, v30;
	[tilespmem:s4+$0x48A0] =	vst.add.f32.msk $0xffff, v6;
	v6 =	vmul.f32 v12, v46  }
0x411: {  	v44 =	vmov v2;
	v2 =	vmul.f32 v4, v27;
	[tilespmem:s4+$0x48B0] =	vst.add.f32.msk $0xffff, v14;
	v14 =	vmul.f32 v12, v47  }
0x412: {  	(v2sf) =	vpush v1, $0x0;
	v55 =	vbroadcast v0, $0x8;
	[tilespmem:s4+$0x48C0] =	vst.add.f32.msk $0xffff, v6;
	v6 =	vmul.f32 v12, v48  }
0x413: {  	v46 =	vmovc v4;
	v4 =	vmul.f32 v8, v32;
	v47 =	vmov v8;
	v8 =	vmul.f32 v12, v49;
	[tilespmem:s4+$0x48D0] =	vst.add.f32.msk $0xffff, v14  }
0x414: {  	s31 =	sshll.u32 s17, $0x7;
	v33 =	vmovc v63;
	(v2sf) =	vpush v1, $0x1;
	v13 =	vadd.f32 v15, v13;
	[tilespmem:s4+$0x48E0] =	vst.add.f32.msk $0xffff, v6;
	v6 =	vmul.f32 v55, v51  }
0x415: {  	v31 =	vmul.f32 v53, v32;
	v15 =	vadd.f32 v7, v60;
	v32 =	vmul.f32 v54, v28;
	[tilespmem:s4+$0x48F0] =	vst.add.f32.msk $0xffff, v8;
	s4 =	sand.u32 $0x380, s31  }
0x416: {  	v48 =	vmovc v9;
	v49 =	vmov v10;
	v10 =	vmul.f32 v11, v25;
	v12 =	vmul.f32 v5, v23;
	[tilespmem:s4+$0x48F0] =	vst.add.f32.msk $0xffff, v6  }
0x417: {  	p0 =	slt.u32 s14, $0x3C;
	v63 =	vpop (erf);
	v20 =	vadd.f32 v4, v2;
	v0 =	vmul.f32 v48, v28;
	v9 =	vmul.f32 v49, v29;
	v6 =	vld [tilespmem:s29+$0xFFFFFF00]  }
.Ltmp8:
0x418: {  	v1 =	vld [tilespmem:s29+$0xFFFFFF10];
	v16 =	vadd.f32 $1.000000000e+00, v63;
	v51 =	vmovc v3;
	v8 =	vmul.f32 v62, v26;
	v14 =	vmul.f32 v50, v30;
	(pc) =	sbr.rel @p0 .LBB2_9-.Ltmp8, $4  }
0x419: {  	v7 =	vld [tilespmem:s29+$0xFFFFFF40];
	v30 =	vmul.f32 v52, v27;
	v21 =	vadd.f32 v9, v0;
	v4 =	vmul.f32 v51, v29  }
0x41a: {  	v60 =	vld [tilespmem:s29+$0xFFFFFF50];
	v0 =	vadd.f32 v12, v10;
	(erf) = vrcp.f32 v16;
	v2 =	vadd.f32 v14, v8  }
0x41b: {  	s0 =	sshll.u32 s13, $0x7;
	v63 =	vld [tilespmem:s29+$0xFFFFFF30];
	v9 =	vadd.f32 v31, v30;
	v12 =	vadd.f32 v4, v32;
	v4 =	vmul.f32 v55, v45  }
0x41c: {  	s13 =	sand.u32 $0x380, s0;
	s0 =	smov.u32 s14;
	s14 =	sadd.s32 $0x4, s14;
	v3 =	vld [tilespmem:s29+$0xFFFFFF20];
	v45 =	vmovc v11;
	v11 =	vadd.f32 v15, v13;
	v13 =	vadd.f32 v21, v20;
	v10 =	vmul.f32 v6, v25  }
0x41d: {  	v26 =	vld [tilespmem:s29+$0xFFFFFF60];
	_ =	sdelay $0x4  }
0x41e: {  	[tilespmem:$0x1FB90] =	vst v26  }
0x41f: {  	v15 =	vld [tilespmem:s29+$0xFFFFFF70];
	_ =	sdelay $0x4  }
0x420: {  	[tilespmem:$0x1FBA0] =	vst v15  }
0x421: {  	v28 =	vadd.f32 v12, v9;
	v12 =	vld [tilespmem:s29+$0xFFFFFF80];
	_ =	sdelay $0x4  }
0x422: {  	[tilespmem:$0x1FBB0] =	vst v12  }
0x423: {  	v9 =	vld [tilespmem:s29+$0xFFFFFFA0];
	_ =	sdelay $0x4  }
0x424: {  	v19 =	vld [tilespmem:s29+$0xFFFFFF90];
	[tilespmem:$0x1FBC0] =	vst v9  }
0x425: {  	v16 =	vld [tilespmem:s29+$0xFFFFFFB0];
	_ =	sdelay $0x4  }
0x426: {  	v32 =	vld [tilespmem:$0x1FF10];
	[tilespmem:$0x1FBD0] =	vst v16  }
0x427: {  	v17 =	vld [tilespmem:s29+$0xFFFFFFC0]  }
0x428: {  	v0 =	vadd.f32 v2, v0;
	v30 =	vld [tilespmem:$0x1FF20]  }
0x429: {  	v27 =	vld [tilespmem:$0x1FF30]  }
0x42a: {  	v8 =	vadd.f32 v13, v11;
	v0 =	vadd.f32 v28, v0;
	v28 =	vld [tilespmem:$0x1FF60]  }
0x42b: {  	v14 =	vmul.f32 v1, v23;
	v31 =	vld [tilespmem:$0x1FF50]  }
0x42c: {  	v29 =	vperm.xlane v8, v22;
	v11 =	vperm.xlane v0, v22;
	[tilespmem:$0x1FBE0] =	vst v17  }
0x42d: {  	v20 =	vadd.f32 v14, v10;
	v18 =	vld [tilespmem:s29+$0xFFFFFFD0]  }
0x42e: {  	v29 =	vadd.f32 v29, v8;
	v10 =	vmul.f32 v26, v27;
	v26 =	vld [tilespmem:$0x1FF40];
	v0 =	vadd.f32 v0, v11  }
0x42f: {  	v11 =	vmul.f32 v7, v30;
	v13 =	vmul.f32 v60, v28  }
0x430: {  	v21 =	vmul.f32 v3, v32;
	v8 =	vmul.f32 v63, v31;
	v0 =	vsel vm0, v29, v0  }
0x431: {  	v11 =	vadd.f32 v13, v11;
	v13 =	vperm.xlane v0, v24  }
0x432: {  	v8 =	vadd.f32 v8, v21;
	v21 =	vmul.f32 v12, v25;
	v25 =	vld [tilespmem:$0x1FFE0];
	[tilespmem:$0x1FBF0] =	vst v18  }
0x433: {  	v14 =	vmul.f32 v15, v26;
	v0 =	vadd.f32 v0, v13;
	v13 =	vld [tilespmem:s28+$0xFFFFFFFE]  }
0x434: {  	v2 =	vld [tilespmem:s29+$0xFFFFFFE0]  }
0x435: {  	v10 =	vadd.f32 v14, v10;
	v12 =	vmul.f32 v19, v23;
	v29 =	vld [tilespmem:s29+$0xFFFFFFF0];
	_ =	sdelay $0x1  }
0x436: {  	s17 =	spop (v2sf);
	v10 =	vadd.f32 v10, v11;
	v14 =	vmul.f32 v9, v32;
	v9 =	vadd.f32 v12, v21  }
0x437: {  	s7 =	spop (v2sf);
	v12 =	vperm.xlane v0, v25;
	v15 =	vmul.f32 v16, v31;
	(v2sf) =	vpush v13, $0x1  }
0x438: {  	v16 =	vmul.f32 v17, v30;
	v11 =	vmul.f32 v18, v28;
	(v2sf) =	vpush v13, $0x0;
	v13 =	vld [tilespmem:$0x1FFF0]  }
0x439: {  	v17 =	vmul.f32 v2, v27;
	v18 =	vmul.f32 v29, v26  }
0x43a: {  	s9 =	sadd.s32 $0x3, s0;
	s14 =	sadd.s32 $0x2, s0;
	s22 =	smov.u32 s10;
	v0 =	vadd.f32 v0, v12;
	v14 =	vadd.f32 v15, v14  }
0x43b: {  	p0 =	sge.s32 s9, s24;
	s9 =	smov.u32 s10;
	p1 =	slt.s32 s7, s8;
	v11 =	vadd.f32 v11, v16;
	v12 =	vadd.f32 v18, v17  }
0x43c: {  	p2 =	slt.s32 s17, s8;
	p3 =	sge.s32 s7, s3;
	s9 =	simm.s32 @!p1 $0x7149F2CA;
	v8 =	vadd.f32 v8, v20  }
0x43d: {  	s22 =	simm.s32 @!p2 $0x7149F2CA;
	p1 =	sge.s32 s17, s3;
	s9 =	simm.s32 @!p3 $0x7149F2CA;
	v9 =	vadd.f32 v14, v9;
	v11 =	vadd.f32 v12, v11;
	v12 =	vperm.xlane v0, v13  }
0x43e: {  	p2 =	sge.s32 s14, s24;
	s22 =	simm.s32 @!p1 $0x7149F2CA;
	s9 =	simm.s32 @!p0 $0x7149F2CA;
	v8 =	vadd.f32 v10, v8  }
0x43f: {  	s22 =	simm.s32 @!p2 $0x7149F2CA;
	v10 =	vmov s9;
	[tilespmem:s26+$0x48F0] =	vst.add.f32.msk $0xffff, v61;
	v9 =	vadd.f32 v11, v9;
	v0 =	vadd.f32 v0, v12  }
0x440: {  	v10 =	vsel vm0, s22, v10;
	[tilespmem:s4+$0x4880] =	vst.add.f32.msk $0xffff, v4  }
0x441: {  	[tilespmem:s25+$0x48B0] =	vst.add.f32.msk $0xffff, v59;
	v11 =	vperm.xlane v9, v22;
	v0 =	vadd.f32 v0, v10;
	v10 =	vperm.xlane v8, v22  }
0x442: {  	[tilespmem:s25+$0x48C0] =	vst.add.f32.msk $0xffff, v58  }
0x443: {  	[tilespmem:s25+$0x48D0] =	vst.add.f32.msk $0xffff, v57;
	v9 =	vadd.f32 v9, v11;
	v8 =	vadd.f32 v10, v8;
	v0 =	vmul.f32 $1.442695020e+00, v0  }
0x444: {  	v10 =	vld [tilespmem:$0x1FC10]  }
0x445: {  	(erf) = vpow2.f32 v0;
	v0 =	vsel vm0, v8, v9;
	v9 =	vld [tilespmem:$0x1FC00];
	_ =	sdelay $0x2  }
0x446: {  	v8 =	vperm.xlane v0, v24  }
0x447: {  	v10 =	vmul.f32 v55, v10  }
0x448: {  	[tilespmem:s25+$0x48E0] =	vst.add.f32.msk $0xffff, v56;
	v9 =	vmul.f32 v55, v9  }
0x449: {  	[tilespmem:s4+$0x48A0] =	vst.add.f32.msk $0xffff, v10  }
0x44a: {  	v0 =	vadd.f32 v0, v8;
	v8 =	vpop (erf);
	[tilespmem:s4+$0x4890] =	vst.add.f32.msk $0xffff, v9  }
0x44b: {  	v61 =	vbroadcast v8, $0x0;
	v10 =	vld [tilespmem:$0x1FC60];
	_ =	sdelay $0x1  }
0x44c: {  	v9 =	vmul.f32 v61, v34;
	_ =	sdelay $0x1  }
0x44d: {  	s9 =	smov.u32 s10;
	v59 =	vperm.xlane v0, v25;
	[tilespmem:s5+$0x4880] =	vst.add.f32.msk $0xffff, v9;
	v9 =	vmul.f32 v61, v36  }
0x44e: {  	s22 =	smov.u32 s10;
	s29 =	sadd.s32 $0x1, s0;
	s30 =	spop (v2sf);
	v10 =	vmul.f32 v61, v10  }
0x44f: {  	p0 =	sge.s32 s29, s24;
	p1 =	slt.s32 s30, s8;
	s31 =	spop (v2sf);
	v0 =	vadd.f32 v0, v59;
	[tilespmem:s5+$0x48A0] =	vst.add.f32.msk $0xffff, v9;
	v9 =	vmul.f32 v61, v35  }
0x450: {  	p2 =	sge.s32 s30, s3;
	p3 =	slt.s32 s31, s8;
	s9 =	simm.s32 @!p1 $0x7149F2CA;
	[tilespmem:s5+$0x4890] =	vst.add.f32.msk $0xffff, v10;
	v10 =	vmul.f32 v61, v33  }
0x451: {  	p1 =	sge.s32 s31, s3;
	s22 =	simm.s32 @!p3 $0x7149F2CA;
	s9 =	simm.s32 @!p2 $0x7149F2CA;
	v11 =	vpop (erf);
	v12 =	vperm.xlane v0, v13;
	[tilespmem:s5+$0x48C0] =	vst.add.f32.msk $0xffff, v9  }
0x452: {  	p2 =	sge.s32 s0, s24;
	s22 =	simm.s32 @!p1 $0x7149F2CA;
	s9 =	simm.s32 @!p0 $0x7149F2CA;
	v11 =	vadd.f32 $1.000000000e+00, v11;
	[tilespmem:s5+$0x48B0] =	vst.add.f32.msk $0xffff, v10  }
0x453: {  	s22 =	simm.s32 @!p2 $0x7149F2CA;
	v0 =	vadd.f32 v0, v12;
	v12 =	vmov s9;
	v9 =	vld [tilespmem:$0x1FC70]  }
0x454: {  	(erf) = vrcp.f32 v11;
	v11 =	vsel vm0, s22, v12  }
0x455: {  	v0 =	vadd.f32 v0, v11;
	v11 =	vld [tilespmem:$0x1FC80];
	_ =	sdelay $0x1  }
0x456: {  	v10 =	vmul.f32 v61, v40  }
0x457: {  	v9 =	vmul.f32 v61, v9  }
0x458: {  	[tilespmem:s5+$0x48D0] =	vst.add.f32.msk $0xffff, v10  }
0x459: {  	v4 =	vmul.f32 v61, v11;
	[tilespmem:s5+$0x48E0] =	vst.add.f32.msk $0xffff, v9  }
0x45a: {  	v34 =	vld [tilespmem:$0x1FC90]  }
0x45b: {  	[tilespmem:s5+$0x48F0] =	vst.add.f32.msk $0xffff, v4  }
0x45c: {  	v4 =	vld [tilespmem:$0x1FCA0]  }
0x45d: {  	v8 =	vbroadcast v8, $0x8;
	v0 =	vmul.f32 $1.442695020e+00, v0;
	_ =	sdelay $0x1  }
0x45e: {  	(erf) = vpow2.f32 v0;
	v0 =	vmul.f32 v8, v34;
	_ =	sdelay $0x1  }
0x45f: {  	v4 =	vmul.f32 v8, v4;
	[tilespmem:s13+$0x4880] =	vst.add.f32.msk $0xffff, v0  }
0x460: {  	v0 =	vld [tilespmem:$0x1FCB0]  }
0x461: {  	v35 =	vpop (erf);
	v9 =	vmul.f32 v8, v39;
	[tilespmem:s13+$0x4890] =	vst.add.f32.msk $0xffff, v4  }
0x462: {  	v10 =	vmul.f32 v8, v37;
	v36 =	vbroadcast v35, $0x0;
	v4 =	vld [tilespmem:$0x1FCC0]  }
0x463: {  	[tilespmem:s13+$0x48C0] =	vst.add.f32.msk $0xffff, v9;
	v9 =	vmul.f32 v8, v38  }
0x464: {  	s22 =	sshll.u32 s17, $0x7;
	[tilespmem:s13+$0x48D0] =	vst.add.f32.msk $0xffff, v10;
	v10 =	vmul.f32 v36, v43  }
0x465: {  	s0 =	sand.u32 $0x380, s22;
	[tilespmem:s13+$0x48E0] =	vst.add.f32.msk $0xffff, v9;
	v9 =	vmul.f32 v36, v41  }
0x466: {  	[tilespmem:s0+$0x4880] =	vst.add.f32.msk $0xffff, v10;
	v10 =	vmul.f32 v36, v42  }
0x467: {  	v0 =	vmul.f32 v8, v0;
	[tilespmem:s0+$0x4890] =	vst.add.f32.msk $0xffff, v9  }
0x468: {  	v9 =	vmul.f32 v36, v44;
	[tilespmem:s0+$0x48A0] =	vst.add.f32.msk $0xffff, v10  }
0x469: {  	v10 =	vmul.f32 v36, v46;
	[tilespmem:s13+$0x48A0] =	vst.add.f32.msk $0xffff, v0  }
0x46a: {  	v4 =	vmul.f32 v8, v4;
	[tilespmem:s0+$0x48B0] =	vst.add.f32.msk $0xffff, v9  }
0x46b: {  	v9 =	vmul.f32 v36, v47;
	[tilespmem:s0+$0x48C0] =	vst.add.f32.msk $0xffff, v10  }
0x46c: {  	v10 =	vmul.f32 v36, v48;
	[tilespmem:s13+$0x48B0] =	vst.add.f32.msk $0xffff, v4  }
0x46d: {  	[tilespmem:s0+$0x48D0] =	vst.add.f32.msk $0xffff, v9  }
0x46e: {  	[tilespmem:s0+$0x48E0] =	vst.add.f32.msk $0xffff, v10  }
0x46f: {  	v0 =	vbroadcast v35, $0x8;
	v10 =	vld [tilespmem:$0x1FCD0]  }
0x470: {  	v4 =	vmul.f32 v36, v49  }
0x471: {  	s24 =	sshll.u32 s7, $0x7;
	v11 =	vpop (erf);
	v9 =	vmul.f32 v0, v51  }
0x472: {  	s25 =	sand.u32 $0x380, s24;
	v11 =	vadd.f32 $1.000000000e+00, v11;
	v37 =	vmul.f32 v0, v45;
	[tilespmem:s0+$0x48F0] =	vst.add.f32.msk $0xffff, v4  }
0x473: {  	v5 =	vmul.f32 v0, v5;
	[tilespmem:s25+$0x48F0] =	vst.add.f32.msk $0xffff, v9  }
0x474: {  	(erf) = vrcp.f32 v11;
	[tilespmem:s25+$0x4880] =	vst.add.f32.msk $0xffff, v37;
	v8 =	vmul.f32 v8, v10  }
0x475: {  	[tilespmem:s25+$0x4890] =	vst.add.f32.msk $0xffff, v5  }
0x476: {  	[tilespmem:s13+$0x48F0] =	vst.add.f32.msk $0xffff, v8  }
0x477: {  	v38 =	vmul.f32 v0, v62;
	v5 =	vld [tilespmem:$0x1FC20]  }
0x478: {  	v8 =	vld [tilespmem:$0x1FC30]  }
0x479: {  	[tilespmem:s25+$0x48A0] =	vst.add.f32.msk $0xffff, v38  }
0x47a: {  	v9 =	vld [tilespmem:$0x1FC40];
	_ =	sdelay $0x1  }
0x47b: {  	v5 =	vmul.f32 v55, v5  }
0x47c: {  	v39 =	vpop (erf)  }
0x47d: {  	v40 =	vbroadcast v39, $0x0;
	v8 =	vmul.f32 v55, v8;
	[tilespmem:s4+$0x48B0] =	vst.add.f32.msk $0xffff, v5  }
0x47e: {  	v9 =	vmul.f32 v55, v9;
	v10 =	vld [tilespmem:$0x1FC50]  }
0x47f: {  	s28 =	sshll.u32 s31, $0x7;
	v6 =	vmul.f32 v40, v6;
	[tilespmem:s4+$0x48C0] =	vst.add.f32.msk $0xffff, v8  }
0x480: {  	s29 =	sand.u32 $0x380, s28;
	v41 =	vmul.f32 v40, v1;
	[tilespmem:s4+$0x48D0] =	vst.add.f32.msk $0xffff, v9  }
0x481: {  	v42 =	vmul.f32 v40, v3;
	[tilespmem:s29+$0x4880] =	vst.add.f32.msk $0xffff, v6  }
0x482: {  	v43 =	vmul.f32 v40, v63;
	[tilespmem:s29+$0x4890] =	vst.add.f32.msk $0xffff, v41  }
0x483: {  	v44 =	vmul.f32 v40, v7;
	[tilespmem:s29+$0x48A0] =	vst.add.f32.msk $0xffff, v42  }
0x484: {  	[tilespmem:s29+$0x48B0] =	vst.add.f32.msk $0xffff, v43;
	v10 =	vmul.f32 v55, v10  }
0x485: {  	[tilespmem:s29+$0x48C0] =	vst.add.f32.msk $0xffff, v44  }
0x486: {  	[tilespmem:s4+$0x48E0] =	vst.add.f32.msk $0xffff, v10  }
0x487: {  	v47 =	vld [tilespmem:$0x1FB90];
	_ =	sdelay $0x3  }
0x488: {  	v45 =	vmul.f32 v40, v60  }
0x489: {  	v49 =	vld [tilespmem:$0x1FBA0];
	v48 =	vmul.f32 v40, v47  }
0x48a: {  	[tilespmem:s29+$0x48D0] =	vst.add.f32.msk $0xffff, v45  }
0x48b: {  	[tilespmem:s29+$0x48E0] =	vst.add.f32.msk $0xffff, v48  }
0x48c: {  	v1 =	vld [tilespmem:$0x1FBB0];
	_ =	sdelay $0x2  }
0x48d: {  	v46 =	vbroadcast v39, $0x8  }
0x48e: {  	v5 =	vmul.f32 v40, v49  }
0x48f: {  	s30 =	sshll.u32 s30, $0x7;
	v1 =	vmul.f32 v46, v1  }
0x490: {  	s31 =	sand.u32 $0x380, s30;
	[tilespmem:s29+$0x48F0] =	vst.add.f32.msk $0xffff, v5  }
0x491: {  	v51 =	vmul.f32 v46, v19;
	[tilespmem:s31+$0x4880] =	vst.add.f32.msk $0xffff, v1  }
0x492: {  	v1 =	vld [tilespmem:$0x1FBC0]  }
0x493: {  	[tilespmem:s31+$0x4890] =	vst.add.f32.msk $0xffff, v51  }
0x494: {  	v55 =	vld [tilespmem:$0x1FBD0];
	_ =	sdelay $0x2  }
0x495: {  	v1 =	vmul.f32 v46, v1;
	_ =	sdelay $0x1  }
0x496: {  	v56 =	vmul.f32 v46, v55;
	[tilespmem:s31+$0x48A0] =	vst.add.f32.msk $0xffff, v1  }
0x497: {  	v20 =	vmov v2;
	v1 =	vld [tilespmem:$0x1FBE0]  }
0x498: {  	v59 =	vmul.f32 v46, v20;
	[tilespmem:s31+$0x48B0] =	vst.add.f32.msk $0xffff, v56  }
0x499: {  	v60 =	vmul.f32 v46, v29;
	v57 =	vld [tilespmem:$0x1FBF0]  }
0x49a: {  	v61 =	vmul.f32 v0, v50;
	[tilespmem:s31+$0x48E0] =	vst.add.f32.msk $0xffff, v59  }
0x49b: {  	v62 =	vmul.f32 v0, v52;
	[tilespmem:s31+$0x48F0] =	vst.add.f32.msk $0xffff, v60  }
0x49c: {  	v63 =	vmul.f32 v0, v53;
	[tilespmem:s25+$0x48B0] =	vst.add.f32.msk $0xffff, v61  }
.Ltmp9:
0x49d: {  	v0 =	vmul.f32 v0, v54;
	[tilespmem:s25+$0x48C0] =	vst.add.f32.msk $0xffff, v62;
	(pc) =	sbr.rel .LBB2_11-.Ltmp9, $4  }
0x49e: {  	[tilespmem:s25+$0x48D0] =	vst.add.f32.msk $0xffff, v63;
	v1 =	vmul.f32 v46, v1  }
0x49f: {  	[tilespmem:s25+$0x48E0] =	vst.add.f32.msk $0xffff, v0;
	v58 =	vmul.f32 v46, v57  }
0x4a0: {  	v15 =	vmov v31;
	v17 =	vmov v30;
	[tilespmem:s31+$0x48C0] =	vst.add.f32.msk $0xffff, v1  }
0x4a1: {  	v18 =	vmovc v28;
	v33 =	vmovc v25;
	v11 =	vmov v26;
	v37 =	vmov v13;
	v10 =	vmov v27;
	[tilespmem:s31+$0x48D0] =	vst.add.f32.msk $0xffff, v58  }
.LBB2_13:
0x4a2: {  	_ =	sfence.sel $0x180000  }
0x4a3: {  	[bflag:$0x0] =	sbarrier.arrive $0xFFFF  }
0x4a4: {  	_ =	strace $0x90000047  }
0x4a5: {  	s0 =	stileid.u32;
	[bflag:$0x2] =	sbarrier.arrive $0xFFFF  }
0x4a6: {  	p0 =	sne.s32 s0, $0x0;
	s0 =	rddreg [dreg:$0x5]  }
0x4a7: {  	s0 =	sadd.s32 @!p0 $0x100000, s0  }
0x4a8: {  	[sflag:s0] =	ssyncadd.tile.s32 @!p0 $0x1;
	_ =	shalt  }
.Lfunc_end2:
_tile_overlayer_lowered:
.L_overlay_start_2:
0x4a9: {  	(tag) =	ssettag $0x2  }
0x4aa: {  	s0 =	rddreg [dreg:$0x0];
	s2 =	stileid.u32  }
0x4ab: {  	s1 =	rddreg [dreg:$0x1];
	p0 =	sne.s32 s2, $0x0  }
0x4ac: {  	s3 =	rddreg [dreg:$0x2];
	[bflag:$0x3] =	sbarrier.arrive $0xFFFF;
	s2 =	simm.s32 @!p0 $0x1C03  }
0x4ad: {  	[timem:s3], [sflag:s2] =	dma.local @!p0 [hbm:s0], s1  }
0x4ae: {  	s0 =	simm.s32 @!p0 $0x3  }
0x4af: {  	_ =	swait.ge @!p0 [sflag:s0], s1  }
0x4b0: {  	s1 =	ssub.s32 @!p0 $0x0, s1;
	[sflag:s0] =	ssyncset.done @!p0 $0x0  }
0x4b1: {  	[sflag:s0] =	ssyncadd.s32 @!p0 s1  }
0x4b2: {  	[bflag:$0x3] =	sbarrier.arrive $0xFFFF  }
0x4b3: {  	_ =	shalt  }

</sc_bundles>
